<compile_context>
chip_gen: v7x
topology: tpu7x:2x2x1
jax: 0.10.2.dev20260603
libtpu: 0.0.44.dev20260713+nightly
codegen_flags: <defaults>
</compile_context>

<pallas_src>
import functools

import jax
import jax.numpy as jnp
from jax import lax
from jax.experimental import pallas as pl
from jax.experimental.pallas import tpu as pltpu
from jax.experimental.pallas import tpu_sc as plsc

_N = 10000
_NP = 10240
_D = 128
_HD = 64
_E = 320000
_ET = _E + _N
_EP = 331776
_EPT = _EP // 16
_CH = 128
_NCH = _EPT // _CH
_RPT = _NP // 16
_DR = _NP // _D
_DRT = _DR // 16


def _tc_pre_body(x_ref, w_ref, asv_ref, adv_ref, h_ref, as_ref, ad_ref):
    h = jnp.dot(x_ref[...], w_ref[...], preferred_element_type=jnp.float32)
    h_ref[0] = h[:, :_HD]
    h_ref[1] = h[:, _HD:]
    as_ref[...] = jnp.dot(h, asv_ref[...], preferred_element_type=jnp.float32)
    ad_ref[...] = jnp.dot(h, adv_ref[...], preferred_element_type=jnp.float32)


def _tc_post_body(u_ref, b_ref, o_ref):
    u = jnp.concatenate([u_ref[0], u_ref[1]], axis=1)
    o_ref[...] = jax.nn.sigmoid(u + b_ref[...])


def _sc_body(h_hbm, src_hbm, dst_hbm, as_hbm, ad_hbm, riota_hbm, uout_hbm,
             asrc_v, adst_v, den_v, riota_v, rsrc_v, rdst_v,
             rows_v, w_v, dstage_v, urow_v, den_sh, u_sh, sem0):
    c = lax.axis_index("c")
    s = lax.axis_index("s")
    z16 = jnp.zeros((16,), jnp.float32)

    pltpu.sync_copy(as_hbm, asrc_v)
    pltpu.sync_copy(ad_hbm, adst_v)
    pltpu.sync_copy(riota_hbm, riota_v)

    def z_den(i, carry):
        for jb in range(8):
            den_v[i, pl.ds(jb * 16, 16)] = z16
        return carry
    lax.fori_loop(0, _DR, z_den, 0)

    def z_urow(i, carry):
        for jb in range(_HD // 16):
            urow_v[i, pl.ds(jb * 16, 16)] = z16
        return carry
    lax.fori_loop(0, _RPT, z_urow, 0)
    pltpu.sync_copy(urow_v, u_sh.at[pl.ds(s * _RPT, _RPT)])

    @pl.when(s == 0)
    def _():
        pltpu.sync_copy(den_v, den_sh)
    plsc.subcore_barrier()

    def chunk(k, carry):
        base = s * _EPT + k * _CH
        pltpu.sync_copy(src_hbm.at[pl.ds(base, _CH)], rsrc_v.at[0])
        pltpu.sync_copy(dst_hbm.at[pl.ds(base, _CH)], rdst_v.at[0])
        cp = pltpu.async_copy(h_hbm.at[c].at[rsrc_v.at[0]], rows_v.at[0], sem0)

        def wjb(j, icarry):
            s16 = rsrc_v[0, pl.ds(j * 16, 16)]
            d16 = rdst_v[0, pl.ds(j * 16, 16)]
            e = plsc.load_gather(asrc_v, [s16]) + plsc.load_gather(adst_v, [d16])
            e = jnp.where(e >= 0.0, e, e * 0.2)
            w = jnp.exp(e)
            w_v[pl.ds(j * 16, 16)] = w
            r16 = lax.shift_right_logical(d16, 7)
            c16 = lax.bitwise_and(d16, 127)
            plsc.addupdate_scatter(den_v, [r16, c16], w)
            return icarry
        lax.fori_loop(0, _CH // 16, wjb, 0)
        cp.wait()

        def scale(j, icarry):
            w16 = w_v[pl.ds(j * 16, 16)]
            for ri in range(16):
                r = j * 16 + ri
                wv = jnp.full((16,), w16[ri])
                for jb in range(_HD // 16):
                    sl = pl.ds(jb * 16, 16)
                    rows_v[0, r, sl] = rows_v[0, r, sl] * wv
            return icarry
        lax.fori_loop(0, _CH // 16, scale, 0)
        pltpu.sync_copy(rows_v.at[0], u_sh.at[rdst_v.at[0]], add=True)
        return carry
    lax.fori_loop(0, _NCH, chunk, 0)

    pltpu.sync_copy(den_v, den_sh.at[riota_v], add=True)
    plsc.subcore_barrier()

    pltpu.sync_copy(den_sh.at[pl.ds(s * _DRT, _DRT)], dstage_v)
    pltpu.sync_copy(u_sh.at[pl.ds(s * _RPT, _RPT)], urow_v)

    for pr in range(_DRT):
        def nrow(g, carry):
            rec16 = 1.0 / (dstage_v[pr, pl.ds(g * 16, 16)] + 1e-16)
            for ri in range(16):
                r = pr * 128 + g * 16 + ri
                rec = jnp.full((16,), rec16[ri])
                for jb in range(_HD // 16):
                    sl = pl.ds(jb * 16, 16)
                    urow_v[r, sl] = urow_v[r, sl] * rec
            return carry
        lax.fori_loop(0, 8, nrow, 0)
    pltpu.sync_copy(urow_v, uout_hbm.at[c, pl.ds(s * _RPT, _RPT)])


@functools.cache
def _sc_kernel():
    mesh = plsc.VectorSubcoreMesh(core_axis_name="c", subcore_axis_name="s")
    return pl.kernel(
        _sc_body,
        out_type=jax.ShapeDtypeStruct((2, _NP, _HD), jnp.float32),
        mesh=mesh,
        compiler_params=pltpu.CompilerParams(
            needs_layout_passes=False, use_tc_tiling_on_sc=False),
        scratch_types=[
            pltpu.VMEM((_NP,), jnp.float32),
            pltpu.VMEM((_NP,), jnp.float32),
            pltpu.VMEM((_DR, _D), jnp.float32),
            pltpu.VMEM((_DR,), jnp.int32),
            pltpu.VMEM((2, _CH), jnp.int32),
            pltpu.VMEM((2, _CH), jnp.int32),
            pltpu.VMEM((2, _CH, _HD), jnp.float32),
            pltpu.VMEM((_CH,), jnp.float32),
            pltpu.VMEM((_DRT, _D), jnp.float32),
            pltpu.VMEM((_RPT, _HD), jnp.float32),
            pltpu.VMEM_SHARED((_DR, _D), jnp.float32),
            pltpu.VMEM_SHARED((_NP, _HD), jnp.float32),
            pltpu.SemaphoreType.DMA,
        ],
    )


@functools.cache
def _tc_pre():
    return pl.pallas_call(
        _tc_pre_body,
        out_shape=[
            jax.ShapeDtypeStruct((2, _NP, _HD), jnp.float32),
            jax.ShapeDtypeStruct((_NP,), jnp.float32),
            jax.ShapeDtypeStruct((_NP,), jnp.float32),
        ],
    )


@functools.cache
def _tc_post():
    return pl.pallas_call(
        _tc_post_body,
        out_shape=jax.ShapeDtypeStruct((_NP, _D), jnp.float32),
    )


def kernel(x, edge_index, W, att_src, att_dst, bias):
    x_pad = jnp.pad(x, ((0, _NP - _N), (0, 0)))
    loop = jnp.arange(_N, dtype=jnp.int32)
    src = jnp.concatenate([
        edge_index[0].astype(jnp.int32), loop,
        jnp.zeros((_EP - _ET,), jnp.int32)])
    dst = jnp.concatenate([
        edge_index[1].astype(jnp.int32), loop,
        jnp.full((_EP - _ET,), _N, jnp.int32)])
    riota = jnp.arange(_DR, dtype=jnp.int32)
    h2, a_s, a_d = _tc_pre()(x_pad, W, att_src, att_dst)
    u = _sc_kernel()(h2, src, dst, a_s, a_d, riota)
    out = _tc_post()(u, bias)
    return out[:_N]

# --- scband reference (transcript-rebuilt; emitter-appended) ---
"""Pipeline reference for scband-gatencoder-15685220565798 (READ-ONLY COPY).

The authoritative reference and input builder live on the scoring server;
editing this copy changes nothing except your own understanding.
"""

import jax, jax.numpy as jnp
import numpy as np

N = 10000
E = 320000
IN = 128
OUT = 128


def setup_inputs(seed: int = 0) -> dict:
    key = jax.random.key(seed)
    k1, k2, k3, k4, k5, k6 = jax.random.split(key, 6)
    x = jax.random.normal(k1, (N, IN), dtype=jnp.float32)
    edge_index = jax.random.randint(k2, (2, E), 0, N)
    W = jax.random.normal(k3, (IN, OUT), dtype=jnp.float32) * (1.0 / np.sqrt(IN))
    att_src = jax.random.normal(k4, (OUT,), dtype=jnp.float32) * 0.1
    att_dst = jax.random.normal(k5, (OUT,), dtype=jnp.float32) * 0.1
    bias = jnp.zeros((OUT,), dtype=jnp.float32)
    return {"x": x, "edge_index": edge_index, "W": W, "att_src": att_src, "att_dst": att_dst, "bias": bias}


def reference(x, edge_index, W, att_src, att_dst, bias):
    # GATConv (PyG defaults: heads=1, negative_slope=0.2, add_self_loops=True), then sigmoid
    src = edge_index[0]
    dst = edge_index[1]
    loop = jnp.arange(N, dtype=src.dtype)
    src = jnp.concatenate([src, loop])
    dst = jnp.concatenate([dst, loop])
    h = x @ W                      # [N, OUT]
    a_src = h @ att_src            # [N]
    a_dst = h @ att_dst            # [N]
    e = a_src[src] + a_dst[dst]    # [E+N]
    e = jax.nn.leaky_relu(e, 0.2)
    # segment softmax over incoming edges per destination node
    e_max = jax.ops.segment_max(e, dst, num_segments=N)
    e_exp = jnp.exp(e - e_max[dst])
    denom = jax.ops.segment_sum(e_exp, dst, num_segments=N)
    alpha = e_exp / (denom[dst] + 1e-16)
    out = jax.ops.segment_sum(alpha[:, None] * h[src], dst, num_segments=N)
    out = out + bias
    return jax.nn.sigmoid(out)

if __name__ == "__main__":
    import jax
    _d = setup_inputs()
    print(jax.jit(kernel)(*tuple(_d.values())))

</pallas_src>

<mosaic_0001>
#map = affine_map<(d0, d1) -> (0, 0, 0)>
#map1 = affine_map<(d0, d1) -> (0)>
module attributes {stable_mosaic.version = 14 : i64} {
  func.func @_sc_body(%arg0: i32, %arg1: i32, %arg2: memref<2x10240x64xf32, #tpu.memory_space<hbm>>, %arg3: memref<331776xi32, #tpu.memory_space<hbm>>, %arg4: memref<331776xi32, #tpu.memory_space<hbm>>, %arg5: memref<10240xf32, #tpu.memory_space<hbm>>, %arg6: memref<10240xf32, #tpu.memory_space<hbm>>, %arg7: memref<80xi32, #tpu.memory_space<hbm>>, %arg8: memref<2x10240x64xf32, #tpu.memory_space<hbm>>, %arg9: memref<10240xf32, #tpu.memory_space<vmem>>, %arg10: memref<10240xf32, #tpu.memory_space<vmem>>, %arg11: memref<80x128xf32, #tpu.memory_space<vmem>>, %arg12: memref<80xi32, #tpu.memory_space<vmem>>, %arg13: memref<2x128xi32, #tpu.memory_space<vmem>>, %arg14: memref<2x128xi32, #tpu.memory_space<vmem>>, %arg15: memref<2x128x64xf32, #tpu.memory_space<vmem>>, %arg16: memref<128xf32, #tpu.memory_space<vmem>>, %arg17: memref<5x128xf32, #tpu.memory_space<vmem>>, %arg18: memref<640x64xf32, #tpu.memory_space<vmem>>, %arg19: memref<80x128xf32, #tpu.memory_space<vmem_shared>>, %arg20: memref<10240x64xf32, #tpu.memory_space<vmem_shared>>, %arg21: memref<!tpu.dma_semaphore, #tpu.memory_space<semaphore_mem>>) attributes {dimension_semantics = [#tpu.dimension_semantics<core_parallel>, #tpu.dimension_semantics<subcore_parallel>], iteration_bounds = array<i64: 2, 16>, scalar_prefetch = 0 : i64, scratch_operands = 13 : i64, tpu.core_type = #tpu.core_type<sc_vector_subcore>, window_params = [{transform_indices = #map}, {transform_indices = #map1}, {transform_indices = #map1}, {transform_indices = #map1}, {transform_indices = #map1}, {transform_indices = #map1}, {transform_indices = #map}]} {
    %broadcast_in_dim3A = arith.constant 0.000000e+00 : f32
    %broadcast_in_dim3A_0 = vector.broadcast %broadcast_in_dim3A : f32 to vector<16xf32>
    "tpu.region"() ({
      %run_scoped3A = tpu.sem_alloc : memref<!tpu.dma_semaphore, #tpu.memory_space<semaphore_mem>>
      tpu.enqueue_dma source(%arg5 : memref<10240xf32, #tpu.memory_space<hbm>>) target(%arg9 : memref<10240xf32, #tpu.memory_space<vmem>>) target_semaphore(%run_scoped3A : memref<!tpu.dma_semaphore, #tpu.memory_space<semaphore_mem>>)
      tpu.wait_dma2 semaphore(%run_scoped3A : memref<!tpu.dma_semaphore, #tpu.memory_space<semaphore_mem>>) src(%arg5 : memref<10240xf32, #tpu.memory_space<hbm>>) dst(%arg9 : memref<10240xf32, #tpu.memory_space<vmem>>)
      tpu.yield
    }) : () -> ()
    "tpu.region"() ({
      %run_scoped3A = tpu.sem_alloc : memref<!tpu.dma_semaphore, #tpu.memory_space<semaphore_mem>>
      tpu.enqueue_dma source(%arg6 : memref<10240xf32, #tpu.memory_space<hbm>>) target(%arg10 : memref<10240xf32, #tpu.memory_space<vmem>>) target_semaphore(%run_scoped3A : memref<!tpu.dma_semaphore, #tpu.memory_space<semaphore_mem>>)
      tpu.wait_dma2 semaphore(%run_scoped3A : memref<!tpu.dma_semaphore, #tpu.memory_space<semaphore_mem>>) src(%arg6 : memref<10240xf32, #tpu.memory_space<hbm>>) dst(%arg10 : memref<10240xf32, #tpu.memory_space<vmem>>)
      tpu.yield
    }) : () -> ()
    "tpu.region"() ({
      %run_scoped3A = tpu.sem_alloc : memref<!tpu.dma_semaphore, #tpu.memory_space<semaphore_mem>>
      tpu.enqueue_dma source(%arg7 : memref<80xi32, #tpu.memory_space<hbm>>) target(%arg12 : memref<80xi32, #tpu.memory_space<vmem>>) target_semaphore(%run_scoped3A : memref<!tpu.dma_semaphore, #tpu.memory_space<semaphore_mem>>)
      tpu.wait_dma2 semaphore(%run_scoped3A : memref<!tpu.dma_semaphore, #tpu.memory_space<semaphore_mem>>) src(%arg7 : memref<80xi32, #tpu.memory_space<hbm>>) dst(%arg12 : memref<80xi32, #tpu.memory_space<vmem>>)
      tpu.yield
    }) : () -> ()
    %scan3A = arith.constant 0 : i32
    %scan3A_1 = arith.constant 0 : i32
    %scan3A_2 = arith.constant 80 : i32
    %scan3A_3 = arith.addi %scan3A_1, %scan3A_2 : i32
    %scan3A_4 = arith.constant 1 : i32
    scf.for %scan3A_58 = %scan3A_1 to %scan3A_3 step %scan3A_4  : i32 {
      %swap3A = arith.index_cast %scan3A_58 : i32 to index
      %swap3A_59 = arith.constant 0 : index
      %swap3A_60 = tpu.vector_load %arg11[%swap3A, %swap3A_59] {strides = array<i32>} : memref<80x128xf32, #tpu.memory_space<vmem>>, vector<16xf32>,
      tpu.vector_store %arg11[%swap3A, %swap3A_59], %broadcast_in_dim3A_0 {strides = array<i32>} : memref<80x128xf32, #tpu.memory_space<vmem>>, vector<16xf32>,
      %swap3A_61 = arith.index_cast %scan3A_58 : i32 to index
      %swap3A_62 = arith.constant 16 : index
      %swap3A_63 = tpu.vector_load %arg11[%swap3A_61, %swap3A_62] {strides = array<i32>} : memref<80x128xf32, #tpu.memory_space<vmem>>, vector<16xf32>,
      tpu.vector_store %arg11[%swap3A_61, %swap3A_62], %broadcast_in_dim3A_0 {strides = array<i32>} : memref<80x128xf32, #tpu.memory_space<vmem>>, vector<16xf32>,
      %swap3A_64 = arith.index_cast %scan3A_58 : i32 to index
      %swap3A_65 = arith.constant 32 : index
      %swap3A_66 = tpu.vector_load %arg11[%swap3A_64, %swap3A_65] {strides = array<i32>} : memref<80x128xf32, #tpu.memory_space<vmem>>, vector<16xf32>,
      tpu.vector_store %arg11[%swap3A_64, %swap3A_65], %broadcast_in_dim3A_0 {strides = array<i32>} : memref<80x128xf32, #tpu.memory_space<vmem>>, vector<16xf32>,
      %swap3A_67 = arith.index_cast %scan3A_58 : i32 to index
      %swap3A_68 = arith.constant 48 : index
      %swap3A_69 = tpu.vector_load %arg11[%swap3A_67, %swap3A_68] {strides = array<i32>} : memref<80x128xf32, #tpu.memory_space<vmem>>, vector<16xf32>,
      tpu.vector_store %arg11[%swap3A_67, %swap3A_68], %broadcast_in_dim3A_0 {strides = array<i32>} : memref<80x128xf32, #tpu.memory_space<vmem>>, vector<16xf32>,
      %swap3A_70 = arith.index_cast %scan3A_58 : i32 to index
      %swap3A_71 = arith.constant 64 : index
      %swap3A_72 = tpu.vector_load %arg11[%swap3A_70, %swap3A_71] {strides = array<i32>} : memref<80x128xf32, #tpu.memory_space<vmem>>, vector<16xf32>,
      tpu.vector_store %arg11[%swap3A_70, %swap3A_71], %broadcast_in_dim3A_0 {strides = array<i32>} : memref<80x128xf32, #tpu.memory_space<vmem>>, vector<16xf32>,
      %swap3A_73 = arith.index_cast %scan3A_58 : i32 to index
      %swap3A_74 = arith.constant 80 : index
      %swap3A_75 = tpu.vector_load %arg11[%swap3A_73, %swap3A_74] {strides = array<i32>} : memref<80x128xf32, #tpu.memory_space<vmem>>, vector<16xf32>,
      tpu.vector_store %arg11[%swap3A_73, %swap3A_74], %broadcast_in_dim3A_0 {strides = array<i32>} : memref<80x128xf32, #tpu.memory_space<vmem>>, vector<16xf32>,
      %swap3A_76 = arith.index_cast %scan3A_58 : i32 to index
      %swap3A_77 = arith.constant 96 : index
      %swap3A_78 = tpu.vector_load %arg11[%swap3A_76, %swap3A_77] {strides = array<i32>} : memref<80x128xf32, #tpu.memory_space<vmem>>, vector<16xf32>,
      tpu.vector_store %arg11[%swap3A_76, %swap3A_77], %broadcast_in_dim3A_0 {strides = array<i32>} : memref<80x128xf32, #tpu.memory_space<vmem>>, vector<16xf32>,
      %swap3A_79 = arith.index_cast %scan3A_58 : i32 to index
      %swap3A_80 = arith.constant 112 : index
      %swap3A_81 = tpu.vector_load %arg11[%swap3A_79, %swap3A_80] {strides = array<i32>} : memref<80x128xf32, #tpu.memory_space<vmem>>, vector<16xf32>,
      tpu.vector_store %arg11[%swap3A_79, %swap3A_80], %broadcast_in_dim3A_0 {strides = array<i32>} : memref<80x128xf32, #tpu.memory_space<vmem>>, vector<16xf32>,
    }
    %scan3A_5 = arith.constant 80 : i32
    %scan3A_6 = arith.constant 0 : i32
    %scan3A_7 = arith.constant 0 : i32
    %scan3A_8 = arith.constant 640 : i32
    %scan3A_9 = arith.addi %scan3A_7, %scan3A_8 : i32
    %scan3A_10 = arith.constant 1 : i32
    scf.for %scan3A_58 = %scan3A_7 to %scan3A_9 step %scan3A_10  : i32 {
      %swap3A = arith.index_cast %scan3A_58 : i32 to index
      %swap3A_59 = arith.constant 0 : index
      %swap3A_60 = tpu.vector_load %arg18[%swap3A, %swap3A_59] {strides = array<i32>} : memref<640x64xf32, #tpu.memory_space<vmem>>, vector<16xf32>,
      tpu.vector_store %arg18[%swap3A, %swap3A_59], %broadcast_in_dim3A_0 {strides = array<i32>} : memref<640x64xf32, #tpu.memory_space<vmem>>, vector<16xf32>,
      %swap3A_61 = arith.index_cast %scan3A_58 : i32 to index
      %swap3A_62 = arith.constant 16 : index
      %swap3A_63 = tpu.vector_load %arg18[%swap3A_61, %swap3A_62] {strides = array<i32>} : memref<640x64xf32, #tpu.memory_space<vmem>>, vector<16xf32>,
      tpu.vector_store %arg18[%swap3A_61, %swap3A_62], %broadcast_in_dim3A_0 {strides = array<i32>} : memref<640x64xf32, #tpu.memory_space<vmem>>, vector<16xf32>,
      %swap3A_64 = arith.index_cast %scan3A_58 : i32 to index
      %swap3A_65 = arith.constant 32 : index
      %swap3A_66 = tpu.vector_load %arg18[%swap3A_64, %swap3A_65] {strides = array<i32>} : memref<640x64xf32, #tpu.memory_space<vmem>>, vector<16xf32>,
      tpu.vector_store %arg18[%swap3A_64, %swap3A_65], %broadcast_in_dim3A_0 {strides = array<i32>} : memref<640x64xf32, #tpu.memory_space<vmem>>, vector<16xf32>,
      %swap3A_67 = arith.index_cast %scan3A_58 : i32 to index
      %swap3A_68 = arith.constant 48 : index
      %swap3A_69 = tpu.vector_load %arg18[%swap3A_67, %swap3A_68] {strides = array<i32>} : memref<640x64xf32, #tpu.memory_space<vmem>>, vector<16xf32>,
      tpu.vector_store %arg18[%swap3A_67, %swap3A_68], %broadcast_in_dim3A_0 {strides = array<i32>} : memref<640x64xf32, #tpu.memory_space<vmem>>, vector<16xf32>,
    }
    %scan3A_11 = arith.constant 640 : i32
    %mul3A = arith.constant 640 : i32
    %mul3A_12 = arith.muli %arg1, %mul3A : i32
    "tpu.region"() ({
      %run_scoped3A = tpu.sem_alloc : memref<!tpu.dma_semaphore, #tpu.memory_space<semaphore_mem>>
      %dma_start3A = arith.constant 0 : i32
      %dma_start3A_58 = tpu.memref_slice %arg20[%mul3A_12, %dma_start3A] : memref<10240x64xf32, #tpu.memory_space<vmem_shared>> -> memref<640x64xf32, #tpu.memory_space<vmem_shared>>
      %dma_start3A_59 = arith.constant 0 : i32
      %dma_start3A_60 = tpu.memref_slice %arg20[%mul3A_12, %dma_start3A_59] : memref<10240x64xf32, #tpu.memory_space<vmem_shared>> -> memref<640x64xf32, #tpu.memory_space<vmem_shared>>
      tpu.enqueue_dma source(%arg18 : memref<640x64xf32, #tpu.memory_space<vmem>>) target(%dma_start3A_60 : memref<640x64xf32, #tpu.memory_space<vmem_shared>>) target_semaphore(%run_scoped3A : memref<!tpu.dma_semaphore, #tpu.memory_space<semaphore_mem>>)
      %dma_wait3A = arith.constant 0 : i32
      %dma_wait3A_61 = tpu.memref_slice %arg20[%mul3A_12, %dma_wait3A] : memref<10240x64xf32, #tpu.memory_space<vmem_shared>> -> memref<640x64xf32, #tpu.memory_space<vmem_shared>>
      %dma_wait3A_62 = arith.constant 0 : i32
      %dma_wait3A_63 = tpu.memref_slice %arg20[%mul3A_12, %dma_wait3A_62] : memref<10240x64xf32, #tpu.memory_space<vmem_shared>> -> memref<640x64xf32, #tpu.memory_space<vmem_shared>>
      tpu.wait_dma2 semaphore(%run_scoped3A : memref<!tpu.dma_semaphore, #tpu.memory_space<semaphore_mem>>) src(%arg18 : memref<640x64xf32, #tpu.memory_space<vmem>>) dst(%dma_wait3A_63 : memref<640x64xf32, #tpu.memory_space<vmem_shared>>)
      tpu.yield
    }) : () -> ()
    %eq3A = arith.constant 0 : i32
    %eq3A_13 = arith.cmpi eq, %arg1, %eq3A : i32
    %convert_element_type3A = arith.extui %eq3A_13 : i1 to i32
    %cond3A = arith.constant 0 : i32
    %cond3A_14 = arith.cmpi ne, %convert_element_type3A, %cond3A : i32
    scf.if %cond3A_14 {
      "tpu.region"() ({
        %run_scoped3A = tpu.sem_alloc : memref<!tpu.dma_semaphore, #tpu.memory_space<semaphore_mem>>
        tpu.enqueue_dma source(%arg11 : memref<80x128xf32, #tpu.memory_space<vmem>>) target(%arg19 : memref<80x128xf32, #tpu.memory_space<vmem_shared>>) target_semaphore(%run_scoped3A : memref<!tpu.dma_semaphore, #tpu.memory_space<semaphore_mem>>)
        tpu.wait_dma2 semaphore(%run_scoped3A : memref<!tpu.dma_semaphore, #tpu.memory_space<semaphore_mem>>) src(%arg11 : memref<80x128xf32, #tpu.memory_space<vmem>>) dst(%arg19 : memref<80x128xf32, #tpu.memory_space<vmem_shared>>)
        tpu.yield
      }) : () -> ()
    } else {
    }
    %barrier3A = arith.constant 0 : index
    tpu.barrier barrier_id(%barrier3A)
    %scan3A_15 = arith.constant 0 : i32
    %scan3A_16 = arith.constant 0 : i32
    %scan3A_17 = arith.constant 162 : i32
    %scan3A_18 = arith.addi %scan3A_16, %scan3A_17 : i32
    %scan3A_19 = arith.constant 1 : i32
    scf.for %scan3A_58 = %scan3A_16 to %scan3A_18 step %scan3A_19  : i32 {
      %mul3A_59 = arith.constant 20736 : i32
      %mul3A_60 = arith.muli %arg1, %mul3A_59 : i32
      %mul3A_61 = arith.constant 128 : i32
      %mul3A_62 = arith.muli %scan3A_58, %mul3A_61 : i32
      %add3A = arith.addi %mul3A_60, %mul3A_62 : i32
      %run_scoped3A = arith.constant 0 : i32
      "tpu.region"() ({
        %run_scoped3A_108 = tpu.sem_alloc : memref<!tpu.dma_semaphore, #tpu.memory_space<semaphore_mem>>
        %dma_start3A_109 = arith.constant 0 : i32
        %dma_start3A_110 = tpu.memref_slice %arg13[%run_scoped3A, %dma_start3A_109] : memref<2x128xi32, #tpu.memory_space<vmem>> -> memref<1x128xi32, #tpu.memory_space<vmem>>
        %dma_start3A_111 = tpu.memref_squeeze %dma_start3A_110 : memref<1x128xi32, #tpu.memory_space<vmem>> -> memref<128xi32, #tpu.memory_space<vmem>>
        %dma_start3A_112 = tpu.memref_slice %arg3[%add3A] : memref<331776xi32, #tpu.memory_space<hbm>> -> memref<128xi32, #tpu.memory_space<hbm>>
        %dma_start3A_113 = arith.constant 0 : i32
        %dma_start3A_114 = tpu.memref_slice %arg13[%run_scoped3A, %dma_start3A_113] : memref<2x128xi32, #tpu.memory_space<vmem>> -> memref<1x128xi32, #tpu.memory_space<vmem>>
        %dma_start3A_115 = tpu.memref_squeeze %dma_start3A_114 : memref<1x128xi32, #tpu.memory_space<vmem>> -> memref<128xi32, #tpu.memory_space<vmem>>
        %dma_start3A_116 = tpu.memref_slice %arg3[%add3A] : memref<331776xi32, #tpu.memory_space<hbm>> -> memref<128xi32, #tpu.memory_space<hbm>>
        tpu.enqueue_dma source(%dma_start3A_116 : memref<128xi32, #tpu.memory_space<hbm>>) target(%dma_start3A_115 : memref<128xi32, #tpu.memory_space<vmem>>) target_semaphore(%run_scoped3A_108 : memref<!tpu.dma_semaphore, #tpu.memory_space<semaphore_mem>>)
        %dma_wait3A_117 = arith.constant 0 : i32
        %dma_wait3A_118 = tpu.memref_slice %arg13[%run_scoped3A, %dma_wait3A_117] : memref<2x128xi32, #tpu.memory_space<vmem>> -> memref<1x128xi32, #tpu.memory_space<vmem>>
        %dma_wait3A_119 = tpu.memref_squeeze %dma_wait3A_118 : memref<1x128xi32, #tpu.memory_space<vmem>> -> memref<128xi32, #tpu.memory_space<vmem>>
        %dma_wait3A_120 = tpu.memref_slice %arg3[%add3A] : memref<331776xi32, #tpu.memory_space<hbm>> -> memref<128xi32, #tpu.memory_space<hbm>>
        %dma_wait3A_121 = arith.constant 0 : i32
        %dma_wait3A_122 = tpu.memref_slice %arg13[%run_scoped3A, %dma_wait3A_121] : memref<2x128xi32, #tpu.memory_space<vmem>> -> memref<1x128xi32, #tpu.memory_space<vmem>>
        %dma_wait3A_123 = tpu.memref_squeeze %dma_wait3A_122 : memref<1x128xi32, #tpu.memory_space<vmem>> -> memref<128xi32, #tpu.memory_space<vmem>>
        %dma_wait3A_124 = tpu.memref_slice %arg3[%add3A] : memref<331776xi32, #tpu.memory_space<hbm>> -> memref<128xi32, #tpu.memory_space<hbm>>
        tpu.wait_dma2 semaphore(%run_scoped3A_108 : memref<!tpu.dma_semaphore, #tpu.memory_space<semaphore_mem>>) src(%dma_wait3A_124 : memref<128xi32, #tpu.memory_space<hbm>>) dst(%dma_wait3A_123 : memref<128xi32, #tpu.memory_space<vmem>>)
        tpu.yield
      }) : () -> ()
      %run_scoped3A_63 = arith.constant 0 : i32
      "tpu.region"() ({
        %run_scoped3A_108 = tpu.sem_alloc : memref<!tpu.dma_semaphore, #tpu.memory_space<semaphore_mem>>
        %dma_start3A_109 = arith.constant 0 : i32
        %dma_start3A_110 = tpu.memref_slice %arg14[%run_scoped3A_63, %dma_start3A_109] : memref<2x128xi32, #tpu.memory_space<vmem>> -> memref<1x128xi32, #tpu.memory_space<vmem>>
        %dma_start3A_111 = tpu.memref_squeeze %dma_start3A_110 : memref<1x128xi32, #tpu.memory_space<vmem>> -> memref<128xi32, #tpu.memory_space<vmem>>
        %dma_start3A_112 = tpu.memref_slice %arg4[%add3A] : memref<331776xi32, #tpu.memory_space<hbm>> -> memref<128xi32, #tpu.memory_space<hbm>>
        %dma_start3A_113 = arith.constant 0 : i32
        %dma_start3A_114 = tpu.memref_slice %arg14[%run_scoped3A_63, %dma_start3A_113] : memref<2x128xi32, #tpu.memory_space<vmem>> -> memref<1x128xi32, #tpu.memory_space<vmem>>
        %dma_start3A_115 = tpu.memref_squeeze %dma_start3A_114 : memref<1x128xi32, #tpu.memory_space<vmem>> -> memref<128xi32, #tpu.memory_space<vmem>>
        %dma_start3A_116 = tpu.memref_slice %arg4[%add3A] : memref<331776xi32, #tpu.memory_space<hbm>> -> memref<128xi32, #tpu.memory_space<hbm>>
        tpu.enqueue_dma source(%dma_start3A_116 : memref<128xi32, #tpu.memory_space<hbm>>) target(%dma_start3A_115 : memref<128xi32, #tpu.memory_space<vmem>>) target_semaphore(%run_scoped3A_108 : memref<!tpu.dma_semaphore, #tpu.memory_space<semaphore_mem>>)
        %dma_wait3A_117 = arith.constant 0 : i32
        %dma_wait3A_118 = tpu.memref_slice %arg14[%run_scoped3A_63, %dma_wait3A_117] : memref<2x128xi32, #tpu.memory_space<vmem>> -> memref<1x128xi32, #tpu.memory_space<vmem>>
        %dma_wait3A_119 = tpu.memref_squeeze %dma_wait3A_118 : memref<1x128xi32, #tpu.memory_space<vmem>> -> memref<128xi32, #tpu.memory_space<vmem>>
        %dma_wait3A_120 = tpu.memref_slice %arg4[%add3A] : memref<331776xi32, #tpu.memory_space<hbm>> -> memref<128xi32, #tpu.memory_space<hbm>>
        %dma_wait3A_121 = arith.constant 0 : i32
        %dma_wait3A_122 = tpu.memref_slice %arg14[%run_scoped3A_63, %dma_wait3A_121] : memref<2x128xi32, #tpu.memory_space<vmem>> -> memref<1x128xi32, #tpu.memory_space<vmem>>
        %dma_wait3A_123 = tpu.memref_squeeze %dma_wait3A_122 : memref<1x128xi32, #tpu.memory_space<vmem>> -> memref<128xi32, #tpu.memory_space<vmem>>
        %dma_wait3A_124 = tpu.memref_slice %arg4[%add3A] : memref<331776xi32, #tpu.memory_space<hbm>> -> memref<128xi32, #tpu.memory_space<hbm>>
        tpu.wait_dma2 semaphore(%run_scoped3A_108 : memref<!tpu.dma_semaphore, #tpu.memory_space<semaphore_mem>>) src(%dma_wait3A_124 : memref<128xi32, #tpu.memory_space<hbm>>) dst(%dma_wait3A_123 : memref<128xi32, #tpu.memory_space<vmem>>)
        tpu.yield
      }) : () -> ()
      %dma_start3A = arith.constant 0 : i32
      %dma_start3A_64 = arith.constant 0 : i32
      %dma_start3A_65 = arith.constant 0 : i32
      %dma_start3A_66 = arith.constant 0 : i32
      %dma_start3A_67 = tpu.memref_slice %arg15[%dma_start3A_64, %dma_start3A_65, %dma_start3A_66] : memref<2x128x64xf32, #tpu.memory_space<vmem>> -> memref<1x128x64xf32, #tpu.memory_space<vmem>>
      %dma_start3A_68 = tpu.memref_squeeze %dma_start3A_67 : memref<1x128x64xf32, #tpu.memory_space<vmem>> -> memref<128x64xf32, #tpu.memory_space<vmem>>
      %dma_start3A_69 = arith.constant 0 : i32
      %dma_start3A_70 = tpu.memref_slice %arg13[%dma_start3A, %dma_start3A_69] : memref<2x128xi32, #tpu.memory_space<vmem>> -> memref<1x128xi32, #tpu.memory_space<vmem>>
      %dma_start3A_71 = tpu.memref_squeeze %dma_start3A_70 : memref<1x128xi32, #tpu.memory_space<vmem>> -> memref<128xi32, #tpu.memory_space<vmem>>
      %dma_start3A_72 = arith.constant 0 : i32
      %dma_start3A_73 = arith.constant 0 : i32
      %dma_start3A_74 = tpu.memref_slice %arg2[%arg0, %dma_start3A_72, %dma_start3A_73] : memref<2x10240x64xf32, #tpu.memory_space<hbm>> -> memref<1x10240x64xf32, #tpu.memory_space<hbm>>
      %dma_start3A_75 = tpu.memref_squeeze %dma_start3A_74 : memref<1x10240x64xf32, #tpu.memory_space<hbm>> -> memref<10240x64xf32, #tpu.memory_space<hbm>>
      %dma_start3A_76 = arith.constant 0 : i32
      %dma_start3A_77 = arith.constant 0 : i32
      %dma_start3A_78 = tpu.memref_slice %dma_start3A_75[%dma_start3A_76, %dma_start3A_77] : memref<10240x64xf32, #tpu.memory_space<hbm>> -> memref<10240x64xf32, #tpu.memory_space<hbm>>
      tpu.enqueue_indirect_dma source(%dma_start3A_78 : memref<10240x64xf32, #tpu.memory_space<hbm>>) target(%dma_start3A_68 : memref<128x64xf32, #tpu.memory_space<vmem>>) offsets(%dma_start3A_71 : memref<128xi32, #tpu.memory_space<vmem>>) semaphore(%arg21 : memref<!tpu.dma_semaphore, #tpu.memory_space<semaphore_mem>>)
      %scan3A_79 = arith.constant 0 : i32
      %scan3A_80 = arith.constant 0 : i32
      %scan3A_81 = arith.constant 8 : i32
      %scan3A_82 = arith.addi %scan3A_80, %scan3A_81 : i32
      %scan3A_83 = arith.constant 1 : i32
      scf.for %scan3A_108 = %scan3A_80 to %scan3A_82 step %scan3A_83  : i32 {
        %mul3A_109 = arith.constant 16 : i32
        %mul3A_110 = arith.muli %scan3A_108, %mul3A_109 : i32
        %get3A = arith.constant 0 : i32
        %get3A_111 = arith.index_cast %get3A : i32 to index
        %get3A_112 = arith.index_cast %mul3A_110 : i32 to index
        %get3A_113 = tpu.vector_load %arg13[%get3A_111, %get3A_112] {strides = array<i32>} : memref<2x128xi32, #tpu.memory_space<vmem>>, vector<16xi32>,
        %mul3A_114 = arith.constant 16 : i32
        %mul3A_115 = arith.muli %scan3A_108, %mul3A_114 : i32
        %get3A_116 = arith.constant 0 : i32
        %get3A_117 = arith.index_cast %get3A_116 : i32 to index
        %get3A_118 = arith.index_cast %mul3A_115 : i32 to index
        %get3A_119 = tpu.vector_load %arg14[%get3A_117, %get3A_118] {strides = array<i32>} : memref<2x128xi32, #tpu.memory_space<vmem>>, vector<16xi32>,
        %gather3A = tpu.vector_load_idx %arg9[%get3A_113] : memref<10240xf32, #tpu.memory_space<vmem>>[vector<16xi32>], vector<16xf32>,
        %gather3A_120 = tpu.vector_load_idx %arg10[%get3A_119] : memref<10240xf32, #tpu.memory_space<vmem>>[vector<16xi32>], vector<16xf32>,
        %add3A_121 = arith.addf %gather3A, %gather3A_120 : vector<16xf32>
        %ge3A = arith.constant 0.000000e+00 : f32
        %ge3A_122 = vector.broadcast %ge3A : f32 to vector<16xf32>
        %ge3A_123 = arith.cmpf oge, %add3A_121, %ge3A_122 : vector<16xf32>
        %mul3A_124 = arith.constant 2.000000e-01 : f32
        %mul3A_125 = vector.broadcast %mul3A_124 : f32 to vector<16xf32>
        %mul3A_126 = arith.mulf %add3A_121, %mul3A_125 : vector<16xf32>
        %select_n3A = arith.select %ge3A_123, %add3A_121, %mul3A_126 : vector<16xi1>, vector<16xf32>
        %exp3A = math.exp %select_n3A : vector<16xf32>
        %mul3A_127 = arith.constant 16 : i32
        %mul3A_128 = arith.muli %scan3A_108, %mul3A_127 : i32
        %swap3A = arith.index_cast %mul3A_128 : i32 to index
        %swap3A_129 = tpu.vector_load %arg16[%swap3A] {strides = array<i32>} : memref<128xf32, #tpu.memory_space<vmem>>, vector<16xf32>,
        tpu.vector_store %arg16[%swap3A], %exp3A {strides = array<i32>} : memref<128xf32, #tpu.memory_space<vmem>>, vector<16xf32>,
        %shift_right_logical3A = arith.constant 7 : i32
        %shift_right_logical3A_130 = vector.broadcast %shift_right_logical3A : i32 to vector<16xi32>
        %shift_right_logical3A_131 = arith.shrui %get3A_119, %shift_right_logical3A_130 : vector<16xi32>
        %and3A = arith.constant 127 : i32
        %and3A_132 = vector.broadcast %and3A : i32 to vector<16xi32>
        %and3A_133 = arith.andi %get3A_119, %and3A_132 : vector<16xi32>
        tpu.vector_store_idx %arg11[%shift_right_logical3A_131, %and3A_133], %exp3A {add = true} : memref<80x128xf32, #tpu.memory_space<vmem>>[vector<16xi32>, vector<16xi32>], vector<16xf32>,
      }
      %scan3A_84 = arith.constant 8 : i32
      %dma_wait3A = arith.constant 0 : i32
      %dma_wait3A_85 = arith.constant 0 : i32
      %dma_wait3A_86 = arith.constant 0 : i32
      %dma_wait3A_87 = arith.constant 0 : i32
      %dma_wait3A_88 = tpu.memref_slice %arg15[%dma_wait3A_85, %dma_wait3A_86, %dma_wait3A_87] : memref<2x128x64xf32, #tpu.memory_space<vmem>> -> memref<1x128x64xf32, #tpu.memory_space<vmem>>
      %dma_wait3A_89 = tpu.memref_squeeze %dma_wait3A_88 : memref<1x128x64xf32, #tpu.memory_space<vmem>> -> memref<128x64xf32, #tpu.memory_space<vmem>>
      %dma_wait3A_90 = arith.constant 0 : i32
      %dma_wait3A_91 = tpu.memref_slice %arg13[%dma_wait3A, %dma_wait3A_90] : memref<2x128xi32, #tpu.memory_space<vmem>> -> memref<1x128xi32, #tpu.memory_space<vmem>>
      %dma_wait3A_92 = tpu.memref_squeeze %dma_wait3A_91 : memref<1x128xi32, #tpu.memory_space<vmem>> -> memref<128xi32, #tpu.memory_space<vmem>>
      %dma_wait3A_93 = arith.constant 0 : i32
      %dma_wait3A_94 = arith.constant 0 : i32
      %dma_wait3A_95 = tpu.memref_slice %arg2[%arg0, %dma_wait3A_93, %dma_wait3A_94] : memref<2x10240x64xf32, #tpu.memory_space<hbm>> -> memref<1x10240x64xf32, #tpu.memory_space<hbm>>
      %dma_wait3A_96 = tpu.memref_squeeze %dma_wait3A_95 : memref<1x10240x64xf32, #tpu.memory_space<hbm>> -> memref<10240x64xf32, #tpu.memory_space<hbm>>
      %dma_wait3A_97 = arith.constant 0 : i32
      %dma_wait3A_98 = arith.constant 0 : i32
      %dma_wait3A_99 = tpu.memref_slice %dma_wait3A_96[%dma_wait3A_97, %dma_wait3A_98] : memref<10240x64xf32, #tpu.memory_space<hbm>> -> memref<10240x64xf32, #tpu.memory_space<hbm>>
      tpu.wait_indirect_dma semaphore(%arg21 : memref<!tpu.dma_semaphore, #tpu.memory_space<semaphore_mem>>) src(%dma_wait3A_99 : memref<10240x64xf32, #tpu.memory_space<hbm>>) dst(%dma_wait3A_89 : memref<128x64xf32, #tpu.memory_space<vmem>>)
      %scan3A_100 = arith.constant 0 : i32
      %scan3A_101 = arith.constant 0 : i32
      %scan3A_102 = arith.constant 8 : i32
      %scan3A_103 = arith.addi %scan3A_101, %scan3A_102 : i32
      %scan3A_104 = arith.constant 1 : i32
      scf.for %scan3A_108 = %scan3A_101 to %scan3A_103 step %scan3A_104  : i32 {
        %mul3A_109 = arith.constant 16 : i32
        %mul3A_110 = arith.muli %scan3A_108, %mul3A_109 : i32
        %get3A = arith.index_cast %mul3A_110 : i32 to index
        %get3A_111 = tpu.vector_load %arg16[%get3A] {strides = array<i32>} : memref<128xf32, #tpu.memory_space<vmem>>, vector<16xf32>,
        %mul3A_112 = arith.constant 16 : i32
        %mul3A_113 = arith.muli %scan3A_108, %mul3A_112 : i32
        %add3A_114 = arith.constant 0 : i32
        %add3A_115 = arith.addi %mul3A_113, %add3A_114 : i32
        %slice3A = vector.extract_strided_slice %get3A_111 {offsets = [0], sizes = [1], strides = [1]} : vector<16xf32> to vector<1xf32>
        %squeeze3A = vector.extract %slice3A[0] : f32 from vector<1xf32>
        %broadcast_in_dim3A_116 = vector.broadcast %squeeze3A : f32 to vector<16xf32>
        %get3A_117 = arith.constant 0 : i32
        %get3A_118 = arith.index_cast %get3A_117 : i32 to index
        %get3A_119 = arith.index_cast %add3A_115 : i32 to index
        %get3A_120 = arith.constant 0 : index
        %get3A_121 = tpu.vector_load %arg15[%get3A_118, %get3A_119, %get3A_120] {strides = array<i32>} : memref<2x128x64xf32, #tpu.memory_space<vmem>>, vector<16xf32>,
        %mul3A_122 = arith.mulf %get3A_121, %broadcast_in_dim3A_116 : vector<16xf32>
        %swap3A = arith.constant 0 : i32
        %swap3A_123 = arith.index_cast %swap3A : i32 to index
        %swap3A_124 = arith.index_cast %add3A_115 : i32 to index
        %swap3A_125 = arith.constant 0 : index
        %swap3A_126 = tpu.vector_load %arg15[%swap3A_123, %swap3A_124, %swap3A_125] {strides = array<i32>} : memref<2x128x64xf32, #tpu.memory_space<vmem>>, vector<16xf32>,
        tpu.vector_store %arg15[%swap3A_123, %swap3A_124, %swap3A_125], %mul3A_122 {strides = array<i32>} : memref<2x128x64xf32, #tpu.memory_space<vmem>>, vector<16xf32>,
        %get3A_127 = arith.constant 0 : i32
        %get3A_128 = arith.index_cast %get3A_127 : i32 to index
        %get3A_129 = arith.index_cast %add3A_115 : i32 to index
        %get3A_130 = arith.constant 16 : index
        %get3A_131 = tpu.vector_load %arg15[%get3A_128, %get3A_129, %get3A_130] {strides = array<i32>} : memref<2x128x64xf32, #tpu.memory_space<vmem>>, vector<16xf32>,
        %mul3A_132 = arith.mulf %get3A_131, %broadcast_in_dim3A_116 : vector<16xf32>
        %swap3A_133 = arith.constant 0 : i32
        %swap3A_134 = arith.index_cast %swap3A_133 : i32 to index
        %swap3A_135 = arith.index_cast %add3A_115 : i32 to index
        %swap3A_136 = arith.constant 16 : index
        %swap3A_137 = tpu.vector_load %arg15[%swap3A_134, %swap3A_135, %swap3A_136] {strides = array<i32>} : memref<2x128x64xf32, #tpu.memory_space<vmem>>, vector<16xf32>,
        tpu.vector_store %arg15[%swap3A_134, %swap3A_135, %swap3A_136], %mul3A_132 {strides = array<i32>} : memref<2x128x64xf32, #tpu.memory_space<vmem>>, vector<16xf32>,
        %get3A_138 = arith.constant 0 : i32
        %get3A_139 = arith.index_cast %get3A_138 : i32 to index
        %get3A_140 = arith.index_cast %add3A_115 : i32 to index
        %get3A_141 = arith.constant 32 : index
        %get3A_142 = tpu.vector_load %arg15[%get3A_139, %get3A_140, %get3A_141] {strides = array<i32>} : memref<2x128x64xf32, #tpu.memory_space<vmem>>, vector<16xf32>,
        %mul3A_143 = arith.mulf %get3A_142, %broadcast_in_dim3A_116 : vector<16xf32>
        %swap3A_144 = arith.constant 0 : i32
        %swap3A_145 = arith.index_cast %swap3A_144 : i32 to index
        %swap3A_146 = arith.index_cast %add3A_115 : i32 to index
        %swap3A_147 = arith.constant 32 : index
        %swap3A_148 = tpu.vector_load %arg15[%swap3A_145, %swap3A_146, %swap3A_147] {strides = array<i32>} : memref<2x128x64xf32, #tpu.memory_space<vmem>>, vector<16xf32>,
        tpu.vector_store %arg15[%swap3A_145, %swap3A_146, %swap3A_147], %mul3A_143 {strides = array<i32>} : memref<2x128x64xf32, #tpu.memory_space<vmem>>, vector<16xf32>,
        %get3A_149 = arith.constant 0 : i32
        %get3A_150 = arith.index_cast %get3A_149 : i32 to index
        %get3A_151 = arith.index_cast %add3A_115 : i32 to index
        %get3A_152 = arith.constant 48 : index
        %get3A_153 = tpu.vector_load %arg15[%get3A_150, %get3A_151, %get3A_152] {strides = array<i32>} : memref<2x128x64xf32, #tpu.memory_space<vmem>>, vector<16xf32>,
        %mul3A_154 = arith.mulf %get3A_153, %broadcast_in_dim3A_116 : vector<16xf32>
        %swap3A_155 = arith.constant 0 : i32
        %swap3A_156 = arith.index_cast %swap3A_155 : i32 to index
        %swap3A_157 = arith.index_cast %add3A_115 : i32 to index
        %swap3A_158 = arith.constant 48 : index
        %swap3A_159 = tpu.vector_load %arg15[%swap3A_156, %swap3A_157, %swap3A_158] {strides = array<i32>} : memref<2x128x64xf32, #tpu.memory_space<vmem>>, vector<16xf32>,
        tpu.vector_store %arg15[%swap3A_156, %swap3A_157, %swap3A_158], %mul3A_154 {strides = array<i32>} : memref<2x128x64xf32, #tpu.memory_space<vmem>>, vector<16xf32>,
        %mul3A_160 = arith.constant 16 : i32
        %mul3A_161 = arith.muli %scan3A_108, %mul3A_160 : i32
        %add3A_162 = arith.constant 1 : i32
        %add3A_163 = arith.addi %mul3A_161, %add3A_162 : i32
        %slice3A_164 = vector.extract_strided_slice %get3A_111 {offsets = [1], sizes = [1], strides = [1]} : vector<16xf32> to vector<1xf32>
        %squeeze3A_165 = vector.extract %slice3A_164[0] : f32 from vector<1xf32>
        %broadcast_in_dim3A_166 = vector.broadcast %squeeze3A_165 : f32 to vector<16xf32>
        %get3A_167 = arith.constant 0 : i32
        %get3A_168 = arith.index_cast %get3A_167 : i32 to index
        %get3A_169 = arith.index_cast %add3A_163 : i32 to index
        %get3A_170 = arith.constant 0 : index
        %get3A_171 = tpu.vector_load %arg15[%get3A_168, %get3A_169, %get3A_170] {strides = array<i32>} : memref<2x128x64xf32, #tpu.memory_space<vmem>>, vector<16xf32>,
        %mul3A_172 = arith.mulf %get3A_171, %broadcast_in_dim3A_166 : vector<16xf32>
        %swap3A_173 = arith.constant 0 : i32
        %swap3A_174 = arith.index_cast %swap3A_173 : i32 to index
        %swap3A_175 = arith.index_cast %add3A_163 : i32 to index
        %swap3A_176 = arith.constant 0 : index
        %swap3A_177 = tpu.vector_load %arg15[%swap3A_174, %swap3A_175, %swap3A_176] {strides = array<i32>} : memref<2x128x64xf32, #tpu.memory_space<vmem>>, vector<16xf32>,
        tpu.vector_store %arg15[%swap3A_174, %swap3A_175, %swap3A_176], %mul3A_172 {strides = array<i32>} : memref<2x128x64xf32, #tpu.memory_space<vmem>>, vector<16xf32>,
        %get3A_178 = arith.constant 0 : i32
        %get3A_179 = arith.index_cast %get3A_178 : i32 to index
        %get3A_180 = arith.index_cast %add3A_163 : i32 to index
        %get3A_181 = arith.constant 16 : index
        %get3A_182 = tpu.vector_load %arg15[%get3A_179, %get3A_180, %get3A_181] {strides = array<i32>} : memref<2x128x64xf32, #tpu.memory_space<vmem>>, vector<16xf32>,
        %mul3A_183 = arith.mulf %get3A_182, %broadcast_in_dim3A_166 : vector<16xf32>
        %swap3A_184 = arith.constant 0 : i32
        %swap3A_185 = arith.index_cast %swap3A_184 : i32 to index
        %swap3A_186 = arith.index_cast %add3A_163 : i32 to index
        %swap3A_187 = arith.constant 16 : index
        %swap3A_188 = tpu.vector_load %arg15[%swap3A_185, %swap3A_186, %swap3A_187] {strides = array<i32>} : memref<2x128x64xf32, #tpu.memory_space<vmem>>, vector<16xf32>,
        tpu.vector_store %arg15[%swap3A_185, %swap3A_186, %swap3A_187], %mul3A_183 {strides = array<i32>} : memref<2x128x64xf32, #tpu.memory_space<vmem>>, vector<16xf32>,
        %get3A_189 = arith.constant 0 : i32
        %get3A_190 = arith.index_cast %get3A_189 : i32 to index
        %get3A_191 = arith.index_cast %add3A_163 : i32 to index
        %get3A_192 = arith.constant 32 : index
        %get3A_193 = tpu.vector_load %arg15[%get3A_190, %get3A_191, %get3A_192] {strides = array<i32>} : memref<2x128x64xf32, #tpu.memory_space<vmem>>, vector<16xf32>,
        %mul3A_194 = arith.mulf %get3A_193, %broadcast_in_dim3A_166 : vector<16xf32>
        %swap3A_195 = arith.constant 0 : i32
        %swap3A_196 = arith.index_cast %swap3A_195 : i32 to index
        %swap3A_197 = arith.index_cast %add3A_163 : i32 to index
        %swap3A_198 = arith.constant 32 : index
        %swap3A_199 = tpu.vector_load %arg15[%swap3A_196, %swap3A_197, %swap3A_198] {strides = array<i32>} : memref<2x128x64xf32, #tpu.memory_space<vmem>>, vector<16xf32>,
        tpu.vector_store %arg15[%swap3A_196, %swap3A_197, %swap3A_198], %mul3A_194 {strides = array<i32>} : memref<2x128x64xf32, #tpu.memory_space<vmem>>, vector<16xf32>,
        %get3A_200 = arith.constant 0 : i32
        %get3A_201 = arith.index_cast %get3A_200 : i32 to index
        %get3A_202 = arith.index_cast %add3A_163 : i32 to index
        %get3A_203 = arith.constant 48 : index
        %get3A_204 = tpu.vector_load %arg15[%get3A_201, %get3A_202, %get3A_203] {strides = array<i32>} : memref<2x128x64xf32, #tpu.memory_space<vmem>>, vector<16xf32>,
        %mul3A_205 = arith.mulf %get3A_204, %broadcast_in_dim3A_166 : vector<16xf32>
        %swap3A_206 = arith.constant 0 : i32
        %swap3A_207 = arith.index_cast %swap3A_206 : i32 to index
        %swap3A_208 = arith.index_cast %add3A_163 : i32 to index
        %swap3A_209 = arith.constant 48 : index
        %swap3A_210 = tpu.vector_load %arg15[%swap3A_207, %swap3A_208, %swap3A_209] {strides = array<i32>} : memref<2x128x64xf32, #tpu.memory_space<vmem>>, vector<16xf32>,
        tpu.vector_store %arg15[%swap3A_207, %swap3A_208, %swap3A_209], %mul3A_205 {strides = array<i32>} : memref<2x128x64xf32, #tpu.memory_space<vmem>>, vector<16xf32>,
        %mul3A_211 = arith.constant 16 : i32
        %mul3A_212 = arith.muli %scan3A_108, %mul3A_211 : i32
        %add3A_213 = arith.constant 2 : i32
        %add3A_214 = arith.addi %mul3A_212, %add3A_213 : i32
        %slice3A_215 = vector.extract_strided_slice %get3A_111 {offsets = [2], sizes = [1], strides = [1]} : vector<16xf32> to vector<1xf32>
        %squeeze3A_216 = vector.extract %slice3A_215[0] : f32 from vector<1xf32>
        %broadcast_in_dim3A_217 = vector.broadcast %squeeze3A_216 : f32 to vector<16xf32>
        %get3A_218 = arith.constant 0 : i32
        %get3A_219 = arith.index_cast %get3A_218 : i32 to index
        %get3A_220 = arith.index_cast %add3A_214 : i32 to index
        %get3A_221 = arith.constant 0 : index
        %get3A_222 = tpu.vector_load %arg15[%get3A_219, %get3A_220, %get3A_221] {strides = array<i32>} : memref<2x128x64xf32, #tpu.memory_space<vmem>>, vector<16xf32>,
        %mul3A_223 = arith.mulf %get3A_222, %broadcast_in_dim3A_217 : vector<16xf32>
        %swap3A_224 = arith.constant 0 : i32
        %swap3A_225 = arith.index_cast %swap3A_224 : i32 to index
        %swap3A_226 = arith.index_cast %add3A_214 : i32 to index
        %swap3A_227 = arith.constant 0 : index
        %swap3A_228 = tpu.vector_load %arg15[%swap3A_225, %swap3A_226, %swap3A_227] {strides = array<i32>} : memref<2x128x64xf32, #tpu.memory_space<vmem>>, vector<16xf32>,
        tpu.vector_store %arg15[%swap3A_225, %swap3A_226, %swap3A_227], %mul3A_223 {strides = array<i32>} : memref<2x128x64xf32, #tpu.memory_space<vmem>>, vector<16xf32>,
        %get3A_229 = arith.constant 0 : i32
        %get3A_230 = arith.index_cast %get3A_229 : i32 to index
        %get3A_231 = arith.index_cast %add3A_214 : i32 to index
        %get3A_232 = arith.constant 16 : index
        %get3A_233 = tpu.vector_load %arg15[%get3A_230, %get3A_231, %get3A_232] {strides = array<i32>} : memref<2x128x64xf32, #tpu.memory_space<vmem>>, vector<16xf32>,
        %mul3A_234 = arith.mulf %get3A_233, %broadcast_in_dim3A_217 : vector<16xf32>
        %swap3A_235 = arith.constant 0 : i32
        %swap3A_236 = arith.index_cast %swap3A_235 : i32 to index
        %swap3A_237 = arith.index_cast %add3A_214 : i32 to index
        %swap3A_238 = arith.constant 16 : index
        %swap3A_239 = tpu.vector_load %arg15[%swap3A_236, %swap3A_237, %swap3A_238] {strides = array<i32>} : memref<2x128x64xf32, #tpu.memory_space<vmem>>, vector<16xf32>,
        tpu.vector_store %arg15[%swap3A_236, %swap3A_237, %swap3A_238], %mul3A_234 {strides = array<i32>} : memref<2x128x64xf32, #tpu.memory_space<vmem>>, vector<16xf32>,
        %get3A_240 = arith.constant 0 : i32
        %get3A_241 = arith.index_cast %get3A_240 : i32 to index
        %get3A_242 = arith.index_cast %add3A_214 : i32 to index
        %get3A_243 = arith.constant 32 : index
        %get3A_244 = tpu.vector_load %arg15[%get3A_241, %get3A_242, %get3A_243] {strides = array<i32>} : memref<2x128x64xf32, #tpu.memory_space<vmem>>, vector<16xf32>,
        %mul3A_245 = arith.mulf %get3A_244, %broadcast_in_dim3A_217 : vector<16xf32>
        %swap3A_246 = arith.constant 0 : i32
        %swap3A_247 = arith.index_cast %swap3A_246 : i32 to index
        %swap3A_248 = arith.index_cast %add3A_214 : i32 to index
        %swap3A_249 = arith.constant 32 : index
        %swap3A_250 = tpu.vector_load %arg15[%swap3A_247, %swap3A_248, %swap3A_249] {strides = array<i32>} : memref<2x128x64xf32, #tpu.memory_space<vmem>>, vector<16xf32>,
        tpu.vector_store %arg15[%swap3A_247, %swap3A_248, %swap3A_249], %mul3A_245 {strides = array<i32>} : memref<2x128x64xf32, #tpu.memory_space<vmem>>, vector<16xf32>,
        %get3A_251 = arith.constant 0 : i32
        %get3A_252 = arith.index_cast %get3A_251 : i32 to index
        %get3A_253 = arith.index_cast %add3A_214 : i32 to index
        %get3A_254 = arith.constant 48 : index
        %get3A_255 = tpu.vector_load %arg15[%get3A_252, %get3A_253, %get3A_254] {strides = array<i32>} : memref<2x128x64xf32, #tpu.memory_space<vmem>>, vector<16xf32>,
        %mul3A_256 = arith.mulf %get3A_255, %broadcast_in_dim3A_217 : vector<16xf32>
        %swap3A_257 = arith.constant 0 : i32
        %swap3A_258 = arith.index_cast %swap3A_257 : i32 to index
        %swap3A_259 = arith.index_cast %add3A_214 : i32 to index
        %swap3A_260 = arith.constant 48 : index
        %swap3A_261 = tpu.vector_load %arg15[%swap3A_258, %swap3A_259, %swap3A_260] {strides = array<i32>} : memref<2x128x64xf32, #tpu.memory_space<vmem>>, vector<16xf32>,
        tpu.vector_store %arg15[%swap3A_258, %swap3A_259, %swap3A_260], %mul3A_256 {strides = array<i32>} : memref<2x128x64xf32, #tpu.memory_space<vmem>>, vector<16xf32>,
        %mul3A_262 = arith.constant 16 : i32
        %mul3A_263 = arith.muli %scan3A_108, %mul3A_262 : i32
        %add3A_264 = arith.constant 3 : i32
        %add3A_265 = arith.addi %mul3A_263, %add3A_264 : i32
        %slice3A_266 = vector.extract_strided_slice %get3A_111 {offsets = [3], sizes = [1], strides = [1]} : vector<16xf32> to vector<1xf32>
        %squeeze3A_267 = vector.extract %slice3A_266[0] : f32 from vector<1xf32>
        %broadcast_in_dim3A_268 = vector.broadcast %squeeze3A_267 : f32 to vector<16xf32>
        %get3A_269 = arith.constant 0 : i32
        %get3A_270 = arith.index_cast %get3A_269 : i32 to index
        %get3A_271 = arith.index_cast %add3A_265 : i32 to index
        %get3A_272 = arith.constant 0 : index
        %get3A_273 = tpu.vector_load %arg15[%get3A_270, %get3A_271, %get3A_272] {strides = array<i32>} : memref<2x128x64xf32, #tpu.memory_space<vmem>>, vector<16xf32>,
        %mul3A_274 = arith.mulf %get3A_273, %broadcast_in_dim3A_268 : vector<16xf32>
        %swap3A_275 = arith.constant 0 : i32
        %swap3A_276 = arith.index_cast %swap3A_275 : i32 to index
        %swap3A_277 = arith.index_cast %add3A_265 : i32 to index
        %swap3A_278 = arith.constant 0 : index
        %swap3A_279 = tpu.vector_load %arg15[%swap3A_276, %swap3A_277, %swap3A_278] {strides = array<i32>} : memref<2x128x64xf32, #tpu.memory_space<vmem>>, vector<16xf32>,
        tpu.vector_store %arg15[%swap3A_276, %swap3A_277, %swap3A_278], %mul3A_274 {strides = array<i32>} : memref<2x128x64xf32, #tpu.memory_space<vmem>>, vector<16xf32>,
        %get3A_280 = arith.constant 0 : i32
        %get3A_281 = arith.index_cast %get3A_280 : i32 to index
        %get3A_282 = arith.index_cast %add3A_265 : i32 to index
        %get3A_283 = arith.constant 16 : index
        %get3A_284 = tpu.vector_load %arg15[%get3A_281, %get3A_282, %get3A_283] {strides = array<i32>} : memref<2x128x64xf32, #tpu.memory_space<vmem>>, vector<16xf32>,
        %mul3A_285 = arith.mulf %get3A_284, %broadcast_in_dim3A_268 : vector<16xf32>
        %swap3A_286 = arith.constant 0 : i32
        %swap3A_287 = arith.index_cast %swap3A_286 : i32 to index
        %swap3A_288 = arith.index_cast %add3A_265 : i32 to index
        %swap3A_289 = arith.constant 16 : index
        %swap3A_290 = tpu.vector_load %arg15[%swap3A_287, %swap3A_288, %swap3A_289] {strides = array<i32>} : memref<2x128x64xf32, #tpu.memory_space<vmem>>, vector<16xf32>,
        tpu.vector_store %arg15[%swap3A_287, %swap3A_288, %swap3A_289], %mul3A_285 {strides = array<i32>} : memref<2x128x64xf32, #tpu.memory_space<vmem>>, vector<16xf32>,
        %get3A_291 = arith.constant 0 : i32
        %get3A_292 = arith.index_cast %get3A_291 : i32 to index
        %get3A_293 = arith.index_cast %add3A_265 : i32 to index
        %get3A_294 = arith.constant 32 : index
        %get3A_295 = tpu.vector_load %arg15[%get3A_292, %get3A_293, %get3A_294] {strides = array<i32>} : memref<2x128x64xf32, #tpu.memory_space<vmem>>, vector<16xf32>,
        %mul3A_296 = arith.mulf %get3A_295, %broadcast_in_dim3A_268 : vector<16xf32>
        %swap3A_297 = arith.constant 0 : i32
        %swap3A_298 = arith.index_cast %swap3A_297 : i32 to index
        %swap3A_299 = arith.index_cast %add3A_265 : i32 to index
        %swap3A_300 = arith.constant 32 : index
        %swap3A_301 = tpu.vector_load %arg15[%swap3A_298, %swap3A_299, %swap3A_300] {strides = array<i32>} : memref<2x128x64xf32, #tpu.memory_space<vmem>>, vector<16xf32>,
        tpu.vector_store %arg15[%swap3A_298, %swap3A_299, %swap3A_300], %mul3A_296 {strides = array<i32>} : memref<2x128x64xf32, #tpu.memory_space<vmem>>, vector<16xf32>,
        %get3A_302 = arith.constant 0 : i32
        %get3A_303 = arith.index_cast %get3A_302 : i32 to index
        %get3A_304 = arith.index_cast %add3A_265 : i32 to index
        %get3A_305 = arith.constant 48 : index
        %get3A_306 = tpu.vector_load %arg15[%get3A_303, %get3A_304, %get3A_305] {strides = array<i32>} : memref<2x128x64xf32, #tpu.memory_space<vmem>>, vector<16xf32>,
        %mul3A_307 = arith.mulf %get3A_306, %broadcast_in_dim3A_268 : vector<16xf32>
        %swap3A_308 = arith.constant 0 : i32
        %swap3A_309 = arith.index_cast %swap3A_308 : i32 to index
        %swap3A_310 = arith.index_cast %add3A_265 : i32 to index
        %swap3A_311 = arith.constant 48 : index
        %swap3A_312 = tpu.vector_load %arg15[%swap3A_309, %swap3A_310, %swap3A_311] {strides = array<i32>} : memref<2x128x64xf32, #tpu.memory_space<vmem>>, vector<16xf32>,
        tpu.vector_store %arg15[%swap3A_309, %swap3A_310, %swap3A_311], %mul3A_307 {strides = array<i32>} : memref<2x128x64xf32, #tpu.memory_space<vmem>>, vector<16xf32>,
        %mul3A_313 = arith.constant 16 : i32
        %mul3A_314 = arith.muli %scan3A_108, %mul3A_313 : i32
        %add3A_315 = arith.constant 4 : i32
        %add3A_316 = arith.addi %mul3A_314, %add3A_315 : i32
        %slice3A_317 = vector.extract_strided_slice %get3A_111 {offsets = [4], sizes = [1], strides = [1]} : vector<16xf32> to vector<1xf32>
        %squeeze3A_318 = vector.extract %slice3A_317[0] : f32 from vector<1xf32>
        %broadcast_in_dim3A_319 = vector.broadcast %squeeze3A_318 : f32 to vector<16xf32>
        %get3A_320 = arith.constant 0 : i32
        %get3A_321 = arith.index_cast %get3A_320 : i32 to index
        %get3A_322 = arith.index_cast %add3A_316 : i32 to index
        %get3A_323 = arith.constant 0 : index
        %get3A_324 = tpu.vector_load %arg15[%get3A_321, %get3A_322, %get3A_323] {strides = array<i32>} : memref<2x128x64xf32, #tpu.memory_space<vmem>>, vector<16xf32>,
        %mul3A_325 = arith.mulf %get3A_324, %broadcast_in_dim3A_319 : vector<16xf32>
        %swap3A_326 = arith.constant 0 : i32
        %swap3A_327 = arith.index_cast %swap3A_326 : i32 to index
        %swap3A_328 = arith.index_cast %add3A_316 : i32 to index
        %swap3A_329 = arith.constant 0 : index
        %swap3A_330 = tpu.vector_load %arg15[%swap3A_327, %swap3A_328, %swap3A_329] {strides = array<i32>} : memref<2x128x64xf32, #tpu.memory_space<vmem>>, vector<16xf32>,
        tpu.vector_store %arg15[%swap3A_327, %swap3A_328, %swap3A_329], %mul3A_325 {strides = array<i32>} : memref<2x128x64xf32, #tpu.memory_space<vmem>>, vector<16xf32>,
        %get3A_331 = arith.constant 0 : i32
        %get3A_332 = arith.index_cast %get3A_331 : i32 to index
        %get3A_333 = arith.index_cast %add3A_316 : i32 to index
        %get3A_334 = arith.constant 16 : index
        %get3A_335 = tpu.vector_load %arg15[%get3A_332, %get3A_333, %get3A_334] {strides = array<i32>} : memref<2x128x64xf32, #tpu.memory_space<vmem>>, vector<16xf32>,
        %mul3A_336 = arith.mulf %get3A_335, %broadcast_in_dim3A_319 : vector<16xf32>
        %swap3A_337 = arith.constant 0 : i32
        %swap3A_338 = arith.index_cast %swap3A_337 : i32 to index
        %swap3A_339 = arith.index_cast %add3A_316 : i32 to index
        %swap3A_340 = arith.constant 16 : index
        %swap3A_341 = tpu.vector_load %arg15[%swap3A_338, %swap3A_339, %swap3A_340] {strides = array<i32>} : memref<2x128x64xf32, #tpu.memory_space<vmem>>, vector<16xf32>,
        tpu.vector_store %arg15[%swap3A_338, %swap3A_339, %swap3A_340], %mul3A_336 {strides = array<i32>} : memref<2x128x64xf32, #tpu.memory_space<vmem>>, vector<16xf32>,
        %get3A_342 = arith.constant 0 : i32
        %get3A_343 = arith.index_cast %get3A_342 : i32 to index
        %get3A_344 = arith.index_cast %add3A_316 : i32 to index
        %get3A_345 = arith.constant 32 : index
        %get3A_346 = tpu.vector_load %arg15[%get3A_343, %get3A_344, %get3A_345] {strides = array<i32>} : memref<2x128x64xf32, #tpu.memory_space<vmem>>, vector<16xf32>,
        %mul3A_347 = arith.mulf %get3A_346, %broadcast_in_dim3A_319 : vector<16xf32>
        %swap3A_348 = arith.constant 0 : i32
        %swap3A_349 = arith.index_cast %swap3A_348 : i32 to index
        %swap3A_350 = arith.index_cast %add3A_316 : i32 to index
        %swap3A_351 = arith.constant 32 : index
        %swap3A_352 = tpu.vector_load %arg15[%swap3A_349, %swap3A_350, %swap3A_351] {strides = array<i32>} : memref<2x128x64xf32, #tpu.memory_space<vmem>>, vector<16xf32>,
        tpu.vector_store %arg15[%swap3A_349, %swap3A_350, %swap3A_351], %mul3A_347 {strides = array<i32>} : memref<2x128x64xf32, #tpu.memory_space<vmem>>, vector<16xf32>,
        %get3A_353 = arith.constant 0 : i32
        %get3A_354 = arith.index_cast %get3A_353 : i32 to index
        %get3A_355 = arith.index_cast %add3A_316 : i32 to index
        %get3A_356 = arith.constant 48 : index
        %get3A_357 = tpu.vector_load %arg15[%get3A_354, %get3A_355, %get3A_356] {strides = array<i32>} : memref<2x128x64xf32, #tpu.memory_space<vmem>>, vector<16xf32>,
        %mul3A_358 = arith.mulf %get3A_357, %broadcast_in_dim3A_319 : vector<16xf32>
        %swap3A_359 = arith.constant 0 : i32
        %swap3A_360 = arith.index_cast %swap3A_359 : i32 to index
        %swap3A_361 = arith.index_cast %add3A_316 : i32 to index
        %swap3A_362 = arith.constant 48 : index
        %swap3A_363 = tpu.vector_load %arg15[%swap3A_360, %swap3A_361, %swap3A_362] {strides = array<i32>} : memref<2x128x64xf32, #tpu.memory_space<vmem>>, vector<16xf32>,
        tpu.vector_store %arg15[%swap3A_360, %swap3A_361, %swap3A_362], %mul3A_358 {strides = array<i32>} : memref<2x128x64xf32, #tpu.memory_space<vmem>>, vector<16xf32>,
        %mul3A_364 = arith.constant 16 : i32
        %mul3A_365 = arith.muli %scan3A_108, %mul3A_364 : i32
        %add3A_366 = arith.constant 5 : i32
        %add3A_367 = arith.addi %mul3A_365, %add3A_366 : i32
        %slice3A_368 = vector.extract_strided_slice %get3A_111 {offsets = [5], sizes = [1], strides = [1]} : vector<16xf32> to vector<1xf32>
        %squeeze3A_369 = vector.extract %slice3A_368[0] : f32 from vector<1xf32>
        %broadcast_in_dim3A_370 = vector.broadcast %squeeze3A_369 : f32 to vector<16xf32>
        %get3A_371 = arith.constant 0 : i32
        %get3A_372 = arith.index_cast %get3A_371 : i32 to index
        %get3A_373 = arith.index_cast %add3A_367 : i32 to index
        %get3A_374 = arith.constant 0 : index
        %get3A_375 = tpu.vector_load %arg15[%get3A_372, %get3A_373, %get3A_374] {strides = array<i32>} : memref<2x128x64xf32, #tpu.memory_space<vmem>>, vector<16xf32>,
        %mul3A_376 = arith.mulf %get3A_375, %broadcast_in_dim3A_370 : vector<16xf32>
        %swap3A_377 = arith.constant 0 : i32
        %swap3A_378 = arith.index_cast %swap3A_377 : i32 to index
        %swap3A_379 = arith.index_cast %add3A_367 : i32 to index
        %swap3A_380 = arith.constant 0 : index
        %swap3A_381 = tpu.vector_load %arg15[%swap3A_378, %swap3A_379, %swap3A_380] {strides = array<i32>} : memref<2x128x64xf32, #tpu.memory_space<vmem>>, vector<16xf32>,
        tpu.vector_store %arg15[%swap3A_378, %swap3A_379, %swap3A_380], %mul3A_376 {strides = array<i32>} : memref<2x128x64xf32, #tpu.memory_space<vmem>>, vector<16xf32>,
        %get3A_382 = arith.constant 0 : i32
        %get3A_383 = arith.index_cast %get3A_382 : i32 to index
        %get3A_384 = arith.index_cast %add3A_367 : i32 to index
        %get3A_385 = arith.constant 16 : index
        %get3A_386 = tpu.vector_load %arg15[%get3A_383, %get3A_384, %get3A_385] {strides = array<i32>} : memref<2x128x64xf32, #tpu.memory_space<vmem>>, vector<16xf32>,
        %mul3A_387 = arith.mulf %get3A_386, %broadcast_in_dim3A_370 : vector<16xf32>
        %swap3A_388 = arith.constant 0 : i32
        %swap3A_389 = arith.index_cast %swap3A_388 : i32 to index
        %swap3A_390 = arith.index_cast %add3A_367 : i32 to index
        %swap3A_391 = arith.constant 16 : index
        %swap3A_392 = tpu.vector_load %arg15[%swap3A_389, %swap3A_390, %swap3A_391] {strides = array<i32>} : memref<2x128x64xf32, #tpu.memory_space<vmem>>, vector<16xf32>,
        tpu.vector_store %arg15[%swap3A_389, %swap3A_390, %swap3A_391], %mul3A_387 {strides = array<i32>} : memref<2x128x64xf32, #tpu.memory_space<vmem>>, vector<16xf32>,
        %get3A_393 = arith.constant 0 : i32
        %get3A_394 = arith.index_cast %get3A_393 : i32 to index
        %get3A_395 = arith.index_cast %add3A_367 : i32 to index
        %get3A_396 = arith.constant 32 : index
        %get3A_397 = tpu.vector_load %arg15[%get3A_394, %get3A_395, %get3A_396] {strides = array<i32>} : memref<2x128x64xf32, #tpu.memory_space<vmem>>, vector<16xf32>,
        %mul3A_398 = arith.mulf %get3A_397, %broadcast_in_dim3A_370 : vector<16xf32>
        %swap3A_399 = arith.constant 0 : i32
        %swap3A_400 = arith.index_cast %swap3A_399 : i32 to index
        %swap3A_401 = arith.index_cast %add3A_367 : i32 to index
        %swap3A_402 = arith.constant 32 : index
        %swap3A_403 = tpu.vector_load %arg15[%swap3A_400, %swap3A_401, %swap3A_402] {strides = array<i32>} : memref<2x128x64xf32, #tpu.memory_space<vmem>>, vector<16xf32>,
        tpu.vector_store %arg15[%swap3A_400, %swap3A_401, %swap3A_402], %mul3A_398 {strides = array<i32>} : memref<2x128x64xf32, #tpu.memory_space<vmem>>, vector<16xf32>,
        %get3A_404 = arith.constant 0 : i32
        %get3A_405 = arith.index_cast %get3A_404 : i32 to index
        %get3A_406 = arith.index_cast %add3A_367 : i32 to index
        %get3A_407 = arith.constant 48 : index
        %get3A_408 = tpu.vector_load %arg15[%get3A_405, %get3A_406, %get3A_407] {strides = array<i32>} : memref<2x128x64xf32, #tpu.memory_space<vmem>>, vector<16xf32>,
        %mul3A_409 = arith.mulf %get3A_408, %broadcast_in_dim3A_370 : vector<16xf32>
        %swap3A_410 = arith.constant 0 : i32
        %swap3A_411 = arith.index_cast %swap3A_410 : i32 to index
        %swap3A_412 = arith.index_cast %add3A_367 : i32 to index
        %swap3A_413 = arith.constant 48 : index
        %swap3A_414 = tpu.vector_load %arg15[%swap3A_411, %swap3A_412, %swap3A_413] {strides = array<i32>} : memref<2x128x64xf32, #tpu.memory_space<vmem>>, vector<16xf32>,
        tpu.vector_store %arg15[%swap3A_411, %swap3A_412, %swap3A_413], %mul3A_409 {strides = array<i32>} : memref<2x128x64xf32, #tpu.memory_space<vmem>>, vector<16xf32>,
        %mul3A_415 = arith.constant 16 : i32
        %mul3A_416 = arith.muli %scan3A_108, %mul3A_415 : i32
        %add3A_417 = arith.constant 6 : i32
        %add3A_418 = arith.addi %mul3A_416, %add3A_417 : i32
        %slice3A_419 = vector.extract_strided_slice %get3A_111 {offsets = [6], sizes = [1], strides = [1]} : vector<16xf32> to vector<1xf32>
        %squeeze3A_420 = vector.extract %slice3A_419[0] : f32 from vector<1xf32>
        %broadcast_in_dim3A_421 = vector.broadcast %squeeze3A_420 : f32 to vector<16xf32>
        %get3A_422 = arith.constant 0 : i32
        %get3A_423 = arith.index_cast %get3A_422 : i32 to index
        %get3A_424 = arith.index_cast %add3A_418 : i32 to index
        %get3A_425 = arith.constant 0 : index
        %get3A_426 = tpu.vector_load %arg15[%get3A_423, %get3A_424, %get3A_425] {strides = array<i32>} : memref<2x128x64xf32, #tpu.memory_space<vmem>>, vector<16xf32>,
        %mul3A_427 = arith.mulf %get3A_426, %broadcast_in_dim3A_421 : vector<16xf32>
        %swap3A_428 = arith.constant 0 : i32
        %swap3A_429 = arith.index_cast %swap3A_428 : i32 to index
        %swap3A_430 = arith.index_cast %add3A_418 : i32 to index
        %swap3A_431 = arith.constant 0 : index
        %swap3A_432 = tpu.vector_load %arg15[%swap3A_429, %swap3A_430, %swap3A_431] {strides = array<i32>} : memref<2x128x64xf32, #tpu.memory_space<vmem>>, vector<16xf32>,
        tpu.vector_store %arg15[%swap3A_429, %swap3A_430, %swap3A_431], %mul3A_427 {strides = array<i32>} : memref<2x128x64xf32, #tpu.memory_space<vmem>>, vector<16xf32>,
        %get3A_433 = arith.constant 0 : i32
        %get3A_434 = arith.index_cast %get3A_433 : i32 to index
        %get3A_435 = arith.index_cast %add3A_418 : i32 to index
        %get3A_436 = arith.constant 16 : index
        %get3A_437 = tpu.vector_load %arg15[%get3A_434, %get3A_435, %get3A_436] {strides = array<i32>} : memref<2x128x64xf32, #tpu.memory_space<vmem>>, vector<16xf32>,
        %mul3A_438 = arith.mulf %get3A_437, %broadcast_in_dim3A_421 : vector<16xf32>
        %swap3A_439 = arith.constant 0 : i32
        %swap3A_440 = arith.index_cast %swap3A_439 : i32 to index
        %swap3A_441 = arith.index_cast %add3A_418 : i32 to index
        %swap3A_442 = arith.constant 16 : index
        %swap3A_443 = tpu.vector_load %arg15[%swap3A_440, %swap3A_441, %swap3A_442] {strides = array<i32>} : memref<2x128x64xf32, #tpu.memory_space<vmem>>, vector<16xf32>,
        tpu.vector_store %arg15[%swap3A_440, %swap3A_441, %swap3A_442], %mul3A_438 {strides = array<i32>} : memref<2x128x64xf32, #tpu.memory_space<vmem>>, vector<16xf32>,
        %get3A_444 = arith.constant 0 : i32
        %get3A_445 = arith.index_cast %get3A_444 : i32 to index
        %get3A_446 = arith.index_cast %add3A_418 : i32 to index
        %get3A_447 = arith.constant 32 : index
        %get3A_448 = tpu.vector_load %arg15[%get3A_445, %get3A_446, %get3A_447] {strides = array<i32>} : memref<2x128x64xf32, #tpu.memory_space<vmem>>, vector<16xf32>,
        %mul3A_449 = arith.mulf %get3A_448, %broadcast_in_dim3A_421 : vector<16xf32>
        %swap3A_450 = arith.constant 0 : i32
        %swap3A_451 = arith.index_cast %swap3A_450 : i32 to index
        %swap3A_452 = arith.index_cast %add3A_418 : i32 to index
        %swap3A_453 = arith.constant 32 : index
        %swap3A_454 = tpu.vector_load %arg15[%swap3A_451, %swap3A_452, %swap3A_453] {strides = array<i32>} : memref<2x128x64xf32, #tpu.memory_space<vmem>>, vector<16xf32>,
        tpu.vector_store %arg15[%swap3A_451, %swap3A_452, %swap3A_453], %mul3A_449 {strides = array<i32>} : memref<2x128x64xf32, #tpu.memory_space<vmem>>, vector<16xf32>,
        %get3A_455 = arith.constant 0 : i32
        %get3A_456 = arith.index_cast %get3A_455 : i32 to index
        %get3A_457 = arith.index_cast %add3A_418 : i32 to index
        %get3A_458 = arith.constant 48 : index
        %get3A_459 = tpu.vector_load %arg15[%get3A_456, %get3A_457, %get3A_458] {strides = array<i32>} : memref<2x128x64xf32, #tpu.memory_space<vmem>>, vector<16xf32>,
        %mul3A_460 = arith.mulf %get3A_459, %broadcast_in_dim3A_421 : vector<16xf32>
        %swap3A_461 = arith.constant 0 : i32
        %swap3A_462 = arith.index_cast %swap3A_461 : i32 to index
        %swap3A_463 = arith.index_cast %add3A_418 : i32 to index
        %swap3A_464 = arith.constant 48 : index
        %swap3A_465 = tpu.vector_load %arg15[%swap3A_462, %swap3A_463, %swap3A_464] {strides = array<i32>} : memref<2x128x64xf32, #tpu.memory_space<vmem>>, vector<16xf32>,
        tpu.vector_store %arg15[%swap3A_462, %swap3A_463, %swap3A_464], %mul3A_460 {strides = array<i32>} : memref<2x128x64xf32, #tpu.memory_space<vmem>>, vector<16xf32>,
        %mul3A_466 = arith.constant 16 : i32
        %mul3A_467 = arith.muli %scan3A_108, %mul3A_466 : i32
        %add3A_468 = arith.constant 7 : i32
        %add3A_469 = arith.addi %mul3A_467, %add3A_468 : i32
        %slice3A_470 = vector.extract_strided_slice %get3A_111 {offsets = [7], sizes = [1], strides = [1]} : vector<16xf32> to vector<1xf32>
        %squeeze3A_471 = vector.extract %slice3A_470[0] : f32 from vector<1xf32>
        %broadcast_in_dim3A_472 = vector.broadcast %squeeze3A_471 : f32 to vector<16xf32>
        %get3A_473 = arith.constant 0 : i32
        %get3A_474 = arith.index_cast %get3A_473 : i32 to index
        %get3A_475 = arith.index_cast %add3A_469 : i32 to index
        %get3A_476 = arith.constant 0 : index
        %get3A_477 = tpu.vector_load %arg15[%get3A_474, %get3A_475, %get3A_476] {strides = array<i32>} : memref<2x128x64xf32, #tpu.memory_space<vmem>>, vector<16xf32>,
        %mul3A_478 = arith.mulf %get3A_477, %broadcast_in_dim3A_472 : vector<16xf32>
        %swap3A_479 = arith.constant 0 : i32
        %swap3A_480 = arith.index_cast %swap3A_479 : i32 to index
        %swap3A_481 = arith.index_cast %add3A_469 : i32 to index
        %swap3A_482 = arith.constant 0 : index
        %swap3A_483 = tpu.vector_load %arg15[%swap3A_480, %swap3A_481, %swap3A_482] {strides = array<i32>} : memref<2x128x64xf32, #tpu.memory_space<vmem>>, vector<16xf32>,
        tpu.vector_store %arg15[%swap3A_480, %swap3A_481, %swap3A_482], %mul3A_478 {strides = array<i32>} : memref<2x128x64xf32, #tpu.memory_space<vmem>>, vector<16xf32>,
        %get3A_484 = arith.constant 0 : i32
        %get3A_485 = arith.index_cast %get3A_484 : i32 to index
        %get3A_486 = arith.index_cast %add3A_469 : i32 to index
        %get3A_487 = arith.constant 16 : index
        %get3A_488 = tpu.vector_load %arg15[%get3A_485, %get3A_486, %get3A_487] {strides = array<i32>} : memref<2x128x64xf32, #tpu.memory_space<vmem>>, vector<16xf32>,
        %mul3A_489 = arith.mulf %get3A_488, %broadcast_in_dim3A_472 : vector<16xf32>
        %swap3A_490 = arith.constant 0 : i32
        %swap3A_491 = arith.index_cast %swap3A_490 : i32 to index
        %swap3A_492 = arith.index_cast %add3A_469 : i32 to index
        %swap3A_493 = arith.constant 16 : index
        %swap3A_494 = tpu.vector_load %arg15[%swap3A_491, %swap3A_492, %swap3A_493] {strides = array<i32>} : memref<2x128x64xf32, #tpu.memory_space<vmem>>, vector<16xf32>,
        tpu.vector_store %arg15[%swap3A_491, %swap3A_492, %swap3A_493], %mul3A_489 {strides = array<i32>} : memref<2x128x64xf32, #tpu.memory_space<vmem>>, vector<16xf32>,
        %get3A_495 = arith.constant 0 : i32
        %get3A_496 = arith.index_cast %get3A_495 : i32 to index
        %get3A_497 = arith.index_cast %add3A_469 : i32 to index
        %get3A_498 = arith.constant 32 : index
        %get3A_499 = tpu.vector_load %arg15[%get3A_496, %get3A_497, %get3A_498] {strides = array<i32>} : memref<2x128x64xf32, #tpu.memory_space<vmem>>, vector<16xf32>,
        %mul3A_500 = arith.mulf %get3A_499, %broadcast_in_dim3A_472 : vector<16xf32>
        %swap3A_501 = arith.constant 0 : i32
        %swap3A_502 = arith.index_cast %swap3A_501 : i32 to index
        %swap3A_503 = arith.index_cast %add3A_469 : i32 to index
        %swap3A_504 = arith.constant 32 : index
        %swap3A_505 = tpu.vector_load %arg15[%swap3A_502, %swap3A_503, %swap3A_504] {strides = array<i32>} : memref<2x128x64xf32, #tpu.memory_space<vmem>>, vector<16xf32>,
        tpu.vector_store %arg15[%swap3A_502, %swap3A_503, %swap3A_504], %mul3A_500 {strides = array<i32>} : memref<2x128x64xf32, #tpu.memory_space<vmem>>, vector<16xf32>,
        %get3A_506 = arith.constant 0 : i32
        %get3A_507 = arith.index_cast %get3A_506 : i32 to index
        %get3A_508 = arith.index_cast %add3A_469 : i32 to index
        %get3A_509 = arith.constant 48 : index
        %get3A_510 = tpu.vector_load %arg15[%get3A_507, %get3A_508, %get3A_509] {strides = array<i32>} : memref<2x128x64xf32, #tpu.memory_space<vmem>>, vector<16xf32>,
        %mul3A_511 = arith.mulf %get3A_510, %broadcast_in_dim3A_472 : vector<16xf32>
        %swap3A_512 = arith.constant 0 : i32
        %swap3A_513 = arith.index_cast %swap3A_512 : i32 to index
        %swap3A_514 = arith.index_cast %add3A_469 : i32 to index
        %swap3A_515 = arith.constant 48 : index
        %swap3A_516 = tpu.vector_load %arg15[%swap3A_513, %swap3A_514, %swap3A_515] {strides = array<i32>} : memref<2x128x64xf32, #tpu.memory_space<vmem>>, vector<16xf32>,
        tpu.vector_store %arg15[%swap3A_513, %swap3A_514, %swap3A_515], %mul3A_511 {strides = array<i32>} : memref<2x128x64xf32, #tpu.memory_space<vmem>>, vector<16xf32>,
        %mul3A_517 = arith.constant 16 : i32
        %mul3A_518 = arith.muli %scan3A_108, %mul3A_517 : i32
        %add3A_519 = arith.constant 8 : i32
        %add3A_520 = arith.addi %mul3A_518, %add3A_519 : i32
        %slice3A_521 = vector.extract_strided_slice %get3A_111 {offsets = [8], sizes = [1], strides = [1]} : vector<16xf32> to vector<1xf32>
        %squeeze3A_522 = vector.extract %slice3A_521[0] : f32 from vector<1xf32>
        %broadcast_in_dim3A_523 = vector.broadcast %squeeze3A_522 : f32 to vector<16xf32>
        %get3A_524 = arith.constant 0 : i32
        %get3A_525 = arith.index_cast %get3A_524 : i32 to index
        %get3A_526 = arith.index_cast %add3A_520 : i32 to index
        %get3A_527 = arith.constant 0 : index
        %get3A_528 = tpu.vector_load %arg15[%get3A_525, %get3A_526, %get3A_527] {strides = array<i32>} : memref<2x128x64xf32, #tpu.memory_space<vmem>>, vector<16xf32>,
        %mul3A_529 = arith.mulf %get3A_528, %broadcast_in_dim3A_523 : vector<16xf32>
        %swap3A_530 = arith.constant 0 : i32
        %swap3A_531 = arith.index_cast %swap3A_530 : i32 to index
        %swap3A_532 = arith.index_cast %add3A_520 : i32 to index
        %swap3A_533 = arith.constant 0 : index
        %swap3A_534 = tpu.vector_load %arg15[%swap3A_531, %swap3A_532, %swap3A_533] {strides = array<i32>} : memref<2x128x64xf32, #tpu.memory_space<vmem>>, vector<16xf32>,
        tpu.vector_store %arg15[%swap3A_531, %swap3A_532, %swap3A_533], %mul3A_529 {strides = array<i32>} : memref<2x128x64xf32, #tpu.memory_space<vmem>>, vector<16xf32>,
        %get3A_535 = arith.constant 0 : i32
        %get3A_536 = arith.index_cast %get3A_535 : i32 to index
        %get3A_537 = arith.index_cast %add3A_520 : i32 to index
        %get3A_538 = arith.constant 16 : index
        %get3A_539 = tpu.vector_load %arg15[%get3A_536, %get3A_537, %get3A_538] {strides = array<i32>} : memref<2x128x64xf32, #tpu.memory_space<vmem>>, vector<16xf32>,
        %mul3A_540 = arith.mulf %get3A_539, %broadcast_in_dim3A_523 : vector<16xf32>
        %swap3A_541 = arith.constant 0 : i32
        %swap3A_542 = arith.index_cast %swap3A_541 : i32 to index
        %swap3A_543 = arith.index_cast %add3A_520 : i32 to index
        %swap3A_544 = arith.constant 16 : index
        %swap3A_545 = tpu.vector_load %arg15[%swap3A_542, %swap3A_543, %swap3A_544] {strides = array<i32>} : memref<2x128x64xf32, #tpu.memory_space<vmem>>, vector<16xf32>,
        tpu.vector_store %arg15[%swap3A_542, %swap3A_543, %swap3A_544], %mul3A_540 {strides = array<i32>} : memref<2x128x64xf32, #tpu.memory_space<vmem>>, vector<16xf32>,
        %get3A_546 = arith.constant 0 : i32
        %get3A_547 = arith.index_cast %get3A_546 : i32 to index
        %get3A_548 = arith.index_cast %add3A_520 : i32 to index
        %get3A_549 = arith.constant 32 : index
        %get3A_550 = tpu.vector_load %arg15[%get3A_547, %get3A_548, %get3A_549] {strides = array<i32>} : memref<2x128x64xf32, #tpu.memory_space<vmem>>, vector<16xf32>,
        %mul3A_551 = arith.mulf %get3A_550, %broadcast_in_dim3A_523 : vector<16xf32>
        %swap3A_552 = arith.constant 0 : i32
        %swap3A_553 = arith.index_cast %swap3A_552 : i32 to index
        %swap3A_554 = arith.index_cast %add3A_520 : i32 to index
        %swap3A_555 = arith.constant 32 : index
        %swap3A_556 = tpu.vector_load %arg15[%swap3A_553, %swap3A_554, %swap3A_555] {strides = array<i32>} : memref<2x128x64xf32, #tpu.memory_space<vmem>>, vector<16xf32>,
        tpu.vector_store %arg15[%swap3A_553, %swap3A_554, %swap3A_555], %mul3A_551 {strides = array<i32>} : memref<2x128x64xf32, #tpu.memory_space<vmem>>, vector<16xf32>,
        %get3A_557 = arith.constant 0 : i32
        %get3A_558 = arith.index_cast %get3A_557 : i32 to index
        %get3A_559 = arith.index_cast %add3A_520 : i32 to index
        %get3A_560 = arith.constant 48 : index
        %get3A_561 = tpu.vector_load %arg15[%get3A_558, %get3A_559, %get3A_560] {strides = array<i32>} : memref<2x128x64xf32, #tpu.memory_space<vmem>>, vector<16xf32>,
        %mul3A_562 = arith.mulf %get3A_561, %broadcast_in_dim3A_523 : vector<16xf32>
        %swap3A_563 = arith.constant 0 : i32
        %swap3A_564 = arith.index_cast %swap3A_563 : i32 to index
        %swap3A_565 = arith.index_cast %add3A_520 : i32 to index
        %swap3A_566 = arith.constant 48 : index
        %swap3A_567 = tpu.vector_load %arg15[%swap3A_564, %swap3A_565, %swap3A_566] {strides = array<i32>} : memref<2x128x64xf32, #tpu.memory_space<vmem>>, vector<16xf32>,
        tpu.vector_store %arg15[%swap3A_564, %swap3A_565, %swap3A_566], %mul3A_562 {strides = array<i32>} : memref<2x128x64xf32, #tpu.memory_space<vmem>>, vector<16xf32>,
        %mul3A_568 = arith.constant 16 : i32
        %mul3A_569 = arith.muli %scan3A_108, %mul3A_568 : i32
        %add3A_570 = arith.constant 9 : i32
        %add3A_571 = arith.addi %mul3A_569, %add3A_570 : i32
        %slice3A_572 = vector.extract_strided_slice %get3A_111 {offsets = [9], sizes = [1], strides = [1]} : vector<16xf32> to vector<1xf32>
        %squeeze3A_573 = vector.extract %slice3A_572[0] : f32 from vector<1xf32>
        %broadcast_in_dim3A_574 = vector.broadcast %squeeze3A_573 : f32 to vector<16xf32>
        %get3A_575 = arith.constant 0 : i32
        %get3A_576 = arith.index_cast %get3A_575 : i32 to index
        %get3A_577 = arith.index_cast %add3A_571 : i32 to index
        %get3A_578 = arith.constant 0 : index
        %get3A_579 = tpu.vector_load %arg15[%get3A_576, %get3A_577, %get3A_578] {strides = array<i32>} : memref<2x128x64xf32, #tpu.memory_space<vmem>>, vector<16xf32>,
        %mul3A_580 = arith.mulf %get3A_579, %broadcast_in_dim3A_574 : vector<16xf32>
        %swap3A_581 = arith.constant 0 : i32
        %swap3A_582 = arith.index_cast %swap3A_581 : i32 to index
        %swap3A_583 = arith.index_cast %add3A_571 : i32 to index
        %swap3A_584 = arith.constant 0 : index
        %swap3A_585 = tpu.vector_load %arg15[%swap3A_582, %swap3A_583, %swap3A_584] {strides = array<i32>} : memref<2x128x64xf32, #tpu.memory_space<vmem>>, vector<16xf32>,
        tpu.vector_store %arg15[%swap3A_582, %swap3A_583, %swap3A_584], %mul3A_580 {strides = array<i32>} : memref<2x128x64xf32, #tpu.memory_space<vmem>>, vector<16xf32>,
        %get3A_586 = arith.constant 0 : i32
        %get3A_587 = arith.index_cast %get3A_586 : i32 to index
        %get3A_588 = arith.index_cast %add3A_571 : i32 to index
        %get3A_589 = arith.constant 16 : index
        %get3A_590 = tpu.vector_load %arg15[%get3A_587, %get3A_588, %get3A_589] {strides = array<i32>} : memref<2x128x64xf32, #tpu.memory_space<vmem>>, vector<16xf32>,
        %mul3A_591 = arith.mulf %get3A_590, %broadcast_in_dim3A_574 : vector<16xf32>
        %swap3A_592 = arith.constant 0 : i32
        %swap3A_593 = arith.index_cast %swap3A_592 : i32 to index
        %swap3A_594 = arith.index_cast %add3A_571 : i32 to index
        %swap3A_595 = arith.constant 16 : index
        %swap3A_596 = tpu.vector_load %arg15[%swap3A_593, %swap3A_594, %swap3A_595] {strides = array<i32>} : memref<2x128x64xf32, #tpu.memory_space<vmem>>, vector<16xf32>,
        tpu.vector_store %arg15[%swap3A_593, %swap3A_594, %swap3A_595], %mul3A_591 {strides = array<i32>} : memref<2x128x64xf32, #tpu.memory_space<vmem>>, vector<16xf32>,
        %get3A_597 = arith.constant 0 : i32
        %get3A_598 = arith.index_cast %get3A_597 : i32 to index
        %get3A_599 = arith.index_cast %add3A_571 : i32 to index
        %get3A_600 = arith.constant 32 : index
        %get3A_601 = tpu.vector_load %arg15[%get3A_598, %get3A_599, %get3A_600] {strides = array<i32>} : memref<2x128x64xf32, #tpu.memory_space<vmem>>, vector<16xf32>,
        %mul3A_602 = arith.mulf %get3A_601, %broadcast_in_dim3A_574 : vector<16xf32>
        %swap3A_603 = arith.constant 0 : i32
        %swap3A_604 = arith.index_cast %swap3A_603 : i32 to index
        %swap3A_605 = arith.index_cast %add3A_571 : i32 to index
        %swap3A_606 = arith.constant 32 : index
        %swap3A_607 = tpu.vector_load %arg15[%swap3A_604, %swap3A_605, %swap3A_606] {strides = array<i32>} : memref<2x128x64xf32, #tpu.memory_space<vmem>>, vector<16xf32>,
        tpu.vector_store %arg15[%swap3A_604, %swap3A_605, %swap3A_606], %mul3A_602 {strides = array<i32>} : memref<2x128x64xf32, #tpu.memory_space<vmem>>, vector<16xf32>,
        %get3A_608 = arith.constant 0 : i32
        %get3A_609 = arith.index_cast %get3A_608 : i32 to index
        %get3A_610 = arith.index_cast %add3A_571 : i32 to index
        %get3A_611 = arith.constant 48 : index
        %get3A_612 = tpu.vector_load %arg15[%get3A_609, %get3A_610, %get3A_611] {strides = array<i32>} : memref<2x128x64xf32, #tpu.memory_space<vmem>>, vector<16xf32>,
        %mul3A_613 = arith.mulf %get3A_612, %broadcast_in_dim3A_574 : vector<16xf32>
        %swap3A_614 = arith.constant 0 : i32
        %swap3A_615 = arith.index_cast %swap3A_614 : i32 to index
        %swap3A_616 = arith.index_cast %add3A_571 : i32 to index
        %swap3A_617 = arith.constant 48 : index
        %swap3A_618 = tpu.vector_load %arg15[%swap3A_615, %swap3A_616, %swap3A_617] {strides = array<i32>} : memref<2x128x64xf32, #tpu.memory_space<vmem>>, vector<16xf32>,
        tpu.vector_store %arg15[%swap3A_615, %swap3A_616, %swap3A_617], %mul3A_613 {strides = array<i32>} : memref<2x128x64xf32, #tpu.memory_space<vmem>>, vector<16xf32>,
        %mul3A_619 = arith.constant 16 : i32
        %mul3A_620 = arith.muli %scan3A_108, %mul3A_619 : i32
        %add3A_621 = arith.constant 10 : i32
        %add3A_622 = arith.addi %mul3A_620, %add3A_621 : i32
        %slice3A_623 = vector.extract_strided_slice %get3A_111 {offsets = [10], sizes = [1], strides = [1]} : vector<16xf32> to vector<1xf32>
        %squeeze3A_624 = vector.extract %slice3A_623[0] : f32 from vector<1xf32>
        %broadcast_in_dim3A_625 = vector.broadcast %squeeze3A_624 : f32 to vector<16xf32>
        %get3A_626 = arith.constant 0 : i32
        %get3A_627 = arith.index_cast %get3A_626 : i32 to index
        %get3A_628 = arith.index_cast %add3A_622 : i32 to index
        %get3A_629 = arith.constant 0 : index
        %get3A_630 = tpu.vector_load %arg15[%get3A_627, %get3A_628, %get3A_629] {strides = array<i32>} : memref<2x128x64xf32, #tpu.memory_space<vmem>>, vector<16xf32>,
        %mul3A_631 = arith.mulf %get3A_630, %broadcast_in_dim3A_625 : vector<16xf32>
        %swap3A_632 = arith.constant 0 : i32
        %swap3A_633 = arith.index_cast %swap3A_632 : i32 to index
        %swap3A_634 = arith.index_cast %add3A_622 : i32 to index
        %swap3A_635 = arith.constant 0 : index
        %swap3A_636 = tpu.vector_load %arg15[%swap3A_633, %swap3A_634, %swap3A_635] {strides = array<i32>} : memref<2x128x64xf32, #tpu.memory_space<vmem>>, vector<16xf32>,
        tpu.vector_store %arg15[%swap3A_633, %swap3A_634, %swap3A_635], %mul3A_631 {strides = array<i32>} : memref<2x128x64xf32, #tpu.memory_space<vmem>>, vector<16xf32>,
        %get3A_637 = arith.constant 0 : i32
        %get3A_638 = arith.index_cast %get3A_637 : i32 to index
        %get3A_639 = arith.index_cast %add3A_622 : i32 to index
        %get3A_640 = arith.constant 16 : index
        %get3A_641 = tpu.vector_load %arg15[%get3A_638, %get3A_639, %get3A_640] {strides = array<i32>} : memref<2x128x64xf32, #tpu.memory_space<vmem>>, vector<16xf32>,
        %mul3A_642 = arith.mulf %get3A_641, %broadcast_in_dim3A_625 : vector<16xf32>
        %swap3A_643 = arith.constant 0 : i32
        %swap3A_644 = arith.index_cast %swap3A_643 : i32 to index
        %swap3A_645 = arith.index_cast %add3A_622 : i32 to index
        %swap3A_646 = arith.constant 16 : index
        %swap3A_647 = tpu.vector_load %arg15[%swap3A_644, %swap3A_645, %swap3A_646] {strides = array<i32>} : memref<2x128x64xf32, #tpu.memory_space<vmem>>, vector<16xf32>,
        tpu.vector_store %arg15[%swap3A_644, %swap3A_645, %swap3A_646], %mul3A_642 {strides = array<i32>} : memref<2x128x64xf32, #tpu.memory_space<vmem>>, vector<16xf32>,
        %get3A_648 = arith.constant 0 : i32
        %get3A_649 = arith.index_cast %get3A_648 : i32 to index
        %get3A_650 = arith.index_cast %add3A_622 : i32 to index
        %get3A_651 = arith.constant 32 : index
        %get3A_652 = tpu.vector_load %arg15[%get3A_649, %get3A_650, %get3A_651] {strides = array<i32>} : memref<2x128x64xf32, #tpu.memory_space<vmem>>, vector<16xf32>,
        %mul3A_653 = arith.mulf %get3A_652, %broadcast_in_dim3A_625 : vector<16xf32>
        %swap3A_654 = arith.constant 0 : i32
        %swap3A_655 = arith.index_cast %swap3A_654 : i32 to index
        %swap3A_656 = arith.index_cast %add3A_622 : i32 to index
        %swap3A_657 = arith.constant 32 : index
        %swap3A_658 = tpu.vector_load %arg15[%swap3A_655, %swap3A_656, %swap3A_657] {strides = array<i32>} : memref<2x128x64xf32, #tpu.memory_space<vmem>>, vector<16xf32>,
        tpu.vector_store %arg15[%swap3A_655, %swap3A_656, %swap3A_657], %mul3A_653 {strides = array<i32>} : memref<2x128x64xf32, #tpu.memory_space<vmem>>, vector<16xf32>,
        %get3A_659 = arith.constant 0 : i32
        %get3A_660 = arith.index_cast %get3A_659 : i32 to index
        %get3A_661 = arith.index_cast %add3A_622 : i32 to index
        %get3A_662 = arith.constant 48 : index
        %get3A_663 = tpu.vector_load %arg15[%get3A_660, %get3A_661, %get3A_662] {strides = array<i32>} : memref<2x128x64xf32, #tpu.memory_space<vmem>>, vector<16xf32>,
        %mul3A_664 = arith.mulf %get3A_663, %broadcast_in_dim3A_625 : vector<16xf32>
        %swap3A_665 = arith.constant 0 : i32
        %swap3A_666 = arith.index_cast %swap3A_665 : i32 to index
        %swap3A_667 = arith.index_cast %add3A_622 : i32 to index
        %swap3A_668 = arith.constant 48 : index
        %swap3A_669 = tpu.vector_load %arg15[%swap3A_666, %swap3A_667, %swap3A_668] {strides = array<i32>} : memref<2x128x64xf32, #tpu.memory_space<vmem>>, vector<16xf32>,
        tpu.vector_store %arg15[%swap3A_666, %swap3A_667, %swap3A_668], %mul3A_664 {strides = array<i32>} : memref<2x128x64xf32, #tpu.memory_space<vmem>>, vector<16xf32>,
        %mul3A_670 = arith.constant 16 : i32
        %mul3A_671 = arith.muli %scan3A_108, %mul3A_670 : i32
        %add3A_672 = arith.constant 11 : i32
        %add3A_673 = arith.addi %mul3A_671, %add3A_672 : i32
        %slice3A_674 = vector.extract_strided_slice %get3A_111 {offsets = [11], sizes = [1], strides = [1]} : vector<16xf32> to vector<1xf32>
        %squeeze3A_675 = vector.extract %slice3A_674[0] : f32 from vector<1xf32>
        %broadcast_in_dim3A_676 = vector.broadcast %squeeze3A_675 : f32 to vector<16xf32>
        %get3A_677 = arith.constant 0 : i32
        %get3A_678 = arith.index_cast %get3A_677 : i32 to index
        %get3A_679 = arith.index_cast %add3A_673 : i32 to index
        %get3A_680 = arith.constant 0 : index
        %get3A_681 = tpu.vector_load %arg15[%get3A_678, %get3A_679, %get3A_680] {strides = array<i32>} : memref<2x128x64xf32, #tpu.memory_space<vmem>>, vector<16xf32>,
        %mul3A_682 = arith.mulf %get3A_681, %broadcast_in_dim3A_676 : vector<16xf32>
        %swap3A_683 = arith.constant 0 : i32
        %swap3A_684 = arith.index_cast %swap3A_683 : i32 to index
        %swap3A_685 = arith.index_cast %add3A_673 : i32 to index
        %swap3A_686 = arith.constant 0 : index
        %swap3A_687 = tpu.vector_load %arg15[%swap3A_684, %swap3A_685, %swap3A_686] {strides = array<i32>} : memref<2x128x64xf32, #tpu.memory_space<vmem>>, vector<16xf32>,
        tpu.vector_store %arg15[%swap3A_684, %swap3A_685, %swap3A_686], %mul3A_682 {strides = array<i32>} : memref<2x128x64xf32, #tpu.memory_space<vmem>>, vector<16xf32>,
        %get3A_688 = arith.constant 0 : i32
        %get3A_689 = arith.index_cast %get3A_688 : i32 to index
        %get3A_690 = arith.index_cast %add3A_673 : i32 to index
        %get3A_691 = arith.constant 16 : index
        %get3A_692 = tpu.vector_load %arg15[%get3A_689, %get3A_690, %get3A_691] {strides = array<i32>} : memref<2x128x64xf32, #tpu.memory_space<vmem>>, vector<16xf32>,
        %mul3A_693 = arith.mulf %get3A_692, %broadcast_in_dim3A_676 : vector<16xf32>
        %swap3A_694 = arith.constant 0 : i32
        %swap3A_695 = arith.index_cast %swap3A_694 : i32 to index
        %swap3A_696 = arith.index_cast %add3A_673 : i32 to index
        %swap3A_697 = arith.constant 16 : index
        %swap3A_698 = tpu.vector_load %arg15[%swap3A_695, %swap3A_696, %swap3A_697] {strides = array<i32>} : memref<2x128x64xf32, #tpu.memory_space<vmem>>, vector<16xf32>,
        tpu.vector_store %arg15[%swap3A_695, %swap3A_696, %swap3A_697], %mul3A_693 {strides = array<i32>} : memref<2x128x64xf32, #tpu.memory_space<vmem>>, vector<16xf32>,
        %get3A_699 = arith.constant 0 : i32
        %get3A_700 = arith.index_cast %get3A_699 : i32 to index
        %get3A_701 = arith.index_cast %add3A_673 : i32 to index
        %get3A_702 = arith.constant 32 : index
        %get3A_703 = tpu.vector_load %arg15[%get3A_700, %get3A_701, %get3A_702] {strides = array<i32>} : memref<2x128x64xf32, #tpu.memory_space<vmem>>, vector<16xf32>,
        %mul3A_704 = arith.mulf %get3A_703, %broadcast_in_dim3A_676 : vector<16xf32>
        %swap3A_705 = arith.constant 0 : i32
        %swap3A_706 = arith.index_cast %swap3A_705 : i32 to index
        %swap3A_707 = arith.index_cast %add3A_673 : i32 to index
        %swap3A_708 = arith.constant 32 : index
        %swap3A_709 = tpu.vector_load %arg15[%swap3A_706, %swap3A_707, %swap3A_708] {strides = array<i32>} : memref<2x128x64xf32, #tpu.memory_space<vmem>>, vector<16xf32>,
        tpu.vector_store %arg15[%swap3A_706, %swap3A_707, %swap3A_708], %mul3A_704 {strides = array<i32>} : memref<2x128x64xf32, #tpu.memory_space<vmem>>, vector<16xf32>,
        %get3A_710 = arith.constant 0 : i32
        %get3A_711 = arith.index_cast %get3A_710 : i32 to index
        %get3A_712 = arith.index_cast %add3A_673 : i32 to index
        %get3A_713 = arith.constant 48 : index
        %get3A_714 = tpu.vector_load %arg15[%get3A_711, %get3A_712, %get3A_713] {strides = array<i32>} : memref<2x128x64xf32, #tpu.memory_space<vmem>>, vector<16xf32>,
        %mul3A_715 = arith.mulf %get3A_714, %broadcast_in_dim3A_676 : vector<16xf32>
        %swap3A_716 = arith.constant 0 : i32
        %swap3A_717 = arith.index_cast %swap3A_716 : i32 to index
        %swap3A_718 = arith.index_cast %add3A_673 : i32 to index
        %swap3A_719 = arith.constant 48 : index
        %swap3A_720 = tpu.vector_load %arg15[%swap3A_717, %swap3A_718, %swap3A_719] {strides = array<i32>} : memref<2x128x64xf32, #tpu.memory_space<vmem>>, vector<16xf32>,
        tpu.vector_store %arg15[%swap3A_717, %swap3A_718, %swap3A_719], %mul3A_715 {strides = array<i32>} : memref<2x128x64xf32, #tpu.memory_space<vmem>>, vector<16xf32>,
        %mul3A_721 = arith.constant 16 : i32
        %mul3A_722 = arith.muli %scan3A_108, %mul3A_721 : i32
        %add3A_723 = arith.constant 12 : i32
        %add3A_724 = arith.addi %mul3A_722, %add3A_723 : i32
        %slice3A_725 = vector.extract_strided_slice %get3A_111 {offsets = [12], sizes = [1], strides = [1]} : vector<16xf32> to vector<1xf32>
        %squeeze3A_726 = vector.extract %slice3A_725[0] : f32 from vector<1xf32>
        %broadcast_in_dim3A_727 = vector.broadcast %squeeze3A_726 : f32 to vector<16xf32>
        %get3A_728 = arith.constant 0 : i32
        %get3A_729 = arith.index_cast %get3A_728 : i32 to index
        %get3A_730 = arith.index_cast %add3A_724 : i32 to index
        %get3A_731 = arith.constant 0 : index
        %get3A_732 = tpu.vector_load %arg15[%get3A_729, %get3A_730, %get3A_731] {strides = array<i32>} : memref<2x128x64xf32, #tpu.memory_space<vmem>>, vector<16xf32>,
        %mul3A_733 = arith.mulf %get3A_732, %broadcast_in_dim3A_727 : vector<16xf32>
        %swap3A_734 = arith.constant 0 : i32
        %swap3A_735 = arith.index_cast %swap3A_734 : i32 to index
        %swap3A_736 = arith.index_cast %add3A_724 : i32 to index
        %swap3A_737 = arith.constant 0 : index
        %swap3A_738 = tpu.vector_load %arg15[%swap3A_735, %swap3A_736, %swap3A_737] {strides = array<i32>} : memref<2x128x64xf32, #tpu.memory_space<vmem>>, vector<16xf32>,
        tpu.vector_store %arg15[%swap3A_735, %swap3A_736, %swap3A_737], %mul3A_733 {strides = array<i32>} : memref<2x128x64xf32, #tpu.memory_space<vmem>>, vector<16xf32>,
        %get3A_739 = arith.constant 0 : i32
        %get3A_740 = arith.index_cast %get3A_739 : i32 to index
        %get3A_741 = arith.index_cast %add3A_724 : i32 to index
        %get3A_742 = arith.constant 16 : index
        %get3A_743 = tpu.vector_load %arg15[%get3A_740, %get3A_741, %get3A_742] {strides = array<i32>} : memref<2x128x64xf32, #tpu.memory_space<vmem>>, vector<16xf32>,
        %mul3A_744 = arith.mulf %get3A_743, %broadcast_in_dim3A_727 : vector<16xf32>
        %swap3A_745 = arith.constant 0 : i32
        %swap3A_746 = arith.index_cast %swap3A_745 : i32 to index
        %swap3A_747 = arith.index_cast %add3A_724 : i32 to index
        %swap3A_748 = arith.constant 16 : index
        %swap3A_749 = tpu.vector_load %arg15[%swap3A_746, %swap3A_747, %swap3A_748] {strides = array<i32>} : memref<2x128x64xf32, #tpu.memory_space<vmem>>, vector<16xf32>,
        tpu.vector_store %arg15[%swap3A_746, %swap3A_747, %swap3A_748], %mul3A_744 {strides = array<i32>} : memref<2x128x64xf32, #tpu.memory_space<vmem>>, vector<16xf32>,
        %get3A_750 = arith.constant 0 : i32
        %get3A_751 = arith.index_cast %get3A_750 : i32 to index
        %get3A_752 = arith.index_cast %add3A_724 : i32 to index
        %get3A_753 = arith.constant 32 : index
        %get3A_754 = tpu.vector_load %arg15[%get3A_751, %get3A_752, %get3A_753] {strides = array<i32>} : memref<2x128x64xf32, #tpu.memory_space<vmem>>, vector<16xf32>,
        %mul3A_755 = arith.mulf %get3A_754, %broadcast_in_dim3A_727 : vector<16xf32>
        %swap3A_756 = arith.constant 0 : i32
        %swap3A_757 = arith.index_cast %swap3A_756 : i32 to index
        %swap3A_758 = arith.index_cast %add3A_724 : i32 to index
        %swap3A_759 = arith.constant 32 : index
        %swap3A_760 = tpu.vector_load %arg15[%swap3A_757, %swap3A_758, %swap3A_759] {strides = array<i32>} : memref<2x128x64xf32, #tpu.memory_space<vmem>>, vector<16xf32>,
        tpu.vector_store %arg15[%swap3A_757, %swap3A_758, %swap3A_759], %mul3A_755 {strides = array<i32>} : memref<2x128x64xf32, #tpu.memory_space<vmem>>, vector<16xf32>,
        %get3A_761 = arith.constant 0 : i32
        %get3A_762 = arith.index_cast %get3A_761 : i32 to index
        %get3A_763 = arith.index_cast %add3A_724 : i32 to index
        %get3A_764 = arith.constant 48 : index
        %get3A_765 = tpu.vector_load %arg15[%get3A_762, %get3A_763, %get3A_764] {strides = array<i32>} : memref<2x128x64xf32, #tpu.memory_space<vmem>>, vector<16xf32>,
        %mul3A_766 = arith.mulf %get3A_765, %broadcast_in_dim3A_727 : vector<16xf32>
        %swap3A_767 = arith.constant 0 : i32
        %swap3A_768 = arith.index_cast %swap3A_767 : i32 to index
        %swap3A_769 = arith.index_cast %add3A_724 : i32 to index
        %swap3A_770 = arith.constant 48 : index
        %swap3A_771 = tpu.vector_load %arg15[%swap3A_768, %swap3A_769, %swap3A_770] {strides = array<i32>} : memref<2x128x64xf32, #tpu.memory_space<vmem>>, vector<16xf32>,
        tpu.vector_store %arg15[%swap3A_768, %swap3A_769, %swap3A_770], %mul3A_766 {strides = array<i32>} : memref<2x128x64xf32, #tpu.memory_space<vmem>>, vector<16xf32>,
        %mul3A_772 = arith.constant 16 : i32
        %mul3A_773 = arith.muli %scan3A_108, %mul3A_772 : i32
        %add3A_774 = arith.constant 13 : i32
        %add3A_775 = arith.addi %mul3A_773, %add3A_774 : i32
        %slice3A_776 = vector.extract_strided_slice %get3A_111 {offsets = [13], sizes = [1], strides = [1]} : vector<16xf32> to vector<1xf32>
        %squeeze3A_777 = vector.extract %slice3A_776[0] : f32 from vector<1xf32>
        %broadcast_in_dim3A_778 = vector.broadcast %squeeze3A_777 : f32 to vector<16xf32>
        %get3A_779 = arith.constant 0 : i32
        %get3A_780 = arith.index_cast %get3A_779 : i32 to index
        %get3A_781 = arith.index_cast %add3A_775 : i32 to index
        %get3A_782 = arith.constant 0 : index
        %get3A_783 = tpu.vector_load %arg15[%get3A_780, %get3A_781, %get3A_782] {strides = array<i32>} : memref<2x128x64xf32, #tpu.memory_space<vmem>>, vector<16xf32>,
        %mul3A_784 = arith.mulf %get3A_783, %broadcast_in_dim3A_778 : vector<16xf32>
        %swap3A_785 = arith.constant 0 : i32
        %swap3A_786 = arith.index_cast %swap3A_785 : i32 to index
        %swap3A_787 = arith.index_cast %add3A_775 : i32 to index
        %swap3A_788 = arith.constant 0 : index
        %swap3A_789 = tpu.vector_load %arg15[%swap3A_786, %swap3A_787, %swap3A_788] {strides = array<i32>} : memref<2x128x64xf32, #tpu.memory_space<vmem>>, vector<16xf32>,
        tpu.vector_store %arg15[%swap3A_786, %swap3A_787, %swap3A_788], %mul3A_784 {strides = array<i32>} : memref<2x128x64xf32, #tpu.memory_space<vmem>>, vector<16xf32>,
        %get3A_790 = arith.constant 0 : i32
        %get3A_791 = arith.index_cast %get3A_790 : i32 to index
        %get3A_792 = arith.index_cast %add3A_775 : i32 to index
        %get3A_793 = arith.constant 16 : index
        %get3A_794 = tpu.vector_load %arg15[%get3A_791, %get3A_792, %get3A_793] {strides = array<i32>} : memref<2x128x64xf32, #tpu.memory_space<vmem>>, vector<16xf32>,
        %mul3A_795 = arith.mulf %get3A_794, %broadcast_in_dim3A_778 : vector<16xf32>
        %swap3A_796 = arith.constant 0 : i32
        %swap3A_797 = arith.index_cast %swap3A_796 : i32 to index
        %swap3A_798 = arith.index_cast %add3A_775 : i32 to index
        %swap3A_799 = arith.constant 16 : index
        %swap3A_800 = tpu.vector_load %arg15[%swap3A_797, %swap3A_798, %swap3A_799] {strides = array<i32>} : memref<2x128x64xf32, #tpu.memory_space<vmem>>, vector<16xf32>,
        tpu.vector_store %arg15[%swap3A_797, %swap3A_798, %swap3A_799], %mul3A_795 {strides = array<i32>} : memref<2x128x64xf32, #tpu.memory_space<vmem>>, vector<16xf32>,
        %get3A_801 = arith.constant 0 : i32
        %get3A_802 = arith.index_cast %get3A_801 : i32 to index
        %get3A_803 = arith.index_cast %add3A_775 : i32 to index
        %get3A_804 = arith.constant 32 : index
        %get3A_805 = tpu.vector_load %arg15[%get3A_802, %get3A_803, %get3A_804] {strides = array<i32>} : memref<2x128x64xf32, #tpu.memory_space<vmem>>, vector<16xf32>,
        %mul3A_806 = arith.mulf %get3A_805, %broadcast_in_dim3A_778 : vector<16xf32>
        %swap3A_807 = arith.constant 0 : i32
        %swap3A_808 = arith.index_cast %swap3A_807 : i32 to index
        %swap3A_809 = arith.index_cast %add3A_775 : i32 to index
        %swap3A_810 = arith.constant 32 : index
        %swap3A_811 = tpu.vector_load %arg15[%swap3A_808, %swap3A_809, %swap3A_810] {strides = array<i32>} : memref<2x128x64xf32, #tpu.memory_space<vmem>>, vector<16xf32>,
        tpu.vector_store %arg15[%swap3A_808, %swap3A_809, %swap3A_810], %mul3A_806 {strides = array<i32>} : memref<2x128x64xf32, #tpu.memory_space<vmem>>, vector<16xf32>,
        %get3A_812 = arith.constant 0 : i32
        %get3A_813 = arith.index_cast %get3A_812 : i32 to index
        %get3A_814 = arith.index_cast %add3A_775 : i32 to index
        %get3A_815 = arith.constant 48 : index
        %get3A_816 = tpu.vector_load %arg15[%get3A_813, %get3A_814, %get3A_815] {strides = array<i32>} : memref<2x128x64xf32, #tpu.memory_space<vmem>>, vector<16xf32>,
        %mul3A_817 = arith.mulf %get3A_816, %broadcast_in_dim3A_778 : vector<16xf32>
        %swap3A_818 = arith.constant 0 : i32
        %swap3A_819 = arith.index_cast %swap3A_818 : i32 to index
        %swap3A_820 = arith.index_cast %add3A_775 : i32 to index
        %swap3A_821 = arith.constant 48 : index
        %swap3A_822 = tpu.vector_load %arg15[%swap3A_819, %swap3A_820, %swap3A_821] {strides = array<i32>} : memref<2x128x64xf32, #tpu.memory_space<vmem>>, vector<16xf32>,
        tpu.vector_store %arg15[%swap3A_819, %swap3A_820, %swap3A_821], %mul3A_817 {strides = array<i32>} : memref<2x128x64xf32, #tpu.memory_space<vmem>>, vector<16xf32>,
        %mul3A_823 = arith.constant 16 : i32
        %mul3A_824 = arith.muli %scan3A_108, %mul3A_823 : i32
        %add3A_825 = arith.constant 14 : i32
        %add3A_826 = arith.addi %mul3A_824, %add3A_825 : i32
        %slice3A_827 = vector.extract_strided_slice %get3A_111 {offsets = [14], sizes = [1], strides = [1]} : vector<16xf32> to vector<1xf32>
        %squeeze3A_828 = vector.extract %slice3A_827[0] : f32 from vector<1xf32>
        %broadcast_in_dim3A_829 = vector.broadcast %squeeze3A_828 : f32 to vector<16xf32>
        %get3A_830 = arith.constant 0 : i32
        %get3A_831 = arith.index_cast %get3A_830 : i32 to index
        %get3A_832 = arith.index_cast %add3A_826 : i32 to index
        %get3A_833 = arith.constant 0 : index
        %get3A_834 = tpu.vector_load %arg15[%get3A_831, %get3A_832, %get3A_833] {strides = array<i32>} : memref<2x128x64xf32, #tpu.memory_space<vmem>>, vector<16xf32>,
        %mul3A_835 = arith.mulf %get3A_834, %broadcast_in_dim3A_829 : vector<16xf32>
        %swap3A_836 = arith.constant 0 : i32
        %swap3A_837 = arith.index_cast %swap3A_836 : i32 to index
        %swap3A_838 = arith.index_cast %add3A_826 : i32 to index
        %swap3A_839 = arith.constant 0 : index
        %swap3A_840 = tpu.vector_load %arg15[%swap3A_837, %swap3A_838, %swap3A_839] {strides = array<i32>} : memref<2x128x64xf32, #tpu.memory_space<vmem>>, vector<16xf32>,
        tpu.vector_store %arg15[%swap3A_837, %swap3A_838, %swap3A_839], %mul3A_835 {strides = array<i32>} : memref<2x128x64xf32, #tpu.memory_space<vmem>>, vector<16xf32>,
        %get3A_841 = arith.constant 0 : i32
        %get3A_842 = arith.index_cast %get3A_841 : i32 to index
        %get3A_843 = arith.index_cast %add3A_826 : i32 to index
        %get3A_844 = arith.constant 16 : index
        %get3A_845 = tpu.vector_load %arg15[%get3A_842, %get3A_843, %get3A_844] {strides = array<i32>} : memref<2x128x64xf32, #tpu.memory_space<vmem>>, vector<16xf32>,
        %mul3A_846 = arith.mulf %get3A_845, %broadcast_in_dim3A_829 : vector<16xf32>
        %swap3A_847 = arith.constant 0 : i32
        %swap3A_848 = arith.index_cast %swap3A_847 : i32 to index
        %swap3A_849 = arith.index_cast %add3A_826 : i32 to index
        %swap3A_850 = arith.constant 16 : index
        %swap3A_851 = tpu.vector_load %arg15[%swap3A_848, %swap3A_849, %swap3A_850] {strides = array<i32>} : memref<2x128x64xf32, #tpu.memory_space<vmem>>, vector<16xf32>,
        tpu.vector_store %arg15[%swap3A_848, %swap3A_849, %swap3A_850], %mul3A_846 {strides = array<i32>} : memref<2x128x64xf32, #tpu.memory_space<vmem>>, vector<16xf32>,
        %get3A_852 = arith.constant 0 : i32
        %get3A_853 = arith.index_cast %get3A_852 : i32 to index
        %get3A_854 = arith.index_cast %add3A_826 : i32 to index
        %get3A_855 = arith.constant 32 : index
        %get3A_856 = tpu.vector_load %arg15[%get3A_853, %get3A_854, %get3A_855] {strides = array<i32>} : memref<2x128x64xf32, #tpu.memory_space<vmem>>, vector<16xf32>,
        %mul3A_857 = arith.mulf %get3A_856, %broadcast_in_dim3A_829 : vector<16xf32>
        %swap3A_858 = arith.constant 0 : i32
        %swap3A_859 = arith.index_cast %swap3A_858 : i32 to index
        %swap3A_860 = arith.index_cast %add3A_826 : i32 to index
        %swap3A_861 = arith.constant 32 : index
        %swap3A_862 = tpu.vector_load %arg15[%swap3A_859, %swap3A_860, %swap3A_861] {strides = array<i32>} : memref<2x128x64xf32, #tpu.memory_space<vmem>>, vector<16xf32>,
        tpu.vector_store %arg15[%swap3A_859, %swap3A_860, %swap3A_861], %mul3A_857 {strides = array<i32>} : memref<2x128x64xf32, #tpu.memory_space<vmem>>, vector<16xf32>,
        %get3A_863 = arith.constant 0 : i32
        %get3A_864 = arith.index_cast %get3A_863 : i32 to index
        %get3A_865 = arith.index_cast %add3A_826 : i32 to index
        %get3A_866 = arith.constant 48 : index
        %get3A_867 = tpu.vector_load %arg15[%get3A_864, %get3A_865, %get3A_866] {strides = array<i32>} : memref<2x128x64xf32, #tpu.memory_space<vmem>>, vector<16xf32>,
        %mul3A_868 = arith.mulf %get3A_867, %broadcast_in_dim3A_829 : vector<16xf32>
        %swap3A_869 = arith.constant 0 : i32
        %swap3A_870 = arith.index_cast %swap3A_869 : i32 to index
        %swap3A_871 = arith.index_cast %add3A_826 : i32 to index
        %swap3A_872 = arith.constant 48 : index
        %swap3A_873 = tpu.vector_load %arg15[%swap3A_870, %swap3A_871, %swap3A_872] {strides = array<i32>} : memref<2x128x64xf32, #tpu.memory_space<vmem>>, vector<16xf32>,
        tpu.vector_store %arg15[%swap3A_870, %swap3A_871, %swap3A_872], %mul3A_868 {strides = array<i32>} : memref<2x128x64xf32, #tpu.memory_space<vmem>>, vector<16xf32>,
        %mul3A_874 = arith.constant 16 : i32
        %mul3A_875 = arith.muli %scan3A_108, %mul3A_874 : i32
        %add3A_876 = arith.constant 15 : i32
        %add3A_877 = arith.addi %mul3A_875, %add3A_876 : i32
        %slice3A_878 = vector.extract_strided_slice %get3A_111 {offsets = [15], sizes = [1], strides = [1]} : vector<16xf32> to vector<1xf32>
        %squeeze3A_879 = vector.extract %slice3A_878[0] : f32 from vector<1xf32>
        %broadcast_in_dim3A_880 = vector.broadcast %squeeze3A_879 : f32 to vector<16xf32>
        %get3A_881 = arith.constant 0 : i32
        %get3A_882 = arith.index_cast %get3A_881 : i32 to index
        %get3A_883 = arith.index_cast %add3A_877 : i32 to index
        %get3A_884 = arith.constant 0 : index
        %get3A_885 = tpu.vector_load %arg15[%get3A_882, %get3A_883, %get3A_884] {strides = array<i32>} : memref<2x128x64xf32, #tpu.memory_space<vmem>>, vector<16xf32>,
        %mul3A_886 = arith.mulf %get3A_885, %broadcast_in_dim3A_880 : vector<16xf32>
        %swap3A_887 = arith.constant 0 : i32
        %swap3A_888 = arith.index_cast %swap3A_887 : i32 to index
        %swap3A_889 = arith.index_cast %add3A_877 : i32 to index
        %swap3A_890 = arith.constant 0 : index
        %swap3A_891 = tpu.vector_load %arg15[%swap3A_888, %swap3A_889, %swap3A_890] {strides = array<i32>} : memref<2x128x64xf32, #tpu.memory_space<vmem>>, vector<16xf32>,
        tpu.vector_store %arg15[%swap3A_888, %swap3A_889, %swap3A_890], %mul3A_886 {strides = array<i32>} : memref<2x128x64xf32, #tpu.memory_space<vmem>>, vector<16xf32>,
        %get3A_892 = arith.constant 0 : i32
        %get3A_893 = arith.index_cast %get3A_892 : i32 to index
        %get3A_894 = arith.index_cast %add3A_877 : i32 to index
        %get3A_895 = arith.constant 16 : index
        %get3A_896 = tpu.vector_load %arg15[%get3A_893, %get3A_894, %get3A_895] {strides = array<i32>} : memref<2x128x64xf32, #tpu.memory_space<vmem>>, vector<16xf32>,
        %mul3A_897 = arith.mulf %get3A_896, %broadcast_in_dim3A_880 : vector<16xf32>
        %swap3A_898 = arith.constant 0 : i32
        %swap3A_899 = arith.index_cast %swap3A_898 : i32 to index
        %swap3A_900 = arith.index_cast %add3A_877 : i32 to index
        %swap3A_901 = arith.constant 16 : index
        %swap3A_902 = tpu.vector_load %arg15[%swap3A_899, %swap3A_900, %swap3A_901] {strides = array<i32>} : memref<2x128x64xf32, #tpu.memory_space<vmem>>, vector<16xf32>,
        tpu.vector_store %arg15[%swap3A_899, %swap3A_900, %swap3A_901], %mul3A_897 {strides = array<i32>} : memref<2x128x64xf32, #tpu.memory_space<vmem>>, vector<16xf32>,
        %get3A_903 = arith.constant 0 : i32
        %get3A_904 = arith.index_cast %get3A_903 : i32 to index
        %get3A_905 = arith.index_cast %add3A_877 : i32 to index
        %get3A_906 = arith.constant 32 : index
        %get3A_907 = tpu.vector_load %arg15[%get3A_904, %get3A_905, %get3A_906] {strides = array<i32>} : memref<2x128x64xf32, #tpu.memory_space<vmem>>, vector<16xf32>,
        %mul3A_908 = arith.mulf %get3A_907, %broadcast_in_dim3A_880 : vector<16xf32>
        %swap3A_909 = arith.constant 0 : i32
        %swap3A_910 = arith.index_cast %swap3A_909 : i32 to index
        %swap3A_911 = arith.index_cast %add3A_877 : i32 to index
        %swap3A_912 = arith.constant 32 : index
        %swap3A_913 = tpu.vector_load %arg15[%swap3A_910, %swap3A_911, %swap3A_912] {strides = array<i32>} : memref<2x128x64xf32, #tpu.memory_space<vmem>>, vector<16xf32>,
        tpu.vector_store %arg15[%swap3A_910, %swap3A_911, %swap3A_912], %mul3A_908 {strides = array<i32>} : memref<2x128x64xf32, #tpu.memory_space<vmem>>, vector<16xf32>,
        %get3A_914 = arith.constant 0 : i32
        %get3A_915 = arith.index_cast %get3A_914 : i32 to index
        %get3A_916 = arith.index_cast %add3A_877 : i32 to index
        %get3A_917 = arith.constant 48 : index
        %get3A_918 = tpu.vector_load %arg15[%get3A_915, %get3A_916, %get3A_917] {strides = array<i32>} : memref<2x128x64xf32, #tpu.memory_space<vmem>>, vector<16xf32>,
        %mul3A_919 = arith.mulf %get3A_918, %broadcast_in_dim3A_880 : vector<16xf32>
        %swap3A_920 = arith.constant 0 : i32
        %swap3A_921 = arith.index_cast %swap3A_920 : i32 to index
        %swap3A_922 = arith.index_cast %add3A_877 : i32 to index
        %swap3A_923 = arith.constant 48 : index
        %swap3A_924 = tpu.vector_load %arg15[%swap3A_921, %swap3A_922, %swap3A_923] {strides = array<i32>} : memref<2x128x64xf32, #tpu.memory_space<vmem>>, vector<16xf32>,
        tpu.vector_store %arg15[%swap3A_921, %swap3A_922, %swap3A_923], %mul3A_919 {strides = array<i32>} : memref<2x128x64xf32, #tpu.memory_space<vmem>>, vector<16xf32>,
      }
      %scan3A_105 = arith.constant 8 : i32
      %run_scoped3A_106 = arith.constant 0 : i32
      %run_scoped3A_107 = arith.constant 0 : i32
      "tpu.region"() ({
        %run_scoped3A_108 = tpu.sem_alloc : memref<!tpu.dma_semaphore, #tpu.memory_space<semaphore_mem>>
        %dma_start3A_109 = arith.constant 0 : i32
        %dma_start3A_110 = arith.constant 0 : i32
        %dma_start3A_111 = tpu.memref_slice %arg15[%run_scoped3A_106, %dma_start3A_109, %dma_start3A_110] : memref<2x128x64xf32, #tpu.memory_space<vmem>> -> memref<1x128x64xf32, #tpu.memory_space<vmem>>
        %dma_start3A_112 = tpu.memref_squeeze %dma_start3A_111 : memref<1x128x64xf32, #tpu.memory_space<vmem>> -> memref<128x64xf32, #tpu.memory_space<vmem>>
        %dma_start3A_113 = arith.constant 0 : i32
        %dma_start3A_114 = tpu.memref_slice %arg14[%run_scoped3A_107, %dma_start3A_113] : memref<2x128xi32, #tpu.memory_space<vmem>> -> memref<1x128xi32, #tpu.memory_space<vmem>>
        %dma_start3A_115 = tpu.memref_squeeze %dma_start3A_114 : memref<1x128xi32, #tpu.memory_space<vmem>> -> memref<128xi32, #tpu.memory_space<vmem>>
        %dma_start3A_116 = arith.constant 0 : i32
        %dma_start3A_117 = arith.constant 0 : i32
        %dma_start3A_118 = tpu.memref_slice %arg20[%dma_start3A_116, %dma_start3A_117] : memref<10240x64xf32, #tpu.memory_space<vmem_shared>> -> memref<10240x64xf32, #tpu.memory_space<vmem_shared>>
        tpu.enqueue_indirect_dma source(%dma_start3A_112 : memref<128x64xf32, #tpu.memory_space<vmem>>) target(%dma_start3A_118 : memref<10240x64xf32, #tpu.memory_space<vmem_shared>>) offsets(%dma_start3A_115 : memref<128xi32, #tpu.memory_space<vmem>>) semaphore(%run_scoped3A_108 : memref<!tpu.dma_semaphore, #tpu.memory_space<semaphore_mem>>) {add = true}
        %dma_wait3A_119 = arith.constant 0 : i32
        %dma_wait3A_120 = arith.constant 0 : i32
        %dma_wait3A_121 = tpu.memref_slice %arg15[%run_scoped3A_106, %dma_wait3A_119, %dma_wait3A_120] : memref<2x128x64xf32, #tpu.memory_space<vmem>> -> memref<1x128x64xf32, #tpu.memory_space<vmem>>
        %dma_wait3A_122 = tpu.memref_squeeze %dma_wait3A_121 : memref<1x128x64xf32, #tpu.memory_space<vmem>> -> memref<128x64xf32, #tpu.memory_space<vmem>>
        %dma_wait3A_123 = arith.constant 0 : i32
        %dma_wait3A_124 = tpu.memref_slice %arg14[%run_scoped3A_107, %dma_wait3A_123] : memref<2x128xi32, #tpu.memory_space<vmem>> -> memref<1x128xi32, #tpu.memory_space<vmem>>
        %dma_wait3A_125 = tpu.memref_squeeze %dma_wait3A_124 : memref<1x128xi32, #tpu.memory_space<vmem>> -> memref<128xi32, #tpu.memory_space<vmem>>
        %dma_wait3A_126 = arith.constant 0 : i32
        %dma_wait3A_127 = arith.constant 0 : i32
        %dma_wait3A_128 = tpu.memref_slice %arg20[%dma_wait3A_126, %dma_wait3A_127] : memref<10240x64xf32, #tpu.memory_space<vmem_shared>> -> memref<10240x64xf32, #tpu.memory_space<vmem_shared>>
        tpu.wait_indirect_dma semaphore(%run_scoped3A_108 : memref<!tpu.dma_semaphore, #tpu.memory_space<semaphore_mem>>) src(%dma_wait3A_122 : memref<128x64xf32, #tpu.memory_space<vmem>>) dst(%dma_wait3A_128 : memref<10240x64xf32, #tpu.memory_space<vmem_shared>>)
        tpu.yield
      }) : () -> ()
    }
    %scan3A_20 = arith.constant 162 : i32
    "tpu.region"() ({
      %run_scoped3A = tpu.sem_alloc : memref<!tpu.dma_semaphore, #tpu.memory_space<semaphore_mem>>
      %dma_start3A = arith.constant 0 : i32
      %dma_start3A_58 = arith.constant 0 : i32
      %dma_start3A_59 = tpu.memref_slice %arg19[%dma_start3A, %dma_start3A_58] : memref<80x128xf32, #tpu.memory_space<vmem_shared>> -> memref<80x128xf32, #tpu.memory_space<vmem_shared>>
      tpu.enqueue_indirect_dma source(%arg11 : memref<80x128xf32, #tpu.memory_space<vmem>>) target(%dma_start3A_59 : memref<80x128xf32, #tpu.memory_space<vmem_shared>>) offsets(%arg12 : memref<80xi32, #tpu.memory_space<vmem>>) semaphore(%run_scoped3A : memref<!tpu.dma_semaphore, #tpu.memory_space<semaphore_mem>>) {add = true}
      %dma_wait3A = arith.constant 0 : i32
      %dma_wait3A_60 = arith.constant 0 : i32
      %dma_wait3A_61 = tpu.memref_slice %arg19[%dma_wait3A, %dma_wait3A_60] : memref<80x128xf32, #tpu.memory_space<vmem_shared>> -> memref<80x128xf32, #tpu.memory_space<vmem_shared>>
      tpu.wait_indirect_dma semaphore(%run_scoped3A : memref<!tpu.dma_semaphore, #tpu.memory_space<semaphore_mem>>) src(%arg11 : memref<80x128xf32, #tpu.memory_space<vmem>>) dst(%dma_wait3A_61 : memref<80x128xf32, #tpu.memory_space<vmem_shared>>)
      tpu.yield
    }) : () -> ()
    %barrier3A_21 = arith.constant 0 : index
    tpu.barrier barrier_id(%barrier3A_21)
    %mul3A_22 = arith.constant 5 : i32
    %mul3A_23 = arith.muli %arg1, %mul3A_22 : i32
    "tpu.region"() ({
      %run_scoped3A = tpu.sem_alloc : memref<!tpu.dma_semaphore, #tpu.memory_space<semaphore_mem>>
      %dma_start3A = arith.constant 0 : i32
      %dma_start3A_58 = tpu.memref_slice %arg19[%mul3A_23, %dma_start3A] : memref<80x128xf32, #tpu.memory_space<vmem_shared>> -> memref<5x128xf32, #tpu.memory_space<vmem_shared>>
      %dma_start3A_59 = arith.constant 0 : i32
      %dma_start3A_60 = tpu.memref_slice %arg19[%mul3A_23, %dma_start3A_59] : memref<80x128xf32, #tpu.memory_space<vmem_shared>> -> memref<5x128xf32, #tpu.memory_space<vmem_shared>>
      tpu.enqueue_dma source(%dma_start3A_60 : memref<5x128xf32, #tpu.memory_space<vmem_shared>>) target(%arg17 : memref<5x128xf32, #tpu.memory_space<vmem>>) target_semaphore(%run_scoped3A : memref<!tpu.dma_semaphore, #tpu.memory_space<semaphore_mem>>)
      %dma_wait3A = arith.constant 0 : i32
      %dma_wait3A_61 = tpu.memref_slice %arg19[%mul3A_23, %dma_wait3A] : memref<80x128xf32, #tpu.memory_space<vmem_shared>> -> memref<5x128xf32, #tpu.memory_space<vmem_shared>>
      %dma_wait3A_62 = arith.constant 0 : i32
      %dma_wait3A_63 = tpu.memref_slice %arg19[%mul3A_23, %dma_wait3A_62] : memref<80x128xf32, #tpu.memory_space<vmem_shared>> -> memref<5x128xf32, #tpu.memory_space<vmem_shared>>
      tpu.wait_dma2 semaphore(%run_scoped3A : memref<!tpu.dma_semaphore, #tpu.memory_space<semaphore_mem>>) src(%dma_wait3A_63 : memref<5x128xf32, #tpu.memory_space<vmem_shared>>) dst(%arg17 : memref<5x128xf32, #tpu.memory_space<vmem>>)
      tpu.yield
    }) : () -> ()
    %mul3A_24 = arith.constant 640 : i32
    %mul3A_25 = arith.muli %arg1, %mul3A_24 : i32
    "tpu.region"() ({
      %run_scoped3A = tpu.sem_alloc : memref<!tpu.dma_semaphore, #tpu.memory_space<semaphore_mem>>
      %dma_start3A = arith.constant 0 : i32
      %dma_start3A_58 = tpu.memref_slice %arg20[%mul3A_25, %dma_start3A] : memref<10240x64xf32, #tpu.memory_space<vmem_shared>> -> memref<640x64xf32, #tpu.memory_space<vmem_shared>>
      %dma_start3A_59 = arith.constant 0 : i32
      %dma_start3A_60 = tpu.memref_slice %arg20[%mul3A_25, %dma_start3A_59] : memref<10240x64xf32, #tpu.memory_space<vmem_shared>> -> memref<640x64xf32, #tpu.memory_space<vmem_shared>>
      tpu.enqueue_dma source(%dma_start3A_60 : memref<640x64xf32, #tpu.memory_space<vmem_shared>>) target(%arg18 : memref<640x64xf32, #tpu.memory_space<vmem>>) target_semaphore(%run_scoped3A : memref<!tpu.dma_semaphore, #tpu.memory_space<semaphore_mem>>)
      %dma_wait3A = arith.constant 0 : i32
      %dma_wait3A_61 = tpu.memref_slice %arg20[%mul3A_25, %dma_wait3A] : memref<10240x64xf32, #tpu.memory_space<vmem_shared>> -> memref<640x64xf32, #tpu.memory_space<vmem_shared>>
      %dma_wait3A_62 = arith.constant 0 : i32
      %dma_wait3A_63 = tpu.memref_slice %arg20[%mul3A_25, %dma_wait3A_62] : memref<10240x64xf32, #tpu.memory_space<vmem_shared>> -> memref<640x64xf32, #tpu.memory_space<vmem_shared>>
      tpu.wait_dma2 semaphore(%run_scoped3A : memref<!tpu.dma_semaphore, #tpu.memory_space<semaphore_mem>>) src(%dma_wait3A_63 : memref<640x64xf32, #tpu.memory_space<vmem_shared>>) dst(%arg18 : memref<640x64xf32, #tpu.memory_space<vmem>>)
      tpu.yield
    }) : () -> ()
    %scan3A_26 = arith.constant 0 : i32
    %scan3A_27 = arith.constant 0 : i32
    %scan3A_28 = arith.constant 8 : i32
    %scan3A_29 = arith.addi %scan3A_27, %scan3A_28 : i32
    %scan3A_30 = arith.constant 1 : i32
    scf.for %scan3A_58 = %scan3A_27 to %scan3A_29 step %scan3A_30  : i32 {
      %mul3A_59 = arith.constant 16 : i32
      %mul3A_60 = arith.muli %scan3A_58, %mul3A_59 : i32
      %get3A = arith.constant 0 : i32
      %get3A_61 = arith.index_cast %get3A : i32 to index
      %get3A_62 = arith.index_cast %mul3A_60 : i32 to index
      %get3A_63 = tpu.vector_load %arg17[%get3A_61, %get3A_62] {strides = array<i32>} : memref<5x128xf32, #tpu.memory_space<vmem>>, vector<16xf32>,
      %add3A = arith.constant 1.000000e-16 : f32
      %add3A_64 = vector.broadcast %add3A : f32 to vector<16xf32>
      %add3A_65 = arith.addf %get3A_63, %add3A_64 : vector<16xf32>
      %div3A = arith.constant 1.000000e+00 : f32
      %div3A_66 = vector.broadcast %div3A : f32 to vector<16xf32>
      %div3A_67 = arith.divf %div3A_66, %add3A_65 : vector<16xf32>
      %mul3A_68 = arith.constant 16 : i32
      %mul3A_69 = arith.muli %scan3A_58, %mul3A_68 : i32
      %add3A_70 = arith.constant 0 : i32
      %add3A_71 = arith.addi %add3A_70, %mul3A_69 : i32
      %add3A_72 = arith.constant 0 : i32
      %add3A_73 = arith.addi %add3A_71, %add3A_72 : i32
      %slice3A = vector.extract_strided_slice %div3A_67 {offsets = [0], sizes = [1], strides = [1]} : vector<16xf32> to vector<1xf32>
      %squeeze3A = vector.extract %slice3A[0] : f32 from vector<1xf32>
      %broadcast_in_dim3A_74 = vector.broadcast %squeeze3A : f32 to vector<16xf32>
      %get3A_75 = arith.index_cast %add3A_73 : i32 to index
      %get3A_76 = arith.constant 0 : index
      %get3A_77 = tpu.vector_load %arg18[%get3A_75, %get3A_76] {strides = array<i32>} : memref<640x64xf32, #tpu.memory_space<vmem>>, vector<16xf32>,
      %mul3A_78 = arith.mulf %get3A_77, %broadcast_in_dim3A_74 : vector<16xf32>
      %swap3A = arith.index_cast %add3A_73 : i32 to index
      %swap3A_79 = arith.constant 0 : index
      %swap3A_80 = tpu.vector_load %arg18[%swap3A, %swap3A_79] {strides = array<i32>} : memref<640x64xf32, #tpu.memory_space<vmem>>, vector<16xf32>,
      tpu.vector_store %arg18[%swap3A, %swap3A_79], %mul3A_78 {strides = array<i32>} : memref<640x64xf32, #tpu.memory_space<vmem>>, vector<16xf32>,
      %get3A_81 = arith.index_cast %add3A_73 : i32 to index
      %get3A_82 = arith.constant 16 : index
      %get3A_83 = tpu.vector_load %arg18[%get3A_81, %get3A_82] {strides = array<i32>} : memref<640x64xf32, #tpu.memory_space<vmem>>, vector<16xf32>,
      %mul3A_84 = arith.mulf %get3A_83, %broadcast_in_dim3A_74 : vector<16xf32>
      %swap3A_85 = arith.index_cast %add3A_73 : i32 to index
      %swap3A_86 = arith.constant 16 : index
      %swap3A_87 = tpu.vector_load %arg18[%swap3A_85, %swap3A_86] {strides = array<i32>} : memref<640x64xf32, #tpu.memory_space<vmem>>, vector<16xf32>,
      tpu.vector_store %arg18[%swap3A_85, %swap3A_86], %mul3A_84 {strides = array<i32>} : memref<640x64xf32, #tpu.memory_space<vmem>>, vector<16xf32>,
      %get3A_88 = arith.index_cast %add3A_73 : i32 to index
      %get3A_89 = arith.constant 32 : index
      %get3A_90 = tpu.vector_load %arg18[%get3A_88, %get3A_89] {strides = array<i32>} : memref<640x64xf32, #tpu.memory_space<vmem>>, vector<16xf32>,
      %mul3A_91 = arith.mulf %get3A_90, %broadcast_in_dim3A_74 : vector<16xf32>
      %swap3A_92 = arith.index_cast %add3A_73 : i32 to index
      %swap3A_93 = arith.constant 32 : index
      %swap3A_94 = tpu.vector_load %arg18[%swap3A_92, %swap3A_93] {strides = array<i32>} : memref<640x64xf32, #tpu.memory_space<vmem>>, vector<16xf32>,
      tpu.vector_store %arg18[%swap3A_92, %swap3A_93], %mul3A_91 {strides = array<i32>} : memref<640x64xf32, #tpu.memory_space<vmem>>, vector<16xf32>,
      %get3A_95 = arith.index_cast %add3A_73 : i32 to index
      %get3A_96 = arith.constant 48 : index
      %get3A_97 = tpu.vector_load %arg18[%get3A_95, %get3A_96] {strides = array<i32>} : memref<640x64xf32, #tpu.memory_space<vmem>>, vector<16xf32>,
      %mul3A_98 = arith.mulf %get3A_97, %broadcast_in_dim3A_74 : vector<16xf32>
      %swap3A_99 = arith.index_cast %add3A_73 : i32 to index
      %swap3A_100 = arith.constant 48 : index
      %swap3A_101 = tpu.vector_load %arg18[%swap3A_99, %swap3A_100] {strides = array<i32>} : memref<640x64xf32, #tpu.memory_space<vmem>>, vector<16xf32>,
      tpu.vector_store %arg18[%swap3A_99, %swap3A_100], %mul3A_98 {strides = array<i32>} : memref<640x64xf32, #tpu.memory_space<vmem>>, vector<16xf32>,
      %mul3A_102 = arith.constant 16 : i32
      %mul3A_103 = arith.muli %scan3A_58, %mul3A_102 : i32
      %add3A_104 = arith.constant 0 : i32
      %add3A_105 = arith.addi %add3A_104, %mul3A_103 : i32
      %add3A_106 = arith.constant 1 : i32
      %add3A_107 = arith.addi %add3A_105, %add3A_106 : i32
      %slice3A_108 = vector.extract_strided_slice %div3A_67 {offsets = [1], sizes = [1], strides = [1]} : vector<16xf32> to vector<1xf32>
      %squeeze3A_109 = vector.extract %slice3A_108[0] : f32 from vector<1xf32>
      %broadcast_in_dim3A_110 = vector.broadcast %squeeze3A_109 : f32 to vector<16xf32>
      %get3A_111 = arith.index_cast %add3A_107 : i32 to index
      %get3A_112 = arith.constant 0 : index
      %get3A_113 = tpu.vector_load %arg18[%get3A_111, %get3A_112] {strides = array<i32>} : memref<640x64xf32, #tpu.memory_space<vmem>>, vector<16xf32>,
      %mul3A_114 = arith.mulf %get3A_113, %broadcast_in_dim3A_110 : vector<16xf32>
      %swap3A_115 = arith.index_cast %add3A_107 : i32 to index
      %swap3A_116 = arith.constant 0 : index
      %swap3A_117 = tpu.vector_load %arg18[%swap3A_115, %swap3A_116] {strides = array<i32>} : memref<640x64xf32, #tpu.memory_space<vmem>>, vector<16xf32>,
      tpu.vector_store %arg18[%swap3A_115, %swap3A_116], %mul3A_114 {strides = array<i32>} : memref<640x64xf32, #tpu.memory_space<vmem>>, vector<16xf32>,
      %get3A_118 = arith.index_cast %add3A_107 : i32 to index
      %get3A_119 = arith.constant 16 : index
      %get3A_120 = tpu.vector_load %arg18[%get3A_118, %get3A_119] {strides = array<i32>} : memref<640x64xf32, #tpu.memory_space<vmem>>, vector<16xf32>,
      %mul3A_121 = arith.mulf %get3A_120, %broadcast_in_dim3A_110 : vector<16xf32>
      %swap3A_122 = arith.index_cast %add3A_107 : i32 to index
      %swap3A_123 = arith.constant 16 : index
      %swap3A_124 = tpu.vector_load %arg18[%swap3A_122, %swap3A_123] {strides = array<i32>} : memref<640x64xf32, #tpu.memory_space<vmem>>, vector<16xf32>,
      tpu.vector_store %arg18[%swap3A_122, %swap3A_123], %mul3A_121 {strides = array<i32>} : memref<640x64xf32, #tpu.memory_space<vmem>>, vector<16xf32>,
      %get3A_125 = arith.index_cast %add3A_107 : i32 to index
      %get3A_126 = arith.constant 32 : index
      %get3A_127 = tpu.vector_load %arg18[%get3A_125, %get3A_126] {strides = array<i32>} : memref<640x64xf32, #tpu.memory_space<vmem>>, vector<16xf32>,
      %mul3A_128 = arith.mulf %get3A_127, %broadcast_in_dim3A_110 : vector<16xf32>
      %swap3A_129 = arith.index_cast %add3A_107 : i32 to index
      %swap3A_130 = arith.constant 32 : index
      %swap3A_131 = tpu.vector_load %arg18[%swap3A_129, %swap3A_130] {strides = array<i32>} : memref<640x64xf32, #tpu.memory_space<vmem>>, vector<16xf32>,
      tpu.vector_store %arg18[%swap3A_129, %swap3A_130], %mul3A_128 {strides = array<i32>} : memref<640x64xf32, #tpu.memory_space<vmem>>, vector<16xf32>,
      %get3A_132 = arith.index_cast %add3A_107 : i32 to index
      %get3A_133 = arith.constant 48 : index
      %get3A_134 = tpu.vector_load %arg18[%get3A_132, %get3A_133] {strides = array<i32>} : memref<640x64xf32, #tpu.memory_space<vmem>>, vector<16xf32>,
      %mul3A_135 = arith.mulf %get3A_134, %broadcast_in_dim3A_110 : vector<16xf32>
      %swap3A_136 = arith.index_cast %add3A_107 : i32 to index
      %swap3A_137 = arith.constant 48 : index
      %swap3A_138 = tpu.vector_load %arg18[%swap3A_136, %swap3A_137] {strides = array<i32>} : memref<640x64xf32, #tpu.memory_space<vmem>>, vector<16xf32>,
      tpu.vector_store %arg18[%swap3A_136, %swap3A_137], %mul3A_135 {strides = array<i32>} : memref<640x64xf32, #tpu.memory_space<vmem>>, vector<16xf32>,
      %mul3A_139 = arith.constant 16 : i32
      %mul3A_140 = arith.muli %scan3A_58, %mul3A_139 : i32
      %add3A_141 = arith.constant 0 : i32
      %add3A_142 = arith.addi %add3A_141, %mul3A_140 : i32
      %add3A_143 = arith.constant 2 : i32
      %add3A_144 = arith.addi %add3A_142, %add3A_143 : i32
      %slice3A_145 = vector.extract_strided_slice %div3A_67 {offsets = [2], sizes = [1], strides = [1]} : vector<16xf32> to vector<1xf32>
      %squeeze3A_146 = vector.extract %slice3A_145[0] : f32 from vector<1xf32>
      %broadcast_in_dim3A_147 = vector.broadcast %squeeze3A_146 : f32 to vector<16xf32>
      %get3A_148 = arith.index_cast %add3A_144 : i32 to index
      %get3A_149 = arith.constant 0 : index
      %get3A_150 = tpu.vector_load %arg18[%get3A_148, %get3A_149] {strides = array<i32>} : memref<640x64xf32, #tpu.memory_space<vmem>>, vector<16xf32>,
      %mul3A_151 = arith.mulf %get3A_150, %broadcast_in_dim3A_147 : vector<16xf32>
      %swap3A_152 = arith.index_cast %add3A_144 : i32 to index
      %swap3A_153 = arith.constant 0 : index
      %swap3A_154 = tpu.vector_load %arg18[%swap3A_152, %swap3A_153] {strides = array<i32>} : memref<640x64xf32, #tpu.memory_space<vmem>>, vector<16xf32>,
      tpu.vector_store %arg18[%swap3A_152, %swap3A_153], %mul3A_151 {strides = array<i32>} : memref<640x64xf32, #tpu.memory_space<vmem>>, vector<16xf32>,
      %get3A_155 = arith.index_cast %add3A_144 : i32 to index
      %get3A_156 = arith.constant 16 : index
      %get3A_157 = tpu.vector_load %arg18[%get3A_155, %get3A_156] {strides = array<i32>} : memref<640x64xf32, #tpu.memory_space<vmem>>, vector<16xf32>,
      %mul3A_158 = arith.mulf %get3A_157, %broadcast_in_dim3A_147 : vector<16xf32>
      %swap3A_159 = arith.index_cast %add3A_144 : i32 to index
      %swap3A_160 = arith.constant 16 : index
      %swap3A_161 = tpu.vector_load %arg18[%swap3A_159, %swap3A_160] {strides = array<i32>} : memref<640x64xf32, #tpu.memory_space<vmem>>, vector<16xf32>,
      tpu.vector_store %arg18[%swap3A_159, %swap3A_160], %mul3A_158 {strides = array<i32>} : memref<640x64xf32, #tpu.memory_space<vmem>>, vector<16xf32>,
      %get3A_162 = arith.index_cast %add3A_144 : i32 to index
      %get3A_163 = arith.constant 32 : index
      %get3A_164 = tpu.vector_load %arg18[%get3A_162, %get3A_163] {strides = array<i32>} : memref<640x64xf32, #tpu.memory_space<vmem>>, vector<16xf32>,
      %mul3A_165 = arith.mulf %get3A_164, %broadcast_in_dim3A_147 : vector<16xf32>
      %swap3A_166 = arith.index_cast %add3A_144 : i32 to index
      %swap3A_167 = arith.constant 32 : index
      %swap3A_168 = tpu.vector_load %arg18[%swap3A_166, %swap3A_167] {strides = array<i32>} : memref<640x64xf32, #tpu.memory_space<vmem>>, vector<16xf32>,
      tpu.vector_store %arg18[%swap3A_166, %swap3A_167], %mul3A_165 {strides = array<i32>} : memref<640x64xf32, #tpu.memory_space<vmem>>, vector<16xf32>,
      %get3A_169 = arith.index_cast %add3A_144 : i32 to index
      %get3A_170 = arith.constant 48 : index
      %get3A_171 = tpu.vector_load %arg18[%get3A_169, %get3A_170] {strides = array<i32>} : memref<640x64xf32, #tpu.memory_space<vmem>>, vector<16xf32>,
      %mul3A_172 = arith.mulf %get3A_171, %broadcast_in_dim3A_147 : vector<16xf32>
      %swap3A_173 = arith.index_cast %add3A_144 : i32 to index
      %swap3A_174 = arith.constant 48 : index
      %swap3A_175 = tpu.vector_load %arg18[%swap3A_173, %swap3A_174] {strides = array<i32>} : memref<640x64xf32, #tpu.memory_space<vmem>>, vector<16xf32>,
      tpu.vector_store %arg18[%swap3A_173, %swap3A_174], %mul3A_172 {strides = array<i32>} : memref<640x64xf32, #tpu.memory_space<vmem>>, vector<16xf32>,
      %mul3A_176 = arith.constant 16 : i32
      %mul3A_177 = arith.muli %scan3A_58, %mul3A_176 : i32
      %add3A_178 = arith.constant 0 : i32
      %add3A_179 = arith.addi %add3A_178, %mul3A_177 : i32
      %add3A_180 = arith.constant 3 : i32
      %add3A_181 = arith.addi %add3A_179, %add3A_180 : i32
      %slice3A_182 = vector.extract_strided_slice %div3A_67 {offsets = [3], sizes = [1], strides = [1]} : vector<16xf32> to vector<1xf32>
      %squeeze3A_183 = vector.extract %slice3A_182[0] : f32 from vector<1xf32>
      %broadcast_in_dim3A_184 = vector.broadcast %squeeze3A_183 : f32 to vector<16xf32>
      %get3A_185 = arith.index_cast %add3A_181 : i32 to index
      %get3A_186 = arith.constant 0 : index
      %get3A_187 = tpu.vector_load %arg18[%get3A_185, %get3A_186] {strides = array<i32>} : memref<640x64xf32, #tpu.memory_space<vmem>>, vector<16xf32>,
      %mul3A_188 = arith.mulf %get3A_187, %broadcast_in_dim3A_184 : vector<16xf32>
      %swap3A_189 = arith.index_cast %add3A_181 : i32 to index
      %swap3A_190 = arith.constant 0 : index
      %swap3A_191 = tpu.vector_load %arg18[%swap3A_189, %swap3A_190] {strides = array<i32>} : memref<640x64xf32, #tpu.memory_space<vmem>>, vector<16xf32>,
      tpu.vector_store %arg18[%swap3A_189, %swap3A_190], %mul3A_188 {strides = array<i32>} : memref<640x64xf32, #tpu.memory_space<vmem>>, vector<16xf32>,
      %get3A_192 = arith.index_cast %add3A_181 : i32 to index
      %get3A_193 = arith.constant 16 : index
      %get3A_194 = tpu.vector_load %arg18[%get3A_192, %get3A_193] {strides = array<i32>} : memref<640x64xf32, #tpu.memory_space<vmem>>, vector<16xf32>,
      %mul3A_195 = arith.mulf %get3A_194, %broadcast_in_dim3A_184 : vector<16xf32>
      %swap3A_196 = arith.index_cast %add3A_181 : i32 to index
      %swap3A_197 = arith.constant 16 : index
      %swap3A_198 = tpu.vector_load %arg18[%swap3A_196, %swap3A_197] {strides = array<i32>} : memref<640x64xf32, #tpu.memory_space<vmem>>, vector<16xf32>,
      tpu.vector_store %arg18[%swap3A_196, %swap3A_197], %mul3A_195 {strides = array<i32>} : memref<640x64xf32, #tpu.memory_space<vmem>>, vector<16xf32>,
      %get3A_199 = arith.index_cast %add3A_181 : i32 to index
      %get3A_200 = arith.constant 32 : index
      %get3A_201 = tpu.vector_load %arg18[%get3A_199, %get3A_200] {strides = array<i32>} : memref<640x64xf32, #tpu.memory_space<vmem>>, vector<16xf32>,
      %mul3A_202 = arith.mulf %get3A_201, %broadcast_in_dim3A_184 : vector<16xf32>
      %swap3A_203 = arith.index_cast %add3A_181 : i32 to index
      %swap3A_204 = arith.constant 32 : index
      %swap3A_205 = tpu.vector_load %arg18[%swap3A_203, %swap3A_204] {strides = array<i32>} : memref<640x64xf32, #tpu.memory_space<vmem>>, vector<16xf32>,
      tpu.vector_store %arg18[%swap3A_203, %swap3A_204], %mul3A_202 {strides = array<i32>} : memref<640x64xf32, #tpu.memory_space<vmem>>, vector<16xf32>,
      %get3A_206 = arith.index_cast %add3A_181 : i32 to index
      %get3A_207 = arith.constant 48 : index
      %get3A_208 = tpu.vector_load %arg18[%get3A_206, %get3A_207] {strides = array<i32>} : memref<640x64xf32, #tpu.memory_space<vmem>>, vector<16xf32>,
      %mul3A_209 = arith.mulf %get3A_208, %broadcast_in_dim3A_184 : vector<16xf32>
      %swap3A_210 = arith.index_cast %add3A_181 : i32 to index
      %swap3A_211 = arith.constant 48 : index
      %swap3A_212 = tpu.vector_load %arg18[%swap3A_210, %swap3A_211] {strides = array<i32>} : memref<640x64xf32, #tpu.memory_space<vmem>>, vector<16xf32>,
      tpu.vector_store %arg18[%swap3A_210, %swap3A_211], %mul3A_209 {strides = array<i32>} : memref<640x64xf32, #tpu.memory_space<vmem>>, vector<16xf32>,
      %mul3A_213 = arith.constant 16 : i32
      %mul3A_214 = arith.muli %scan3A_58, %mul3A_213 : i32
      %add3A_215 = arith.constant 0 : i32
      %add3A_216 = arith.addi %add3A_215, %mul3A_214 : i32
      %add3A_217 = arith.constant 4 : i32
      %add3A_218 = arith.addi %add3A_216, %add3A_217 : i32
      %slice3A_219 = vector.extract_strided_slice %div3A_67 {offsets = [4], sizes = [1], strides = [1]} : vector<16xf32> to vector<1xf32>
      %squeeze3A_220 = vector.extract %slice3A_219[0] : f32 from vector<1xf32>
      %broadcast_in_dim3A_221 = vector.broadcast %squeeze3A_220 : f32 to vector<16xf32>
      %get3A_222 = arith.index_cast %add3A_218 : i32 to index
      %get3A_223 = arith.constant 0 : index
      %get3A_224 = tpu.vector_load %arg18[%get3A_222, %get3A_223] {strides = array<i32>} : memref<640x64xf32, #tpu.memory_space<vmem>>, vector<16xf32>,
      %mul3A_225 = arith.mulf %get3A_224, %broadcast_in_dim3A_221 : vector<16xf32>
      %swap3A_226 = arith.index_cast %add3A_218 : i32 to index
      %swap3A_227 = arith.constant 0 : index
      %swap3A_228 = tpu.vector_load %arg18[%swap3A_226, %swap3A_227] {strides = array<i32>} : memref<640x64xf32, #tpu.memory_space<vmem>>, vector<16xf32>,
      tpu.vector_store %arg18[%swap3A_226, %swap3A_227], %mul3A_225 {strides = array<i32>} : memref<640x64xf32, #tpu.memory_space<vmem>>, vector<16xf32>,
      %get3A_229 = arith.index_cast %add3A_218 : i32 to index
      %get3A_230 = arith.constant 16 : index
      %get3A_231 = tpu.vector_load %arg18[%get3A_229, %get3A_230] {strides = array<i32>} : memref<640x64xf32, #tpu.memory_space<vmem>>, vector<16xf32>,
      %mul3A_232 = arith.mulf %get3A_231, %broadcast_in_dim3A_221 : vector<16xf32>
      %swap3A_233 = arith.index_cast %add3A_218 : i32 to index
      %swap3A_234 = arith.constant 16 : index
      %swap3A_235 = tpu.vector_load %arg18[%swap3A_233, %swap3A_234] {strides = array<i32>} : memref<640x64xf32, #tpu.memory_space<vmem>>, vector<16xf32>,
      tpu.vector_store %arg18[%swap3A_233, %swap3A_234], %mul3A_232 {strides = array<i32>} : memref<640x64xf32, #tpu.memory_space<vmem>>, vector<16xf32>,
      %get3A_236 = arith.index_cast %add3A_218 : i32 to index
      %get3A_237 = arith.constant 32 : index
      %get3A_238 = tpu.vector_load %arg18[%get3A_236, %get3A_237] {strides = array<i32>} : memref<640x64xf32, #tpu.memory_space<vmem>>, vector<16xf32>,
      %mul3A_239 = arith.mulf %get3A_238, %broadcast_in_dim3A_221 : vector<16xf32>
      %swap3A_240 = arith.index_cast %add3A_218 : i32 to index
      %swap3A_241 = arith.constant 32 : index
      %swap3A_242 = tpu.vector_load %arg18[%swap3A_240, %swap3A_241] {strides = array<i32>} : memref<640x64xf32, #tpu.memory_space<vmem>>, vector<16xf32>,
      tpu.vector_store %arg18[%swap3A_240, %swap3A_241], %mul3A_239 {strides = array<i32>} : memref<640x64xf32, #tpu.memory_space<vmem>>, vector<16xf32>,
      %get3A_243 = arith.index_cast %add3A_218 : i32 to index
      %get3A_244 = arith.constant 48 : index
      %get3A_245 = tpu.vector_load %arg18[%get3A_243, %get3A_244] {strides = array<i32>} : memref<640x64xf32, #tpu.memory_space<vmem>>, vector<16xf32>,
      %mul3A_246 = arith.mulf %get3A_245, %broadcast_in_dim3A_221 : vector<16xf32>
      %swap3A_247 = arith.index_cast %add3A_218 : i32 to index
      %swap3A_248 = arith.constant 48 : index
      %swap3A_249 = tpu.vector_load %arg18[%swap3A_247, %swap3A_248] {strides = array<i32>} : memref<640x64xf32, #tpu.memory_space<vmem>>, vector<16xf32>,
      tpu.vector_store %arg18[%swap3A_247, %swap3A_248], %mul3A_246 {strides = array<i32>} : memref<640x64xf32, #tpu.memory_space<vmem>>, vector<16xf32>,
      %mul3A_250 = arith.constant 16 : i32
      %mul3A_251 = arith.muli %scan3A_58, %mul3A_250 : i32
      %add3A_252 = arith.constant 0 : i32
      %add3A_253 = arith.addi %add3A_252, %mul3A_251 : i32
      %add3A_254 = arith.constant 5 : i32
      %add3A_255 = arith.addi %add3A_253, %add3A_254 : i32
      %slice3A_256 = vector.extract_strided_slice %div3A_67 {offsets = [5], sizes = [1], strides = [1]} : vector<16xf32> to vector<1xf32>
      %squeeze3A_257 = vector.extract %slice3A_256[0] : f32 from vector<1xf32>
      %broadcast_in_dim3A_258 = vector.broadcast %squeeze3A_257 : f32 to vector<16xf32>
      %get3A_259 = arith.index_cast %add3A_255 : i32 to index
      %get3A_260 = arith.constant 0 : index
      %get3A_261 = tpu.vector_load %arg18[%get3A_259, %get3A_260] {strides = array<i32>} : memref<640x64xf32, #tpu.memory_space<vmem>>, vector<16xf32>,
      %mul3A_262 = arith.mulf %get3A_261, %broadcast_in_dim3A_258 : vector<16xf32>
      %swap3A_263 = arith.index_cast %add3A_255 : i32 to index
      %swap3A_264 = arith.constant 0 : index
      %swap3A_265 = tpu.vector_load %arg18[%swap3A_263, %swap3A_264] {strides = array<i32>} : memref<640x64xf32, #tpu.memory_space<vmem>>, vector<16xf32>,
      tpu.vector_store %arg18[%swap3A_263, %swap3A_264], %mul3A_262 {strides = array<i32>} : memref<640x64xf32, #tpu.memory_space<vmem>>, vector<16xf32>,
      %get3A_266 = arith.index_cast %add3A_255 : i32 to index
      %get3A_267 = arith.constant 16 : index
      %get3A_268 = tpu.vector_load %arg18[%get3A_266, %get3A_267] {strides = array<i32>} : memref<640x64xf32, #tpu.memory_space<vmem>>, vector<16xf32>,
      %mul3A_269 = arith.mulf %get3A_268, %broadcast_in_dim3A_258 : vector<16xf32>
      %swap3A_270 = arith.index_cast %add3A_255 : i32 to index
      %swap3A_271 = arith.constant 16 : index
      %swap3A_272 = tpu.vector_load %arg18[%swap3A_270, %swap3A_271] {strides = array<i32>} : memref<640x64xf32, #tpu.memory_space<vmem>>, vector<16xf32>,
      tpu.vector_store %arg18[%swap3A_270, %swap3A_271], %mul3A_269 {strides = array<i32>} : memref<640x64xf32, #tpu.memory_space<vmem>>, vector<16xf32>,
      %get3A_273 = arith.index_cast %add3A_255 : i32 to index
      %get3A_274 = arith.constant 32 : index
      %get3A_275 = tpu.vector_load %arg18[%get3A_273, %get3A_274] {strides = array<i32>} : memref<640x64xf32, #tpu.memory_space<vmem>>, vector<16xf32>,
      %mul3A_276 = arith.mulf %get3A_275, %broadcast_in_dim3A_258 : vector<16xf32>
      %swap3A_277 = arith.index_cast %add3A_255 : i32 to index
      %swap3A_278 = arith.constant 32 : index
      %swap3A_279 = tpu.vector_load %arg18[%swap3A_277, %swap3A_278] {strides = array<i32>} : memref<640x64xf32, #tpu.memory_space<vmem>>, vector<16xf32>,
      tpu.vector_store %arg18[%swap3A_277, %swap3A_278], %mul3A_276 {strides = array<i32>} : memref<640x64xf32, #tpu.memory_space<vmem>>, vector<16xf32>,
      %get3A_280 = arith.index_cast %add3A_255 : i32 to index
      %get3A_281 = arith.constant 48 : index
      %get3A_282 = tpu.vector_load %arg18[%get3A_280, %get3A_281] {strides = array<i32>} : memref<640x64xf32, #tpu.memory_space<vmem>>, vector<16xf32>,
      %mul3A_283 = arith.mulf %get3A_282, %broadcast_in_dim3A_258 : vector<16xf32>
      %swap3A_284 = arith.index_cast %add3A_255 : i32 to index
      %swap3A_285 = arith.constant 48 : index
      %swap3A_286 = tpu.vector_load %arg18[%swap3A_284, %swap3A_285] {strides = array<i32>} : memref<640x64xf32, #tpu.memory_space<vmem>>, vector<16xf32>,
      tpu.vector_store %arg18[%swap3A_284, %swap3A_285], %mul3A_283 {strides = array<i32>} : memref<640x64xf32, #tpu.memory_space<vmem>>, vector<16xf32>,
      %mul3A_287 = arith.constant 16 : i32
      %mul3A_288 = arith.muli %scan3A_58, %mul3A_287 : i32
      %add3A_289 = arith.constant 0 : i32
      %add3A_290 = arith.addi %add3A_289, %mul3A_288 : i32
      %add3A_291 = arith.constant 6 : i32
      %add3A_292 = arith.addi %add3A_290, %add3A_291 : i32
      %slice3A_293 = vector.extract_strided_slice %div3A_67 {offsets = [6], sizes = [1], strides = [1]} : vector<16xf32> to vector<1xf32>
      %squeeze3A_294 = vector.extract %slice3A_293[0] : f32 from vector<1xf32>
      %broadcast_in_dim3A_295 = vector.broadcast %squeeze3A_294 : f32 to vector<16xf32>
      %get3A_296 = arith.index_cast %add3A_292 : i32 to index
      %get3A_297 = arith.constant 0 : index
      %get3A_298 = tpu.vector_load %arg18[%get3A_296, %get3A_297] {strides = array<i32>} : memref<640x64xf32, #tpu.memory_space<vmem>>, vector<16xf32>,
      %mul3A_299 = arith.mulf %get3A_298, %broadcast_in_dim3A_295 : vector<16xf32>
      %swap3A_300 = arith.index_cast %add3A_292 : i32 to index
      %swap3A_301 = arith.constant 0 : index
      %swap3A_302 = tpu.vector_load %arg18[%swap3A_300, %swap3A_301] {strides = array<i32>} : memref<640x64xf32, #tpu.memory_space<vmem>>, vector<16xf32>,
      tpu.vector_store %arg18[%swap3A_300, %swap3A_301], %mul3A_299 {strides = array<i32>} : memref<640x64xf32, #tpu.memory_space<vmem>>, vector<16xf32>,
      %get3A_303 = arith.index_cast %add3A_292 : i32 to index
      %get3A_304 = arith.constant 16 : index
      %get3A_305 = tpu.vector_load %arg18[%get3A_303, %get3A_304] {strides = array<i32>} : memref<640x64xf32, #tpu.memory_space<vmem>>, vector<16xf32>,
      %mul3A_306 = arith.mulf %get3A_305, %broadcast_in_dim3A_295 : vector<16xf32>
      %swap3A_307 = arith.index_cast %add3A_292 : i32 to index
      %swap3A_308 = arith.constant 16 : index
      %swap3A_309 = tpu.vector_load %arg18[%swap3A_307, %swap3A_308] {strides = array<i32>} : memref<640x64xf32, #tpu.memory_space<vmem>>, vector<16xf32>,
      tpu.vector_store %arg18[%swap3A_307, %swap3A_308], %mul3A_306 {strides = array<i32>} : memref<640x64xf32, #tpu.memory_space<vmem>>, vector<16xf32>,
      %get3A_310 = arith.index_cast %add3A_292 : i32 to index
      %get3A_311 = arith.constant 32 : index
      %get3A_312 = tpu.vector_load %arg18[%get3A_310, %get3A_311] {strides = array<i32>} : memref<640x64xf32, #tpu.memory_space<vmem>>, vector<16xf32>,
      %mul3A_313 = arith.mulf %get3A_312, %broadcast_in_dim3A_295 : vector<16xf32>
      %swap3A_314 = arith.index_cast %add3A_292 : i32 to index
      %swap3A_315 = arith.constant 32 : index
      %swap3A_316 = tpu.vector_load %arg18[%swap3A_314, %swap3A_315] {strides = array<i32>} : memref<640x64xf32, #tpu.memory_space<vmem>>, vector<16xf32>,
      tpu.vector_store %arg18[%swap3A_314, %swap3A_315], %mul3A_313 {strides = array<i32>} : memref<640x64xf32, #tpu.memory_space<vmem>>, vector<16xf32>,
      %get3A_317 = arith.index_cast %add3A_292 : i32 to index
      %get3A_318 = arith.constant 48 : index
      %get3A_319 = tpu.vector_load %arg18[%get3A_317, %get3A_318] {strides = array<i32>} : memref<640x64xf32, #tpu.memory_space<vmem>>, vector<16xf32>,
      %mul3A_320 = arith.mulf %get3A_319, %broadcast_in_dim3A_295 : vector<16xf32>
      %swap3A_321 = arith.index_cast %add3A_292 : i32 to index
      %swap3A_322 = arith.constant 48 : index
      %swap3A_323 = tpu.vector_load %arg18[%swap3A_321, %swap3A_322] {strides = array<i32>} : memref<640x64xf32, #tpu.memory_space<vmem>>, vector<16xf32>,
      tpu.vector_store %arg18[%swap3A_321, %swap3A_322], %mul3A_320 {strides = array<i32>} : memref<640x64xf32, #tpu.memory_space<vmem>>, vector<16xf32>,
      %mul3A_324 = arith.constant 16 : i32
      %mul3A_325 = arith.muli %scan3A_58, %mul3A_324 : i32
      %add3A_326 = arith.constant 0 : i32
      %add3A_327 = arith.addi %add3A_326, %mul3A_325 : i32
      %add3A_328 = arith.constant 7 : i32
      %add3A_329 = arith.addi %add3A_327, %add3A_328 : i32
      %slice3A_330 = vector.extract_strided_slice %div3A_67 {offsets = [7], sizes = [1], strides = [1]} : vector<16xf32> to vector<1xf32>
      %squeeze3A_331 = vector.extract %slice3A_330[0] : f32 from vector<1xf32>
      %broadcast_in_dim3A_332 = vector.broadcast %squeeze3A_331 : f32 to vector<16xf32>
      %get3A_333 = arith.index_cast %add3A_329 : i32 to index
      %get3A_334 = arith.constant 0 : index
      %get3A_335 = tpu.vector_load %arg18[%get3A_333, %get3A_334] {strides = array<i32>} : memref<640x64xf32, #tpu.memory_space<vmem>>, vector<16xf32>,
      %mul3A_336 = arith.mulf %get3A_335, %broadcast_in_dim3A_332 : vector<16xf32>
      %swap3A_337 = arith.index_cast %add3A_329 : i32 to index
      %swap3A_338 = arith.constant 0 : index
      %swap3A_339 = tpu.vector_load %arg18[%swap3A_337, %swap3A_338] {strides = array<i32>} : memref<640x64xf32, #tpu.memory_space<vmem>>, vector<16xf32>,
      tpu.vector_store %arg18[%swap3A_337, %swap3A_338], %mul3A_336 {strides = array<i32>} : memref<640x64xf32, #tpu.memory_space<vmem>>, vector<16xf32>,
      %get3A_340 = arith.index_cast %add3A_329 : i32 to index
      %get3A_341 = arith.constant 16 : index
      %get3A_342 = tpu.vector_load %arg18[%get3A_340, %get3A_341] {strides = array<i32>} : memref<640x64xf32, #tpu.memory_space<vmem>>, vector<16xf32>,
      %mul3A_343 = arith.mulf %get3A_342, %broadcast_in_dim3A_332 : vector<16xf32>
      %swap3A_344 = arith.index_cast %add3A_329 : i32 to index
      %swap3A_345 = arith.constant 16 : index
      %swap3A_346 = tpu.vector_load %arg18[%swap3A_344, %swap3A_345] {strides = array<i32>} : memref<640x64xf32, #tpu.memory_space<vmem>>, vector<16xf32>,
      tpu.vector_store %arg18[%swap3A_344, %swap3A_345], %mul3A_343 {strides = array<i32>} : memref<640x64xf32, #tpu.memory_space<vmem>>, vector<16xf32>,
      %get3A_347 = arith.index_cast %add3A_329 : i32 to index
      %get3A_348 = arith.constant 32 : index
      %get3A_349 = tpu.vector_load %arg18[%get3A_347, %get3A_348] {strides = array<i32>} : memref<640x64xf32, #tpu.memory_space<vmem>>, vector<16xf32>,
      %mul3A_350 = arith.mulf %get3A_349, %broadcast_in_dim3A_332 : vector<16xf32>
      %swap3A_351 = arith.index_cast %add3A_329 : i32 to index
      %swap3A_352 = arith.constant 32 : index
      %swap3A_353 = tpu.vector_load %arg18[%swap3A_351, %swap3A_352] {strides = array<i32>} : memref<640x64xf32, #tpu.memory_space<vmem>>, vector<16xf32>,
      tpu.vector_store %arg18[%swap3A_351, %swap3A_352], %mul3A_350 {strides = array<i32>} : memref<640x64xf32, #tpu.memory_space<vmem>>, vector<16xf32>,
      %get3A_354 = arith.index_cast %add3A_329 : i32 to index
      %get3A_355 = arith.constant 48 : index
      %get3A_356 = tpu.vector_load %arg18[%get3A_354, %get3A_355] {strides = array<i32>} : memref<640x64xf32, #tpu.memory_space<vmem>>, vector<16xf32>,
      %mul3A_357 = arith.mulf %get3A_356, %broadcast_in_dim3A_332 : vector<16xf32>
      %swap3A_358 = arith.index_cast %add3A_329 : i32 to index
      %swap3A_359 = arith.constant 48 : index
      %swap3A_360 = tpu.vector_load %arg18[%swap3A_358, %swap3A_359] {strides = array<i32>} : memref<640x64xf32, #tpu.memory_space<vmem>>, vector<16xf32>,
      tpu.vector_store %arg18[%swap3A_358, %swap3A_359], %mul3A_357 {strides = array<i32>} : memref<640x64xf32, #tpu.memory_space<vmem>>, vector<16xf32>,
      %mul3A_361 = arith.constant 16 : i32
      %mul3A_362 = arith.muli %scan3A_58, %mul3A_361 : i32
      %add3A_363 = arith.constant 0 : i32
      %add3A_364 = arith.addi %add3A_363, %mul3A_362 : i32
      %add3A_365 = arith.constant 8 : i32
      %add3A_366 = arith.addi %add3A_364, %add3A_365 : i32
      %slice3A_367 = vector.extract_strided_slice %div3A_67 {offsets = [8], sizes = [1], strides = [1]} : vector<16xf32> to vector<1xf32>
      %squeeze3A_368 = vector.extract %slice3A_367[0] : f32 from vector<1xf32>
      %broadcast_in_dim3A_369 = vector.broadcast %squeeze3A_368 : f32 to vector<16xf32>
      %get3A_370 = arith.index_cast %add3A_366 : i32 to index
      %get3A_371 = arith.constant 0 : index
      %get3A_372 = tpu.vector_load %arg18[%get3A_370, %get3A_371] {strides = array<i32>} : memref<640x64xf32, #tpu.memory_space<vmem>>, vector<16xf32>,
      %mul3A_373 = arith.mulf %get3A_372, %broadcast_in_dim3A_369 : vector<16xf32>
      %swap3A_374 = arith.index_cast %add3A_366 : i32 to index
      %swap3A_375 = arith.constant 0 : index
      %swap3A_376 = tpu.vector_load %arg18[%swap3A_374, %swap3A_375] {strides = array<i32>} : memref<640x64xf32, #tpu.memory_space<vmem>>, vector<16xf32>,
      tpu.vector_store %arg18[%swap3A_374, %swap3A_375], %mul3A_373 {strides = array<i32>} : memref<640x64xf32, #tpu.memory_space<vmem>>, vector<16xf32>,
      %get3A_377 = arith.index_cast %add3A_366 : i32 to index
      %get3A_378 = arith.constant 16 : index
      %get3A_379 = tpu.vector_load %arg18[%get3A_377, %get3A_378] {strides = array<i32>} : memref<640x64xf32, #tpu.memory_space<vmem>>, vector<16xf32>,
      %mul3A_380 = arith.mulf %get3A_379, %broadcast_in_dim3A_369 : vector<16xf32>
      %swap3A_381 = arith.index_cast %add3A_366 : i32 to index
      %swap3A_382 = arith.constant 16 : index
      %swap3A_383 = tpu.vector_load %arg18[%swap3A_381, %swap3A_382] {strides = array<i32>} : memref<640x64xf32, #tpu.memory_space<vmem>>, vector<16xf32>,
      tpu.vector_store %arg18[%swap3A_381, %swap3A_382], %mul3A_380 {strides = array<i32>} : memref<640x64xf32, #tpu.memory_space<vmem>>, vector<16xf32>,
      %get3A_384 = arith.index_cast %add3A_366 : i32 to index
      %get3A_385 = arith.constant 32 : index
      %get3A_386 = tpu.vector_load %arg18[%get3A_384, %get3A_385] {strides = array<i32>} : memref<640x64xf32, #tpu.memory_space<vmem>>, vector<16xf32>,
      %mul3A_387 = arith.mulf %get3A_386, %broadcast_in_dim3A_369 : vector<16xf32>
      %swap3A_388 = arith.index_cast %add3A_366 : i32 to index
      %swap3A_389 = arith.constant 32 : index
      %swap3A_390 = tpu.vector_load %arg18[%swap3A_388, %swap3A_389] {strides = array<i32>} : memref<640x64xf32, #tpu.memory_space<vmem>>, vector<16xf32>,
      tpu.vector_store %arg18[%swap3A_388, %swap3A_389], %mul3A_387 {strides = array<i32>} : memref<640x64xf32, #tpu.memory_space<vmem>>, vector<16xf32>,
      %get3A_391 = arith.index_cast %add3A_366 : i32 to index
      %get3A_392 = arith.constant 48 : index
      %get3A_393 = tpu.vector_load %arg18[%get3A_391, %get3A_392] {strides = array<i32>} : memref<640x64xf32, #tpu.memory_space<vmem>>, vector<16xf32>,
      %mul3A_394 = arith.mulf %get3A_393, %broadcast_in_dim3A_369 : vector<16xf32>
      %swap3A_395 = arith.index_cast %add3A_366 : i32 to index
      %swap3A_396 = arith.constant 48 : index
      %swap3A_397 = tpu.vector_load %arg18[%swap3A_395, %swap3A_396] {strides = array<i32>} : memref<640x64xf32, #tpu.memory_space<vmem>>, vector<16xf32>,
      tpu.vector_store %arg18[%swap3A_395, %swap3A_396], %mul3A_394 {strides = array<i32>} : memref<640x64xf32, #tpu.memory_space<vmem>>, vector<16xf32>,
      %mul3A_398 = arith.constant 16 : i32
      %mul3A_399 = arith.muli %scan3A_58, %mul3A_398 : i32
      %add3A_400 = arith.constant 0 : i32
      %add3A_401 = arith.addi %add3A_400, %mul3A_399 : i32
      %add3A_402 = arith.constant 9 : i32
      %add3A_403 = arith.addi %add3A_401, %add3A_402 : i32
      %slice3A_404 = vector.extract_strided_slice %div3A_67 {offsets = [9], sizes = [1], strides = [1]} : vector<16xf32> to vector<1xf32>
      %squeeze3A_405 = vector.extract %slice3A_404[0] : f32 from vector<1xf32>
      %broadcast_in_dim3A_406 = vector.broadcast %squeeze3A_405 : f32 to vector<16xf32>
      %get3A_407 = arith.index_cast %add3A_403 : i32 to index
      %get3A_408 = arith.constant 0 : index
      %get3A_409 = tpu.vector_load %arg18[%get3A_407, %get3A_408] {strides = array<i32>} : memref<640x64xf32, #tpu.memory_space<vmem>>, vector<16xf32>,
      %mul3A_410 = arith.mulf %get3A_409, %broadcast_in_dim3A_406 : vector<16xf32>
      %swap3A_411 = arith.index_cast %add3A_403 : i32 to index
      %swap3A_412 = arith.constant 0 : index
      %swap3A_413 = tpu.vector_load %arg18[%swap3A_411, %swap3A_412] {strides = array<i32>} : memref<640x64xf32, #tpu.memory_space<vmem>>, vector<16xf32>,
      tpu.vector_store %arg18[%swap3A_411, %swap3A_412], %mul3A_410 {strides = array<i32>} : memref<640x64xf32, #tpu.memory_space<vmem>>, vector<16xf32>,
      %get3A_414 = arith.index_cast %add3A_403 : i32 to index
      %get3A_415 = arith.constant 16 : index
      %get3A_416 = tpu.vector_load %arg18[%get3A_414, %get3A_415] {strides = array<i32>} : memref<640x64xf32, #tpu.memory_space<vmem>>, vector<16xf32>,
      %mul3A_417 = arith.mulf %get3A_416, %broadcast_in_dim3A_406 : vector<16xf32>
      %swap3A_418 = arith.index_cast %add3A_403 : i32 to index
      %swap3A_419 = arith.constant 16 : index
      %swap3A_420 = tpu.vector_load %arg18[%swap3A_418, %swap3A_419] {strides = array<i32>} : memref<640x64xf32, #tpu.memory_space<vmem>>, vector<16xf32>,
      tpu.vector_store %arg18[%swap3A_418, %swap3A_419], %mul3A_417 {strides = array<i32>} : memref<640x64xf32, #tpu.memory_space<vmem>>, vector<16xf32>,
      %get3A_421 = arith.index_cast %add3A_403 : i32 to index
      %get3A_422 = arith.constant 32 : index
      %get3A_423 = tpu.vector_load %arg18[%get3A_421, %get3A_422] {strides = array<i32>} : memref<640x64xf32, #tpu.memory_space<vmem>>, vector<16xf32>,
      %mul3A_424 = arith.mulf %get3A_423, %broadcast_in_dim3A_406 : vector<16xf32>
      %swap3A_425 = arith.index_cast %add3A_403 : i32 to index
      %swap3A_426 = arith.constant 32 : index
      %swap3A_427 = tpu.vector_load %arg18[%swap3A_425, %swap3A_426] {strides = array<i32>} : memref<640x64xf32, #tpu.memory_space<vmem>>, vector<16xf32>,
      tpu.vector_store %arg18[%swap3A_425, %swap3A_426], %mul3A_424 {strides = array<i32>} : memref<640x64xf32, #tpu.memory_space<vmem>>, vector<16xf32>,
      %get3A_428 = arith.index_cast %add3A_403 : i32 to index
      %get3A_429 = arith.constant 48 : index
      %get3A_430 = tpu.vector_load %arg18[%get3A_428, %get3A_429] {strides = array<i32>} : memref<640x64xf32, #tpu.memory_space<vmem>>, vector<16xf32>,
      %mul3A_431 = arith.mulf %get3A_430, %broadcast_in_dim3A_406 : vector<16xf32>
      %swap3A_432 = arith.index_cast %add3A_403 : i32 to index
      %swap3A_433 = arith.constant 48 : index
      %swap3A_434 = tpu.vector_load %arg18[%swap3A_432, %swap3A_433] {strides = array<i32>} : memref<640x64xf32, #tpu.memory_space<vmem>>, vector<16xf32>,
      tpu.vector_store %arg18[%swap3A_432, %swap3A_433], %mul3A_431 {strides = array<i32>} : memref<640x64xf32, #tpu.memory_space<vmem>>, vector<16xf32>,
      %mul3A_435 = arith.constant 16 : i32
      %mul3A_436 = arith.muli %scan3A_58, %mul3A_435 : i32
      %add3A_437 = arith.constant 0 : i32
      %add3A_438 = arith.addi %add3A_437, %mul3A_436 : i32
      %add3A_439 = arith.constant 10 : i32
      %add3A_440 = arith.addi %add3A_438, %add3A_439 : i32
      %slice3A_441 = vector.extract_strided_slice %div3A_67 {offsets = [10], sizes = [1], strides = [1]} : vector<16xf32> to vector<1xf32>
      %squeeze3A_442 = vector.extract %slice3A_441[0] : f32 from vector<1xf32>
      %broadcast_in_dim3A_443 = vector.broadcast %squeeze3A_442 : f32 to vector<16xf32>
      %get3A_444 = arith.index_cast %add3A_440 : i32 to index
      %get3A_445 = arith.constant 0 : index
      %get3A_446 = tpu.vector_load %arg18[%get3A_444, %get3A_445] {strides = array<i32>} : memref<640x64xf32, #tpu.memory_space<vmem>>, vector<16xf32>,
      %mul3A_447 = arith.mulf %get3A_446, %broadcast_in_dim3A_443 : vector<16xf32>
      %swap3A_448 = arith.index_cast %add3A_440 : i32 to index
      %swap3A_449 = arith.constant 0 : index
      %swap3A_450 = tpu.vector_load %arg18[%swap3A_448, %swap3A_449] {strides = array<i32>} : memref<640x64xf32, #tpu.memory_space<vmem>>, vector<16xf32>,
      tpu.vector_store %arg18[%swap3A_448, %swap3A_449], %mul3A_447 {strides = array<i32>} : memref<640x64xf32, #tpu.memory_space<vmem>>, vector<16xf32>,
      %get3A_451 = arith.index_cast %add3A_440 : i32 to index
      %get3A_452 = arith.constant 16 : index
      %get3A_453 = tpu.vector_load %arg18[%get3A_451, %get3A_452] {strides = array<i32>} : memref<640x64xf32, #tpu.memory_space<vmem>>, vector<16xf32>,
      %mul3A_454 = arith.mulf %get3A_453, %broadcast_in_dim3A_443 : vector<16xf32>
      %swap3A_455 = arith.index_cast %add3A_440 : i32 to index
      %swap3A_456 = arith.constant 16 : index
      %swap3A_457 = tpu.vector_load %arg18[%swap3A_455, %swap3A_456] {strides = array<i32>} : memref<640x64xf32, #tpu.memory_space<vmem>>, vector<16xf32>,
      tpu.vector_store %arg18[%swap3A_455, %swap3A_456], %mul3A_454 {strides = array<i32>} : memref<640x64xf32, #tpu.memory_space<vmem>>, vector<16xf32>,
      %get3A_458 = arith.index_cast %add3A_440 : i32 to index
      %get3A_459 = arith.constant 32 : index
      %get3A_460 = tpu.vector_load %arg18[%get3A_458, %get3A_459] {strides = array<i32>} : memref<640x64xf32, #tpu.memory_space<vmem>>, vector<16xf32>,
      %mul3A_461 = arith.mulf %get3A_460, %broadcast_in_dim3A_443 : vector<16xf32>
      %swap3A_462 = arith.index_cast %add3A_440 : i32 to index
      %swap3A_463 = arith.constant 32 : index
      %swap3A_464 = tpu.vector_load %arg18[%swap3A_462, %swap3A_463] {strides = array<i32>} : memref<640x64xf32, #tpu.memory_space<vmem>>, vector<16xf32>,
      tpu.vector_store %arg18[%swap3A_462, %swap3A_463], %mul3A_461 {strides = array<i32>} : memref<640x64xf32, #tpu.memory_space<vmem>>, vector<16xf32>,
      %get3A_465 = arith.index_cast %add3A_440 : i32 to index
      %get3A_466 = arith.constant 48 : index
      %get3A_467 = tpu.vector_load %arg18[%get3A_465, %get3A_466] {strides = array<i32>} : memref<640x64xf32, #tpu.memory_space<vmem>>, vector<16xf32>,
      %mul3A_468 = arith.mulf %get3A_467, %broadcast_in_dim3A_443 : vector<16xf32>
      %swap3A_469 = arith.index_cast %add3A_440 : i32 to index
      %swap3A_470 = arith.constant 48 : index
      %swap3A_471 = tpu.vector_load %arg18[%swap3A_469, %swap3A_470] {strides = array<i32>} : memref<640x64xf32, #tpu.memory_space<vmem>>, vector<16xf32>,
      tpu.vector_store %arg18[%swap3A_469, %swap3A_470], %mul3A_468 {strides = array<i32>} : memref<640x64xf32, #tpu.memory_space<vmem>>, vector<16xf32>,
      %mul3A_472 = arith.constant 16 : i32
      %mul3A_473 = arith.muli %scan3A_58, %mul3A_472 : i32
      %add3A_474 = arith.constant 0 : i32
      %add3A_475 = arith.addi %add3A_474, %mul3A_473 : i32
      %add3A_476 = arith.constant 11 : i32
      %add3A_477 = arith.addi %add3A_475, %add3A_476 : i32
      %slice3A_478 = vector.extract_strided_slice %div3A_67 {offsets = [11], sizes = [1], strides = [1]} : vector<16xf32> to vector<1xf32>
      %squeeze3A_479 = vector.extract %slice3A_478[0] : f32 from vector<1xf32>
      %broadcast_in_dim3A_480 = vector.broadcast %squeeze3A_479 : f32 to vector<16xf32>
      %get3A_481 = arith.index_cast %add3A_477 : i32 to index
      %get3A_482 = arith.constant 0 : index
      %get3A_483 = tpu.vector_load %arg18[%get3A_481, %get3A_482] {strides = array<i32>} : memref<640x64xf32, #tpu.memory_space<vmem>>, vector<16xf32>,
      %mul3A_484 = arith.mulf %get3A_483, %broadcast_in_dim3A_480 : vector<16xf32>
      %swap3A_485 = arith.index_cast %add3A_477 : i32 to index
      %swap3A_486 = arith.constant 0 : index
      %swap3A_487 = tpu.vector_load %arg18[%swap3A_485, %swap3A_486] {strides = array<i32>} : memref<640x64xf32, #tpu.memory_space<vmem>>, vector<16xf32>,
      tpu.vector_store %arg18[%swap3A_485, %swap3A_486], %mul3A_484 {strides = array<i32>} : memref<640x64xf32, #tpu.memory_space<vmem>>, vector<16xf32>,
      %get3A_488 = arith.index_cast %add3A_477 : i32 to index
      %get3A_489 = arith.constant 16 : index
      %get3A_490 = tpu.vector_load %arg18[%get3A_488, %get3A_489] {strides = array<i32>} : memref<640x64xf32, #tpu.memory_space<vmem>>, vector<16xf32>,
      %mul3A_491 = arith.mulf %get3A_490, %broadcast_in_dim3A_480 : vector<16xf32>
      %swap3A_492 = arith.index_cast %add3A_477 : i32 to index
      %swap3A_493 = arith.constant 16 : index
      %swap3A_494 = tpu.vector_load %arg18[%swap3A_492, %swap3A_493] {strides = array<i32>} : memref<640x64xf32, #tpu.memory_space<vmem>>, vector<16xf32>,
      tpu.vector_store %arg18[%swap3A_492, %swap3A_493], %mul3A_491 {strides = array<i32>} : memref<640x64xf32, #tpu.memory_space<vmem>>, vector<16xf32>,
      %get3A_495 = arith.index_cast %add3A_477 : i32 to index
      %get3A_496 = arith.constant 32 : index
      %get3A_497 = tpu.vector_load %arg18[%get3A_495, %get3A_496] {strides = array<i32>} : memref<640x64xf32, #tpu.memory_space<vmem>>, vector<16xf32>,
      %mul3A_498 = arith.mulf %get3A_497, %broadcast_in_dim3A_480 : vector<16xf32>
      %swap3A_499 = arith.index_cast %add3A_477 : i32 to index
      %swap3A_500 = arith.constant 32 : index
      %swap3A_501 = tpu.vector_load %arg18[%swap3A_499, %swap3A_500] {strides = array<i32>} : memref<640x64xf32, #tpu.memory_space<vmem>>, vector<16xf32>,
      tpu.vector_store %arg18[%swap3A_499, %swap3A_500], %mul3A_498 {strides = array<i32>} : memref<640x64xf32, #tpu.memory_space<vmem>>, vector<16xf32>,
      %get3A_502 = arith.index_cast %add3A_477 : i32 to index
      %get3A_503 = arith.constant 48 : index
      %get3A_504 = tpu.vector_load %arg18[%get3A_502, %get3A_503] {strides = array<i32>} : memref<640x64xf32, #tpu.memory_space<vmem>>, vector<16xf32>,
      %mul3A_505 = arith.mulf %get3A_504, %broadcast_in_dim3A_480 : vector<16xf32>
      %swap3A_506 = arith.index_cast %add3A_477 : i32 to index
      %swap3A_507 = arith.constant 48 : index
      %swap3A_508 = tpu.vector_load %arg18[%swap3A_506, %swap3A_507] {strides = array<i32>} : memref<640x64xf32, #tpu.memory_space<vmem>>, vector<16xf32>,
      tpu.vector_store %arg18[%swap3A_506, %swap3A_507], %mul3A_505 {strides = array<i32>} : memref<640x64xf32, #tpu.memory_space<vmem>>, vector<16xf32>,
      %mul3A_509 = arith.constant 16 : i32
      %mul3A_510 = arith.muli %scan3A_58, %mul3A_509 : i32
      %add3A_511 = arith.constant 0 : i32
      %add3A_512 = arith.addi %add3A_511, %mul3A_510 : i32
      %add3A_513 = arith.constant 12 : i32
      %add3A_514 = arith.addi %add3A_512, %add3A_513 : i32
      %slice3A_515 = vector.extract_strided_slice %div3A_67 {offsets = [12], sizes = [1], strides = [1]} : vector<16xf32> to vector<1xf32>
      %squeeze3A_516 = vector.extract %slice3A_515[0] : f32 from vector<1xf32>
      %broadcast_in_dim3A_517 = vector.broadcast %squeeze3A_516 : f32 to vector<16xf32>
      %get3A_518 = arith.index_cast %add3A_514 : i32 to index
      %get3A_519 = arith.constant 0 : index
      %get3A_520 = tpu.vector_load %arg18[%get3A_518, %get3A_519] {strides = array<i32>} : memref<640x64xf32, #tpu.memory_space<vmem>>, vector<16xf32>,
      %mul3A_521 = arith.mulf %get3A_520, %broadcast_in_dim3A_517 : vector<16xf32>
      %swap3A_522 = arith.index_cast %add3A_514 : i32 to index
      %swap3A_523 = arith.constant 0 : index
      %swap3A_524 = tpu.vector_load %arg18[%swap3A_522, %swap3A_523] {strides = array<i32>} : memref<640x64xf32, #tpu.memory_space<vmem>>, vector<16xf32>,
      tpu.vector_store %arg18[%swap3A_522, %swap3A_523], %mul3A_521 {strides = array<i32>} : memref<640x64xf32, #tpu.memory_space<vmem>>, vector<16xf32>,
      %get3A_525 = arith.index_cast %add3A_514 : i32 to index
      %get3A_526 = arith.constant 16 : index
      %get3A_527 = tpu.vector_load %arg18[%get3A_525, %get3A_526] {strides = array<i32>} : memref<640x64xf32, #tpu.memory_space<vmem>>, vector<16xf32>,
      %mul3A_528 = arith.mulf %get3A_527, %broadcast_in_dim3A_517 : vector<16xf32>
      %swap3A_529 = arith.index_cast %add3A_514 : i32 to index
      %swap3A_530 = arith.constant 16 : index
      %swap3A_531 = tpu.vector_load %arg18[%swap3A_529, %swap3A_530] {strides = array<i32>} : memref<640x64xf32, #tpu.memory_space<vmem>>, vector<16xf32>,
      tpu.vector_store %arg18[%swap3A_529, %swap3A_530], %mul3A_528 {strides = array<i32>} : memref<640x64xf32, #tpu.memory_space<vmem>>, vector<16xf32>,
      %get3A_532 = arith.index_cast %add3A_514 : i32 to index
      %get3A_533 = arith.constant 32 : index
      %get3A_534 = tpu.vector_load %arg18[%get3A_532, %get3A_533] {strides = array<i32>} : memref<640x64xf32, #tpu.memory_space<vmem>>, vector<16xf32>,
      %mul3A_535 = arith.mulf %get3A_534, %broadcast_in_dim3A_517 : vector<16xf32>
      %swap3A_536 = arith.index_cast %add3A_514 : i32 to index
      %swap3A_537 = arith.constant 32 : index
      %swap3A_538 = tpu.vector_load %arg18[%swap3A_536, %swap3A_537] {strides = array<i32>} : memref<640x64xf32, #tpu.memory_space<vmem>>, vector<16xf32>,
      tpu.vector_store %arg18[%swap3A_536, %swap3A_537], %mul3A_535 {strides = array<i32>} : memref<640x64xf32, #tpu.memory_space<vmem>>, vector<16xf32>,
      %get3A_539 = arith.index_cast %add3A_514 : i32 to index
      %get3A_540 = arith.constant 48 : index
      %get3A_541 = tpu.vector_load %arg18[%get3A_539, %get3A_540] {strides = array<i32>} : memref<640x64xf32, #tpu.memory_space<vmem>>, vector<16xf32>,
      %mul3A_542 = arith.mulf %get3A_541, %broadcast_in_dim3A_517 : vector<16xf32>
      %swap3A_543 = arith.index_cast %add3A_514 : i32 to index
      %swap3A_544 = arith.constant 48 : index
      %swap3A_545 = tpu.vector_load %arg18[%swap3A_543, %swap3A_544] {strides = array<i32>} : memref<640x64xf32, #tpu.memory_space<vmem>>, vector<16xf32>,
      tpu.vector_store %arg18[%swap3A_543, %swap3A_544], %mul3A_542 {strides = array<i32>} : memref<640x64xf32, #tpu.memory_space<vmem>>, vector<16xf32>,
      %mul3A_546 = arith.constant 16 : i32
      %mul3A_547 = arith.muli %scan3A_58, %mul3A_546 : i32
      %add3A_548 = arith.constant 0 : i32
      %add3A_549 = arith.addi %add3A_548, %mul3A_547 : i32
      %add3A_550 = arith.constant 13 : i32
      %add3A_551 = arith.addi %add3A_549, %add3A_550 : i32
      %slice3A_552 = vector.extract_strided_slice %div3A_67 {offsets = [13], sizes = [1], strides = [1]} : vector<16xf32> to vector<1xf32>
      %squeeze3A_553 = vector.extract %slice3A_552[0] : f32 from vector<1xf32>
      %broadcast_in_dim3A_554 = vector.broadcast %squeeze3A_553 : f32 to vector<16xf32>
      %get3A_555 = arith.index_cast %add3A_551 : i32 to index
      %get3A_556 = arith.constant 0 : index
      %get3A_557 = tpu.vector_load %arg18[%get3A_555, %get3A_556] {strides = array<i32>} : memref<640x64xf32, #tpu.memory_space<vmem>>, vector<16xf32>,
      %mul3A_558 = arith.mulf %get3A_557, %broadcast_in_dim3A_554 : vector<16xf32>
      %swap3A_559 = arith.index_cast %add3A_551 : i32 to index
      %swap3A_560 = arith.constant 0 : index
      %swap3A_561 = tpu.vector_load %arg18[%swap3A_559, %swap3A_560] {strides = array<i32>} : memref<640x64xf32, #tpu.memory_space<vmem>>, vector<16xf32>,
      tpu.vector_store %arg18[%swap3A_559, %swap3A_560], %mul3A_558 {strides = array<i32>} : memref<640x64xf32, #tpu.memory_space<vmem>>, vector<16xf32>,
      %get3A_562 = arith.index_cast %add3A_551 : i32 to index
      %get3A_563 = arith.constant 16 : index
      %get3A_564 = tpu.vector_load %arg18[%get3A_562, %get3A_563] {strides = array<i32>} : memref<640x64xf32, #tpu.memory_space<vmem>>, vector<16xf32>,
      %mul3A_565 = arith.mulf %get3A_564, %broadcast_in_dim3A_554 : vector<16xf32>
      %swap3A_566 = arith.index_cast %add3A_551 : i32 to index
      %swap3A_567 = arith.constant 16 : index
      %swap3A_568 = tpu.vector_load %arg18[%swap3A_566, %swap3A_567] {strides = array<i32>} : memref<640x64xf32, #tpu.memory_space<vmem>>, vector<16xf32>,
      tpu.vector_store %arg18[%swap3A_566, %swap3A_567], %mul3A_565 {strides = array<i32>} : memref<640x64xf32, #tpu.memory_space<vmem>>, vector<16xf32>,
      %get3A_569 = arith.index_cast %add3A_551 : i32 to index
      %get3A_570 = arith.constant 32 : index
      %get3A_571 = tpu.vector_load %arg18[%get3A_569, %get3A_570] {strides = array<i32>} : memref<640x64xf32, #tpu.memory_space<vmem>>, vector<16xf32>,
      %mul3A_572 = arith.mulf %get3A_571, %broadcast_in_dim3A_554 : vector<16xf32>
      %swap3A_573 = arith.index_cast %add3A_551 : i32 to index
      %swap3A_574 = arith.constant 32 : index
      %swap3A_575 = tpu.vector_load %arg18[%swap3A_573, %swap3A_574] {strides = array<i32>} : memref<640x64xf32, #tpu.memory_space<vmem>>, vector<16xf32>,
      tpu.vector_store %arg18[%swap3A_573, %swap3A_574], %mul3A_572 {strides = array<i32>} : memref<640x64xf32, #tpu.memory_space<vmem>>, vector<16xf32>,
      %get3A_576 = arith.index_cast %add3A_551 : i32 to index
      %get3A_577 = arith.constant 48 : index
      %get3A_578 = tpu.vector_load %arg18[%get3A_576, %get3A_577] {strides = array<i32>} : memref<640x64xf32, #tpu.memory_space<vmem>>, vector<16xf32>,
      %mul3A_579 = arith.mulf %get3A_578, %broadcast_in_dim3A_554 : vector<16xf32>
      %swap3A_580 = arith.index_cast %add3A_551 : i32 to index
      %swap3A_581 = arith.constant 48 : index
      %swap3A_582 = tpu.vector_load %arg18[%swap3A_580, %swap3A_581] {strides = array<i32>} : memref<640x64xf32, #tpu.memory_space<vmem>>, vector<16xf32>,
      tpu.vector_store %arg18[%swap3A_580, %swap3A_581], %mul3A_579 {strides = array<i32>} : memref<640x64xf32, #tpu.memory_space<vmem>>, vector<16xf32>,
      %mul3A_583 = arith.constant 16 : i32
      %mul3A_584 = arith.muli %scan3A_58, %mul3A_583 : i32
      %add3A_585 = arith.constant 0 : i32
      %add3A_586 = arith.addi %add3A_585, %mul3A_584 : i32
      %add3A_587 = arith.constant 14 : i32
      %add3A_588 = arith.addi %add3A_586, %add3A_587 : i32
      %slice3A_589 = vector.extract_strided_slice %div3A_67 {offsets = [14], sizes = [1], strides = [1]} : vector<16xf32> to vector<1xf32>
      %squeeze3A_590 = vector.extract %slice3A_589[0] : f32 from vector<1xf32>
      %broadcast_in_dim3A_591 = vector.broadcast %squeeze3A_590 : f32 to vector<16xf32>
      %get3A_592 = arith.index_cast %add3A_588 : i32 to index
      %get3A_593 = arith.constant 0 : index
      %get3A_594 = tpu.vector_load %arg18[%get3A_592, %get3A_593] {strides = array<i32>} : memref<640x64xf32, #tpu.memory_space<vmem>>, vector<16xf32>,
      %mul3A_595 = arith.mulf %get3A_594, %broadcast_in_dim3A_591 : vector<16xf32>
      %swap3A_596 = arith.index_cast %add3A_588 : i32 to index
      %swap3A_597 = arith.constant 0 : index
      %swap3A_598 = tpu.vector_load %arg18[%swap3A_596, %swap3A_597] {strides = array<i32>} : memref<640x64xf32, #tpu.memory_space<vmem>>, vector<16xf32>,
      tpu.vector_store %arg18[%swap3A_596, %swap3A_597], %mul3A_595 {strides = array<i32>} : memref<640x64xf32, #tpu.memory_space<vmem>>, vector<16xf32>,
      %get3A_599 = arith.index_cast %add3A_588 : i32 to index
      %get3A_600 = arith.constant 16 : index
      %get3A_601 = tpu.vector_load %arg18[%get3A_599, %get3A_600] {strides = array<i32>} : memref<640x64xf32, #tpu.memory_space<vmem>>, vector<16xf32>,
      %mul3A_602 = arith.mulf %get3A_601, %broadcast_in_dim3A_591 : vector<16xf32>
      %swap3A_603 = arith.index_cast %add3A_588 : i32 to index
      %swap3A_604 = arith.constant 16 : index
      %swap3A_605 = tpu.vector_load %arg18[%swap3A_603, %swap3A_604] {strides = array<i32>} : memref<640x64xf32, #tpu.memory_space<vmem>>, vector<16xf32>,
      tpu.vector_store %arg18[%swap3A_603, %swap3A_604], %mul3A_602 {strides = array<i32>} : memref<640x64xf32, #tpu.memory_space<vmem>>, vector<16xf32>,
      %get3A_606 = arith.index_cast %add3A_588 : i32 to index
      %get3A_607 = arith.constant 32 : index
      %get3A_608 = tpu.vector_load %arg18[%get3A_606, %get3A_607] {strides = array<i32>} : memref<640x64xf32, #tpu.memory_space<vmem>>, vector<16xf32>,
      %mul3A_609 = arith.mulf %get3A_608, %broadcast_in_dim3A_591 : vector<16xf32>
      %swap3A_610 = arith.index_cast %add3A_588 : i32 to index
      %swap3A_611 = arith.constant 32 : index
      %swap3A_612 = tpu.vector_load %arg18[%swap3A_610, %swap3A_611] {strides = array<i32>} : memref<640x64xf32, #tpu.memory_space<vmem>>, vector<16xf32>,
      tpu.vector_store %arg18[%swap3A_610, %swap3A_611], %mul3A_609 {strides = array<i32>} : memref<640x64xf32, #tpu.memory_space<vmem>>, vector<16xf32>,
      %get3A_613 = arith.index_cast %add3A_588 : i32 to index
      %get3A_614 = arith.constant 48 : index
      %get3A_615 = tpu.vector_load %arg18[%get3A_613, %get3A_614] {strides = array<i32>} : memref<640x64xf32, #tpu.memory_space<vmem>>, vector<16xf32>,
      %mul3A_616 = arith.mulf %get3A_615, %broadcast_in_dim3A_591 : vector<16xf32>
      %swap3A_617 = arith.index_cast %add3A_588 : i32 to index
      %swap3A_618 = arith.constant 48 : index
      %swap3A_619 = tpu.vector_load %arg18[%swap3A_617, %swap3A_618] {strides = array<i32>} : memref<640x64xf32, #tpu.memory_space<vmem>>, vector<16xf32>,
      tpu.vector_store %arg18[%swap3A_617, %swap3A_618], %mul3A_616 {strides = array<i32>} : memref<640x64xf32, #tpu.memory_space<vmem>>, vector<16xf32>,
      %mul3A_620 = arith.constant 16 : i32
      %mul3A_621 = arith.muli %scan3A_58, %mul3A_620 : i32
      %add3A_622 = arith.constant 0 : i32
      %add3A_623 = arith.addi %add3A_622, %mul3A_621 : i32
      %add3A_624 = arith.constant 15 : i32
      %add3A_625 = arith.addi %add3A_623, %add3A_624 : i32
      %slice3A_626 = vector.extract_strided_slice %div3A_67 {offsets = [15], sizes = [1], strides = [1]} : vector<16xf32> to vector<1xf32>
      %squeeze3A_627 = vector.extract %slice3A_626[0] : f32 from vector<1xf32>
      %broadcast_in_dim3A_628 = vector.broadcast %squeeze3A_627 : f32 to vector<16xf32>
      %get3A_629 = arith.index_cast %add3A_625 : i32 to index
      %get3A_630 = arith.constant 0 : index
      %get3A_631 = tpu.vector_load %arg18[%get3A_629, %get3A_630] {strides = array<i32>} : memref<640x64xf32, #tpu.memory_space<vmem>>, vector<16xf32>,
      %mul3A_632 = arith.mulf %get3A_631, %broadcast_in_dim3A_628 : vector<16xf32>
      %swap3A_633 = arith.index_cast %add3A_625 : i32 to index
      %swap3A_634 = arith.constant 0 : index
      %swap3A_635 = tpu.vector_load %arg18[%swap3A_633, %swap3A_634] {strides = array<i32>} : memref<640x64xf32, #tpu.memory_space<vmem>>, vector<16xf32>,
      tpu.vector_store %arg18[%swap3A_633, %swap3A_634], %mul3A_632 {strides = array<i32>} : memref<640x64xf32, #tpu.memory_space<vmem>>, vector<16xf32>,
      %get3A_636 = arith.index_cast %add3A_625 : i32 to index
      %get3A_637 = arith.constant 16 : index
      %get3A_638 = tpu.vector_load %arg18[%get3A_636, %get3A_637] {strides = array<i32>} : memref<640x64xf32, #tpu.memory_space<vmem>>, vector<16xf32>,
      %mul3A_639 = arith.mulf %get3A_638, %broadcast_in_dim3A_628 : vector<16xf32>
      %swap3A_640 = arith.index_cast %add3A_625 : i32 to index
      %swap3A_641 = arith.constant 16 : index
      %swap3A_642 = tpu.vector_load %arg18[%swap3A_640, %swap3A_641] {strides = array<i32>} : memref<640x64xf32, #tpu.memory_space<vmem>>, vector<16xf32>,
      tpu.vector_store %arg18[%swap3A_640, %swap3A_641], %mul3A_639 {strides = array<i32>} : memref<640x64xf32, #tpu.memory_space<vmem>>, vector<16xf32>,
      %get3A_643 = arith.index_cast %add3A_625 : i32 to index
      %get3A_644 = arith.constant 32 : index
      %get3A_645 = tpu.vector_load %arg18[%get3A_643, %get3A_644] {strides = array<i32>} : memref<640x64xf32, #tpu.memory_space<vmem>>, vector<16xf32>,
      %mul3A_646 = arith.mulf %get3A_645, %broadcast_in_dim3A_628 : vector<16xf32>
      %swap3A_647 = arith.index_cast %add3A_625 : i32 to index
      %swap3A_648 = arith.constant 32 : index
      %swap3A_649 = tpu.vector_load %arg18[%swap3A_647, %swap3A_648] {strides = array<i32>} : memref<640x64xf32, #tpu.memory_space<vmem>>, vector<16xf32>,
      tpu.vector_store %arg18[%swap3A_647, %swap3A_648], %mul3A_646 {strides = array<i32>} : memref<640x64xf32, #tpu.memory_space<vmem>>, vector<16xf32>,
      %get3A_650 = arith.index_cast %add3A_625 : i32 to index
      %get3A_651 = arith.constant 48 : index
      %get3A_652 = tpu.vector_load %arg18[%get3A_650, %get3A_651] {strides = array<i32>} : memref<640x64xf32, #tpu.memory_space<vmem>>, vector<16xf32>,
      %mul3A_653 = arith.mulf %get3A_652, %broadcast_in_dim3A_628 : vector<16xf32>
      %swap3A_654 = arith.index_cast %add3A_625 : i32 to index
      %swap3A_655 = arith.constant 48 : index
      %swap3A_656 = tpu.vector_load %arg18[%swap3A_654, %swap3A_655] {strides = array<i32>} : memref<640x64xf32, #tpu.memory_space<vmem>>, vector<16xf32>,
      tpu.vector_store %arg18[%swap3A_654, %swap3A_655], %mul3A_653 {strides = array<i32>} : memref<640x64xf32, #tpu.memory_space<vmem>>, vector<16xf32>,
    }
    %scan3A_31 = arith.constant 8 : i32
    %scan3A_32 = arith.constant 0 : i32
    %scan3A_33 = arith.constant 0 : i32
    %scan3A_34 = arith.constant 8 : i32
    %scan3A_35 = arith.addi %scan3A_33, %scan3A_34 : i32
    %scan3A_36 = arith.constant 1 : i32
    scf.for %scan3A_58 = %scan3A_33 to %scan3A_35 step %scan3A_36  : i32 {
      %mul3A_59 = arith.constant 16 : i32
      %mul3A_60 = arith.muli %scan3A_58, %mul3A_59 : i32
      %get3A = arith.constant 1 : i32
      %get3A_61 = arith.index_cast %get3A : i32 to index
      %get3A_62 = arith.index_cast %mul3A_60 : i32 to index
      %get3A_63 = tpu.vector_load %arg17[%get3A_61, %get3A_62] {strides = array<i32>} : memref<5x128xf32, #tpu.memory_space<vmem>>, vector<16xf32>,
      %add3A = arith.constant 1.000000e-16 : f32
      %add3A_64 = vector.broadcast %add3A : f32 to vector<16xf32>
      %add3A_65 = arith.addf %get3A_63, %add3A_64 : vector<16xf32>
      %div3A = arith.constant 1.000000e+00 : f32
      %div3A_66 = vector.broadcast %div3A : f32 to vector<16xf32>
      %div3A_67 = arith.divf %div3A_66, %add3A_65 : vector<16xf32>
      %mul3A_68 = arith.constant 16 : i32
      %mul3A_69 = arith.muli %scan3A_58, %mul3A_68 : i32
      %add3A_70 = arith.constant 128 : i32
      %add3A_71 = arith.addi %add3A_70, %mul3A_69 : i32
      %add3A_72 = arith.constant 0 : i32
      %add3A_73 = arith.addi %add3A_71, %add3A_72 : i32
      %slice3A = vector.extract_strided_slice %div3A_67 {offsets = [0], sizes = [1], strides = [1]} : vector<16xf32> to vector<1xf32>
      %squeeze3A = vector.extract %slice3A[0] : f32 from vector<1xf32>
      %broadcast_in_dim3A_74 = vector.broadcast %squeeze3A : f32 to vector<16xf32>
      %get3A_75 = arith.index_cast %add3A_73 : i32 to index
      %get3A_76 = arith.constant 0 : index
      %get3A_77 = tpu.vector_load %arg18[%get3A_75, %get3A_76] {strides = array<i32>} : memref<640x64xf32, #tpu.memory_space<vmem>>, vector<16xf32>,
      %mul3A_78 = arith.mulf %get3A_77, %broadcast_in_dim3A_74 : vector<16xf32>
      %swap3A = arith.index_cast %add3A_73 : i32 to index
      %swap3A_79 = arith.constant 0 : index
      %swap3A_80 = tpu.vector_load %arg18[%swap3A, %swap3A_79] {strides = array<i32>} : memref<640x64xf32, #tpu.memory_space<vmem>>, vector<16xf32>,
      tpu.vector_store %arg18[%swap3A, %swap3A_79], %mul3A_78 {strides = array<i32>} : memref<640x64xf32, #tpu.memory_space<vmem>>, vector<16xf32>,
      %get3A_81 = arith.index_cast %add3A_73 : i32 to index
      %get3A_82 = arith.constant 16 : index
      %get3A_83 = tpu.vector_load %arg18[%get3A_81, %get3A_82] {strides = array<i32>} : memref<640x64xf32, #tpu.memory_space<vmem>>, vector<16xf32>,
      %mul3A_84 = arith.mulf %get3A_83, %broadcast_in_dim3A_74 : vector<16xf32>
      %swap3A_85 = arith.index_cast %add3A_73 : i32 to index
      %swap3A_86 = arith.constant 16 : index
      %swap3A_87 = tpu.vector_load %arg18[%swap3A_85, %swap3A_86] {strides = array<i32>} : memref<640x64xf32, #tpu.memory_space<vmem>>, vector<16xf32>,
      tpu.vector_store %arg18[%swap3A_85, %swap3A_86], %mul3A_84 {strides = array<i32>} : memref<640x64xf32, #tpu.memory_space<vmem>>, vector<16xf32>,
      %get3A_88 = arith.index_cast %add3A_73 : i32 to index
      %get3A_89 = arith.constant 32 : index
      %get3A_90 = tpu.vector_load %arg18[%get3A_88, %get3A_89] {strides = array<i32>} : memref<640x64xf32, #tpu.memory_space<vmem>>, vector<16xf32>,
      %mul3A_91 = arith.mulf %get3A_90, %broadcast_in_dim3A_74 : vector<16xf32>
      %swap3A_92 = arith.index_cast %add3A_73 : i32 to index
      %swap3A_93 = arith.constant 32 : index
      %swap3A_94 = tpu.vector_load %arg18[%swap3A_92, %swap3A_93] {strides = array<i32>} : memref<640x64xf32, #tpu.memory_space<vmem>>, vector<16xf32>,
      tpu.vector_store %arg18[%swap3A_92, %swap3A_93], %mul3A_91 {strides = array<i32>} : memref<640x64xf32, #tpu.memory_space<vmem>>, vector<16xf32>,
      %get3A_95 = arith.index_cast %add3A_73 : i32 to index
      %get3A_96 = arith.constant 48 : index
      %get3A_97 = tpu.vector_load %arg18[%get3A_95, %get3A_96] {strides = array<i32>} : memref<640x64xf32, #tpu.memory_space<vmem>>, vector<16xf32>,
      %mul3A_98 = arith.mulf %get3A_97, %broadcast_in_dim3A_74 : vector<16xf32>
      %swap3A_99 = arith.index_cast %add3A_73 : i32 to index
      %swap3A_100 = arith.constant 48 : index
      %swap3A_101 = tpu.vector_load %arg18[%swap3A_99, %swap3A_100] {strides = array<i32>} : memref<640x64xf32, #tpu.memory_space<vmem>>, vector<16xf32>,
      tpu.vector_store %arg18[%swap3A_99, %swap3A_100], %mul3A_98 {strides = array<i32>} : memref<640x64xf32, #tpu.memory_space<vmem>>, vector<16xf32>,
      %mul3A_102 = arith.constant 16 : i32
      %mul3A_103 = arith.muli %scan3A_58, %mul3A_102 : i32
      %add3A_104 = arith.constant 128 : i32
      %add3A_105 = arith.addi %add3A_104, %mul3A_103 : i32
      %add3A_106 = arith.constant 1 : i32
      %add3A_107 = arith.addi %add3A_105, %add3A_106 : i32
      %slice3A_108 = vector.extract_strided_slice %div3A_67 {offsets = [1], sizes = [1], strides = [1]} : vector<16xf32> to vector<1xf32>
      %squeeze3A_109 = vector.extract %slice3A_108[0] : f32 from vector<1xf32>
      %broadcast_in_dim3A_110 = vector.broadcast %squeeze3A_109 : f32 to vector<16xf32>
      %get3A_111 = arith.index_cast %add3A_107 : i32 to index
      %get3A_112 = arith.constant 0 : index
      %get3A_113 = tpu.vector_load %arg18[%get3A_111, %get3A_112] {strides = array<i32>} : memref<640x64xf32, #tpu.memory_space<vmem>>, vector<16xf32>,
      %mul3A_114 = arith.mulf %get3A_113, %broadcast_in_dim3A_110 : vector<16xf32>
      %swap3A_115 = arith.index_cast %add3A_107 : i32 to index
      %swap3A_116 = arith.constant 0 : index
      %swap3A_117 = tpu.vector_load %arg18[%swap3A_115, %swap3A_116] {strides = array<i32>} : memref<640x64xf32, #tpu.memory_space<vmem>>, vector<16xf32>,
      tpu.vector_store %arg18[%swap3A_115, %swap3A_116], %mul3A_114 {strides = array<i32>} : memref<640x64xf32, #tpu.memory_space<vmem>>, vector<16xf32>,
      %get3A_118 = arith.index_cast %add3A_107 : i32 to index
      %get3A_119 = arith.constant 16 : index
      %get3A_120 = tpu.vector_load %arg18[%get3A_118, %get3A_119] {strides = array<i32>} : memref<640x64xf32, #tpu.memory_space<vmem>>, vector<16xf32>,
      %mul3A_121 = arith.mulf %get3A_120, %broadcast_in_dim3A_110 : vector<16xf32>
      %swap3A_122 = arith.index_cast %add3A_107 : i32 to index
      %swap3A_123 = arith.constant 16 : index
      %swap3A_124 = tpu.vector_load %arg18[%swap3A_122, %swap3A_123] {strides = array<i32>} : memref<640x64xf32, #tpu.memory_space<vmem>>, vector<16xf32>,
      tpu.vector_store %arg18[%swap3A_122, %swap3A_123], %mul3A_121 {strides = array<i32>} : memref<640x64xf32, #tpu.memory_space<vmem>>, vector<16xf32>,
      %get3A_125 = arith.index_cast %add3A_107 : i32 to index
      %get3A_126 = arith.constant 32 : index
      %get3A_127 = tpu.vector_load %arg18[%get3A_125, %get3A_126] {strides = array<i32>} : memref<640x64xf32, #tpu.memory_space<vmem>>, vector<16xf32>,
      %mul3A_128 = arith.mulf %get3A_127, %broadcast_in_dim3A_110 : vector<16xf32>
      %swap3A_129 = arith.index_cast %add3A_107 : i32 to index
      %swap3A_130 = arith.constant 32 : index
      %swap3A_131 = tpu.vector_load %arg18[%swap3A_129, %swap3A_130] {strides = array<i32>} : memref<640x64xf32, #tpu.memory_space<vmem>>, vector<16xf32>,
      tpu.vector_store %arg18[%swap3A_129, %swap3A_130], %mul3A_128 {strides = array<i32>} : memref<640x64xf32, #tpu.memory_space<vmem>>, vector<16xf32>,
      %get3A_132 = arith.index_cast %add3A_107 : i32 to index
      %get3A_133 = arith.constant 48 : index
      %get3A_134 = tpu.vector_load %arg18[%get3A_132, %get3A_133] {strides = array<i32>} : memref<640x64xf32, #tpu.memory_space<vmem>>, vector<16xf32>,
      %mul3A_135 = arith.mulf %get3A_134, %broadcast_in_dim3A_110 : vector<16xf32>
      %swap3A_136 = arith.index_cast %add3A_107 : i32 to index
      %swap3A_137 = arith.constant 48 : index
      %swap3A_138 = tpu.vector_load %arg18[%swap3A_136, %swap3A_137] {strides = array<i32>} : memref<640x64xf32, #tpu.memory_space<vmem>>, vector<16xf32>,
      tpu.vector_store %arg18[%swap3A_136, %swap3A_137], %mul3A_135 {strides = array<i32>} : memref<640x64xf32, #tpu.memory_space<vmem>>, vector<16xf32>,
      %mul3A_139 = arith.constant 16 : i32
      %mul3A_140 = arith.muli %scan3A_58, %mul3A_139 : i32
      %add3A_141 = arith.constant 128 : i32
      %add3A_142 = arith.addi %add3A_141, %mul3A_140 : i32
      %add3A_143 = arith.constant 2 : i32
      %add3A_144 = arith.addi %add3A_142, %add3A_143 : i32
      %slice3A_145 = vector.extract_strided_slice %div3A_67 {offsets = [2], sizes = [1], strides = [1]} : vector<16xf32> to vector<1xf32>
      %squeeze3A_146 = vector.extract %slice3A_145[0] : f32 from vector<1xf32>
      %broadcast_in_dim3A_147 = vector.broadcast %squeeze3A_146 : f32 to vector<16xf32>
      %get3A_148 = arith.index_cast %add3A_144 : i32 to index
      %get3A_149 = arith.constant 0 : index
      %get3A_150 = tpu.vector_load %arg18[%get3A_148, %get3A_149] {strides = array<i32>} : memref<640x64xf32, #tpu.memory_space<vmem>>, vector<16xf32>,
      %mul3A_151 = arith.mulf %get3A_150, %broadcast_in_dim3A_147 : vector<16xf32>
      %swap3A_152 = arith.index_cast %add3A_144 : i32 to index
      %swap3A_153 = arith.constant 0 : index
      %swap3A_154 = tpu.vector_load %arg18[%swap3A_152, %swap3A_153] {strides = array<i32>} : memref<640x64xf32, #tpu.memory_space<vmem>>, vector<16xf32>,
      tpu.vector_store %arg18[%swap3A_152, %swap3A_153], %mul3A_151 {strides = array<i32>} : memref<640x64xf32, #tpu.memory_space<vmem>>, vector<16xf32>,
      %get3A_155 = arith.index_cast %add3A_144 : i32 to index
      %get3A_156 = arith.constant 16 : index
      %get3A_157 = tpu.vector_load %arg18[%get3A_155, %get3A_156] {strides = array<i32>} : memref<640x64xf32, #tpu.memory_space<vmem>>, vector<16xf32>,
      %mul3A_158 = arith.mulf %get3A_157, %broadcast_in_dim3A_147 : vector<16xf32>
      %swap3A_159 = arith.index_cast %add3A_144 : i32 to index
      %swap3A_160 = arith.constant 16 : index
      %swap3A_161 = tpu.vector_load %arg18[%swap3A_159, %swap3A_160] {strides = array<i32>} : memref<640x64xf32, #tpu.memory_space<vmem>>, vector<16xf32>,
      tpu.vector_store %arg18[%swap3A_159, %swap3A_160], %mul3A_158 {strides = array<i32>} : memref<640x64xf32, #tpu.memory_space<vmem>>, vector<16xf32>,
      %get3A_162 = arith.index_cast %add3A_144 : i32 to index
      %get3A_163 = arith.constant 32 : index
      %get3A_164 = tpu.vector_load %arg18[%get3A_162, %get3A_163] {strides = array<i32>} : memref<640x64xf32, #tpu.memory_space<vmem>>, vector<16xf32>,
      %mul3A_165 = arith.mulf %get3A_164, %broadcast_in_dim3A_147 : vector<16xf32>
      %swap3A_166 = arith.index_cast %add3A_144 : i32 to index
      %swap3A_167 = arith.constant 32 : index
      %swap3A_168 = tpu.vector_load %arg18[%swap3A_166, %swap3A_167] {strides = array<i32>} : memref<640x64xf32, #tpu.memory_space<vmem>>, vector<16xf32>,
      tpu.vector_store %arg18[%swap3A_166, %swap3A_167], %mul3A_165 {strides = array<i32>} : memref<640x64xf32, #tpu.memory_space<vmem>>, vector<16xf32>,
      %get3A_169 = arith.index_cast %add3A_144 : i32 to index
      %get3A_170 = arith.constant 48 : index
      %get3A_171 = tpu.vector_load %arg18[%get3A_169, %get3A_170] {strides = array<i32>} : memref<640x64xf32, #tpu.memory_space<vmem>>, vector<16xf32>,
      %mul3A_172 = arith.mulf %get3A_171, %broadcast_in_dim3A_147 : vector<16xf32>
      %swap3A_173 = arith.index_cast %add3A_144 : i32 to index
      %swap3A_174 = arith.constant 48 : index
      %swap3A_175 = tpu.vector_load %arg18[%swap3A_173, %swap3A_174] {strides = array<i32>} : memref<640x64xf32, #tpu.memory_space<vmem>>, vector<16xf32>,
      tpu.vector_store %arg18[%swap3A_173, %swap3A_174], %mul3A_172 {strides = array<i32>} : memref<640x64xf32, #tpu.memory_space<vmem>>, vector<16xf32>,
      %mul3A_176 = arith.constant 16 : i32
      %mul3A_177 = arith.muli %scan3A_58, %mul3A_176 : i32
      %add3A_178 = arith.constant 128 : i32
      %add3A_179 = arith.addi %add3A_178, %mul3A_177 : i32
      %add3A_180 = arith.constant 3 : i32
      %add3A_181 = arith.addi %add3A_179, %add3A_180 : i32
      %slice3A_182 = vector.extract_strided_slice %div3A_67 {offsets = [3], sizes = [1], strides = [1]} : vector<16xf32> to vector<1xf32>
      %squeeze3A_183 = vector.extract %slice3A_182[0] : f32 from vector<1xf32>
      %broadcast_in_dim3A_184 = vector.broadcast %squeeze3A_183 : f32 to vector<16xf32>
      %get3A_185 = arith.index_cast %add3A_181 : i32 to index
      %get3A_186 = arith.constant 0 : index
      %get3A_187 = tpu.vector_load %arg18[%get3A_185, %get3A_186] {strides = array<i32>} : memref<640x64xf32, #tpu.memory_space<vmem>>, vector<16xf32>,
      %mul3A_188 = arith.mulf %get3A_187, %broadcast_in_dim3A_184 : vector<16xf32>
      %swap3A_189 = arith.index_cast %add3A_181 : i32 to index
      %swap3A_190 = arith.constant 0 : index
      %swap3A_191 = tpu.vector_load %arg18[%swap3A_189, %swap3A_190] {strides = array<i32>} : memref<640x64xf32, #tpu.memory_space<vmem>>, vector<16xf32>,
      tpu.vector_store %arg18[%swap3A_189, %swap3A_190], %mul3A_188 {strides = array<i32>} : memref<640x64xf32, #tpu.memory_space<vmem>>, vector<16xf32>,
      %get3A_192 = arith.index_cast %add3A_181 : i32 to index
      %get3A_193 = arith.constant 16 : index
      %get3A_194 = tpu.vector_load %arg18[%get3A_192, %get3A_193] {strides = array<i32>} : memref<640x64xf32, #tpu.memory_space<vmem>>, vector<16xf32>,
      %mul3A_195 = arith.mulf %get3A_194, %broadcast_in_dim3A_184 : vector<16xf32>
      %swap3A_196 = arith.index_cast %add3A_181 : i32 to index
      %swap3A_197 = arith.constant 16 : index
      %swap3A_198 = tpu.vector_load %arg18[%swap3A_196, %swap3A_197] {strides = array<i32>} : memref<640x64xf32, #tpu.memory_space<vmem>>, vector<16xf32>,
      tpu.vector_store %arg18[%swap3A_196, %swap3A_197], %mul3A_195 {strides = array<i32>} : memref<640x64xf32, #tpu.memory_space<vmem>>, vector<16xf32>,
      %get3A_199 = arith.index_cast %add3A_181 : i32 to index
      %get3A_200 = arith.constant 32 : index
      %get3A_201 = tpu.vector_load %arg18[%get3A_199, %get3A_200] {strides = array<i32>} : memref<640x64xf32, #tpu.memory_space<vmem>>, vector<16xf32>,
      %mul3A_202 = arith.mulf %get3A_201, %broadcast_in_dim3A_184 : vector<16xf32>
      %swap3A_203 = arith.index_cast %add3A_181 : i32 to index
      %swap3A_204 = arith.constant 32 : index
      %swap3A_205 = tpu.vector_load %arg18[%swap3A_203, %swap3A_204] {strides = array<i32>} : memref<640x64xf32, #tpu.memory_space<vmem>>, vector<16xf32>,
      tpu.vector_store %arg18[%swap3A_203, %swap3A_204], %mul3A_202 {strides = array<i32>} : memref<640x64xf32, #tpu.memory_space<vmem>>, vector<16xf32>,
      %get3A_206 = arith.index_cast %add3A_181 : i32 to index
      %get3A_207 = arith.constant 48 : index
      %get3A_208 = tpu.vector_load %arg18[%get3A_206, %get3A_207] {strides = array<i32>} : memref<640x64xf32, #tpu.memory_space<vmem>>, vector<16xf32>,
      %mul3A_209 = arith.mulf %get3A_208, %broadcast_in_dim3A_184 : vector<16xf32>
      %swap3A_210 = arith.index_cast %add3A_181 : i32 to index
      %swap3A_211 = arith.constant 48 : index
      %swap3A_212 = tpu.vector_load %arg18[%swap3A_210, %swap3A_211] {strides = array<i32>} : memref<640x64xf32, #tpu.memory_space<vmem>>, vector<16xf32>,
      tpu.vector_store %arg18[%swap3A_210, %swap3A_211], %mul3A_209 {strides = array<i32>} : memref<640x64xf32, #tpu.memory_space<vmem>>, vector<16xf32>,
      %mul3A_213 = arith.constant 16 : i32
      %mul3A_214 = arith.muli %scan3A_58, %mul3A_213 : i32
      %add3A_215 = arith.constant 128 : i32
      %add3A_216 = arith.addi %add3A_215, %mul3A_214 : i32
      %add3A_217 = arith.constant 4 : i32
      %add3A_218 = arith.addi %add3A_216, %add3A_217 : i32
      %slice3A_219 = vector.extract_strided_slice %div3A_67 {offsets = [4], sizes = [1], strides = [1]} : vector<16xf32> to vector<1xf32>
      %squeeze3A_220 = vector.extract %slice3A_219[0] : f32 from vector<1xf32>
      %broadcast_in_dim3A_221 = vector.broadcast %squeeze3A_220 : f32 to vector<16xf32>
      %get3A_222 = arith.index_cast %add3A_218 : i32 to index
      %get3A_223 = arith.constant 0 : index
      %get3A_224 = tpu.vector_load %arg18[%get3A_222, %get3A_223] {strides = array<i32>} : memref<640x64xf32, #tpu.memory_space<vmem>>, vector<16xf32>,
      %mul3A_225 = arith.mulf %get3A_224, %broadcast_in_dim3A_221 : vector<16xf32>
      %swap3A_226 = arith.index_cast %add3A_218 : i32 to index
      %swap3A_227 = arith.constant 0 : index
      %swap3A_228 = tpu.vector_load %arg18[%swap3A_226, %swap3A_227] {strides = array<i32>} : memref<640x64xf32, #tpu.memory_space<vmem>>, vector<16xf32>,
      tpu.vector_store %arg18[%swap3A_226, %swap3A_227], %mul3A_225 {strides = array<i32>} : memref<640x64xf32, #tpu.memory_space<vmem>>, vector<16xf32>,
      %get3A_229 = arith.index_cast %add3A_218 : i32 to index
      %get3A_230 = arith.constant 16 : index
      %get3A_231 = tpu.vector_load %arg18[%get3A_229, %get3A_230] {strides = array<i32>} : memref<640x64xf32, #tpu.memory_space<vmem>>, vector<16xf32>,
      %mul3A_232 = arith.mulf %get3A_231, %broadcast_in_dim3A_221 : vector<16xf32>
      %swap3A_233 = arith.index_cast %add3A_218 : i32 to index
      %swap3A_234 = arith.constant 16 : index
      %swap3A_235 = tpu.vector_load %arg18[%swap3A_233, %swap3A_234] {strides = array<i32>} : memref<640x64xf32, #tpu.memory_space<vmem>>, vector<16xf32>,
      tpu.vector_store %arg18[%swap3A_233, %swap3A_234], %mul3A_232 {strides = array<i32>} : memref<640x64xf32, #tpu.memory_space<vmem>>, vector<16xf32>,
      %get3A_236 = arith.index_cast %add3A_218 : i32 to index
      %get3A_237 = arith.constant 32 : index
      %get3A_238 = tpu.vector_load %arg18[%get3A_236, %get3A_237] {strides = array<i32>} : memref<640x64xf32, #tpu.memory_space<vmem>>, vector<16xf32>,
      %mul3A_239 = arith.mulf %get3A_238, %broadcast_in_dim3A_221 : vector<16xf32>
      %swap3A_240 = arith.index_cast %add3A_218 : i32 to index
      %swap3A_241 = arith.constant 32 : index
      %swap3A_242 = tpu.vector_load %arg18[%swap3A_240, %swap3A_241] {strides = array<i32>} : memref<640x64xf32, #tpu.memory_space<vmem>>, vector<16xf32>,
      tpu.vector_store %arg18[%swap3A_240, %swap3A_241], %mul3A_239 {strides = array<i32>} : memref<640x64xf32, #tpu.memory_space<vmem>>, vector<16xf32>,
      %get3A_243 = arith.index_cast %add3A_218 : i32 to index
      %get3A_244 = arith.constant 48 : index
      %get3A_245 = tpu.vector_load %arg18[%get3A_243, %get3A_244] {strides = array<i32>} : memref<640x64xf32, #tpu.memory_space<vmem>>, vector<16xf32>,
      %mul3A_246 = arith.mulf %get3A_245, %broadcast_in_dim3A_221 : vector<16xf32>
      %swap3A_247 = arith.index_cast %add3A_218 : i32 to index
      %swap3A_248 = arith.constant 48 : index
      %swap3A_249 = tpu.vector_load %arg18[%swap3A_247, %swap3A_248] {strides = array<i32>} : memref<640x64xf32, #tpu.memory_space<vmem>>, vector<16xf32>,
      tpu.vector_store %arg18[%swap3A_247, %swap3A_248], %mul3A_246 {strides = array<i32>} : memref<640x64xf32, #tpu.memory_space<vmem>>, vector<16xf32>,
      %mul3A_250 = arith.constant 16 : i32
      %mul3A_251 = arith.muli %scan3A_58, %mul3A_250 : i32
      %add3A_252 = arith.constant 128 : i32
      %add3A_253 = arith.addi %add3A_252, %mul3A_251 : i32
      %add3A_254 = arith.constant 5 : i32
      %add3A_255 = arith.addi %add3A_253, %add3A_254 : i32
      %slice3A_256 = vector.extract_strided_slice %div3A_67 {offsets = [5], sizes = [1], strides = [1]} : vector<16xf32> to vector<1xf32>
      %squeeze3A_257 = vector.extract %slice3A_256[0] : f32 from vector<1xf32>
      %broadcast_in_dim3A_258 = vector.broadcast %squeeze3A_257 : f32 to vector<16xf32>
      %get3A_259 = arith.index_cast %add3A_255 : i32 to index
      %get3A_260 = arith.constant 0 : index
      %get3A_261 = tpu.vector_load %arg18[%get3A_259, %get3A_260] {strides = array<i32>} : memref<640x64xf32, #tpu.memory_space<vmem>>, vector<16xf32>,
      %mul3A_262 = arith.mulf %get3A_261, %broadcast_in_dim3A_258 : vector<16xf32>
      %swap3A_263 = arith.index_cast %add3A_255 : i32 to index
      %swap3A_264 = arith.constant 0 : index
      %swap3A_265 = tpu.vector_load %arg18[%swap3A_263, %swap3A_264] {strides = array<i32>} : memref<640x64xf32, #tpu.memory_space<vmem>>, vector<16xf32>,
      tpu.vector_store %arg18[%swap3A_263, %swap3A_264], %mul3A_262 {strides = array<i32>} : memref<640x64xf32, #tpu.memory_space<vmem>>, vector<16xf32>,
      %get3A_266 = arith.index_cast %add3A_255 : i32 to index
      %get3A_267 = arith.constant 16 : index
      %get3A_268 = tpu.vector_load %arg18[%get3A_266, %get3A_267] {strides = array<i32>} : memref<640x64xf32, #tpu.memory_space<vmem>>, vector<16xf32>,
      %mul3A_269 = arith.mulf %get3A_268, %broadcast_in_dim3A_258 : vector<16xf32>
      %swap3A_270 = arith.index_cast %add3A_255 : i32 to index
      %swap3A_271 = arith.constant 16 : index
      %swap3A_272 = tpu.vector_load %arg18[%swap3A_270, %swap3A_271] {strides = array<i32>} : memref<640x64xf32, #tpu.memory_space<vmem>>, vector<16xf32>,
      tpu.vector_store %arg18[%swap3A_270, %swap3A_271], %mul3A_269 {strides = array<i32>} : memref<640x64xf32, #tpu.memory_space<vmem>>, vector<16xf32>,
      %get3A_273 = arith.index_cast %add3A_255 : i32 to index
      %get3A_274 = arith.constant 32 : index
      %get3A_275 = tpu.vector_load %arg18[%get3A_273, %get3A_274] {strides = array<i32>} : memref<640x64xf32, #tpu.memory_space<vmem>>, vector<16xf32>,
      %mul3A_276 = arith.mulf %get3A_275, %broadcast_in_dim3A_258 : vector<16xf32>
      %swap3A_277 = arith.index_cast %add3A_255 : i32 to index
      %swap3A_278 = arith.constant 32 : index
      %swap3A_279 = tpu.vector_load %arg18[%swap3A_277, %swap3A_278] {strides = array<i32>} : memref<640x64xf32, #tpu.memory_space<vmem>>, vector<16xf32>,
      tpu.vector_store %arg18[%swap3A_277, %swap3A_278], %mul3A_276 {strides = array<i32>} : memref<640x64xf32, #tpu.memory_space<vmem>>, vector<16xf32>,
      %get3A_280 = arith.index_cast %add3A_255 : i32 to index
      %get3A_281 = arith.constant 48 : index
      %get3A_282 = tpu.vector_load %arg18[%get3A_280, %get3A_281] {strides = array<i32>} : memref<640x64xf32, #tpu.memory_space<vmem>>, vector<16xf32>,
      %mul3A_283 = arith.mulf %get3A_282, %broadcast_in_dim3A_258 : vector<16xf32>
      %swap3A_284 = arith.index_cast %add3A_255 : i32 to index
      %swap3A_285 = arith.constant 48 : index
      %swap3A_286 = tpu.vector_load %arg18[%swap3A_284, %swap3A_285] {strides = array<i32>} : memref<640x64xf32, #tpu.memory_space<vmem>>, vector<16xf32>,
      tpu.vector_store %arg18[%swap3A_284, %swap3A_285], %mul3A_283 {strides = array<i32>} : memref<640x64xf32, #tpu.memory_space<vmem>>, vector<16xf32>,
      %mul3A_287 = arith.constant 16 : i32
      %mul3A_288 = arith.muli %scan3A_58, %mul3A_287 : i32
      %add3A_289 = arith.constant 128 : i32
      %add3A_290 = arith.addi %add3A_289, %mul3A_288 : i32
      %add3A_291 = arith.constant 6 : i32
      %add3A_292 = arith.addi %add3A_290, %add3A_291 : i32
      %slice3A_293 = vector.extract_strided_slice %div3A_67 {offsets = [6], sizes = [1], strides = [1]} : vector<16xf32> to vector<1xf32>
      %squeeze3A_294 = vector.extract %slice3A_293[0] : f32 from vector<1xf32>
      %broadcast_in_dim3A_295 = vector.broadcast %squeeze3A_294 : f32 to vector<16xf32>
      %get3A_296 = arith.index_cast %add3A_292 : i32 to index
      %get3A_297 = arith.constant 0 : index
      %get3A_298 = tpu.vector_load %arg18[%get3A_296, %get3A_297] {strides = array<i32>} : memref<640x64xf32, #tpu.memory_space<vmem>>, vector<16xf32>,
      %mul3A_299 = arith.mulf %get3A_298, %broadcast_in_dim3A_295 : vector<16xf32>
      %swap3A_300 = arith.index_cast %add3A_292 : i32 to index
      %swap3A_301 = arith.constant 0 : index
      %swap3A_302 = tpu.vector_load %arg18[%swap3A_300, %swap3A_301] {strides = array<i32>} : memref<640x64xf32, #tpu.memory_space<vmem>>, vector<16xf32>,
      tpu.vector_store %arg18[%swap3A_300, %swap3A_301], %mul3A_299 {strides = array<i32>} : memref<640x64xf32, #tpu.memory_space<vmem>>, vector<16xf32>,
      %get3A_303 = arith.index_cast %add3A_292 : i32 to index
      %get3A_304 = arith.constant 16 : index
      %get3A_305 = tpu.vector_load %arg18[%get3A_303, %get3A_304] {strides = array<i32>} : memref<640x64xf32, #tpu.memory_space<vmem>>, vector<16xf32>,
      %mul3A_306 = arith.mulf %get3A_305, %broadcast_in_dim3A_295 : vector<16xf32>
      %swap3A_307 = arith.index_cast %add3A_292 : i32 to index
      %swap3A_308 = arith.constant 16 : index
      %swap3A_309 = tpu.vector_load %arg18[%swap3A_307, %swap3A_308] {strides = array<i32>} : memref<640x64xf32, #tpu.memory_space<vmem>>, vector<16xf32>,
      tpu.vector_store %arg18[%swap3A_307, %swap3A_308], %mul3A_306 {strides = array<i32>} : memref<640x64xf32, #tpu.memory_space<vmem>>, vector<16xf32>,
      %get3A_310 = arith.index_cast %add3A_292 : i32 to index
      %get3A_311 = arith.constant 32 : index
      %get3A_312 = tpu.vector_load %arg18[%get3A_310, %get3A_311] {strides = array<i32>} : memref<640x64xf32, #tpu.memory_space<vmem>>, vector<16xf32>,
      %mul3A_313 = arith.mulf %get3A_312, %broadcast_in_dim3A_295 : vector<16xf32>
      %swap3A_314 = arith.index_cast %add3A_292 : i32 to index
      %swap3A_315 = arith.constant 32 : index
      %swap3A_316 = tpu.vector_load %arg18[%swap3A_314, %swap3A_315] {strides = array<i32>} : memref<640x64xf32, #tpu.memory_space<vmem>>, vector<16xf32>,
      tpu.vector_store %arg18[%swap3A_314, %swap3A_315], %mul3A_313 {strides = array<i32>} : memref<640x64xf32, #tpu.memory_space<vmem>>, vector<16xf32>,
      %get3A_317 = arith.index_cast %add3A_292 : i32 to index
      %get3A_318 = arith.constant 48 : index
      %get3A_319 = tpu.vector_load %arg18[%get3A_317, %get3A_318] {strides = array<i32>} : memref<640x64xf32, #tpu.memory_space<vmem>>, vector<16xf32>,
      %mul3A_320 = arith.mulf %get3A_319, %broadcast_in_dim3A_295 : vector<16xf32>
      %swap3A_321 = arith.index_cast %add3A_292 : i32 to index
      %swap3A_322 = arith.constant 48 : index
      %swap3A_323 = tpu.vector_load %arg18[%swap3A_321, %swap3A_322] {strides = array<i32>} : memref<640x64xf32, #tpu.memory_space<vmem>>, vector<16xf32>,
      tpu.vector_store %arg18[%swap3A_321, %swap3A_322], %mul3A_320 {strides = array<i32>} : memref<640x64xf32, #tpu.memory_space<vmem>>, vector<16xf32>,
      %mul3A_324 = arith.constant 16 : i32
      %mul3A_325 = arith.muli %scan3A_58, %mul3A_324 : i32
      %add3A_326 = arith.constant 128 : i32
      %add3A_327 = arith.addi %add3A_326, %mul3A_325 : i32
      %add3A_328 = arith.constant 7 : i32
      %add3A_329 = arith.addi %add3A_327, %add3A_328 : i32
      %slice3A_330 = vector.extract_strided_slice %div3A_67 {offsets = [7], sizes = [1], strides = [1]} : vector<16xf32> to vector<1xf32>
      %squeeze3A_331 = vector.extract %slice3A_330[0] : f32 from vector<1xf32>
      %broadcast_in_dim3A_332 = vector.broadcast %squeeze3A_331 : f32 to vector<16xf32>
      %get3A_333 = arith.index_cast %add3A_329 : i32 to index
      %get3A_334 = arith.constant 0 : index
      %get3A_335 = tpu.vector_load %arg18[%get3A_333, %get3A_334] {strides = array<i32>} : memref<640x64xf32, #tpu.memory_space<vmem>>, vector<16xf32>,
      %mul3A_336 = arith.mulf %get3A_335, %broadcast_in_dim3A_332 : vector<16xf32>
      %swap3A_337 = arith.index_cast %add3A_329 : i32 to index
      %swap3A_338 = arith.constant 0 : index
      %swap3A_339 = tpu.vector_load %arg18[%swap3A_337, %swap3A_338] {strides = array<i32>} : memref<640x64xf32, #tpu.memory_space<vmem>>, vector<16xf32>,
      tpu.vector_store %arg18[%swap3A_337, %swap3A_338], %mul3A_336 {strides = array<i32>} : memref<640x64xf32, #tpu.memory_space<vmem>>, vector<16xf32>,
      %get3A_340 = arith.index_cast %add3A_329 : i32 to index
      %get3A_341 = arith.constant 16 : index
      %get3A_342 = tpu.vector_load %arg18[%get3A_340, %get3A_341] {strides = array<i32>} : memref<640x64xf32, #tpu.memory_space<vmem>>, vector<16xf32>,
      %mul3A_343 = arith.mulf %get3A_342, %broadcast_in_dim3A_332 : vector<16xf32>
      %swap3A_344 = arith.index_cast %add3A_329 : i32 to index
      %swap3A_345 = arith.constant 16 : index
      %swap3A_346 = tpu.vector_load %arg18[%swap3A_344, %swap3A_345] {strides = array<i32>} : memref<640x64xf32, #tpu.memory_space<vmem>>, vector<16xf32>,
      tpu.vector_store %arg18[%swap3A_344, %swap3A_345], %mul3A_343 {strides = array<i32>} : memref<640x64xf32, #tpu.memory_space<vmem>>, vector<16xf32>,
      %get3A_347 = arith.index_cast %add3A_329 : i32 to index
      %get3A_348 = arith.constant 32 : index
      %get3A_349 = tpu.vector_load %arg18[%get3A_347, %get3A_348] {strides = array<i32>} : memref<640x64xf32, #tpu.memory_space<vmem>>, vector<16xf32>,
      %mul3A_350 = arith.mulf %get3A_349, %broadcast_in_dim3A_332 : vector<16xf32>
      %swap3A_351 = arith.index_cast %add3A_329 : i32 to index
      %swap3A_352 = arith.constant 32 : index
      %swap3A_353 = tpu.vector_load %arg18[%swap3A_351, %swap3A_352] {strides = array<i32>} : memref<640x64xf32, #tpu.memory_space<vmem>>, vector<16xf32>,
      tpu.vector_store %arg18[%swap3A_351, %swap3A_352], %mul3A_350 {strides = array<i32>} : memref<640x64xf32, #tpu.memory_space<vmem>>, vector<16xf32>,
      %get3A_354 = arith.index_cast %add3A_329 : i32 to index
      %get3A_355 = arith.constant 48 : index
      %get3A_356 = tpu.vector_load %arg18[%get3A_354, %get3A_355] {strides = array<i32>} : memref<640x64xf32, #tpu.memory_space<vmem>>, vector<16xf32>,
      %mul3A_357 = arith.mulf %get3A_356, %broadcast_in_dim3A_332 : vector<16xf32>
      %swap3A_358 = arith.index_cast %add3A_329 : i32 to index
      %swap3A_359 = arith.constant 48 : index
      %swap3A_360 = tpu.vector_load %arg18[%swap3A_358, %swap3A_359] {strides = array<i32>} : memref<640x64xf32, #tpu.memory_space<vmem>>, vector<16xf32>,
      tpu.vector_store %arg18[%swap3A_358, %swap3A_359], %mul3A_357 {strides = array<i32>} : memref<640x64xf32, #tpu.memory_space<vmem>>, vector<16xf32>,
      %mul3A_361 = arith.constant 16 : i32
      %mul3A_362 = arith.muli %scan3A_58, %mul3A_361 : i32
      %add3A_363 = arith.constant 128 : i32
      %add3A_364 = arith.addi %add3A_363, %mul3A_362 : i32
      %add3A_365 = arith.constant 8 : i32
      %add3A_366 = arith.addi %add3A_364, %add3A_365 : i32
      %slice3A_367 = vector.extract_strided_slice %div3A_67 {offsets = [8], sizes = [1], strides = [1]} : vector<16xf32> to vector<1xf32>
      %squeeze3A_368 = vector.extract %slice3A_367[0] : f32 from vector<1xf32>
      %broadcast_in_dim3A_369 = vector.broadcast %squeeze3A_368 : f32 to vector<16xf32>
      %get3A_370 = arith.index_cast %add3A_366 : i32 to index
      %get3A_371 = arith.constant 0 : index
      %get3A_372 = tpu.vector_load %arg18[%get3A_370, %get3A_371] {strides = array<i32>} : memref<640x64xf32, #tpu.memory_space<vmem>>, vector<16xf32>,
      %mul3A_373 = arith.mulf %get3A_372, %broadcast_in_dim3A_369 : vector<16xf32>
      %swap3A_374 = arith.index_cast %add3A_366 : i32 to index
      %swap3A_375 = arith.constant 0 : index
      %swap3A_376 = tpu.vector_load %arg18[%swap3A_374, %swap3A_375] {strides = array<i32>} : memref<640x64xf32, #tpu.memory_space<vmem>>, vector<16xf32>,
      tpu.vector_store %arg18[%swap3A_374, %swap3A_375], %mul3A_373 {strides = array<i32>} : memref<640x64xf32, #tpu.memory_space<vmem>>, vector<16xf32>,
      %get3A_377 = arith.index_cast %add3A_366 : i32 to index
      %get3A_378 = arith.constant 16 : index
      %get3A_379 = tpu.vector_load %arg18[%get3A_377, %get3A_378] {strides = array<i32>} : memref<640x64xf32, #tpu.memory_space<vmem>>, vector<16xf32>,
      %mul3A_380 = arith.mulf %get3A_379, %broadcast_in_dim3A_369 : vector<16xf32>
      %swap3A_381 = arith.index_cast %add3A_366 : i32 to index
      %swap3A_382 = arith.constant 16 : index
      %swap3A_383 = tpu.vector_load %arg18[%swap3A_381, %swap3A_382] {strides = array<i32>} : memref<640x64xf32, #tpu.memory_space<vmem>>, vector<16xf32>,
      tpu.vector_store %arg18[%swap3A_381, %swap3A_382], %mul3A_380 {strides = array<i32>} : memref<640x64xf32, #tpu.memory_space<vmem>>, vector<16xf32>,
      %get3A_384 = arith.index_cast %add3A_366 : i32 to index
      %get3A_385 = arith.constant 32 : index
      %get3A_386 = tpu.vector_load %arg18[%get3A_384, %get3A_385] {strides = array<i32>} : memref<640x64xf32, #tpu.memory_space<vmem>>, vector<16xf32>,
      %mul3A_387 = arith.mulf %get3A_386, %broadcast_in_dim3A_369 : vector<16xf32>
      %swap3A_388 = arith.index_cast %add3A_366 : i32 to index
      %swap3A_389 = arith.constant 32 : index
      %swap3A_390 = tpu.vector_load %arg18[%swap3A_388, %swap3A_389] {strides = array<i32>} : memref<640x64xf32, #tpu.memory_space<vmem>>, vector<16xf32>,
      tpu.vector_store %arg18[%swap3A_388, %swap3A_389], %mul3A_387 {strides = array<i32>} : memref<640x64xf32, #tpu.memory_space<vmem>>, vector<16xf32>,
      %get3A_391 = arith.index_cast %add3A_366 : i32 to index
      %get3A_392 = arith.constant 48 : index
      %get3A_393 = tpu.vector_load %arg18[%get3A_391, %get3A_392] {strides = array<i32>} : memref<640x64xf32, #tpu.memory_space<vmem>>, vector<16xf32>,
      %mul3A_394 = arith.mulf %get3A_393, %broadcast_in_dim3A_369 : vector<16xf32>
      %swap3A_395 = arith.index_cast %add3A_366 : i32 to index
      %swap3A_396 = arith.constant 48 : index
      %swap3A_397 = tpu.vector_load %arg18[%swap3A_395, %swap3A_396] {strides = array<i32>} : memref<640x64xf32, #tpu.memory_space<vmem>>, vector<16xf32>,
      tpu.vector_store %arg18[%swap3A_395, %swap3A_396], %mul3A_394 {strides = array<i32>} : memref<640x64xf32, #tpu.memory_space<vmem>>, vector<16xf32>,
      %mul3A_398 = arith.constant 16 : i32
      %mul3A_399 = arith.muli %scan3A_58, %mul3A_398 : i32
      %add3A_400 = arith.constant 128 : i32
      %add3A_401 = arith.addi %add3A_400, %mul3A_399 : i32
      %add3A_402 = arith.constant 9 : i32
      %add3A_403 = arith.addi %add3A_401, %add3A_402 : i32
      %slice3A_404 = vector.extract_strided_slice %div3A_67 {offsets = [9], sizes = [1], strides = [1]} : vector<16xf32> to vector<1xf32>
      %squeeze3A_405 = vector.extract %slice3A_404[0] : f32 from vector<1xf32>
      %broadcast_in_dim3A_406 = vector.broadcast %squeeze3A_405 : f32 to vector<16xf32>
      %get3A_407 = arith.index_cast %add3A_403 : i32 to index
      %get3A_408 = arith.constant 0 : index
      %get3A_409 = tpu.vector_load %arg18[%get3A_407, %get3A_408] {strides = array<i32>} : memref<640x64xf32, #tpu.memory_space<vmem>>, vector<16xf32>,
      %mul3A_410 = arith.mulf %get3A_409, %broadcast_in_dim3A_406 : vector<16xf32>
      %swap3A_411 = arith.index_cast %add3A_403 : i32 to index
      %swap3A_412 = arith.constant 0 : index
      %swap3A_413 = tpu.vector_load %arg18[%swap3A_411, %swap3A_412] {strides = array<i32>} : memref<640x64xf32, #tpu.memory_space<vmem>>, vector<16xf32>,
      tpu.vector_store %arg18[%swap3A_411, %swap3A_412], %mul3A_410 {strides = array<i32>} : memref<640x64xf32, #tpu.memory_space<vmem>>, vector<16xf32>,
      %get3A_414 = arith.index_cast %add3A_403 : i32 to index
      %get3A_415 = arith.constant 16 : index
      %get3A_416 = tpu.vector_load %arg18[%get3A_414, %get3A_415] {strides = array<i32>} : memref<640x64xf32, #tpu.memory_space<vmem>>, vector<16xf32>,
      %mul3A_417 = arith.mulf %get3A_416, %broadcast_in_dim3A_406 : vector<16xf32>
      %swap3A_418 = arith.index_cast %add3A_403 : i32 to index
      %swap3A_419 = arith.constant 16 : index
      %swap3A_420 = tpu.vector_load %arg18[%swap3A_418, %swap3A_419] {strides = array<i32>} : memref<640x64xf32, #tpu.memory_space<vmem>>, vector<16xf32>,
      tpu.vector_store %arg18[%swap3A_418, %swap3A_419], %mul3A_417 {strides = array<i32>} : memref<640x64xf32, #tpu.memory_space<vmem>>, vector<16xf32>,
      %get3A_421 = arith.index_cast %add3A_403 : i32 to index
      %get3A_422 = arith.constant 32 : index
      %get3A_423 = tpu.vector_load %arg18[%get3A_421, %get3A_422] {strides = array<i32>} : memref<640x64xf32, #tpu.memory_space<vmem>>, vector<16xf32>,
      %mul3A_424 = arith.mulf %get3A_423, %broadcast_in_dim3A_406 : vector<16xf32>
      %swap3A_425 = arith.index_cast %add3A_403 : i32 to index
      %swap3A_426 = arith.constant 32 : index
      %swap3A_427 = tpu.vector_load %arg18[%swap3A_425, %swap3A_426] {strides = array<i32>} : memref<640x64xf32, #tpu.memory_space<vmem>>, vector<16xf32>,
      tpu.vector_store %arg18[%swap3A_425, %swap3A_426], %mul3A_424 {strides = array<i32>} : memref<640x64xf32, #tpu.memory_space<vmem>>, vector<16xf32>,
      %get3A_428 = arith.index_cast %add3A_403 : i32 to index
      %get3A_429 = arith.constant 48 : index
      %get3A_430 = tpu.vector_load %arg18[%get3A_428, %get3A_429] {strides = array<i32>} : memref<640x64xf32, #tpu.memory_space<vmem>>, vector<16xf32>,
      %mul3A_431 = arith.mulf %get3A_430, %broadcast_in_dim3A_406 : vector<16xf32>
      %swap3A_432 = arith.index_cast %add3A_403 : i32 to index
      %swap3A_433 = arith.constant 48 : index
      %swap3A_434 = tpu.vector_load %arg18[%swap3A_432, %swap3A_433] {strides = array<i32>} : memref<640x64xf32, #tpu.memory_space<vmem>>, vector<16xf32>,
      tpu.vector_store %arg18[%swap3A_432, %swap3A_433], %mul3A_431 {strides = array<i32>} : memref<640x64xf32, #tpu.memory_space<vmem>>, vector<16xf32>,
      %mul3A_435 = arith.constant 16 : i32
      %mul3A_436 = arith.muli %scan3A_58, %mul3A_435 : i32
      %add3A_437 = arith.constant 128 : i32
      %add3A_438 = arith.addi %add3A_437, %mul3A_436 : i32
      %add3A_439 = arith.constant 10 : i32
      %add3A_440 = arith.addi %add3A_438, %add3A_439 : i32
      %slice3A_441 = vector.extract_strided_slice %div3A_67 {offsets = [10], sizes = [1], strides = [1]} : vector<16xf32> to vector<1xf32>
      %squeeze3A_442 = vector.extract %slice3A_441[0] : f32 from vector<1xf32>
      %broadcast_in_dim3A_443 = vector.broadcast %squeeze3A_442 : f32 to vector<16xf32>
      %get3A_444 = arith.index_cast %add3A_440 : i32 to index
      %get3A_445 = arith.constant 0 : index
      %get3A_446 = tpu.vector_load %arg18[%get3A_444, %get3A_445] {strides = array<i32>} : memref<640x64xf32, #tpu.memory_space<vmem>>, vector<16xf32>,
      %mul3A_447 = arith.mulf %get3A_446, %broadcast_in_dim3A_443 : vector<16xf32>
      %swap3A_448 = arith.index_cast %add3A_440 : i32 to index
      %swap3A_449 = arith.constant 0 : index
      %swap3A_450 = tpu.vector_load %arg18[%swap3A_448, %swap3A_449] {strides = array<i32>} : memref<640x64xf32, #tpu.memory_space<vmem>>, vector<16xf32>,
      tpu.vector_store %arg18[%swap3A_448, %swap3A_449], %mul3A_447 {strides = array<i32>} : memref<640x64xf32, #tpu.memory_space<vmem>>, vector<16xf32>,
      %get3A_451 = arith.index_cast %add3A_440 : i32 to index
      %get3A_452 = arith.constant 16 : index
      %get3A_453 = tpu.vector_load %arg18[%get3A_451, %get3A_452] {strides = array<i32>} : memref<640x64xf32, #tpu.memory_space<vmem>>, vector<16xf32>,
      %mul3A_454 = arith.mulf %get3A_453, %broadcast_in_dim3A_443 : vector<16xf32>
      %swap3A_455 = arith.index_cast %add3A_440 : i32 to index
      %swap3A_456 = arith.constant 16 : index
      %swap3A_457 = tpu.vector_load %arg18[%swap3A_455, %swap3A_456] {strides = array<i32>} : memref<640x64xf32, #tpu.memory_space<vmem>>, vector<16xf32>,
      tpu.vector_store %arg18[%swap3A_455, %swap3A_456], %mul3A_454 {strides = array<i32>} : memref<640x64xf32, #tpu.memory_space<vmem>>, vector<16xf32>,
      %get3A_458 = arith.index_cast %add3A_440 : i32 to index
      %get3A_459 = arith.constant 32 : index
      %get3A_460 = tpu.vector_load %arg18[%get3A_458, %get3A_459] {strides = array<i32>} : memref<640x64xf32, #tpu.memory_space<vmem>>, vector<16xf32>,
      %mul3A_461 = arith.mulf %get3A_460, %broadcast_in_dim3A_443 : vector<16xf32>
      %swap3A_462 = arith.index_cast %add3A_440 : i32 to index
      %swap3A_463 = arith.constant 32 : index
      %swap3A_464 = tpu.vector_load %arg18[%swap3A_462, %swap3A_463] {strides = array<i32>} : memref<640x64xf32, #tpu.memory_space<vmem>>, vector<16xf32>,
      tpu.vector_store %arg18[%swap3A_462, %swap3A_463], %mul3A_461 {strides = array<i32>} : memref<640x64xf32, #tpu.memory_space<vmem>>, vector<16xf32>,
      %get3A_465 = arith.index_cast %add3A_440 : i32 to index
      %get3A_466 = arith.constant 48 : index
      %get3A_467 = tpu.vector_load %arg18[%get3A_465, %get3A_466] {strides = array<i32>} : memref<640x64xf32, #tpu.memory_space<vmem>>, vector<16xf32>,
      %mul3A_468 = arith.mulf %get3A_467, %broadcast_in_dim3A_443 : vector<16xf32>
      %swap3A_469 = arith.index_cast %add3A_440 : i32 to index
      %swap3A_470 = arith.constant 48 : index
      %swap3A_471 = tpu.vector_load %arg18[%swap3A_469, %swap3A_470] {strides = array<i32>} : memref<640x64xf32, #tpu.memory_space<vmem>>, vector<16xf32>,
      tpu.vector_store %arg18[%swap3A_469, %swap3A_470], %mul3A_468 {strides = array<i32>} : memref<640x64xf32, #tpu.memory_space<vmem>>, vector<16xf32>,
      %mul3A_472 = arith.constant 16 : i32
      %mul3A_473 = arith.muli %scan3A_58, %mul3A_472 : i32
      %add3A_474 = arith.constant 128 : i32
      %add3A_475 = arith.addi %add3A_474, %mul3A_473 : i32
      %add3A_476 = arith.constant 11 : i32
      %add3A_477 = arith.addi %add3A_475, %add3A_476 : i32
      %slice3A_478 = vector.extract_strided_slice %div3A_67 {offsets = [11], sizes = [1], strides = [1]} : vector<16xf32> to vector<1xf32>
      %squeeze3A_479 = vector.extract %slice3A_478[0] : f32 from vector<1xf32>
      %broadcast_in_dim3A_480 = vector.broadcast %squeeze3A_479 : f32 to vector<16xf32>
      %get3A_481 = arith.index_cast %add3A_477 : i32 to index
      %get3A_482 = arith.constant 0 : index
      %get3A_483 = tpu.vector_load %arg18[%get3A_481, %get3A_482] {strides = array<i32>} : memref<640x64xf32, #tpu.memory_space<vmem>>, vector<16xf32>,
      %mul3A_484 = arith.mulf %get3A_483, %broadcast_in_dim3A_480 : vector<16xf32>
      %swap3A_485 = arith.index_cast %add3A_477 : i32 to index
      %swap3A_486 = arith.constant 0 : index
      %swap3A_487 = tpu.vector_load %arg18[%swap3A_485, %swap3A_486] {strides = array<i32>} : memref<640x64xf32, #tpu.memory_space<vmem>>, vector<16xf32>,
      tpu.vector_store %arg18[%swap3A_485, %swap3A_486], %mul3A_484 {strides = array<i32>} : memref<640x64xf32, #tpu.memory_space<vmem>>, vector<16xf32>,
      %get3A_488 = arith.index_cast %add3A_477 : i32 to index
      %get3A_489 = arith.constant 16 : index
      %get3A_490 = tpu.vector_load %arg18[%get3A_488, %get3A_489] {strides = array<i32>} : memref<640x64xf32, #tpu.memory_space<vmem>>, vector<16xf32>,
      %mul3A_491 = arith.mulf %get3A_490, %broadcast_in_dim3A_480 : vector<16xf32>
      %swap3A_492 = arith.index_cast %add3A_477 : i32 to index
      %swap3A_493 = arith.constant 16 : index
      %swap3A_494 = tpu.vector_load %arg18[%swap3A_492, %swap3A_493] {strides = array<i32>} : memref<640x64xf32, #tpu.memory_space<vmem>>, vector<16xf32>,
      tpu.vector_store %arg18[%swap3A_492, %swap3A_493], %mul3A_491 {strides = array<i32>} : memref<640x64xf32, #tpu.memory_space<vmem>>, vector<16xf32>,
      %get3A_495 = arith.index_cast %add3A_477 : i32 to index
      %get3A_496 = arith.constant 32 : index
      %get3A_497 = tpu.vector_load %arg18[%get3A_495, %get3A_496] {strides = array<i32>} : memref<640x64xf32, #tpu.memory_space<vmem>>, vector<16xf32>,
      %mul3A_498 = arith.mulf %get3A_497, %broadcast_in_dim3A_480 : vector<16xf32>
      %swap3A_499 = arith.index_cast %add3A_477 : i32 to index
      %swap3A_500 = arith.constant 32 : index
      %swap3A_501 = tpu.vector_load %arg18[%swap3A_499, %swap3A_500] {strides = array<i32>} : memref<640x64xf32, #tpu.memory_space<vmem>>, vector<16xf32>,
      tpu.vector_store %arg18[%swap3A_499, %swap3A_500], %mul3A_498 {strides = array<i32>} : memref<640x64xf32, #tpu.memory_space<vmem>>, vector<16xf32>,
      %get3A_502 = arith.index_cast %add3A_477 : i32 to index
      %get3A_503 = arith.constant 48 : index
      %get3A_504 = tpu.vector_load %arg18[%get3A_502, %get3A_503] {strides = array<i32>} : memref<640x64xf32, #tpu.memory_space<vmem>>, vector<16xf32>,
      %mul3A_505 = arith.mulf %get3A_504, %broadcast_in_dim3A_480 : vector<16xf32>
      %swap3A_506 = arith.index_cast %add3A_477 : i32 to index
      %swap3A_507 = arith.constant 48 : index
      %swap3A_508 = tpu.vector_load %arg18[%swap3A_506, %swap3A_507] {strides = array<i32>} : memref<640x64xf32, #tpu.memory_space<vmem>>, vector<16xf32>,
      tpu.vector_store %arg18[%swap3A_506, %swap3A_507], %mul3A_505 {strides = array<i32>} : memref<640x64xf32, #tpu.memory_space<vmem>>, vector<16xf32>,
      %mul3A_509 = arith.constant 16 : i32
      %mul3A_510 = arith.muli %scan3A_58, %mul3A_509 : i32
      %add3A_511 = arith.constant 128 : i32
      %add3A_512 = arith.addi %add3A_511, %mul3A_510 : i32
      %add3A_513 = arith.constant 12 : i32
      %add3A_514 = arith.addi %add3A_512, %add3A_513 : i32
      %slice3A_515 = vector.extract_strided_slice %div3A_67 {offsets = [12], sizes = [1], strides = [1]} : vector<16xf32> to vector<1xf32>
      %squeeze3A_516 = vector.extract %slice3A_515[0] : f32 from vector<1xf32>
      %broadcast_in_dim3A_517 = vector.broadcast %squeeze3A_516 : f32 to vector<16xf32>
      %get3A_518 = arith.index_cast %add3A_514 : i32 to index
      %get3A_519 = arith.constant 0 : index
      %get3A_520 = tpu.vector_load %arg18[%get3A_518, %get3A_519] {strides = array<i32>} : memref<640x64xf32, #tpu.memory_space<vmem>>, vector<16xf32>,
      %mul3A_521 = arith.mulf %get3A_520, %broadcast_in_dim3A_517 : vector<16xf32>
      %swap3A_522 = arith.index_cast %add3A_514 : i32 to index
      %swap3A_523 = arith.constant 0 : index
      %swap3A_524 = tpu.vector_load %arg18[%swap3A_522, %swap3A_523] {strides = array<i32>} : memref<640x64xf32, #tpu.memory_space<vmem>>, vector<16xf32>,
      tpu.vector_store %arg18[%swap3A_522, %swap3A_523], %mul3A_521 {strides = array<i32>} : memref<640x64xf32, #tpu.memory_space<vmem>>, vector<16xf32>,
      %get3A_525 = arith.index_cast %add3A_514 : i32 to index
      %get3A_526 = arith.constant 16 : index
      %get3A_527 = tpu.vector_load %arg18[%get3A_525, %get3A_526] {strides = array<i32>} : memref<640x64xf32, #tpu.memory_space<vmem>>, vector<16xf32>,
      %mul3A_528 = arith.mulf %get3A_527, %broadcast_in_dim3A_517 : vector<16xf32>
      %swap3A_529 = arith.index_cast %add3A_514 : i32 to index
      %swap3A_530 = arith.constant 16 : index
      %swap3A_531 = tpu.vector_load %arg18[%swap3A_529, %swap3A_530] {strides = array<i32>} : memref<640x64xf32, #tpu.memory_space<vmem>>, vector<16xf32>,
      tpu.vector_store %arg18[%swap3A_529, %swap3A_530], %mul3A_528 {strides = array<i32>} : memref<640x64xf32, #tpu.memory_space<vmem>>, vector<16xf32>,
      %get3A_532 = arith.index_cast %add3A_514 : i32 to index
      %get3A_533 = arith.constant 32 : index
      %get3A_534 = tpu.vector_load %arg18[%get3A_532, %get3A_533] {strides = array<i32>} : memref<640x64xf32, #tpu.memory_space<vmem>>, vector<16xf32>,
      %mul3A_535 = arith.mulf %get3A_534, %broadcast_in_dim3A_517 : vector<16xf32>
      %swap3A_536 = arith.index_cast %add3A_514 : i32 to index
      %swap3A_537 = arith.constant 32 : index
      %swap3A_538 = tpu.vector_load %arg18[%swap3A_536, %swap3A_537] {strides = array<i32>} : memref<640x64xf32, #tpu.memory_space<vmem>>, vector<16xf32>,
      tpu.vector_store %arg18[%swap3A_536, %swap3A_537], %mul3A_535 {strides = array<i32>} : memref<640x64xf32, #tpu.memory_space<vmem>>, vector<16xf32>,
      %get3A_539 = arith.index_cast %add3A_514 : i32 to index
      %get3A_540 = arith.constant 48 : index
      %get3A_541 = tpu.vector_load %arg18[%get3A_539, %get3A_540] {strides = array<i32>} : memref<640x64xf32, #tpu.memory_space<vmem>>, vector<16xf32>,
      %mul3A_542 = arith.mulf %get3A_541, %broadcast_in_dim3A_517 : vector<16xf32>
      %swap3A_543 = arith.index_cast %add3A_514 : i32 to index
      %swap3A_544 = arith.constant 48 : index
      %swap3A_545 = tpu.vector_load %arg18[%swap3A_543, %swap3A_544] {strides = array<i32>} : memref<640x64xf32, #tpu.memory_space<vmem>>, vector<16xf32>,
      tpu.vector_store %arg18[%swap3A_543, %swap3A_544], %mul3A_542 {strides = array<i32>} : memref<640x64xf32, #tpu.memory_space<vmem>>, vector<16xf32>,
      %mul3A_546 = arith.constant 16 : i32
      %mul3A_547 = arith.muli %scan3A_58, %mul3A_546 : i32
      %add3A_548 = arith.constant 128 : i32
      %add3A_549 = arith.addi %add3A_548, %mul3A_547 : i32
      %add3A_550 = arith.constant 13 : i32
      %add3A_551 = arith.addi %add3A_549, %add3A_550 : i32
      %slice3A_552 = vector.extract_strided_slice %div3A_67 {offsets = [13], sizes = [1], strides = [1]} : vector<16xf32> to vector<1xf32>
      %squeeze3A_553 = vector.extract %slice3A_552[0] : f32 from vector<1xf32>
      %broadcast_in_dim3A_554 = vector.broadcast %squeeze3A_553 : f32 to vector<16xf32>
      %get3A_555 = arith.index_cast %add3A_551 : i32 to index
      %get3A_556 = arith.constant 0 : index
      %get3A_557 = tpu.vector_load %arg18[%get3A_555, %get3A_556] {strides = array<i32>} : memref<640x64xf32, #tpu.memory_space<vmem>>, vector<16xf32>,
      %mul3A_558 = arith.mulf %get3A_557, %broadcast_in_dim3A_554 : vector<16xf32>
      %swap3A_559 = arith.index_cast %add3A_551 : i32 to index
      %swap3A_560 = arith.constant 0 : index
      %swap3A_561 = tpu.vector_load %arg18[%swap3A_559, %swap3A_560] {strides = array<i32>} : memref<640x64xf32, #tpu.memory_space<vmem>>, vector<16xf32>,
      tpu.vector_store %arg18[%swap3A_559, %swap3A_560], %mul3A_558 {strides = array<i32>} : memref<640x64xf32, #tpu.memory_space<vmem>>, vector<16xf32>,
      %get3A_562 = arith.index_cast %add3A_551 : i32 to index
      %get3A_563 = arith.constant 16 : index
      %get3A_564 = tpu.vector_load %arg18[%get3A_562, %get3A_563] {strides = array<i32>} : memref<640x64xf32, #tpu.memory_space<vmem>>, vector<16xf32>,
      %mul3A_565 = arith.mulf %get3A_564, %broadcast_in_dim3A_554 : vector<16xf32>
      %swap3A_566 = arith.index_cast %add3A_551 : i32 to index
      %swap3A_567 = arith.constant 16 : index
      %swap3A_568 = tpu.vector_load %arg18[%swap3A_566, %swap3A_567] {strides = array<i32>} : memref<640x64xf32, #tpu.memory_space<vmem>>, vector<16xf32>,
      tpu.vector_store %arg18[%swap3A_566, %swap3A_567], %mul3A_565 {strides = array<i32>} : memref<640x64xf32, #tpu.memory_space<vmem>>, vector<16xf32>,
      %get3A_569 = arith.index_cast %add3A_551 : i32 to index
      %get3A_570 = arith.constant 32 : index
      %get3A_571 = tpu.vector_load %arg18[%get3A_569, %get3A_570] {strides = array<i32>} : memref<640x64xf32, #tpu.memory_space<vmem>>, vector<16xf32>,
      %mul3A_572 = arith.mulf %get3A_571, %broadcast_in_dim3A_554 : vector<16xf32>
      %swap3A_573 = arith.index_cast %add3A_551 : i32 to index
      %swap3A_574 = arith.constant 32 : index
      %swap3A_575 = tpu.vector_load %arg18[%swap3A_573, %swap3A_574] {strides = array<i32>} : memref<640x64xf32, #tpu.memory_space<vmem>>, vector<16xf32>,
      tpu.vector_store %arg18[%swap3A_573, %swap3A_574], %mul3A_572 {strides = array<i32>} : memref<640x64xf32, #tpu.memory_space<vmem>>, vector<16xf32>,
      %get3A_576 = arith.index_cast %add3A_551 : i32 to index
      %get3A_577 = arith.constant 48 : index
      %get3A_578 = tpu.vector_load %arg18[%get3A_576, %get3A_577] {strides = array<i32>} : memref<640x64xf32, #tpu.memory_space<vmem>>, vector<16xf32>,
      %mul3A_579 = arith.mulf %get3A_578, %broadcast_in_dim3A_554 : vector<16xf32>
      %swap3A_580 = arith.index_cast %add3A_551 : i32 to index
      %swap3A_581 = arith.constant 48 : index
      %swap3A_582 = tpu.vector_load %arg18[%swap3A_580, %swap3A_581] {strides = array<i32>} : memref<640x64xf32, #tpu.memory_space<vmem>>, vector<16xf32>,
      tpu.vector_store %arg18[%swap3A_580, %swap3A_581], %mul3A_579 {strides = array<i32>} : memref<640x64xf32, #tpu.memory_space<vmem>>, vector<16xf32>,
      %mul3A_583 = arith.constant 16 : i32
      %mul3A_584 = arith.muli %scan3A_58, %mul3A_583 : i32
      %add3A_585 = arith.constant 128 : i32
      %add3A_586 = arith.addi %add3A_585, %mul3A_584 : i32
      %add3A_587 = arith.constant 14 : i32
      %add3A_588 = arith.addi %add3A_586, %add3A_587 : i32
      %slice3A_589 = vector.extract_strided_slice %div3A_67 {offsets = [14], sizes = [1], strides = [1]} : vector<16xf32> to vector<1xf32>
      %squeeze3A_590 = vector.extract %slice3A_589[0] : f32 from vector<1xf32>
      %broadcast_in_dim3A_591 = vector.broadcast %squeeze3A_590 : f32 to vector<16xf32>
      %get3A_592 = arith.index_cast %add3A_588 : i32 to index
      %get3A_593 = arith.constant 0 : index
      %get3A_594 = tpu.vector_load %arg18[%get3A_592, %get3A_593] {strides = array<i32>} : memref<640x64xf32, #tpu.memory_space<vmem>>, vector<16xf32>,
      %mul3A_595 = arith.mulf %get3A_594, %broadcast_in_dim3A_591 : vector<16xf32>
      %swap3A_596 = arith.index_cast %add3A_588 : i32 to index
      %swap3A_597 = arith.constant 0 : index
      %swap3A_598 = tpu.vector_load %arg18[%swap3A_596, %swap3A_597] {strides = array<i32>} : memref<640x64xf32, #tpu.memory_space<vmem>>, vector<16xf32>,
      tpu.vector_store %arg18[%swap3A_596, %swap3A_597], %mul3A_595 {strides = array<i32>} : memref<640x64xf32, #tpu.memory_space<vmem>>, vector<16xf32>,
      %get3A_599 = arith.index_cast %add3A_588 : i32 to index
      %get3A_600 = arith.constant 16 : index
      %get3A_601 = tpu.vector_load %arg18[%get3A_599, %get3A_600] {strides = array<i32>} : memref<640x64xf32, #tpu.memory_space<vmem>>, vector<16xf32>,
      %mul3A_602 = arith.mulf %get3A_601, %broadcast_in_dim3A_591 : vector<16xf32>
      %swap3A_603 = arith.index_cast %add3A_588 : i32 to index
      %swap3A_604 = arith.constant 16 : index
      %swap3A_605 = tpu.vector_load %arg18[%swap3A_603, %swap3A_604] {strides = array<i32>} : memref<640x64xf32, #tpu.memory_space<vmem>>, vector<16xf32>,
      tpu.vector_store %arg18[%swap3A_603, %swap3A_604], %mul3A_602 {strides = array<i32>} : memref<640x64xf32, #tpu.memory_space<vmem>>, vector<16xf32>,
      %get3A_606 = arith.index_cast %add3A_588 : i32 to index
      %get3A_607 = arith.constant 32 : index
      %get3A_608 = tpu.vector_load %arg18[%get3A_606, %get3A_607] {strides = array<i32>} : memref<640x64xf32, #tpu.memory_space<vmem>>, vector<16xf32>,
      %mul3A_609 = arith.mulf %get3A_608, %broadcast_in_dim3A_591 : vector<16xf32>
      %swap3A_610 = arith.index_cast %add3A_588 : i32 to index
      %swap3A_611 = arith.constant 32 : index
      %swap3A_612 = tpu.vector_load %arg18[%swap3A_610, %swap3A_611] {strides = array<i32>} : memref<640x64xf32, #tpu.memory_space<vmem>>, vector<16xf32>,
      tpu.vector_store %arg18[%swap3A_610, %swap3A_611], %mul3A_609 {strides = array<i32>} : memref<640x64xf32, #tpu.memory_space<vmem>>, vector<16xf32>,
      %get3A_613 = arith.index_cast %add3A_588 : i32 to index
      %get3A_614 = arith.constant 48 : index
      %get3A_615 = tpu.vector_load %arg18[%get3A_613, %get3A_614] {strides = array<i32>} : memref<640x64xf32, #tpu.memory_space<vmem>>, vector<16xf32>,
      %mul3A_616 = arith.mulf %get3A_615, %broadcast_in_dim3A_591 : vector<16xf32>
      %swap3A_617 = arith.index_cast %add3A_588 : i32 to index
      %swap3A_618 = arith.constant 48 : index
      %swap3A_619 = tpu.vector_load %arg18[%swap3A_617, %swap3A_618] {strides = array<i32>} : memref<640x64xf32, #tpu.memory_space<vmem>>, vector<16xf32>,
      tpu.vector_store %arg18[%swap3A_617, %swap3A_618], %mul3A_616 {strides = array<i32>} : memref<640x64xf32, #tpu.memory_space<vmem>>, vector<16xf32>,
      %mul3A_620 = arith.constant 16 : i32
      %mul3A_621 = arith.muli %scan3A_58, %mul3A_620 : i32
      %add3A_622 = arith.constant 128 : i32
      %add3A_623 = arith.addi %add3A_622, %mul3A_621 : i32
      %add3A_624 = arith.constant 15 : i32
      %add3A_625 = arith.addi %add3A_623, %add3A_624 : i32
      %slice3A_626 = vector.extract_strided_slice %div3A_67 {offsets = [15], sizes = [1], strides = [1]} : vector<16xf32> to vector<1xf32>
      %squeeze3A_627 = vector.extract %slice3A_626[0] : f32 from vector<1xf32>
      %broadcast_in_dim3A_628 = vector.broadcast %squeeze3A_627 : f32 to vector<16xf32>
      %get3A_629 = arith.index_cast %add3A_625 : i32 to index
      %get3A_630 = arith.constant 0 : index
      %get3A_631 = tpu.vector_load %arg18[%get3A_629, %get3A_630] {strides = array<i32>} : memref<640x64xf32, #tpu.memory_space<vmem>>, vector<16xf32>,
      %mul3A_632 = arith.mulf %get3A_631, %broadcast_in_dim3A_628 : vector<16xf32>
      %swap3A_633 = arith.index_cast %add3A_625 : i32 to index
      %swap3A_634 = arith.constant 0 : index
      %swap3A_635 = tpu.vector_load %arg18[%swap3A_633, %swap3A_634] {strides = array<i32>} : memref<640x64xf32, #tpu.memory_space<vmem>>, vector<16xf32>,
      tpu.vector_store %arg18[%swap3A_633, %swap3A_634], %mul3A_632 {strides = array<i32>} : memref<640x64xf32, #tpu.memory_space<vmem>>, vector<16xf32>,
      %get3A_636 = arith.index_cast %add3A_625 : i32 to index
      %get3A_637 = arith.constant 16 : index
      %get3A_638 = tpu.vector_load %arg18[%get3A_636, %get3A_637] {strides = array<i32>} : memref<640x64xf32, #tpu.memory_space<vmem>>, vector<16xf32>,
      %mul3A_639 = arith.mulf %get3A_638, %broadcast_in_dim3A_628 : vector<16xf32>
      %swap3A_640 = arith.index_cast %add3A_625 : i32 to index
      %swap3A_641 = arith.constant 16 : index
      %swap3A_642 = tpu.vector_load %arg18[%swap3A_640, %swap3A_641] {strides = array<i32>} : memref<640x64xf32, #tpu.memory_space<vmem>>, vector<16xf32>,
      tpu.vector_store %arg18[%swap3A_640, %swap3A_641], %mul3A_639 {strides = array<i32>} : memref<640x64xf32, #tpu.memory_space<vmem>>, vector<16xf32>,
      %get3A_643 = arith.index_cast %add3A_625 : i32 to index
      %get3A_644 = arith.constant 32 : index
      %get3A_645 = tpu.vector_load %arg18[%get3A_643, %get3A_644] {strides = array<i32>} : memref<640x64xf32, #tpu.memory_space<vmem>>, vector<16xf32>,
      %mul3A_646 = arith.mulf %get3A_645, %broadcast_in_dim3A_628 : vector<16xf32>
      %swap3A_647 = arith.index_cast %add3A_625 : i32 to index
      %swap3A_648 = arith.constant 32 : index
      %swap3A_649 = tpu.vector_load %arg18[%swap3A_647, %swap3A_648] {strides = array<i32>} : memref<640x64xf32, #tpu.memory_space<vmem>>, vector<16xf32>,
      tpu.vector_store %arg18[%swap3A_647, %swap3A_648], %mul3A_646 {strides = array<i32>} : memref<640x64xf32, #tpu.memory_space<vmem>>, vector<16xf32>,
      %get3A_650 = arith.index_cast %add3A_625 : i32 to index
      %get3A_651 = arith.constant 48 : index
      %get3A_652 = tpu.vector_load %arg18[%get3A_650, %get3A_651] {strides = array<i32>} : memref<640x64xf32, #tpu.memory_space<vmem>>, vector<16xf32>,
      %mul3A_653 = arith.mulf %get3A_652, %broadcast_in_dim3A_628 : vector<16xf32>
      %swap3A_654 = arith.index_cast %add3A_625 : i32 to index
      %swap3A_655 = arith.constant 48 : index
      %swap3A_656 = tpu.vector_load %arg18[%swap3A_654, %swap3A_655] {strides = array<i32>} : memref<640x64xf32, #tpu.memory_space<vmem>>, vector<16xf32>,
      tpu.vector_store %arg18[%swap3A_654, %swap3A_655], %mul3A_653 {strides = array<i32>} : memref<640x64xf32, #tpu.memory_space<vmem>>, vector<16xf32>,
    }
    %scan3A_37 = arith.constant 8 : i32
    %scan3A_38 = arith.constant 0 : i32
    %scan3A_39 = arith.constant 0 : i32
    %scan3A_40 = arith.constant 8 : i32
    %scan3A_41 = arith.addi %scan3A_39, %scan3A_40 : i32
    %scan3A_42 = arith.constant 1 : i32
    scf.for %scan3A_58 = %scan3A_39 to %scan3A_41 step %scan3A_42  : i32 {
      %mul3A_59 = arith.constant 16 : i32
      %mul3A_60 = arith.muli %scan3A_58, %mul3A_59 : i32
      %get3A = arith.constant 2 : i32
      %get3A_61 = arith.index_cast %get3A : i32 to index
      %get3A_62 = arith.index_cast %mul3A_60 : i32 to index
      %get3A_63 = tpu.vector_load %arg17[%get3A_61, %get3A_62] {strides = array<i32>} : memref<5x128xf32, #tpu.memory_space<vmem>>, vector<16xf32>,
      %add3A = arith.constant 1.000000e-16 : f32
      %add3A_64 = vector.broadcast %add3A : f32 to vector<16xf32>
      %add3A_65 = arith.addf %get3A_63, %add3A_64 : vector<16xf32>
      %div3A = arith.constant 1.000000e+00 : f32
      %div3A_66 = vector.broadcast %div3A : f32 to vector<16xf32>
      %div3A_67 = arith.divf %div3A_66, %add3A_65 : vector<16xf32>
      %mul3A_68 = arith.constant 16 : i32
      %mul3A_69 = arith.muli %scan3A_58, %mul3A_68 : i32
      %add3A_70 = arith.constant 256 : i32
      %add3A_71 = arith.addi %add3A_70, %mul3A_69 : i32
      %add3A_72 = arith.constant 0 : i32
      %add3A_73 = arith.addi %add3A_71, %add3A_72 : i32
      %slice3A = vector.extract_strided_slice %div3A_67 {offsets = [0], sizes = [1], strides = [1]} : vector<16xf32> to vector<1xf32>
      %squeeze3A = vector.extract %slice3A[0] : f32 from vector<1xf32>
      %broadcast_in_dim3A_74 = vector.broadcast %squeeze3A : f32 to vector<16xf32>
      %get3A_75 = arith.index_cast %add3A_73 : i32 to index
      %get3A_76 = arith.constant 0 : index
      %get3A_77 = tpu.vector_load %arg18[%get3A_75, %get3A_76] {strides = array<i32>} : memref<640x64xf32, #tpu.memory_space<vmem>>, vector<16xf32>,
      %mul3A_78 = arith.mulf %get3A_77, %broadcast_in_dim3A_74 : vector<16xf32>
      %swap3A = arith.index_cast %add3A_73 : i32 to index
      %swap3A_79 = arith.constant 0 : index
      %swap3A_80 = tpu.vector_load %arg18[%swap3A, %swap3A_79] {strides = array<i32>} : memref<640x64xf32, #tpu.memory_space<vmem>>, vector<16xf32>,
      tpu.vector_store %arg18[%swap3A, %swap3A_79], %mul3A_78 {strides = array<i32>} : memref<640x64xf32, #tpu.memory_space<vmem>>, vector<16xf32>,
      %get3A_81 = arith.index_cast %add3A_73 : i32 to index
      %get3A_82 = arith.constant 16 : index
      %get3A_83 = tpu.vector_load %arg18[%get3A_81, %get3A_82] {strides = array<i32>} : memref<640x64xf32, #tpu.memory_space<vmem>>, vector<16xf32>,
      %mul3A_84 = arith.mulf %get3A_83, %broadcast_in_dim3A_74 : vector<16xf32>
      %swap3A_85 = arith.index_cast %add3A_73 : i32 to index
      %swap3A_86 = arith.constant 16 : index
      %swap3A_87 = tpu.vector_load %arg18[%swap3A_85, %swap3A_86] {strides = array<i32>} : memref<640x64xf32, #tpu.memory_space<vmem>>, vector<16xf32>,
      tpu.vector_store %arg18[%swap3A_85, %swap3A_86], %mul3A_84 {strides = array<i32>} : memref<640x64xf32, #tpu.memory_space<vmem>>, vector<16xf32>,
      %get3A_88 = arith.index_cast %add3A_73 : i32 to index
      %get3A_89 = arith.constant 32 : index
      %get3A_90 = tpu.vector_load %arg18[%get3A_88, %get3A_89] {strides = array<i32>} : memref<640x64xf32, #tpu.memory_space<vmem>>, vector<16xf32>,
      %mul3A_91 = arith.mulf %get3A_90, %broadcast_in_dim3A_74 : vector<16xf32>
      %swap3A_92 = arith.index_cast %add3A_73 : i32 to index
      %swap3A_93 = arith.constant 32 : index
      %swap3A_94 = tpu.vector_load %arg18[%swap3A_92, %swap3A_93] {strides = array<i32>} : memref<640x64xf32, #tpu.memory_space<vmem>>, vector<16xf32>,
      tpu.vector_store %arg18[%swap3A_92, %swap3A_93], %mul3A_91 {strides = array<i32>} : memref<640x64xf32, #tpu.memory_space<vmem>>, vector<16xf32>,
      %get3A_95 = arith.index_cast %add3A_73 : i32 to index
      %get3A_96 = arith.constant 48 : index
      %get3A_97 = tpu.vector_load %arg18[%get3A_95, %get3A_96] {strides = array<i32>} : memref<640x64xf32, #tpu.memory_space<vmem>>, vector<16xf32>,
      %mul3A_98 = arith.mulf %get3A_97, %broadcast_in_dim3A_74 : vector<16xf32>
      %swap3A_99 = arith.index_cast %add3A_73 : i32 to index
      %swap3A_100 = arith.constant 48 : index
      %swap3A_101 = tpu.vector_load %arg18[%swap3A_99, %swap3A_100] {strides = array<i32>} : memref<640x64xf32, #tpu.memory_space<vmem>>, vector<16xf32>,
      tpu.vector_store %arg18[%swap3A_99, %swap3A_100], %mul3A_98 {strides = array<i32>} : memref<640x64xf32, #tpu.memory_space<vmem>>, vector<16xf32>,
      %mul3A_102 = arith.constant 16 : i32
      %mul3A_103 = arith.muli %scan3A_58, %mul3A_102 : i32
      %add3A_104 = arith.constant 256 : i32
      %add3A_105 = arith.addi %add3A_104, %mul3A_103 : i32
      %add3A_106 = arith.constant 1 : i32
      %add3A_107 = arith.addi %add3A_105, %add3A_106 : i32
      %slice3A_108 = vector.extract_strided_slice %div3A_67 {offsets = [1], sizes = [1], strides = [1]} : vector<16xf32> to vector<1xf32>
      %squeeze3A_109 = vector.extract %slice3A_108[0] : f32 from vector<1xf32>
      %broadcast_in_dim3A_110 = vector.broadcast %squeeze3A_109 : f32 to vector<16xf32>
      %get3A_111 = arith.index_cast %add3A_107 : i32 to index
      %get3A_112 = arith.constant 0 : index
      %get3A_113 = tpu.vector_load %arg18[%get3A_111, %get3A_112] {strides = array<i32>} : memref<640x64xf32, #tpu.memory_space<vmem>>, vector<16xf32>,
      %mul3A_114 = arith.mulf %get3A_113, %broadcast_in_dim3A_110 : vector<16xf32>
      %swap3A_115 = arith.index_cast %add3A_107 : i32 to index
      %swap3A_116 = arith.constant 0 : index
      %swap3A_117 = tpu.vector_load %arg18[%swap3A_115, %swap3A_116] {strides = array<i32>} : memref<640x64xf32, #tpu.memory_space<vmem>>, vector<16xf32>,
      tpu.vector_store %arg18[%swap3A_115, %swap3A_116], %mul3A_114 {strides = array<i32>} : memref<640x64xf32, #tpu.memory_space<vmem>>, vector<16xf32>,
      %get3A_118 = arith.index_cast %add3A_107 : i32 to index
      %get3A_119 = arith.constant 16 : index
      %get3A_120 = tpu.vector_load %arg18[%get3A_118, %get3A_119] {strides = array<i32>} : memref<640x64xf32, #tpu.memory_space<vmem>>, vector<16xf32>,
      %mul3A_121 = arith.mulf %get3A_120, %broadcast_in_dim3A_110 : vector<16xf32>
      %swap3A_122 = arith.index_cast %add3A_107 : i32 to index
      %swap3A_123 = arith.constant 16 : index
      %swap3A_124 = tpu.vector_load %arg18[%swap3A_122, %swap3A_123] {strides = array<i32>} : memref<640x64xf32, #tpu.memory_space<vmem>>, vector<16xf32>,
      tpu.vector_store %arg18[%swap3A_122, %swap3A_123], %mul3A_121 {strides = array<i32>} : memref<640x64xf32, #tpu.memory_space<vmem>>, vector<16xf32>,
      %get3A_125 = arith.index_cast %add3A_107 : i32 to index
      %get3A_126 = arith.constant 32 : index
      %get3A_127 = tpu.vector_load %arg18[%get3A_125, %get3A_126] {strides = array<i32>} : memref<640x64xf32, #tpu.memory_space<vmem>>, vector<16xf32>,
      %mul3A_128 = arith.mulf %get3A_127, %broadcast_in_dim3A_110 : vector<16xf32>
      %swap3A_129 = arith.index_cast %add3A_107 : i32 to index
      %swap3A_130 = arith.constant 32 : index
      %swap3A_131 = tpu.vector_load %arg18[%swap3A_129, %swap3A_130] {strides = array<i32>} : memref<640x64xf32, #tpu.memory_space<vmem>>, vector<16xf32>,
      tpu.vector_store %arg18[%swap3A_129, %swap3A_130], %mul3A_128 {strides = array<i32>} : memref<640x64xf32, #tpu.memory_space<vmem>>, vector<16xf32>,
      %get3A_132 = arith.index_cast %add3A_107 : i32 to index
      %get3A_133 = arith.constant 48 : index
      %get3A_134 = tpu.vector_load %arg18[%get3A_132, %get3A_133] {strides = array<i32>} : memref<640x64xf32, #tpu.memory_space<vmem>>, vector<16xf32>,
      %mul3A_135 = arith.mulf %get3A_134, %broadcast_in_dim3A_110 : vector<16xf32>
      %swap3A_136 = arith.index_cast %add3A_107 : i32 to index
      %swap3A_137 = arith.constant 48 : index
      %swap3A_138 = tpu.vector_load %arg18[%swap3A_136, %swap3A_137] {strides = array<i32>} : memref<640x64xf32, #tpu.memory_space<vmem>>, vector<16xf32>,
      tpu.vector_store %arg18[%swap3A_136, %swap3A_137], %mul3A_135 {strides = array<i32>} : memref<640x64xf32, #tpu.memory_space<vmem>>, vector<16xf32>,
      %mul3A_139 = arith.constant 16 : i32
      %mul3A_140 = arith.muli %scan3A_58, %mul3A_139 : i32
      %add3A_141 = arith.constant 256 : i32
      %add3A_142 = arith.addi %add3A_141, %mul3A_140 : i32
      %add3A_143 = arith.constant 2 : i32
      %add3A_144 = arith.addi %add3A_142, %add3A_143 : i32
      %slice3A_145 = vector.extract_strided_slice %div3A_67 {offsets = [2], sizes = [1], strides = [1]} : vector<16xf32> to vector<1xf32>
      %squeeze3A_146 = vector.extract %slice3A_145[0] : f32 from vector<1xf32>
      %broadcast_in_dim3A_147 = vector.broadcast %squeeze3A_146 : f32 to vector<16xf32>
      %get3A_148 = arith.index_cast %add3A_144 : i32 to index
      %get3A_149 = arith.constant 0 : index
      %get3A_150 = tpu.vector_load %arg18[%get3A_148, %get3A_149] {strides = array<i32>} : memref<640x64xf32, #tpu.memory_space<vmem>>, vector<16xf32>,
      %mul3A_151 = arith.mulf %get3A_150, %broadcast_in_dim3A_147 : vector<16xf32>
      %swap3A_152 = arith.index_cast %add3A_144 : i32 to index
      %swap3A_153 = arith.constant 0 : index
      %swap3A_154 = tpu.vector_load %arg18[%swap3A_152, %swap3A_153] {strides = array<i32>} : memref<640x64xf32, #tpu.memory_space<vmem>>, vector<16xf32>,
      tpu.vector_store %arg18[%swap3A_152, %swap3A_153], %mul3A_151 {strides = array<i32>} : memref<640x64xf32, #tpu.memory_space<vmem>>, vector<16xf32>,
      %get3A_155 = arith.index_cast %add3A_144 : i32 to index
      %get3A_156 = arith.constant 16 : index
      %get3A_157 = tpu.vector_load %arg18[%get3A_155, %get3A_156] {strides = array<i32>} : memref<640x64xf32, #tpu.memory_space<vmem>>, vector<16xf32>,
      %mul3A_158 = arith.mulf %get3A_157, %broadcast_in_dim3A_147 : vector<16xf32>
      %swap3A_159 = arith.index_cast %add3A_144 : i32 to index
      %swap3A_160 = arith.constant 16 : index
      %swap3A_161 = tpu.vector_load %arg18[%swap3A_159, %swap3A_160] {strides = array<i32>} : memref<640x64xf32, #tpu.memory_space<vmem>>, vector<16xf32>,
      tpu.vector_store %arg18[%swap3A_159, %swap3A_160], %mul3A_158 {strides = array<i32>} : memref<640x64xf32, #tpu.memory_space<vmem>>, vector<16xf32>,
      %get3A_162 = arith.index_cast %add3A_144 : i32 to index
      %get3A_163 = arith.constant 32 : index
      %get3A_164 = tpu.vector_load %arg18[%get3A_162, %get3A_163] {strides = array<i32>} : memref<640x64xf32, #tpu.memory_space<vmem>>, vector<16xf32>,
      %mul3A_165 = arith.mulf %get3A_164, %broadcast_in_dim3A_147 : vector<16xf32>
      %swap3A_166 = arith.index_cast %add3A_144 : i32 to index
      %swap3A_167 = arith.constant 32 : index
      %swap3A_168 = tpu.vector_load %arg18[%swap3A_166, %swap3A_167] {strides = array<i32>} : memref<640x64xf32, #tpu.memory_space<vmem>>, vector<16xf32>,
      tpu.vector_store %arg18[%swap3A_166, %swap3A_167], %mul3A_165 {strides = array<i32>} : memref<640x64xf32, #tpu.memory_space<vmem>>, vector<16xf32>,
      %get3A_169 = arith.index_cast %add3A_144 : i32 to index
      %get3A_170 = arith.constant 48 : index
      %get3A_171 = tpu.vector_load %arg18[%get3A_169, %get3A_170] {strides = array<i32>} : memref<640x64xf32, #tpu.memory_space<vmem>>, vector<16xf32>,
      %mul3A_172 = arith.mulf %get3A_171, %broadcast_in_dim3A_147 : vector<16xf32>
      %swap3A_173 = arith.index_cast %add3A_144 : i32 to index
      %swap3A_174 = arith.constant 48 : index
      %swap3A_175 = tpu.vector_load %arg18[%swap3A_173, %swap3A_174] {strides = array<i32>} : memref<640x64xf32, #tpu.memory_space<vmem>>, vector<16xf32>,
      tpu.vector_store %arg18[%swap3A_173, %swap3A_174], %mul3A_172 {strides = array<i32>} : memref<640x64xf32, #tpu.memory_space<vmem>>, vector<16xf32>,
      %mul3A_176 = arith.constant 16 : i32
      %mul3A_177 = arith.muli %scan3A_58, %mul3A_176 : i32
      %add3A_178 = arith.constant 256 : i32
      %add3A_179 = arith.addi %add3A_178, %mul3A_177 : i32
      %add3A_180 = arith.constant 3 : i32
      %add3A_181 = arith.addi %add3A_179, %add3A_180 : i32
      %slice3A_182 = vector.extract_strided_slice %div3A_67 {offsets = [3], sizes = [1], strides = [1]} : vector<16xf32> to vector<1xf32>
      %squeeze3A_183 = vector.extract %slice3A_182[0] : f32 from vector<1xf32>
      %broadcast_in_dim3A_184 = vector.broadcast %squeeze3A_183 : f32 to vector<16xf32>
      %get3A_185 = arith.index_cast %add3A_181 : i32 to index
      %get3A_186 = arith.constant 0 : index
      %get3A_187 = tpu.vector_load %arg18[%get3A_185, %get3A_186] {strides = array<i32>} : memref<640x64xf32, #tpu.memory_space<vmem>>, vector<16xf32>,
      %mul3A_188 = arith.mulf %get3A_187, %broadcast_in_dim3A_184 : vector<16xf32>
      %swap3A_189 = arith.index_cast %add3A_181 : i32 to index
      %swap3A_190 = arith.constant 0 : index
      %swap3A_191 = tpu.vector_load %arg18[%swap3A_189, %swap3A_190] {strides = array<i32>} : memref<640x64xf32, #tpu.memory_space<vmem>>, vector<16xf32>,
      tpu.vector_store %arg18[%swap3A_189, %swap3A_190], %mul3A_188 {strides = array<i32>} : memref<640x64xf32, #tpu.memory_space<vmem>>, vector<16xf32>,
      %get3A_192 = arith.index_cast %add3A_181 : i32 to index
      %get3A_193 = arith.constant 16 : index
      %get3A_194 = tpu.vector_load %arg18[%get3A_192, %get3A_193] {strides = array<i32>} : memref<640x64xf32, #tpu.memory_space<vmem>>, vector<16xf32>,
      %mul3A_195 = arith.mulf %get3A_194, %broadcast_in_dim3A_184 : vector<16xf32>
      %swap3A_196 = arith.index_cast %add3A_181 : i32 to index
      %swap3A_197 = arith.constant 16 : index
      %swap3A_198 = tpu.vector_load %arg18[%swap3A_196, %swap3A_197] {strides = array<i32>} : memref<640x64xf32, #tpu.memory_space<vmem>>, vector<16xf32>,
      tpu.vector_store %arg18[%swap3A_196, %swap3A_197], %mul3A_195 {strides = array<i32>} : memref<640x64xf32, #tpu.memory_space<vmem>>, vector<16xf32>,
      %get3A_199 = arith.index_cast %add3A_181 : i32 to index
      %get3A_200 = arith.constant 32 : index
      %get3A_201 = tpu.vector_load %arg18[%get3A_199, %get3A_200] {strides = array<i32>} : memref<640x64xf32, #tpu.memory_space<vmem>>, vector<16xf32>,
      %mul3A_202 = arith.mulf %get3A_201, %broadcast_in_dim3A_184 : vector<16xf32>
      %swap3A_203 = arith.index_cast %add3A_181 : i32 to index
      %swap3A_204 = arith.constant 32 : index
      %swap3A_205 = tpu.vector_load %arg18[%swap3A_203, %swap3A_204] {strides = array<i32>} : memref<640x64xf32, #tpu.memory_space<vmem>>, vector<16xf32>,
      tpu.vector_store %arg18[%swap3A_203, %swap3A_204], %mul3A_202 {strides = array<i32>} : memref<640x64xf32, #tpu.memory_space<vmem>>, vector<16xf32>,
      %get3A_206 = arith.index_cast %add3A_181 : i32 to index
      %get3A_207 = arith.constant 48 : index
      %get3A_208 = tpu.vector_load %arg18[%get3A_206, %get3A_207] {strides = array<i32>} : memref<640x64xf32, #tpu.memory_space<vmem>>, vector<16xf32>,
      %mul3A_209 = arith.mulf %get3A_208, %broadcast_in_dim3A_184 : vector<16xf32>
      %swap3A_210 = arith.index_cast %add3A_181 : i32 to index
      %swap3A_211 = arith.constant 48 : index
      %swap3A_212 = tpu.vector_load %arg18[%swap3A_210, %swap3A_211] {strides = array<i32>} : memref<640x64xf32, #tpu.memory_space<vmem>>, vector<16xf32>,
      tpu.vector_store %arg18[%swap3A_210, %swap3A_211], %mul3A_209 {strides = array<i32>} : memref<640x64xf32, #tpu.memory_space<vmem>>, vector<16xf32>,
      %mul3A_213 = arith.constant 16 : i32
      %mul3A_214 = arith.muli %scan3A_58, %mul3A_213 : i32
      %add3A_215 = arith.constant 256 : i32
      %add3A_216 = arith.addi %add3A_215, %mul3A_214 : i32
      %add3A_217 = arith.constant 4 : i32
      %add3A_218 = arith.addi %add3A_216, %add3A_217 : i32
      %slice3A_219 = vector.extract_strided_slice %div3A_67 {offsets = [4], sizes = [1], strides = [1]} : vector<16xf32> to vector<1xf32>
      %squeeze3A_220 = vector.extract %slice3A_219[0] : f32 from vector<1xf32>
      %broadcast_in_dim3A_221 = vector.broadcast %squeeze3A_220 : f32 to vector<16xf32>
      %get3A_222 = arith.index_cast %add3A_218 : i32 to index
      %get3A_223 = arith.constant 0 : index
      %get3A_224 = tpu.vector_load %arg18[%get3A_222, %get3A_223] {strides = array<i32>} : memref<640x64xf32, #tpu.memory_space<vmem>>, vector<16xf32>,
      %mul3A_225 = arith.mulf %get3A_224, %broadcast_in_dim3A_221 : vector<16xf32>
      %swap3A_226 = arith.index_cast %add3A_218 : i32 to index
      %swap3A_227 = arith.constant 0 : index
      %swap3A_228 = tpu.vector_load %arg18[%swap3A_226, %swap3A_227] {strides = array<i32>} : memref<640x64xf32, #tpu.memory_space<vmem>>, vector<16xf32>,
      tpu.vector_store %arg18[%swap3A_226, %swap3A_227], %mul3A_225 {strides = array<i32>} : memref<640x64xf32, #tpu.memory_space<vmem>>, vector<16xf32>,
      %get3A_229 = arith.index_cast %add3A_218 : i32 to index
      %get3A_230 = arith.constant 16 : index
      %get3A_231 = tpu.vector_load %arg18[%get3A_229, %get3A_230] {strides = array<i32>} : memref<640x64xf32, #tpu.memory_space<vmem>>, vector<16xf32>,
      %mul3A_232 = arith.mulf %get3A_231, %broadcast_in_dim3A_221 : vector<16xf32>
      %swap3A_233 = arith.index_cast %add3A_218 : i32 to index
      %swap3A_234 = arith.constant 16 : index
      %swap3A_235 = tpu.vector_load %arg18[%swap3A_233, %swap3A_234] {strides = array<i32>} : memref<640x64xf32, #tpu.memory_space<vmem>>, vector<16xf32>,
      tpu.vector_store %arg18[%swap3A_233, %swap3A_234], %mul3A_232 {strides = array<i32>} : memref<640x64xf32, #tpu.memory_space<vmem>>, vector<16xf32>,
      %get3A_236 = arith.index_cast %add3A_218 : i32 to index
      %get3A_237 = arith.constant 32 : index
      %get3A_238 = tpu.vector_load %arg18[%get3A_236, %get3A_237] {strides = array<i32>} : memref<640x64xf32, #tpu.memory_space<vmem>>, vector<16xf32>,
      %mul3A_239 = arith.mulf %get3A_238, %broadcast_in_dim3A_221 : vector<16xf32>
      %swap3A_240 = arith.index_cast %add3A_218 : i32 to index
      %swap3A_241 = arith.constant 32 : index
      %swap3A_242 = tpu.vector_load %arg18[%swap3A_240, %swap3A_241] {strides = array<i32>} : memref<640x64xf32, #tpu.memory_space<vmem>>, vector<16xf32>,
      tpu.vector_store %arg18[%swap3A_240, %swap3A_241], %mul3A_239 {strides = array<i32>} : memref<640x64xf32, #tpu.memory_space<vmem>>, vector<16xf32>,
      %get3A_243 = arith.index_cast %add3A_218 : i32 to index
      %get3A_244 = arith.constant 48 : index
      %get3A_245 = tpu.vector_load %arg18[%get3A_243, %get3A_244] {strides = array<i32>} : memref<640x64xf32, #tpu.memory_space<vmem>>, vector<16xf32>,
      %mul3A_246 = arith.mulf %get3A_245, %broadcast_in_dim3A_221 : vector<16xf32>
      %swap3A_247 = arith.index_cast %add3A_218 : i32 to index
      %swap3A_248 = arith.constant 48 : index
      %swap3A_249 = tpu.vector_load %arg18[%swap3A_247, %swap3A_248] {strides = array<i32>} : memref<640x64xf32, #tpu.memory_space<vmem>>, vector<16xf32>,
      tpu.vector_store %arg18[%swap3A_247, %swap3A_248], %mul3A_246 {strides = array<i32>} : memref<640x64xf32, #tpu.memory_space<vmem>>, vector<16xf32>,
      %mul3A_250 = arith.constant 16 : i32
      %mul3A_251 = arith.muli %scan3A_58, %mul3A_250 : i32
      %add3A_252 = arith.constant 256 : i32
      %add3A_253 = arith.addi %add3A_252, %mul3A_251 : i32
      %add3A_254 = arith.constant 5 : i32
      %add3A_255 = arith.addi %add3A_253, %add3A_254 : i32
      %slice3A_256 = vector.extract_strided_slice %div3A_67 {offsets = [5], sizes = [1], strides = [1]} : vector<16xf32> to vector<1xf32>
      %squeeze3A_257 = vector.extract %slice3A_256[0] : f32 from vector<1xf32>
      %broadcast_in_dim3A_258 = vector.broadcast %squeeze3A_257 : f32 to vector<16xf32>
      %get3A_259 = arith.index_cast %add3A_255 : i32 to index
      %get3A_260 = arith.constant 0 : index
      %get3A_261 = tpu.vector_load %arg18[%get3A_259, %get3A_260] {strides = array<i32>} : memref<640x64xf32, #tpu.memory_space<vmem>>, vector<16xf32>,
      %mul3A_262 = arith.mulf %get3A_261, %broadcast_in_dim3A_258 : vector<16xf32>
      %swap3A_263 = arith.index_cast %add3A_255 : i32 to index
      %swap3A_264 = arith.constant 0 : index
      %swap3A_265 = tpu.vector_load %arg18[%swap3A_263, %swap3A_264] {strides = array<i32>} : memref<640x64xf32, #tpu.memory_space<vmem>>, vector<16xf32>,
      tpu.vector_store %arg18[%swap3A_263, %swap3A_264], %mul3A_262 {strides = array<i32>} : memref<640x64xf32, #tpu.memory_space<vmem>>, vector<16xf32>,
      %get3A_266 = arith.index_cast %add3A_255 : i32 to index
      %get3A_267 = arith.constant 16 : index
      %get3A_268 = tpu.vector_load %arg18[%get3A_266, %get3A_267] {strides = array<i32>} : memref<640x64xf32, #tpu.memory_space<vmem>>, vector<16xf32>,
      %mul3A_269 = arith.mulf %get3A_268, %broadcast_in_dim3A_258 : vector<16xf32>
      %swap3A_270 = arith.index_cast %add3A_255 : i32 to index
      %swap3A_271 = arith.constant 16 : index
      %swap3A_272 = tpu.vector_load %arg18[%swap3A_270, %swap3A_271] {strides = array<i32>} : memref<640x64xf32, #tpu.memory_space<vmem>>, vector<16xf32>,
      tpu.vector_store %arg18[%swap3A_270, %swap3A_271], %mul3A_269 {strides = array<i32>} : memref<640x64xf32, #tpu.memory_space<vmem>>, vector<16xf32>,
      %get3A_273 = arith.index_cast %add3A_255 : i32 to index
      %get3A_274 = arith.constant 32 : index
      %get3A_275 = tpu.vector_load %arg18[%get3A_273, %get3A_274] {strides = array<i32>} : memref<640x64xf32, #tpu.memory_space<vmem>>, vector<16xf32>,
      %mul3A_276 = arith.mulf %get3A_275, %broadcast_in_dim3A_258 : vector<16xf32>
      %swap3A_277 = arith.index_cast %add3A_255 : i32 to index
      %swap3A_278 = arith.constant 32 : index
      %swap3A_279 = tpu.vector_load %arg18[%swap3A_277, %swap3A_278] {strides = array<i32>} : memref<640x64xf32, #tpu.memory_space<vmem>>, vector<16xf32>,
      tpu.vector_store %arg18[%swap3A_277, %swap3A_278], %mul3A_276 {strides = array<i32>} : memref<640x64xf32, #tpu.memory_space<vmem>>, vector<16xf32>,
      %get3A_280 = arith.index_cast %add3A_255 : i32 to index
      %get3A_281 = arith.constant 48 : index
      %get3A_282 = tpu.vector_load %arg18[%get3A_280, %get3A_281] {strides = array<i32>} : memref<640x64xf32, #tpu.memory_space<vmem>>, vector<16xf32>,
      %mul3A_283 = arith.mulf %get3A_282, %broadcast_in_dim3A_258 : vector<16xf32>
      %swap3A_284 = arith.index_cast %add3A_255 : i32 to index
      %swap3A_285 = arith.constant 48 : index
      %swap3A_286 = tpu.vector_load %arg18[%swap3A_284, %swap3A_285] {strides = array<i32>} : memref<640x64xf32, #tpu.memory_space<vmem>>, vector<16xf32>,
      tpu.vector_store %arg18[%swap3A_284, %swap3A_285], %mul3A_283 {strides = array<i32>} : memref<640x64xf32, #tpu.memory_space<vmem>>, vector<16xf32>,
      %mul3A_287 = arith.constant 16 : i32
      %mul3A_288 = arith.muli %scan3A_58, %mul3A_287 : i32
      %add3A_289 = arith.constant 256 : i32
      %add3A_290 = arith.addi %add3A_289, %mul3A_288 : i32
      %add3A_291 = arith.constant 6 : i32
      %add3A_292 = arith.addi %add3A_290, %add3A_291 : i32
      %slice3A_293 = vector.extract_strided_slice %div3A_67 {offsets = [6], sizes = [1], strides = [1]} : vector<16xf32> to vector<1xf32>
      %squeeze3A_294 = vector.extract %slice3A_293[0] : f32 from vector<1xf32>
      %broadcast_in_dim3A_295 = vector.broadcast %squeeze3A_294 : f32 to vector<16xf32>
      %get3A_296 = arith.index_cast %add3A_292 : i32 to index
      %get3A_297 = arith.constant 0 : index
      %get3A_298 = tpu.vector_load %arg18[%get3A_296, %get3A_297] {strides = array<i32>} : memref<640x64xf32, #tpu.memory_space<vmem>>, vector<16xf32>,
      %mul3A_299 = arith.mulf %get3A_298, %broadcast_in_dim3A_295 : vector<16xf32>
      %swap3A_300 = arith.index_cast %add3A_292 : i32 to index
      %swap3A_301 = arith.constant 0 : index
      %swap3A_302 = tpu.vector_load %arg18[%swap3A_300, %swap3A_301] {strides = array<i32>} : memref<640x64xf32, #tpu.memory_space<vmem>>, vector<16xf32>,
      tpu.vector_store %arg18[%swap3A_300, %swap3A_301], %mul3A_299 {strides = array<i32>} : memref<640x64xf32, #tpu.memory_space<vmem>>, vector<16xf32>,
      %get3A_303 = arith.index_cast %add3A_292 : i32 to index
      %get3A_304 = arith.constant 16 : index
      %get3A_305 = tpu.vector_load %arg18[%get3A_303, %get3A_304] {strides = array<i32>} : memref<640x64xf32, #tpu.memory_space<vmem>>, vector<16xf32>,
      %mul3A_306 = arith.mulf %get3A_305, %broadcast_in_dim3A_295 : vector<16xf32>
      %swap3A_307 = arith.index_cast %add3A_292 : i32 to index
      %swap3A_308 = arith.constant 16 : index
      %swap3A_309 = tpu.vector_load %arg18[%swap3A_307, %swap3A_308] {strides = array<i32>} : memref<640x64xf32, #tpu.memory_space<vmem>>, vector<16xf32>,
      tpu.vector_store %arg18[%swap3A_307, %swap3A_308], %mul3A_306 {strides = array<i32>} : memref<640x64xf32, #tpu.memory_space<vmem>>, vector<16xf32>,
      %get3A_310 = arith.index_cast %add3A_292 : i32 to index
      %get3A_311 = arith.constant 32 : index
      %get3A_312 = tpu.vector_load %arg18[%get3A_310, %get3A_311] {strides = array<i32>} : memref<640x64xf32, #tpu.memory_space<vmem>>, vector<16xf32>,
      %mul3A_313 = arith.mulf %get3A_312, %broadcast_in_dim3A_295 : vector<16xf32>
      %swap3A_314 = arith.index_cast %add3A_292 : i32 to index
      %swap3A_315 = arith.constant 32 : index
      %swap3A_316 = tpu.vector_load %arg18[%swap3A_314, %swap3A_315] {strides = array<i32>} : memref<640x64xf32, #tpu.memory_space<vmem>>, vector<16xf32>,
      tpu.vector_store %arg18[%swap3A_314, %swap3A_315], %mul3A_313 {strides = array<i32>} : memref<640x64xf32, #tpu.memory_space<vmem>>, vector<16xf32>,
      %get3A_317 = arith.index_cast %add3A_292 : i32 to index
      %get3A_318 = arith.constant 48 : index
      %get3A_319 = tpu.vector_load %arg18[%get3A_317, %get3A_318] {strides = array<i32>} : memref<640x64xf32, #tpu.memory_space<vmem>>, vector<16xf32>,
      %mul3A_320 = arith.mulf %get3A_319, %broadcast_in_dim3A_295 : vector<16xf32>
      %swap3A_321 = arith.index_cast %add3A_292 : i32 to index
      %swap3A_322 = arith.constant 48 : index
      %swap3A_323 = tpu.vector_load %arg18[%swap3A_321, %swap3A_322] {strides = array<i32>} : memref<640x64xf32, #tpu.memory_space<vmem>>, vector<16xf32>,
      tpu.vector_store %arg18[%swap3A_321, %swap3A_322], %mul3A_320 {strides = array<i32>} : memref<640x64xf32, #tpu.memory_space<vmem>>, vector<16xf32>,
      %mul3A_324 = arith.constant 16 : i32
      %mul3A_325 = arith.muli %scan3A_58, %mul3A_324 : i32
      %add3A_326 = arith.constant 256 : i32
      %add3A_327 = arith.addi %add3A_326, %mul3A_325 : i32
      %add3A_328 = arith.constant 7 : i32
      %add3A_329 = arith.addi %add3A_327, %add3A_328 : i32
      %slice3A_330 = vector.extract_strided_slice %div3A_67 {offsets = [7], sizes = [1], strides = [1]} : vector<16xf32> to vector<1xf32>
      %squeeze3A_331 = vector.extract %slice3A_330[0] : f32 from vector<1xf32>
      %broadcast_in_dim3A_332 = vector.broadcast %squeeze3A_331 : f32 to vector<16xf32>
      %get3A_333 = arith.index_cast %add3A_329 : i32 to index
      %get3A_334 = arith.constant 0 : index
      %get3A_335 = tpu.vector_load %arg18[%get3A_333, %get3A_334] {strides = array<i32>} : memref<640x64xf32, #tpu.memory_space<vmem>>, vector<16xf32>,
      %mul3A_336 = arith.mulf %get3A_335, %broadcast_in_dim3A_332 : vector<16xf32>
      %swap3A_337 = arith.index_cast %add3A_329 : i32 to index
      %swap3A_338 = arith.constant 0 : index
      %swap3A_339 = tpu.vector_load %arg18[%swap3A_337, %swap3A_338] {strides = array<i32>} : memref<640x64xf32, #tpu.memory_space<vmem>>, vector<16xf32>,
      tpu.vector_store %arg18[%swap3A_337, %swap3A_338], %mul3A_336 {strides = array<i32>} : memref<640x64xf32, #tpu.memory_space<vmem>>, vector<16xf32>,
      %get3A_340 = arith.index_cast %add3A_329 : i32 to index
      %get3A_341 = arith.constant 16 : index
      %get3A_342 = tpu.vector_load %arg18[%get3A_340, %get3A_341] {strides = array<i32>} : memref<640x64xf32, #tpu.memory_space<vmem>>, vector<16xf32>,
      %mul3A_343 = arith.mulf %get3A_342, %broadcast_in_dim3A_332 : vector<16xf32>
      %swap3A_344 = arith.index_cast %add3A_329 : i32 to index
      %swap3A_345 = arith.constant 16 : index
      %swap3A_346 = tpu.vector_load %arg18[%swap3A_344, %swap3A_345] {strides = array<i32>} : memref<640x64xf32, #tpu.memory_space<vmem>>, vector<16xf32>,
      tpu.vector_store %arg18[%swap3A_344, %swap3A_345], %mul3A_343 {strides = array<i32>} : memref<640x64xf32, #tpu.memory_space<vmem>>, vector<16xf32>,
      %get3A_347 = arith.index_cast %add3A_329 : i32 to index
      %get3A_348 = arith.constant 32 : index
      %get3A_349 = tpu.vector_load %arg18[%get3A_347, %get3A_348] {strides = array<i32>} : memref<640x64xf32, #tpu.memory_space<vmem>>, vector<16xf32>,
      %mul3A_350 = arith.mulf %get3A_349, %broadcast_in_dim3A_332 : vector<16xf32>
      %swap3A_351 = arith.index_cast %add3A_329 : i32 to index
      %swap3A_352 = arith.constant 32 : index
      %swap3A_353 = tpu.vector_load %arg18[%swap3A_351, %swap3A_352] {strides = array<i32>} : memref<640x64xf32, #tpu.memory_space<vmem>>, vector<16xf32>,
      tpu.vector_store %arg18[%swap3A_351, %swap3A_352], %mul3A_350 {strides = array<i32>} : memref<640x64xf32, #tpu.memory_space<vmem>>, vector<16xf32>,
      %get3A_354 = arith.index_cast %add3A_329 : i32 to index
      %get3A_355 = arith.constant 48 : index
      %get3A_356 = tpu.vector_load %arg18[%get3A_354, %get3A_355] {strides = array<i32>} : memref<640x64xf32, #tpu.memory_space<vmem>>, vector<16xf32>,
      %mul3A_357 = arith.mulf %get3A_356, %broadcast_in_dim3A_332 : vector<16xf32>
      %swap3A_358 = arith.index_cast %add3A_329 : i32 to index
      %swap3A_359 = arith.constant 48 : index
      %swap3A_360 = tpu.vector_load %arg18[%swap3A_358, %swap3A_359] {strides = array<i32>} : memref<640x64xf32, #tpu.memory_space<vmem>>, vector<16xf32>,
      tpu.vector_store %arg18[%swap3A_358, %swap3A_359], %mul3A_357 {strides = array<i32>} : memref<640x64xf32, #tpu.memory_space<vmem>>, vector<16xf32>,
      %mul3A_361 = arith.constant 16 : i32
      %mul3A_362 = arith.muli %scan3A_58, %mul3A_361 : i32
      %add3A_363 = arith.constant 256 : i32
      %add3A_364 = arith.addi %add3A_363, %mul3A_362 : i32
      %add3A_365 = arith.constant 8 : i32
      %add3A_366 = arith.addi %add3A_364, %add3A_365 : i32
      %slice3A_367 = vector.extract_strided_slice %div3A_67 {offsets = [8], sizes = [1], strides = [1]} : vector<16xf32> to vector<1xf32>
      %squeeze3A_368 = vector.extract %slice3A_367[0] : f32 from vector<1xf32>
      %broadcast_in_dim3A_369 = vector.broadcast %squeeze3A_368 : f32 to vector<16xf32>
      %get3A_370 = arith.index_cast %add3A_366 : i32 to index
      %get3A_371 = arith.constant 0 : index
      %get3A_372 = tpu.vector_load %arg18[%get3A_370, %get3A_371] {strides = array<i32>} : memref<640x64xf32, #tpu.memory_space<vmem>>, vector<16xf32>,
      %mul3A_373 = arith.mulf %get3A_372, %broadcast_in_dim3A_369 : vector<16xf32>
      %swap3A_374 = arith.index_cast %add3A_366 : i32 to index
      %swap3A_375 = arith.constant 0 : index
      %swap3A_376 = tpu.vector_load %arg18[%swap3A_374, %swap3A_375] {strides = array<i32>} : memref<640x64xf32, #tpu.memory_space<vmem>>, vector<16xf32>,
      tpu.vector_store %arg18[%swap3A_374, %swap3A_375], %mul3A_373 {strides = array<i32>} : memref<640x64xf32, #tpu.memory_space<vmem>>, vector<16xf32>,
      %get3A_377 = arith.index_cast %add3A_366 : i32 to index
      %get3A_378 = arith.constant 16 : index
      %get3A_379 = tpu.vector_load %arg18[%get3A_377, %get3A_378] {strides = array<i32>} : memref<640x64xf32, #tpu.memory_space<vmem>>, vector<16xf32>,
      %mul3A_380 = arith.mulf %get3A_379, %broadcast_in_dim3A_369 : vector<16xf32>
      %swap3A_381 = arith.index_cast %add3A_366 : i32 to index
      %swap3A_382 = arith.constant 16 : index
      %swap3A_383 = tpu.vector_load %arg18[%swap3A_381, %swap3A_382] {strides = array<i32>} : memref<640x64xf32, #tpu.memory_space<vmem>>, vector<16xf32>,
      tpu.vector_store %arg18[%swap3A_381, %swap3A_382], %mul3A_380 {strides = array<i32>} : memref<640x64xf32, #tpu.memory_space<vmem>>, vector<16xf32>,
      %get3A_384 = arith.index_cast %add3A_366 : i32 to index
      %get3A_385 = arith.constant 32 : index
      %get3A_386 = tpu.vector_load %arg18[%get3A_384, %get3A_385] {strides = array<i32>} : memref<640x64xf32, #tpu.memory_space<vmem>>, vector<16xf32>,
      %mul3A_387 = arith.mulf %get3A_386, %broadcast_in_dim3A_369 : vector<16xf32>
      %swap3A_388 = arith.index_cast %add3A_366 : i32 to index
      %swap3A_389 = arith.constant 32 : index
      %swap3A_390 = tpu.vector_load %arg18[%swap3A_388, %swap3A_389] {strides = array<i32>} : memref<640x64xf32, #tpu.memory_space<vmem>>, vector<16xf32>,
      tpu.vector_store %arg18[%swap3A_388, %swap3A_389], %mul3A_387 {strides = array<i32>} : memref<640x64xf32, #tpu.memory_space<vmem>>, vector<16xf32>,
      %get3A_391 = arith.index_cast %add3A_366 : i32 to index
      %get3A_392 = arith.constant 48 : index
      %get3A_393 = tpu.vector_load %arg18[%get3A_391, %get3A_392] {strides = array<i32>} : memref<640x64xf32, #tpu.memory_space<vmem>>, vector<16xf32>,
      %mul3A_394 = arith.mulf %get3A_393, %broadcast_in_dim3A_369 : vector<16xf32>
      %swap3A_395 = arith.index_cast %add3A_366 : i32 to index
      %swap3A_396 = arith.constant 48 : index
      %swap3A_397 = tpu.vector_load %arg18[%swap3A_395, %swap3A_396] {strides = array<i32>} : memref<640x64xf32, #tpu.memory_space<vmem>>, vector<16xf32>,
      tpu.vector_store %arg18[%swap3A_395, %swap3A_396], %mul3A_394 {strides = array<i32>} : memref<640x64xf32, #tpu.memory_space<vmem>>, vector<16xf32>,
      %mul3A_398 = arith.constant 16 : i32
      %mul3A_399 = arith.muli %scan3A_58, %mul3A_398 : i32
      %add3A_400 = arith.constant 256 : i32
      %add3A_401 = arith.addi %add3A_400, %mul3A_399 : i32
      %add3A_402 = arith.constant 9 : i32
      %add3A_403 = arith.addi %add3A_401, %add3A_402 : i32
      %slice3A_404 = vector.extract_strided_slice %div3A_67 {offsets = [9], sizes = [1], strides = [1]} : vector<16xf32> to vector<1xf32>
      %squeeze3A_405 = vector.extract %slice3A_404[0] : f32 from vector<1xf32>
      %broadcast_in_dim3A_406 = vector.broadcast %squeeze3A_405 : f32 to vector<16xf32>
      %get3A_407 = arith.index_cast %add3A_403 : i32 to index
      %get3A_408 = arith.constant 0 : index
      %get3A_409 = tpu.vector_load %arg18[%get3A_407, %get3A_408] {strides = array<i32>} : memref<640x64xf32, #tpu.memory_space<vmem>>, vector<16xf32>,
      %mul3A_410 = arith.mulf %get3A_409, %broadcast_in_dim3A_406 : vector<16xf32>
      %swap3A_411 = arith.index_cast %add3A_403 : i32 to index
      %swap3A_412 = arith.constant 0 : index
      %swap3A_413 = tpu.vector_load %arg18[%swap3A_411, %swap3A_412] {strides = array<i32>} : memref<640x64xf32, #tpu.memory_space<vmem>>, vector<16xf32>,
      tpu.vector_store %arg18[%swap3A_411, %swap3A_412], %mul3A_410 {strides = array<i32>} : memref<640x64xf32, #tpu.memory_space<vmem>>, vector<16xf32>,
      %get3A_414 = arith.index_cast %add3A_403 : i32 to index
      %get3A_415 = arith.constant 16 : index
      %get3A_416 = tpu.vector_load %arg18[%get3A_414, %get3A_415] {strides = array<i32>} : memref<640x64xf32, #tpu.memory_space<vmem>>, vector<16xf32>,
      %mul3A_417 = arith.mulf %get3A_416, %broadcast_in_dim3A_406 : vector<16xf32>
      %swap3A_418 = arith.index_cast %add3A_403 : i32 to index
      %swap3A_419 = arith.constant 16 : index
      %swap3A_420 = tpu.vector_load %arg18[%swap3A_418, %swap3A_419] {strides = array<i32>} : memref<640x64xf32, #tpu.memory_space<vmem>>, vector<16xf32>,
      tpu.vector_store %arg18[%swap3A_418, %swap3A_419], %mul3A_417 {strides = array<i32>} : memref<640x64xf32, #tpu.memory_space<vmem>>, vector<16xf32>,
      %get3A_421 = arith.index_cast %add3A_403 : i32 to index
      %get3A_422 = arith.constant 32 : index
      %get3A_423 = tpu.vector_load %arg18[%get3A_421, %get3A_422] {strides = array<i32>} : memref<640x64xf32, #tpu.memory_space<vmem>>, vector<16xf32>,
      %mul3A_424 = arith.mulf %get3A_423, %broadcast_in_dim3A_406 : vector<16xf32>
      %swap3A_425 = arith.index_cast %add3A_403 : i32 to index
      %swap3A_426 = arith.constant 32 : index
      %swap3A_427 = tpu.vector_load %arg18[%swap3A_425, %swap3A_426] {strides = array<i32>} : memref<640x64xf32, #tpu.memory_space<vmem>>, vector<16xf32>,
      tpu.vector_store %arg18[%swap3A_425, %swap3A_426], %mul3A_424 {strides = array<i32>} : memref<640x64xf32, #tpu.memory_space<vmem>>, vector<16xf32>,
      %get3A_428 = arith.index_cast %add3A_403 : i32 to index
      %get3A_429 = arith.constant 48 : index
      %get3A_430 = tpu.vector_load %arg18[%get3A_428, %get3A_429] {strides = array<i32>} : memref<640x64xf32, #tpu.memory_space<vmem>>, vector<16xf32>,
      %mul3A_431 = arith.mulf %get3A_430, %broadcast_in_dim3A_406 : vector<16xf32>
      %swap3A_432 = arith.index_cast %add3A_403 : i32 to index
      %swap3A_433 = arith.constant 48 : index
      %swap3A_434 = tpu.vector_load %arg18[%swap3A_432, %swap3A_433] {strides = array<i32>} : memref<640x64xf32, #tpu.memory_space<vmem>>, vector<16xf32>,
      tpu.vector_store %arg18[%swap3A_432, %swap3A_433], %mul3A_431 {strides = array<i32>} : memref<640x64xf32, #tpu.memory_space<vmem>>, vector<16xf32>,
      %mul3A_435 = arith.constant 16 : i32
      %mul3A_436 = arith.muli %scan3A_58, %mul3A_435 : i32
      %add3A_437 = arith.constant 256 : i32
      %add3A_438 = arith.addi %add3A_437, %mul3A_436 : i32
      %add3A_439 = arith.constant 10 : i32
      %add3A_440 = arith.addi %add3A_438, %add3A_439 : i32
      %slice3A_441 = vector.extract_strided_slice %div3A_67 {offsets = [10], sizes = [1], strides = [1]} : vector<16xf32> to vector<1xf32>
      %squeeze3A_442 = vector.extract %slice3A_441[0] : f32 from vector<1xf32>
      %broadcast_in_dim3A_443 = vector.broadcast %squeeze3A_442 : f32 to vector<16xf32>
      %get3A_444 = arith.index_cast %add3A_440 : i32 to index
      %get3A_445 = arith.constant 0 : index
      %get3A_446 = tpu.vector_load %arg18[%get3A_444, %get3A_445] {strides = array<i32>} : memref<640x64xf32, #tpu.memory_space<vmem>>, vector<16xf32>,
      %mul3A_447 = arith.mulf %get3A_446, %broadcast_in_dim3A_443 : vector<16xf32>
      %swap3A_448 = arith.index_cast %add3A_440 : i32 to index
      %swap3A_449 = arith.constant 0 : index
      %swap3A_450 = tpu.vector_load %arg18[%swap3A_448, %swap3A_449] {strides = array<i32>} : memref<640x64xf32, #tpu.memory_space<vmem>>, vector<16xf32>,
      tpu.vector_store %arg18[%swap3A_448, %swap3A_449], %mul3A_447 {strides = array<i32>} : memref<640x64xf32, #tpu.memory_space<vmem>>, vector<16xf32>,
      %get3A_451 = arith.index_cast %add3A_440 : i32 to index
      %get3A_452 = arith.constant 16 : index
      %get3A_453 = tpu.vector_load %arg18[%get3A_451, %get3A_452] {strides = array<i32>} : memref<640x64xf32, #tpu.memory_space<vmem>>, vector<16xf32>,
      %mul3A_454 = arith.mulf %get3A_453, %broadcast_in_dim3A_443 : vector<16xf32>
      %swap3A_455 = arith.index_cast %add3A_440 : i32 to index
      %swap3A_456 = arith.constant 16 : index
      %swap3A_457 = tpu.vector_load %arg18[%swap3A_455, %swap3A_456] {strides = array<i32>} : memref<640x64xf32, #tpu.memory_space<vmem>>, vector<16xf32>,
      tpu.vector_store %arg18[%swap3A_455, %swap3A_456], %mul3A_454 {strides = array<i32>} : memref<640x64xf32, #tpu.memory_space<vmem>>, vector<16xf32>,
      %get3A_458 = arith.index_cast %add3A_440 : i32 to index
      %get3A_459 = arith.constant 32 : index
      %get3A_460 = tpu.vector_load %arg18[%get3A_458, %get3A_459] {strides = array<i32>} : memref<640x64xf32, #tpu.memory_space<vmem>>, vector<16xf32>,
      %mul3A_461 = arith.mulf %get3A_460, %broadcast_in_dim3A_443 : vector<16xf32>
      %swap3A_462 = arith.index_cast %add3A_440 : i32 to index
      %swap3A_463 = arith.constant 32 : index
      %swap3A_464 = tpu.vector_load %arg18[%swap3A_462, %swap3A_463] {strides = array<i32>} : memref<640x64xf32, #tpu.memory_space<vmem>>, vector<16xf32>,
      tpu.vector_store %arg18[%swap3A_462, %swap3A_463], %mul3A_461 {strides = array<i32>} : memref<640x64xf32, #tpu.memory_space<vmem>>, vector<16xf32>,
      %get3A_465 = arith.index_cast %add3A_440 : i32 to index
      %get3A_466 = arith.constant 48 : index
      %get3A_467 = tpu.vector_load %arg18[%get3A_465, %get3A_466] {strides = array<i32>} : memref<640x64xf32, #tpu.memory_space<vmem>>, vector<16xf32>,
      %mul3A_468 = arith.mulf %get3A_467, %broadcast_in_dim3A_443 : vector<16xf32>
      %swap3A_469 = arith.index_cast %add3A_440 : i32 to index
      %swap3A_470 = arith.constant 48 : index
      %swap3A_471 = tpu.vector_load %arg18[%swap3A_469, %swap3A_470] {strides = array<i32>} : memref<640x64xf32, #tpu.memory_space<vmem>>, vector<16xf32>,
      tpu.vector_store %arg18[%swap3A_469, %swap3A_470], %mul3A_468 {strides = array<i32>} : memref<640x64xf32, #tpu.memory_space<vmem>>, vector<16xf32>,
      %mul3A_472 = arith.constant 16 : i32
      %mul3A_473 = arith.muli %scan3A_58, %mul3A_472 : i32
      %add3A_474 = arith.constant 256 : i32
      %add3A_475 = arith.addi %add3A_474, %mul3A_473 : i32
      %add3A_476 = arith.constant 11 : i32
      %add3A_477 = arith.addi %add3A_475, %add3A_476 : i32
      %slice3A_478 = vector.extract_strided_slice %div3A_67 {offsets = [11], sizes = [1], strides = [1]} : vector<16xf32> to vector<1xf32>
      %squeeze3A_479 = vector.extract %slice3A_478[0] : f32 from vector<1xf32>
      %broadcast_in_dim3A_480 = vector.broadcast %squeeze3A_479 : f32 to vector<16xf32>
      %get3A_481 = arith.index_cast %add3A_477 : i32 to index
      %get3A_482 = arith.constant 0 : index
      %get3A_483 = tpu.vector_load %arg18[%get3A_481, %get3A_482] {strides = array<i32>} : memref<640x64xf32, #tpu.memory_space<vmem>>, vector<16xf32>,
      %mul3A_484 = arith.mulf %get3A_483, %broadcast_in_dim3A_480 : vector<16xf32>
      %swap3A_485 = arith.index_cast %add3A_477 : i32 to index
      %swap3A_486 = arith.constant 0 : index
      %swap3A_487 = tpu.vector_load %arg18[%swap3A_485, %swap3A_486] {strides = array<i32>} : memref<640x64xf32, #tpu.memory_space<vmem>>, vector<16xf32>,
      tpu.vector_store %arg18[%swap3A_485, %swap3A_486], %mul3A_484 {strides = array<i32>} : memref<640x64xf32, #tpu.memory_space<vmem>>, vector<16xf32>,
      %get3A_488 = arith.index_cast %add3A_477 : i32 to index
      %get3A_489 = arith.constant 16 : index
      %get3A_490 = tpu.vector_load %arg18[%get3A_488, %get3A_489] {strides = array<i32>} : memref<640x64xf32, #tpu.memory_space<vmem>>, vector<16xf32>,
      %mul3A_491 = arith.mulf %get3A_490, %broadcast_in_dim3A_480 : vector<16xf32>
      %swap3A_492 = arith.index_cast %add3A_477 : i32 to index
      %swap3A_493 = arith.constant 16 : index
      %swap3A_494 = tpu.vector_load %arg18[%swap3A_492, %swap3A_493] {strides = array<i32>} : memref<640x64xf32, #tpu.memory_space<vmem>>, vector<16xf32>,
      tpu.vector_store %arg18[%swap3A_492, %swap3A_493], %mul3A_491 {strides = array<i32>} : memref<640x64xf32, #tpu.memory_space<vmem>>, vector<16xf32>,
      %get3A_495 = arith.index_cast %add3A_477 : i32 to index
      %get3A_496 = arith.constant 32 : index
      %get3A_497 = tpu.vector_load %arg18[%get3A_495, %get3A_496] {strides = array<i32>} : memref<640x64xf32, #tpu.memory_space<vmem>>, vector<16xf32>,
      %mul3A_498 = arith.mulf %get3A_497, %broadcast_in_dim3A_480 : vector<16xf32>
      %swap3A_499 = arith.index_cast %add3A_477 : i32 to index
      %swap3A_500 = arith.constant 32 : index
      %swap3A_501 = tpu.vector_load %arg18[%swap3A_499, %swap3A_500] {strides = array<i32>} : memref<640x64xf32, #tpu.memory_space<vmem>>, vector<16xf32>,
      tpu.vector_store %arg18[%swap3A_499, %swap3A_500], %mul3A_498 {strides = array<i32>} : memref<640x64xf32, #tpu.memory_space<vmem>>, vector<16xf32>,
      %get3A_502 = arith.index_cast %add3A_477 : i32 to index
      %get3A_503 = arith.constant 48 : index
      %get3A_504 = tpu.vector_load %arg18[%get3A_502, %get3A_503] {strides = array<i32>} : memref<640x64xf32, #tpu.memory_space<vmem>>, vector<16xf32>,
      %mul3A_505 = arith.mulf %get3A_504, %broadcast_in_dim3A_480 : vector<16xf32>
      %swap3A_506 = arith.index_cast %add3A_477 : i32 to index
      %swap3A_507 = arith.constant 48 : index
      %swap3A_508 = tpu.vector_load %arg18[%swap3A_506, %swap3A_507] {strides = array<i32>} : memref<640x64xf32, #tpu.memory_space<vmem>>, vector<16xf32>,
      tpu.vector_store %arg18[%swap3A_506, %swap3A_507], %mul3A_505 {strides = array<i32>} : memref<640x64xf32, #tpu.memory_space<vmem>>, vector<16xf32>,
      %mul3A_509 = arith.constant 16 : i32
      %mul3A_510 = arith.muli %scan3A_58, %mul3A_509 : i32
      %add3A_511 = arith.constant 256 : i32
      %add3A_512 = arith.addi %add3A_511, %mul3A_510 : i32
      %add3A_513 = arith.constant 12 : i32
      %add3A_514 = arith.addi %add3A_512, %add3A_513 : i32
      %slice3A_515 = vector.extract_strided_slice %div3A_67 {offsets = [12], sizes = [1], strides = [1]} : vector<16xf32> to vector<1xf32>
      %squeeze3A_516 = vector.extract %slice3A_515[0] : f32 from vector<1xf32>
      %broadcast_in_dim3A_517 = vector.broadcast %squeeze3A_516 : f32 to vector<16xf32>
      %get3A_518 = arith.index_cast %add3A_514 : i32 to index
      %get3A_519 = arith.constant 0 : index
      %get3A_520 = tpu.vector_load %arg18[%get3A_518, %get3A_519] {strides = array<i32>} : memref<640x64xf32, #tpu.memory_space<vmem>>, vector<16xf32>,
      %mul3A_521 = arith.mulf %get3A_520, %broadcast_in_dim3A_517 : vector<16xf32>
      %swap3A_522 = arith.index_cast %add3A_514 : i32 to index
      %swap3A_523 = arith.constant 0 : index
      %swap3A_524 = tpu.vector_load %arg18[%swap3A_522, %swap3A_523] {strides = array<i32>} : memref<640x64xf32, #tpu.memory_space<vmem>>, vector<16xf32>,
      tpu.vector_store %arg18[%swap3A_522, %swap3A_523], %mul3A_521 {strides = array<i32>} : memref<640x64xf32, #tpu.memory_space<vmem>>, vector<16xf32>,
      %get3A_525 = arith.index_cast %add3A_514 : i32 to index
      %get3A_526 = arith.constant 16 : index
      %get3A_527 = tpu.vector_load %arg18[%get3A_525, %get3A_526] {strides = array<i32>} : memref<640x64xf32, #tpu.memory_space<vmem>>, vector<16xf32>,
      %mul3A_528 = arith.mulf %get3A_527, %broadcast_in_dim3A_517 : vector<16xf32>
      %swap3A_529 = arith.index_cast %add3A_514 : i32 to index
      %swap3A_530 = arith.constant 16 : index
      %swap3A_531 = tpu.vector_load %arg18[%swap3A_529, %swap3A_530] {strides = array<i32>} : memref<640x64xf32, #tpu.memory_space<vmem>>, vector<16xf32>,
      tpu.vector_store %arg18[%swap3A_529, %swap3A_530], %mul3A_528 {strides = array<i32>} : memref<640x64xf32, #tpu.memory_space<vmem>>, vector<16xf32>,
      %get3A_532 = arith.index_cast %add3A_514 : i32 to index
      %get3A_533 = arith.constant 32 : index
      %get3A_534 = tpu.vector_load %arg18[%get3A_532, %get3A_533] {strides = array<i32>} : memref<640x64xf32, #tpu.memory_space<vmem>>, vector<16xf32>,
      %mul3A_535 = arith.mulf %get3A_534, %broadcast_in_dim3A_517 : vector<16xf32>
      %swap3A_536 = arith.index_cast %add3A_514 : i32 to index
      %swap3A_537 = arith.constant 32 : index
      %swap3A_538 = tpu.vector_load %arg18[%swap3A_536, %swap3A_537] {strides = array<i32>} : memref<640x64xf32, #tpu.memory_space<vmem>>, vector<16xf32>,
      tpu.vector_store %arg18[%swap3A_536, %swap3A_537], %mul3A_535 {strides = array<i32>} : memref<640x64xf32, #tpu.memory_space<vmem>>, vector<16xf32>,
      %get3A_539 = arith.index_cast %add3A_514 : i32 to index
      %get3A_540 = arith.constant 48 : index
      %get3A_541 = tpu.vector_load %arg18[%get3A_539, %get3A_540] {strides = array<i32>} : memref<640x64xf32, #tpu.memory_space<vmem>>, vector<16xf32>,
      %mul3A_542 = arith.mulf %get3A_541, %broadcast_in_dim3A_517 : vector<16xf32>
      %swap3A_543 = arith.index_cast %add3A_514 : i32 to index
      %swap3A_544 = arith.constant 48 : index
      %swap3A_545 = tpu.vector_load %arg18[%swap3A_543, %swap3A_544] {strides = array<i32>} : memref<640x64xf32, #tpu.memory_space<vmem>>, vector<16xf32>,
      tpu.vector_store %arg18[%swap3A_543, %swap3A_544], %mul3A_542 {strides = array<i32>} : memref<640x64xf32, #tpu.memory_space<vmem>>, vector<16xf32>,
      %mul3A_546 = arith.constant 16 : i32
      %mul3A_547 = arith.muli %scan3A_58, %mul3A_546 : i32
      %add3A_548 = arith.constant 256 : i32
      %add3A_549 = arith.addi %add3A_548, %mul3A_547 : i32
      %add3A_550 = arith.constant 13 : i32
      %add3A_551 = arith.addi %add3A_549, %add3A_550 : i32
      %slice3A_552 = vector.extract_strided_slice %div3A_67 {offsets = [13], sizes = [1], strides = [1]} : vector<16xf32> to vector<1xf32>
      %squeeze3A_553 = vector.extract %slice3A_552[0] : f32 from vector<1xf32>
      %broadcast_in_dim3A_554 = vector.broadcast %squeeze3A_553 : f32 to vector<16xf32>
      %get3A_555 = arith.index_cast %add3A_551 : i32 to index
      %get3A_556 = arith.constant 0 : index
      %get3A_557 = tpu.vector_load %arg18[%get3A_555, %get3A_556] {strides = array<i32>} : memref<640x64xf32, #tpu.memory_space<vmem>>, vector<16xf32>,
      %mul3A_558 = arith.mulf %get3A_557, %broadcast_in_dim3A_554 : vector<16xf32>
      %swap3A_559 = arith.index_cast %add3A_551 : i32 to index
      %swap3A_560 = arith.constant 0 : index
      %swap3A_561 = tpu.vector_load %arg18[%swap3A_559, %swap3A_560] {strides = array<i32>} : memref<640x64xf32, #tpu.memory_space<vmem>>, vector<16xf32>,
      tpu.vector_store %arg18[%swap3A_559, %swap3A_560], %mul3A_558 {strides = array<i32>} : memref<640x64xf32, #tpu.memory_space<vmem>>, vector<16xf32>,
      %get3A_562 = arith.index_cast %add3A_551 : i32 to index
      %get3A_563 = arith.constant 16 : index
      %get3A_564 = tpu.vector_load %arg18[%get3A_562, %get3A_563] {strides = array<i32>} : memref<640x64xf32, #tpu.memory_space<vmem>>, vector<16xf32>,
      %mul3A_565 = arith.mulf %get3A_564, %broadcast_in_dim3A_554 : vector<16xf32>
      %swap3A_566 = arith.index_cast %add3A_551 : i32 to index
      %swap3A_567 = arith.constant 16 : index
      %swap3A_568 = tpu.vector_load %arg18[%swap3A_566, %swap3A_567] {strides = array<i32>} : memref<640x64xf32, #tpu.memory_space<vmem>>, vector<16xf32>,
      tpu.vector_store %arg18[%swap3A_566, %swap3A_567], %mul3A_565 {strides = array<i32>} : memref<640x64xf32, #tpu.memory_space<vmem>>, vector<16xf32>,
      %get3A_569 = arith.index_cast %add3A_551 : i32 to index
      %get3A_570 = arith.constant 32 : index
      %get3A_571 = tpu.vector_load %arg18[%get3A_569, %get3A_570] {strides = array<i32>} : memref<640x64xf32, #tpu.memory_space<vmem>>, vector<16xf32>,
      %mul3A_572 = arith.mulf %get3A_571, %broadcast_in_dim3A_554 : vector<16xf32>
      %swap3A_573 = arith.index_cast %add3A_551 : i32 to index
      %swap3A_574 = arith.constant 32 : index
      %swap3A_575 = tpu.vector_load %arg18[%swap3A_573, %swap3A_574] {strides = array<i32>} : memref<640x64xf32, #tpu.memory_space<vmem>>, vector<16xf32>,
      tpu.vector_store %arg18[%swap3A_573, %swap3A_574], %mul3A_572 {strides = array<i32>} : memref<640x64xf32, #tpu.memory_space<vmem>>, vector<16xf32>,
      %get3A_576 = arith.index_cast %add3A_551 : i32 to index
      %get3A_577 = arith.constant 48 : index
      %get3A_578 = tpu.vector_load %arg18[%get3A_576, %get3A_577] {strides = array<i32>} : memref<640x64xf32, #tpu.memory_space<vmem>>, vector<16xf32>,
      %mul3A_579 = arith.mulf %get3A_578, %broadcast_in_dim3A_554 : vector<16xf32>
      %swap3A_580 = arith.index_cast %add3A_551 : i32 to index
      %swap3A_581 = arith.constant 48 : index
      %swap3A_582 = tpu.vector_load %arg18[%swap3A_580, %swap3A_581] {strides = array<i32>} : memref<640x64xf32, #tpu.memory_space<vmem>>, vector<16xf32>,
      tpu.vector_store %arg18[%swap3A_580, %swap3A_581], %mul3A_579 {strides = array<i32>} : memref<640x64xf32, #tpu.memory_space<vmem>>, vector<16xf32>,
      %mul3A_583 = arith.constant 16 : i32
      %mul3A_584 = arith.muli %scan3A_58, %mul3A_583 : i32
      %add3A_585 = arith.constant 256 : i32
      %add3A_586 = arith.addi %add3A_585, %mul3A_584 : i32
      %add3A_587 = arith.constant 14 : i32
      %add3A_588 = arith.addi %add3A_586, %add3A_587 : i32
      %slice3A_589 = vector.extract_strided_slice %div3A_67 {offsets = [14], sizes = [1], strides = [1]} : vector<16xf32> to vector<1xf32>
      %squeeze3A_590 = vector.extract %slice3A_589[0] : f32 from vector<1xf32>
      %broadcast_in_dim3A_591 = vector.broadcast %squeeze3A_590 : f32 to vector<16xf32>
      %get3A_592 = arith.index_cast %add3A_588 : i32 to index
      %get3A_593 = arith.constant 0 : index
      %get3A_594 = tpu.vector_load %arg18[%get3A_592, %get3A_593] {strides = array<i32>} : memref<640x64xf32, #tpu.memory_space<vmem>>, vector<16xf32>,
      %mul3A_595 = arith.mulf %get3A_594, %broadcast_in_dim3A_591 : vector<16xf32>
      %swap3A_596 = arith.index_cast %add3A_588 : i32 to index
      %swap3A_597 = arith.constant 0 : index
      %swap3A_598 = tpu.vector_load %arg18[%swap3A_596, %swap3A_597] {strides = array<i32>} : memref<640x64xf32, #tpu.memory_space<vmem>>, vector<16xf32>,
      tpu.vector_store %arg18[%swap3A_596, %swap3A_597], %mul3A_595 {strides = array<i32>} : memref<640x64xf32, #tpu.memory_space<vmem>>, vector<16xf32>,
      %get3A_599 = arith.index_cast %add3A_588 : i32 to index
      %get3A_600 = arith.constant 16 : index
      %get3A_601 = tpu.vector_load %arg18[%get3A_599, %get3A_600] {strides = array<i32>} : memref<640x64xf32, #tpu.memory_space<vmem>>, vector<16xf32>,
      %mul3A_602 = arith.mulf %get3A_601, %broadcast_in_dim3A_591 : vector<16xf32>
      %swap3A_603 = arith.index_cast %add3A_588 : i32 to index
      %swap3A_604 = arith.constant 16 : index
      %swap3A_605 = tpu.vector_load %arg18[%swap3A_603, %swap3A_604] {strides = array<i32>} : memref<640x64xf32, #tpu.memory_space<vmem>>, vector<16xf32>,
      tpu.vector_store %arg18[%swap3A_603, %swap3A_604], %mul3A_602 {strides = array<i32>} : memref<640x64xf32, #tpu.memory_space<vmem>>, vector<16xf32>,
      %get3A_606 = arith.index_cast %add3A_588 : i32 to index
      %get3A_607 = arith.constant 32 : index
      %get3A_608 = tpu.vector_load %arg18[%get3A_606, %get3A_607] {strides = array<i32>} : memref<640x64xf32, #tpu.memory_space<vmem>>, vector<16xf32>,
      %mul3A_609 = arith.mulf %get3A_608, %broadcast_in_dim3A_591 : vector<16xf32>
      %swap3A_610 = arith.index_cast %add3A_588 : i32 to index
      %swap3A_611 = arith.constant 32 : index
      %swap3A_612 = tpu.vector_load %arg18[%swap3A_610, %swap3A_611] {strides = array<i32>} : memref<640x64xf32, #tpu.memory_space<vmem>>, vector<16xf32>,
      tpu.vector_store %arg18[%swap3A_610, %swap3A_611], %mul3A_609 {strides = array<i32>} : memref<640x64xf32, #tpu.memory_space<vmem>>, vector<16xf32>,
      %get3A_613 = arith.index_cast %add3A_588 : i32 to index
      %get3A_614 = arith.constant 48 : index
      %get3A_615 = tpu.vector_load %arg18[%get3A_613, %get3A_614] {strides = array<i32>} : memref<640x64xf32, #tpu.memory_space<vmem>>, vector<16xf32>,
      %mul3A_616 = arith.mulf %get3A_615, %broadcast_in_dim3A_591 : vector<16xf32>
      %swap3A_617 = arith.index_cast %add3A_588 : i32 to index
      %swap3A_618 = arith.constant 48 : index
      %swap3A_619 = tpu.vector_load %arg18[%swap3A_617, %swap3A_618] {strides = array<i32>} : memref<640x64xf32, #tpu.memory_space<vmem>>, vector<16xf32>,
      tpu.vector_store %arg18[%swap3A_617, %swap3A_618], %mul3A_616 {strides = array<i32>} : memref<640x64xf32, #tpu.memory_space<vmem>>, vector<16xf32>,
      %mul3A_620 = arith.constant 16 : i32
      %mul3A_621 = arith.muli %scan3A_58, %mul3A_620 : i32
      %add3A_622 = arith.constant 256 : i32
      %add3A_623 = arith.addi %add3A_622, %mul3A_621 : i32
      %add3A_624 = arith.constant 15 : i32
      %add3A_625 = arith.addi %add3A_623, %add3A_624 : i32
      %slice3A_626 = vector.extract_strided_slice %div3A_67 {offsets = [15], sizes = [1], strides = [1]} : vector<16xf32> to vector<1xf32>
      %squeeze3A_627 = vector.extract %slice3A_626[0] : f32 from vector<1xf32>
      %broadcast_in_dim3A_628 = vector.broadcast %squeeze3A_627 : f32 to vector<16xf32>
      %get3A_629 = arith.index_cast %add3A_625 : i32 to index
      %get3A_630 = arith.constant 0 : index
      %get3A_631 = tpu.vector_load %arg18[%get3A_629, %get3A_630] {strides = array<i32>} : memref<640x64xf32, #tpu.memory_space<vmem>>, vector<16xf32>,
      %mul3A_632 = arith.mulf %get3A_631, %broadcast_in_dim3A_628 : vector<16xf32>
      %swap3A_633 = arith.index_cast %add3A_625 : i32 to index
      %swap3A_634 = arith.constant 0 : index
      %swap3A_635 = tpu.vector_load %arg18[%swap3A_633, %swap3A_634] {strides = array<i32>} : memref<640x64xf32, #tpu.memory_space<vmem>>, vector<16xf32>,
      tpu.vector_store %arg18[%swap3A_633, %swap3A_634], %mul3A_632 {strides = array<i32>} : memref<640x64xf32, #tpu.memory_space<vmem>>, vector<16xf32>,
      %get3A_636 = arith.index_cast %add3A_625 : i32 to index
      %get3A_637 = arith.constant 16 : index
      %get3A_638 = tpu.vector_load %arg18[%get3A_636, %get3A_637] {strides = array<i32>} : memref<640x64xf32, #tpu.memory_space<vmem>>, vector<16xf32>,
      %mul3A_639 = arith.mulf %get3A_638, %broadcast_in_dim3A_628 : vector<16xf32>
      %swap3A_640 = arith.index_cast %add3A_625 : i32 to index
      %swap3A_641 = arith.constant 16 : index
      %swap3A_642 = tpu.vector_load %arg18[%swap3A_640, %swap3A_641] {strides = array<i32>} : memref<640x64xf32, #tpu.memory_space<vmem>>, vector<16xf32>,
      tpu.vector_store %arg18[%swap3A_640, %swap3A_641], %mul3A_639 {strides = array<i32>} : memref<640x64xf32, #tpu.memory_space<vmem>>, vector<16xf32>,
      %get3A_643 = arith.index_cast %add3A_625 : i32 to index
      %get3A_644 = arith.constant 32 : index
      %get3A_645 = tpu.vector_load %arg18[%get3A_643, %get3A_644] {strides = array<i32>} : memref<640x64xf32, #tpu.memory_space<vmem>>, vector<16xf32>,
      %mul3A_646 = arith.mulf %get3A_645, %broadcast_in_dim3A_628 : vector<16xf32>
      %swap3A_647 = arith.index_cast %add3A_625 : i32 to index
      %swap3A_648 = arith.constant 32 : index
      %swap3A_649 = tpu.vector_load %arg18[%swap3A_647, %swap3A_648] {strides = array<i32>} : memref<640x64xf32, #tpu.memory_space<vmem>>, vector<16xf32>,
      tpu.vector_store %arg18[%swap3A_647, %swap3A_648], %mul3A_646 {strides = array<i32>} : memref<640x64xf32, #tpu.memory_space<vmem>>, vector<16xf32>,
      %get3A_650 = arith.index_cast %add3A_625 : i32 to index
      %get3A_651 = arith.constant 48 : index
      %get3A_652 = tpu.vector_load %arg18[%get3A_650, %get3A_651] {strides = array<i32>} : memref<640x64xf32, #tpu.memory_space<vmem>>, vector<16xf32>,
      %mul3A_653 = arith.mulf %get3A_652, %broadcast_in_dim3A_628 : vector<16xf32>
      %swap3A_654 = arith.index_cast %add3A_625 : i32 to index
      %swap3A_655 = arith.constant 48 : index
      %swap3A_656 = tpu.vector_load %arg18[%swap3A_654, %swap3A_655] {strides = array<i32>} : memref<640x64xf32, #tpu.memory_space<vmem>>, vector<16xf32>,
      tpu.vector_store %arg18[%swap3A_654, %swap3A_655], %mul3A_653 {strides = array<i32>} : memref<640x64xf32, #tpu.memory_space<vmem>>, vector<16xf32>,
    }
    %scan3A_43 = arith.constant 8 : i32
    %scan3A_44 = arith.constant 0 : i32
    %scan3A_45 = arith.constant 0 : i32
    %scan3A_46 = arith.constant 8 : i32
    %scan3A_47 = arith.addi %scan3A_45, %scan3A_46 : i32
    %scan3A_48 = arith.constant 1 : i32
    scf.for %scan3A_58 = %scan3A_45 to %scan3A_47 step %scan3A_48  : i32 {
      %mul3A_59 = arith.constant 16 : i32
      %mul3A_60 = arith.muli %scan3A_58, %mul3A_59 : i32
      %get3A = arith.constant 3 : i32
      %get3A_61 = arith.index_cast %get3A : i32 to index
      %get3A_62 = arith.index_cast %mul3A_60 : i32 to index
      %get3A_63 = tpu.vector_load %arg17[%get3A_61, %get3A_62] {strides = array<i32>} : memref<5x128xf32, #tpu.memory_space<vmem>>, vector<16xf32>,
      %add3A = arith.constant 1.000000e-16 : f32
      %add3A_64 = vector.broadcast %add3A : f32 to vector<16xf32>
      %add3A_65 = arith.addf %get3A_63, %add3A_64 : vector<16xf32>
      %div3A = arith.constant 1.000000e+00 : f32
      %div3A_66 = vector.broadcast %div3A : f32 to vector<16xf32>
      %div3A_67 = arith.divf %div3A_66, %add3A_65 : vector<16xf32>
      %mul3A_68 = arith.constant 16 : i32
      %mul3A_69 = arith.muli %scan3A_58, %mul3A_68 : i32
      %add3A_70 = arith.constant 384 : i32
      %add3A_71 = arith.addi %add3A_70, %mul3A_69 : i32
      %add3A_72 = arith.constant 0 : i32
      %add3A_73 = arith.addi %add3A_71, %add3A_72 : i32
      %slice3A = vector.extract_strided_slice %div3A_67 {offsets = [0], sizes = [1], strides = [1]} : vector<16xf32> to vector<1xf32>
      %squeeze3A = vector.extract %slice3A[0] : f32 from vector<1xf32>
      %broadcast_in_dim3A_74 = vector.broadcast %squeeze3A : f32 to vector<16xf32>
      %get3A_75 = arith.index_cast %add3A_73 : i32 to index
      %get3A_76 = arith.constant 0 : index
      %get3A_77 = tpu.vector_load %arg18[%get3A_75, %get3A_76] {strides = array<i32>} : memref<640x64xf32, #tpu.memory_space<vmem>>, vector<16xf32>,
      %mul3A_78 = arith.mulf %get3A_77, %broadcast_in_dim3A_74 : vector<16xf32>
      %swap3A = arith.index_cast %add3A_73 : i32 to index
      %swap3A_79 = arith.constant 0 : index
      %swap3A_80 = tpu.vector_load %arg18[%swap3A, %swap3A_79] {strides = array<i32>} : memref<640x64xf32, #tpu.memory_space<vmem>>, vector<16xf32>,
      tpu.vector_store %arg18[%swap3A, %swap3A_79], %mul3A_78 {strides = array<i32>} : memref<640x64xf32, #tpu.memory_space<vmem>>, vector<16xf32>,
      %get3A_81 = arith.index_cast %add3A_73 : i32 to index
      %get3A_82 = arith.constant 16 : index
      %get3A_83 = tpu.vector_load %arg18[%get3A_81, %get3A_82] {strides = array<i32>} : memref<640x64xf32, #tpu.memory_space<vmem>>, vector<16xf32>,
      %mul3A_84 = arith.mulf %get3A_83, %broadcast_in_dim3A_74 : vector<16xf32>
      %swap3A_85 = arith.index_cast %add3A_73 : i32 to index
      %swap3A_86 = arith.constant 16 : index
      %swap3A_87 = tpu.vector_load %arg18[%swap3A_85, %swap3A_86] {strides = array<i32>} : memref<640x64xf32, #tpu.memory_space<vmem>>, vector<16xf32>,
      tpu.vector_store %arg18[%swap3A_85, %swap3A_86], %mul3A_84 {strides = array<i32>} : memref<640x64xf32, #tpu.memory_space<vmem>>, vector<16xf32>,
      %get3A_88 = arith.index_cast %add3A_73 : i32 to index
      %get3A_89 = arith.constant 32 : index
      %get3A_90 = tpu.vector_load %arg18[%get3A_88, %get3A_89] {strides = array<i32>} : memref<640x64xf32, #tpu.memory_space<vmem>>, vector<16xf32>,
      %mul3A_91 = arith.mulf %get3A_90, %broadcast_in_dim3A_74 : vector<16xf32>
      %swap3A_92 = arith.index_cast %add3A_73 : i32 to index
      %swap3A_93 = arith.constant 32 : index
      %swap3A_94 = tpu.vector_load %arg18[%swap3A_92, %swap3A_93] {strides = array<i32>} : memref<640x64xf32, #tpu.memory_space<vmem>>, vector<16xf32>,
      tpu.vector_store %arg18[%swap3A_92, %swap3A_93], %mul3A_91 {strides = array<i32>} : memref<640x64xf32, #tpu.memory_space<vmem>>, vector<16xf32>,
      %get3A_95 = arith.index_cast %add3A_73 : i32 to index
      %get3A_96 = arith.constant 48 : index
      %get3A_97 = tpu.vector_load %arg18[%get3A_95, %get3A_96] {strides = array<i32>} : memref<640x64xf32, #tpu.memory_space<vmem>>, vector<16xf32>,
      %mul3A_98 = arith.mulf %get3A_97, %broadcast_in_dim3A_74 : vector<16xf32>
      %swap3A_99 = arith.index_cast %add3A_73 : i32 to index
      %swap3A_100 = arith.constant 48 : index
      %swap3A_101 = tpu.vector_load %arg18[%swap3A_99, %swap3A_100] {strides = array<i32>} : memref<640x64xf32, #tpu.memory_space<vmem>>, vector<16xf32>,
      tpu.vector_store %arg18[%swap3A_99, %swap3A_100], %mul3A_98 {strides = array<i32>} : memref<640x64xf32, #tpu.memory_space<vmem>>, vector<16xf32>,
      %mul3A_102 = arith.constant 16 : i32
      %mul3A_103 = arith.muli %scan3A_58, %mul3A_102 : i32
      %add3A_104 = arith.constant 384 : i32
      %add3A_105 = arith.addi %add3A_104, %mul3A_103 : i32
      %add3A_106 = arith.constant 1 : i32
      %add3A_107 = arith.addi %add3A_105, %add3A_106 : i32
      %slice3A_108 = vector.extract_strided_slice %div3A_67 {offsets = [1], sizes = [1], strides = [1]} : vector<16xf32> to vector<1xf32>
      %squeeze3A_109 = vector.extract %slice3A_108[0] : f32 from vector<1xf32>
      %broadcast_in_dim3A_110 = vector.broadcast %squeeze3A_109 : f32 to vector<16xf32>
      %get3A_111 = arith.index_cast %add3A_107 : i32 to index
      %get3A_112 = arith.constant 0 : index
      %get3A_113 = tpu.vector_load %arg18[%get3A_111, %get3A_112] {strides = array<i32>} : memref<640x64xf32, #tpu.memory_space<vmem>>, vector<16xf32>,
      %mul3A_114 = arith.mulf %get3A_113, %broadcast_in_dim3A_110 : vector<16xf32>
      %swap3A_115 = arith.index_cast %add3A_107 : i32 to index
      %swap3A_116 = arith.constant 0 : index
      %swap3A_117 = tpu.vector_load %arg18[%swap3A_115, %swap3A_116] {strides = array<i32>} : memref<640x64xf32, #tpu.memory_space<vmem>>, vector<16xf32>,
      tpu.vector_store %arg18[%swap3A_115, %swap3A_116], %mul3A_114 {strides = array<i32>} : memref<640x64xf32, #tpu.memory_space<vmem>>, vector<16xf32>,
      %get3A_118 = arith.index_cast %add3A_107 : i32 to index
      %get3A_119 = arith.constant 16 : index
      %get3A_120 = tpu.vector_load %arg18[%get3A_118, %get3A_119] {strides = array<i32>} : memref<640x64xf32, #tpu.memory_space<vmem>>, vector<16xf32>,
      %mul3A_121 = arith.mulf %get3A_120, %broadcast_in_dim3A_110 : vector<16xf32>
      %swap3A_122 = arith.index_cast %add3A_107 : i32 to index
      %swap3A_123 = arith.constant 16 : index
      %swap3A_124 = tpu.vector_load %arg18[%swap3A_122, %swap3A_123] {strides = array<i32>} : memref<640x64xf32, #tpu.memory_space<vmem>>, vector<16xf32>,
      tpu.vector_store %arg18[%swap3A_122, %swap3A_123], %mul3A_121 {strides = array<i32>} : memref<640x64xf32, #tpu.memory_space<vmem>>, vector<16xf32>,
      %get3A_125 = arith.index_cast %add3A_107 : i32 to index
      %get3A_126 = arith.constant 32 : index
      %get3A_127 = tpu.vector_load %arg18[%get3A_125, %get3A_126] {strides = array<i32>} : memref<640x64xf32, #tpu.memory_space<vmem>>, vector<16xf32>,
      %mul3A_128 = arith.mulf %get3A_127, %broadcast_in_dim3A_110 : vector<16xf32>
      %swap3A_129 = arith.index_cast %add3A_107 : i32 to index
      %swap3A_130 = arith.constant 32 : index
      %swap3A_131 = tpu.vector_load %arg18[%swap3A_129, %swap3A_130] {strides = array<i32>} : memref<640x64xf32, #tpu.memory_space<vmem>>, vector<16xf32>,
      tpu.vector_store %arg18[%swap3A_129, %swap3A_130], %mul3A_128 {strides = array<i32>} : memref<640x64xf32, #tpu.memory_space<vmem>>, vector<16xf32>,
      %get3A_132 = arith.index_cast %add3A_107 : i32 to index
      %get3A_133 = arith.constant 48 : index
      %get3A_134 = tpu.vector_load %arg18[%get3A_132, %get3A_133] {strides = array<i32>} : memref<640x64xf32, #tpu.memory_space<vmem>>, vector<16xf32>,
      %mul3A_135 = arith.mulf %get3A_134, %broadcast_in_dim3A_110 : vector<16xf32>
      %swap3A_136 = arith.index_cast %add3A_107 : i32 to index
      %swap3A_137 = arith.constant 48 : index
      %swap3A_138 = tpu.vector_load %arg18[%swap3A_136, %swap3A_137] {strides = array<i32>} : memref<640x64xf32, #tpu.memory_space<vmem>>, vector<16xf32>,
      tpu.vector_store %arg18[%swap3A_136, %swap3A_137], %mul3A_135 {strides = array<i32>} : memref<640x64xf32, #tpu.memory_space<vmem>>, vector<16xf32>,
      %mul3A_139 = arith.constant 16 : i32
      %mul3A_140 = arith.muli %scan3A_58, %mul3A_139 : i32
      %add3A_141 = arith.constant 384 : i32
      %add3A_142 = arith.addi %add3A_141, %mul3A_140 : i32
      %add3A_143 = arith.constant 2 : i32
      %add3A_144 = arith.addi %add3A_142, %add3A_143 : i32
      %slice3A_145 = vector.extract_strided_slice %div3A_67 {offsets = [2], sizes = [1], strides = [1]} : vector<16xf32> to vector<1xf32>
      %squeeze3A_146 = vector.extract %slice3A_145[0] : f32 from vector<1xf32>
      %broadcast_in_dim3A_147 = vector.broadcast %squeeze3A_146 : f32 to vector<16xf32>
      %get3A_148 = arith.index_cast %add3A_144 : i32 to index
      %get3A_149 = arith.constant 0 : index
      %get3A_150 = tpu.vector_load %arg18[%get3A_148, %get3A_149] {strides = array<i32>} : memref<640x64xf32, #tpu.memory_space<vmem>>, vector<16xf32>,
      %mul3A_151 = arith.mulf %get3A_150, %broadcast_in_dim3A_147 : vector<16xf32>
      %swap3A_152 = arith.index_cast %add3A_144 : i32 to index
      %swap3A_153 = arith.constant 0 : index
      %swap3A_154 = tpu.vector_load %arg18[%swap3A_152, %swap3A_153] {strides = array<i32>} : memref<640x64xf32, #tpu.memory_space<vmem>>, vector<16xf32>,
      tpu.vector_store %arg18[%swap3A_152, %swap3A_153], %mul3A_151 {strides = array<i32>} : memref<640x64xf32, #tpu.memory_space<vmem>>, vector<16xf32>,
      %get3A_155 = arith.index_cast %add3A_144 : i32 to index
      %get3A_156 = arith.constant 16 : index
      %get3A_157 = tpu.vector_load %arg18[%get3A_155, %get3A_156] {strides = array<i32>} : memref<640x64xf32, #tpu.memory_space<vmem>>, vector<16xf32>,
      %mul3A_158 = arith.mulf %get3A_157, %broadcast_in_dim3A_147 : vector<16xf32>
      %swap3A_159 = arith.index_cast %add3A_144 : i32 to index
      %swap3A_160 = arith.constant 16 : index
      %swap3A_161 = tpu.vector_load %arg18[%swap3A_159, %swap3A_160] {strides = array<i32>} : memref<640x64xf32, #tpu.memory_space<vmem>>, vector<16xf32>,
      tpu.vector_store %arg18[%swap3A_159, %swap3A_160], %mul3A_158 {strides = array<i32>} : memref<640x64xf32, #tpu.memory_space<vmem>>, vector<16xf32>,
      %get3A_162 = arith.index_cast %add3A_144 : i32 to index
      %get3A_163 = arith.constant 32 : index
      %get3A_164 = tpu.vector_load %arg18[%get3A_162, %get3A_163] {strides = array<i32>} : memref<640x64xf32, #tpu.memory_space<vmem>>, vector<16xf32>,
      %mul3A_165 = arith.mulf %get3A_164, %broadcast_in_dim3A_147 : vector<16xf32>
      %swap3A_166 = arith.index_cast %add3A_144 : i32 to index
      %swap3A_167 = arith.constant 32 : index
      %swap3A_168 = tpu.vector_load %arg18[%swap3A_166, %swap3A_167] {strides = array<i32>} : memref<640x64xf32, #tpu.memory_space<vmem>>, vector<16xf32>,
      tpu.vector_store %arg18[%swap3A_166, %swap3A_167], %mul3A_165 {strides = array<i32>} : memref<640x64xf32, #tpu.memory_space<vmem>>, vector<16xf32>,
      %get3A_169 = arith.index_cast %add3A_144 : i32 to index
      %get3A_170 = arith.constant 48 : index
      %get3A_171 = tpu.vector_load %arg18[%get3A_169, %get3A_170] {strides = array<i32>} : memref<640x64xf32, #tpu.memory_space<vmem>>, vector<16xf32>,
      %mul3A_172 = arith.mulf %get3A_171, %broadcast_in_dim3A_147 : vector<16xf32>
      %swap3A_173 = arith.index_cast %add3A_144 : i32 to index
      %swap3A_174 = arith.constant 48 : index
      %swap3A_175 = tpu.vector_load %arg18[%swap3A_173, %swap3A_174] {strides = array<i32>} : memref<640x64xf32, #tpu.memory_space<vmem>>, vector<16xf32>,
      tpu.vector_store %arg18[%swap3A_173, %swap3A_174], %mul3A_172 {strides = array<i32>} : memref<640x64xf32, #tpu.memory_space<vmem>>, vector<16xf32>,
      %mul3A_176 = arith.constant 16 : i32
      %mul3A_177 = arith.muli %scan3A_58, %mul3A_176 : i32
      %add3A_178 = arith.constant 384 : i32
      %add3A_179 = arith.addi %add3A_178, %mul3A_177 : i32
      %add3A_180 = arith.constant 3 : i32
      %add3A_181 = arith.addi %add3A_179, %add3A_180 : i32
      %slice3A_182 = vector.extract_strided_slice %div3A_67 {offsets = [3], sizes = [1], strides = [1]} : vector<16xf32> to vector<1xf32>
      %squeeze3A_183 = vector.extract %slice3A_182[0] : f32 from vector<1xf32>
      %broadcast_in_dim3A_184 = vector.broadcast %squeeze3A_183 : f32 to vector<16xf32>
      %get3A_185 = arith.index_cast %add3A_181 : i32 to index
      %get3A_186 = arith.constant 0 : index
      %get3A_187 = tpu.vector_load %arg18[%get3A_185, %get3A_186] {strides = array<i32>} : memref<640x64xf32, #tpu.memory_space<vmem>>, vector<16xf32>,
      %mul3A_188 = arith.mulf %get3A_187, %broadcast_in_dim3A_184 : vector<16xf32>
      %swap3A_189 = arith.index_cast %add3A_181 : i32 to index
      %swap3A_190 = arith.constant 0 : index
      %swap3A_191 = tpu.vector_load %arg18[%swap3A_189, %swap3A_190] {strides = array<i32>} : memref<640x64xf32, #tpu.memory_space<vmem>>, vector<16xf32>,
      tpu.vector_store %arg18[%swap3A_189, %swap3A_190], %mul3A_188 {strides = array<i32>} : memref<640x64xf32, #tpu.memory_space<vmem>>, vector<16xf32>,
      %get3A_192 = arith.index_cast %add3A_181 : i32 to index
      %get3A_193 = arith.constant 16 : index
      %get3A_194 = tpu.vector_load %arg18[%get3A_192, %get3A_193] {strides = array<i32>} : memref<640x64xf32, #tpu.memory_space<vmem>>, vector<16xf32>,
      %mul3A_195 = arith.mulf %get3A_194, %broadcast_in_dim3A_184 : vector<16xf32>
      %swap3A_196 = arith.index_cast %add3A_181 : i32 to index
      %swap3A_197 = arith.constant 16 : index
      %swap3A_198 = tpu.vector_load %arg18[%swap3A_196, %swap3A_197] {strides = array<i32>} : memref<640x64xf32, #tpu.memory_space<vmem>>, vector<16xf32>,
      tpu.vector_store %arg18[%swap3A_196, %swap3A_197], %mul3A_195 {strides = array<i32>} : memref<640x64xf32, #tpu.memory_space<vmem>>, vector<16xf32>,
      %get3A_199 = arith.index_cast %add3A_181 : i32 to index
      %get3A_200 = arith.constant 32 : index
      %get3A_201 = tpu.vector_load %arg18[%get3A_199, %get3A_200] {strides = array<i32>} : memref<640x64xf32, #tpu.memory_space<vmem>>, vector<16xf32>,
      %mul3A_202 = arith.mulf %get3A_201, %broadcast_in_dim3A_184 : vector<16xf32>
      %swap3A_203 = arith.index_cast %add3A_181 : i32 to index
      %swap3A_204 = arith.constant 32 : index
      %swap3A_205 = tpu.vector_load %arg18[%swap3A_203, %swap3A_204] {strides = array<i32>} : memref<640x64xf32, #tpu.memory_space<vmem>>, vector<16xf32>,
      tpu.vector_store %arg18[%swap3A_203, %swap3A_204], %mul3A_202 {strides = array<i32>} : memref<640x64xf32, #tpu.memory_space<vmem>>, vector<16xf32>,
      %get3A_206 = arith.index_cast %add3A_181 : i32 to index
      %get3A_207 = arith.constant 48 : index
      %get3A_208 = tpu.vector_load %arg18[%get3A_206, %get3A_207] {strides = array<i32>} : memref<640x64xf32, #tpu.memory_space<vmem>>, vector<16xf32>,
      %mul3A_209 = arith.mulf %get3A_208, %broadcast_in_dim3A_184 : vector<16xf32>
      %swap3A_210 = arith.index_cast %add3A_181 : i32 to index
      %swap3A_211 = arith.constant 48 : index
      %swap3A_212 = tpu.vector_load %arg18[%swap3A_210, %swap3A_211] {strides = array<i32>} : memref<640x64xf32, #tpu.memory_space<vmem>>, vector<16xf32>,
      tpu.vector_store %arg18[%swap3A_210, %swap3A_211], %mul3A_209 {strides = array<i32>} : memref<640x64xf32, #tpu.memory_space<vmem>>, vector<16xf32>,
      %mul3A_213 = arith.constant 16 : i32
      %mul3A_214 = arith.muli %scan3A_58, %mul3A_213 : i32
      %add3A_215 = arith.constant 384 : i32
      %add3A_216 = arith.addi %add3A_215, %mul3A_214 : i32
      %add3A_217 = arith.constant 4 : i32
      %add3A_218 = arith.addi %add3A_216, %add3A_217 : i32
      %slice3A_219 = vector.extract_strided_slice %div3A_67 {offsets = [4], sizes = [1], strides = [1]} : vector<16xf32> to vector<1xf32>
      %squeeze3A_220 = vector.extract %slice3A_219[0] : f32 from vector<1xf32>
      %broadcast_in_dim3A_221 = vector.broadcast %squeeze3A_220 : f32 to vector<16xf32>
      %get3A_222 = arith.index_cast %add3A_218 : i32 to index
      %get3A_223 = arith.constant 0 : index
      %get3A_224 = tpu.vector_load %arg18[%get3A_222, %get3A_223] {strides = array<i32>} : memref<640x64xf32, #tpu.memory_space<vmem>>, vector<16xf32>,
      %mul3A_225 = arith.mulf %get3A_224, %broadcast_in_dim3A_221 : vector<16xf32>
      %swap3A_226 = arith.index_cast %add3A_218 : i32 to index
      %swap3A_227 = arith.constant 0 : index
      %swap3A_228 = tpu.vector_load %arg18[%swap3A_226, %swap3A_227] {strides = array<i32>} : memref<640x64xf32, #tpu.memory_space<vmem>>, vector<16xf32>,
      tpu.vector_store %arg18[%swap3A_226, %swap3A_227], %mul3A_225 {strides = array<i32>} : memref<640x64xf32, #tpu.memory_space<vmem>>, vector<16xf32>,
      %get3A_229 = arith.index_cast %add3A_218 : i32 to index
      %get3A_230 = arith.constant 16 : index
      %get3A_231 = tpu.vector_load %arg18[%get3A_229, %get3A_230] {strides = array<i32>} : memref<640x64xf32, #tpu.memory_space<vmem>>, vector<16xf32>,
      %mul3A_232 = arith.mulf %get3A_231, %broadcast_in_dim3A_221 : vector<16xf32>
      %swap3A_233 = arith.index_cast %add3A_218 : i32 to index
      %swap3A_234 = arith.constant 16 : index
      %swap3A_235 = tpu.vector_load %arg18[%swap3A_233, %swap3A_234] {strides = array<i32>} : memref<640x64xf32, #tpu.memory_space<vmem>>, vector<16xf32>,
      tpu.vector_store %arg18[%swap3A_233, %swap3A_234], %mul3A_232 {strides = array<i32>} : memref<640x64xf32, #tpu.memory_space<vmem>>, vector<16xf32>,
      %get3A_236 = arith.index_cast %add3A_218 : i32 to index
      %get3A_237 = arith.constant 32 : index
      %get3A_238 = tpu.vector_load %arg18[%get3A_236, %get3A_237] {strides = array<i32>} : memref<640x64xf32, #tpu.memory_space<vmem>>, vector<16xf32>,
      %mul3A_239 = arith.mulf %get3A_238, %broadcast_in_dim3A_221 : vector<16xf32>
      %swap3A_240 = arith.index_cast %add3A_218 : i32 to index
      %swap3A_241 = arith.constant 32 : index
      %swap3A_242 = tpu.vector_load %arg18[%swap3A_240, %swap3A_241] {strides = array<i32>} : memref<640x64xf32, #tpu.memory_space<vmem>>, vector<16xf32>,
      tpu.vector_store %arg18[%swap3A_240, %swap3A_241], %mul3A_239 {strides = array<i32>} : memref<640x64xf32, #tpu.memory_space<vmem>>, vector<16xf32>,
      %get3A_243 = arith.index_cast %add3A_218 : i32 to index
      %get3A_244 = arith.constant 48 : index
      %get3A_245 = tpu.vector_load %arg18[%get3A_243, %get3A_244] {strides = array<i32>} : memref<640x64xf32, #tpu.memory_space<vmem>>, vector<16xf32>,
      %mul3A_246 = arith.mulf %get3A_245, %broadcast_in_dim3A_221 : vector<16xf32>
      %swap3A_247 = arith.index_cast %add3A_218 : i32 to index
      %swap3A_248 = arith.constant 48 : index
      %swap3A_249 = tpu.vector_load %arg18[%swap3A_247, %swap3A_248] {strides = array<i32>} : memref<640x64xf32, #tpu.memory_space<vmem>>, vector<16xf32>,
      tpu.vector_store %arg18[%swap3A_247, %swap3A_248], %mul3A_246 {strides = array<i32>} : memref<640x64xf32, #tpu.memory_space<vmem>>, vector<16xf32>,
      %mul3A_250 = arith.constant 16 : i32
      %mul3A_251 = arith.muli %scan3A_58, %mul3A_250 : i32
      %add3A_252 = arith.constant 384 : i32
      %add3A_253 = arith.addi %add3A_252, %mul3A_251 : i32
      %add3A_254 = arith.constant 5 : i32
      %add3A_255 = arith.addi %add3A_253, %add3A_254 : i32
      %slice3A_256 = vector.extract_strided_slice %div3A_67 {offsets = [5], sizes = [1], strides = [1]} : vector<16xf32> to vector<1xf32>
      %squeeze3A_257 = vector.extract %slice3A_256[0] : f32 from vector<1xf32>
      %broadcast_in_dim3A_258 = vector.broadcast %squeeze3A_257 : f32 to vector<16xf32>
      %get3A_259 = arith.index_cast %add3A_255 : i32 to index
      %get3A_260 = arith.constant 0 : index
      %get3A_261 = tpu.vector_load %arg18[%get3A_259, %get3A_260] {strides = array<i32>} : memref<640x64xf32, #tpu.memory_space<vmem>>, vector<16xf32>,
      %mul3A_262 = arith.mulf %get3A_261, %broadcast_in_dim3A_258 : vector<16xf32>
      %swap3A_263 = arith.index_cast %add3A_255 : i32 to index
      %swap3A_264 = arith.constant 0 : index
      %swap3A_265 = tpu.vector_load %arg18[%swap3A_263, %swap3A_264] {strides = array<i32>} : memref<640x64xf32, #tpu.memory_space<vmem>>, vector<16xf32>,
      tpu.vector_store %arg18[%swap3A_263, %swap3A_264], %mul3A_262 {strides = array<i32>} : memref<640x64xf32, #tpu.memory_space<vmem>>, vector<16xf32>,
      %get3A_266 = arith.index_cast %add3A_255 : i32 to index
      %get3A_267 = arith.constant 16 : index
      %get3A_268 = tpu.vector_load %arg18[%get3A_266, %get3A_267] {strides = array<i32>} : memref<640x64xf32, #tpu.memory_space<vmem>>, vector<16xf32>,
      %mul3A_269 = arith.mulf %get3A_268, %broadcast_in_dim3A_258 : vector<16xf32>
      %swap3A_270 = arith.index_cast %add3A_255 : i32 to index
      %swap3A_271 = arith.constant 16 : index
      %swap3A_272 = tpu.vector_load %arg18[%swap3A_270, %swap3A_271] {strides = array<i32>} : memref<640x64xf32, #tpu.memory_space<vmem>>, vector<16xf32>,
      tpu.vector_store %arg18[%swap3A_270, %swap3A_271], %mul3A_269 {strides = array<i32>} : memref<640x64xf32, #tpu.memory_space<vmem>>, vector<16xf32>,
      %get3A_273 = arith.index_cast %add3A_255 : i32 to index
      %get3A_274 = arith.constant 32 : index
      %get3A_275 = tpu.vector_load %arg18[%get3A_273, %get3A_274] {strides = array<i32>} : memref<640x64xf32, #tpu.memory_space<vmem>>, vector<16xf32>,
      %mul3A_276 = arith.mulf %get3A_275, %broadcast_in_dim3A_258 : vector<16xf32>
      %swap3A_277 = arith.index_cast %add3A_255 : i32 to index
      %swap3A_278 = arith.constant 32 : index
      %swap3A_279 = tpu.vector_load %arg18[%swap3A_277, %swap3A_278] {strides = array<i32>} : memref<640x64xf32, #tpu.memory_space<vmem>>, vector<16xf32>,
      tpu.vector_store %arg18[%swap3A_277, %swap3A_278], %mul3A_276 {strides = array<i32>} : memref<640x64xf32, #tpu.memory_space<vmem>>, vector<16xf32>,
      %get3A_280 = arith.index_cast %add3A_255 : i32 to index
      %get3A_281 = arith.constant 48 : index
      %get3A_282 = tpu.vector_load %arg18[%get3A_280, %get3A_281] {strides = array<i32>} : memref<640x64xf32, #tpu.memory_space<vmem>>, vector<16xf32>,
      %mul3A_283 = arith.mulf %get3A_282, %broadcast_in_dim3A_258 : vector<16xf32>
      %swap3A_284 = arith.index_cast %add3A_255 : i32 to index
      %swap3A_285 = arith.constant 48 : index
      %swap3A_286 = tpu.vector_load %arg18[%swap3A_284, %swap3A_285] {strides = array<i32>} : memref<640x64xf32, #tpu.memory_space<vmem>>, vector<16xf32>,
      tpu.vector_store %arg18[%swap3A_284, %swap3A_285], %mul3A_283 {strides = array<i32>} : memref<640x64xf32, #tpu.memory_space<vmem>>, vector<16xf32>,
      %mul3A_287 = arith.constant 16 : i32
      %mul3A_288 = arith.muli %scan3A_58, %mul3A_287 : i32
      %add3A_289 = arith.constant 384 : i32
      %add3A_290 = arith.addi %add3A_289, %mul3A_288 : i32
      %add3A_291 = arith.constant 6 : i32
      %add3A_292 = arith.addi %add3A_290, %add3A_291 : i32
      %slice3A_293 = vector.extract_strided_slice %div3A_67 {offsets = [6], sizes = [1], strides = [1]} : vector<16xf32> to vector<1xf32>
      %squeeze3A_294 = vector.extract %slice3A_293[0] : f32 from vector<1xf32>
      %broadcast_in_dim3A_295 = vector.broadcast %squeeze3A_294 : f32 to vector<16xf32>
      %get3A_296 = arith.index_cast %add3A_292 : i32 to index
      %get3A_297 = arith.constant 0 : index
      %get3A_298 = tpu.vector_load %arg18[%get3A_296, %get3A_297] {strides = array<i32>} : memref<640x64xf32, #tpu.memory_space<vmem>>, vector<16xf32>,
      %mul3A_299 = arith.mulf %get3A_298, %broadcast_in_dim3A_295 : vector<16xf32>
      %swap3A_300 = arith.index_cast %add3A_292 : i32 to index
      %swap3A_301 = arith.constant 0 : index
      %swap3A_302 = tpu.vector_load %arg18[%swap3A_300, %swap3A_301] {strides = array<i32>} : memref<640x64xf32, #tpu.memory_space<vmem>>, vector<16xf32>,
      tpu.vector_store %arg18[%swap3A_300, %swap3A_301], %mul3A_299 {strides = array<i32>} : memref<640x64xf32, #tpu.memory_space<vmem>>, vector<16xf32>,
      %get3A_303 = arith.index_cast %add3A_292 : i32 to index
      %get3A_304 = arith.constant 16 : index
      %get3A_305 = tpu.vector_load %arg18[%get3A_303, %get3A_304] {strides = array<i32>} : memref<640x64xf32, #tpu.memory_space<vmem>>, vector<16xf32>,
      %mul3A_306 = arith.mulf %get3A_305, %broadcast_in_dim3A_295 : vector<16xf32>
      %swap3A_307 = arith.index_cast %add3A_292 : i32 to index
      %swap3A_308 = arith.constant 16 : index
      %swap3A_309 = tpu.vector_load %arg18[%swap3A_307, %swap3A_308] {strides = array<i32>} : memref<640x64xf32, #tpu.memory_space<vmem>>, vector<16xf32>,
      tpu.vector_store %arg18[%swap3A_307, %swap3A_308], %mul3A_306 {strides = array<i32>} : memref<640x64xf32, #tpu.memory_space<vmem>>, vector<16xf32>,
      %get3A_310 = arith.index_cast %add3A_292 : i32 to index
      %get3A_311 = arith.constant 32 : index
      %get3A_312 = tpu.vector_load %arg18[%get3A_310, %get3A_311] {strides = array<i32>} : memref<640x64xf32, #tpu.memory_space<vmem>>, vector<16xf32>,
      %mul3A_313 = arith.mulf %get3A_312, %broadcast_in_dim3A_295 : vector<16xf32>
      %swap3A_314 = arith.index_cast %add3A_292 : i32 to index
      %swap3A_315 = arith.constant 32 : index
      %swap3A_316 = tpu.vector_load %arg18[%swap3A_314, %swap3A_315] {strides = array<i32>} : memref<640x64xf32, #tpu.memory_space<vmem>>, vector<16xf32>,
      tpu.vector_store %arg18[%swap3A_314, %swap3A_315], %mul3A_313 {strides = array<i32>} : memref<640x64xf32, #tpu.memory_space<vmem>>, vector<16xf32>,
      %get3A_317 = arith.index_cast %add3A_292 : i32 to index
      %get3A_318 = arith.constant 48 : index
      %get3A_319 = tpu.vector_load %arg18[%get3A_317, %get3A_318] {strides = array<i32>} : memref<640x64xf32, #tpu.memory_space<vmem>>, vector<16xf32>,
      %mul3A_320 = arith.mulf %get3A_319, %broadcast_in_dim3A_295 : vector<16xf32>
      %swap3A_321 = arith.index_cast %add3A_292 : i32 to index
      %swap3A_322 = arith.constant 48 : index
      %swap3A_323 = tpu.vector_load %arg18[%swap3A_321, %swap3A_322] {strides = array<i32>} : memref<640x64xf32, #tpu.memory_space<vmem>>, vector<16xf32>,
      tpu.vector_store %arg18[%swap3A_321, %swap3A_322], %mul3A_320 {strides = array<i32>} : memref<640x64xf32, #tpu.memory_space<vmem>>, vector<16xf32>,
      %mul3A_324 = arith.constant 16 : i32
      %mul3A_325 = arith.muli %scan3A_58, %mul3A_324 : i32
      %add3A_326 = arith.constant 384 : i32
      %add3A_327 = arith.addi %add3A_326, %mul3A_325 : i32
      %add3A_328 = arith.constant 7 : i32
      %add3A_329 = arith.addi %add3A_327, %add3A_328 : i32
      %slice3A_330 = vector.extract_strided_slice %div3A_67 {offsets = [7], sizes = [1], strides = [1]} : vector<16xf32> to vector<1xf32>
      %squeeze3A_331 = vector.extract %slice3A_330[0] : f32 from vector<1xf32>
      %broadcast_in_dim3A_332 = vector.broadcast %squeeze3A_331 : f32 to vector<16xf32>
      %get3A_333 = arith.index_cast %add3A_329 : i32 to index
      %get3A_334 = arith.constant 0 : index
      %get3A_335 = tpu.vector_load %arg18[%get3A_333, %get3A_334] {strides = array<i32>} : memref<640x64xf32, #tpu.memory_space<vmem>>, vector<16xf32>,
      %mul3A_336 = arith.mulf %get3A_335, %broadcast_in_dim3A_332 : vector<16xf32>
      %swap3A_337 = arith.index_cast %add3A_329 : i32 to index
      %swap3A_338 = arith.constant 0 : index
      %swap3A_339 = tpu.vector_load %arg18[%swap3A_337, %swap3A_338] {strides = array<i32>} : memref<640x64xf32, #tpu.memory_space<vmem>>, vector<16xf32>,
      tpu.vector_store %arg18[%swap3A_337, %swap3A_338], %mul3A_336 {strides = array<i32>} : memref<640x64xf32, #tpu.memory_space<vmem>>, vector<16xf32>,
      %get3A_340 = arith.index_cast %add3A_329 : i32 to index
      %get3A_341 = arith.constant 16 : index
      %get3A_342 = tpu.vector_load %arg18[%get3A_340, %get3A_341] {strides = array<i32>} : memref<640x64xf32, #tpu.memory_space<vmem>>, vector<16xf32>,
      %mul3A_343 = arith.mulf %get3A_342, %broadcast_in_dim3A_332 : vector<16xf32>
      %swap3A_344 = arith.index_cast %add3A_329 : i32 to index
      %swap3A_345 = arith.constant 16 : index
      %swap3A_346 = tpu.vector_load %arg18[%swap3A_344, %swap3A_345] {strides = array<i32>} : memref<640x64xf32, #tpu.memory_space<vmem>>, vector<16xf32>,
      tpu.vector_store %arg18[%swap3A_344, %swap3A_345], %mul3A_343 {strides = array<i32>} : memref<640x64xf32, #tpu.memory_space<vmem>>, vector<16xf32>,
      %get3A_347 = arith.index_cast %add3A_329 : i32 to index
      %get3A_348 = arith.constant 32 : index
      %get3A_349 = tpu.vector_load %arg18[%get3A_347, %get3A_348] {strides = array<i32>} : memref<640x64xf32, #tpu.memory_space<vmem>>, vector<16xf32>,
      %mul3A_350 = arith.mulf %get3A_349, %broadcast_in_dim3A_332 : vector<16xf32>
      %swap3A_351 = arith.index_cast %add3A_329 : i32 to index
      %swap3A_352 = arith.constant 32 : index
      %swap3A_353 = tpu.vector_load %arg18[%swap3A_351, %swap3A_352] {strides = array<i32>} : memref<640x64xf32, #tpu.memory_space<vmem>>, vector<16xf32>,
      tpu.vector_store %arg18[%swap3A_351, %swap3A_352], %mul3A_350 {strides = array<i32>} : memref<640x64xf32, #tpu.memory_space<vmem>>, vector<16xf32>,
      %get3A_354 = arith.index_cast %add3A_329 : i32 to index
      %get3A_355 = arith.constant 48 : index
      %get3A_356 = tpu.vector_load %arg18[%get3A_354, %get3A_355] {strides = array<i32>} : memref<640x64xf32, #tpu.memory_space<vmem>>, vector<16xf32>,
      %mul3A_357 = arith.mulf %get3A_356, %broadcast_in_dim3A_332 : vector<16xf32>
      %swap3A_358 = arith.index_cast %add3A_329 : i32 to index
      %swap3A_359 = arith.constant 48 : index
      %swap3A_360 = tpu.vector_load %arg18[%swap3A_358, %swap3A_359] {strides = array<i32>} : memref<640x64xf32, #tpu.memory_space<vmem>>, vector<16xf32>,
      tpu.vector_store %arg18[%swap3A_358, %swap3A_359], %mul3A_357 {strides = array<i32>} : memref<640x64xf32, #tpu.memory_space<vmem>>, vector<16xf32>,
      %mul3A_361 = arith.constant 16 : i32
      %mul3A_362 = arith.muli %scan3A_58, %mul3A_361 : i32
      %add3A_363 = arith.constant 384 : i32
      %add3A_364 = arith.addi %add3A_363, %mul3A_362 : i32
      %add3A_365 = arith.constant 8 : i32
      %add3A_366 = arith.addi %add3A_364, %add3A_365 : i32
      %slice3A_367 = vector.extract_strided_slice %div3A_67 {offsets = [8], sizes = [1], strides = [1]} : vector<16xf32> to vector<1xf32>
      %squeeze3A_368 = vector.extract %slice3A_367[0] : f32 from vector<1xf32>
      %broadcast_in_dim3A_369 = vector.broadcast %squeeze3A_368 : f32 to vector<16xf32>
      %get3A_370 = arith.index_cast %add3A_366 : i32 to index
      %get3A_371 = arith.constant 0 : index
      %get3A_372 = tpu.vector_load %arg18[%get3A_370, %get3A_371] {strides = array<i32>} : memref<640x64xf32, #tpu.memory_space<vmem>>, vector<16xf32>,
      %mul3A_373 = arith.mulf %get3A_372, %broadcast_in_dim3A_369 : vector<16xf32>
      %swap3A_374 = arith.index_cast %add3A_366 : i32 to index
      %swap3A_375 = arith.constant 0 : index
      %swap3A_376 = tpu.vector_load %arg18[%swap3A_374, %swap3A_375] {strides = array<i32>} : memref<640x64xf32, #tpu.memory_space<vmem>>, vector<16xf32>,
      tpu.vector_store %arg18[%swap3A_374, %swap3A_375], %mul3A_373 {strides = array<i32>} : memref<640x64xf32, #tpu.memory_space<vmem>>, vector<16xf32>,
      %get3A_377 = arith.index_cast %add3A_366 : i32 to index
      %get3A_378 = arith.constant 16 : index
      %get3A_379 = tpu.vector_load %arg18[%get3A_377, %get3A_378] {strides = array<i32>} : memref<640x64xf32, #tpu.memory_space<vmem>>, vector<16xf32>,
      %mul3A_380 = arith.mulf %get3A_379, %broadcast_in_dim3A_369 : vector<16xf32>
      %swap3A_381 = arith.index_cast %add3A_366 : i32 to index
      %swap3A_382 = arith.constant 16 : index
      %swap3A_383 = tpu.vector_load %arg18[%swap3A_381, %swap3A_382] {strides = array<i32>} : memref<640x64xf32, #tpu.memory_space<vmem>>, vector<16xf32>,
      tpu.vector_store %arg18[%swap3A_381, %swap3A_382], %mul3A_380 {strides = array<i32>} : memref<640x64xf32, #tpu.memory_space<vmem>>, vector<16xf32>,
      %get3A_384 = arith.index_cast %add3A_366 : i32 to index
      %get3A_385 = arith.constant 32 : index
      %get3A_386 = tpu.vector_load %arg18[%get3A_384, %get3A_385] {strides = array<i32>} : memref<640x64xf32, #tpu.memory_space<vmem>>, vector<16xf32>,
      %mul3A_387 = arith.mulf %get3A_386, %broadcast_in_dim3A_369 : vector<16xf32>
      %swap3A_388 = arith.index_cast %add3A_366 : i32 to index
      %swap3A_389 = arith.constant 32 : index
      %swap3A_390 = tpu.vector_load %arg18[%swap3A_388, %swap3A_389] {strides = array<i32>} : memref<640x64xf32, #tpu.memory_space<vmem>>, vector<16xf32>,
      tpu.vector_store %arg18[%swap3A_388, %swap3A_389], %mul3A_387 {strides = array<i32>} : memref<640x64xf32, #tpu.memory_space<vmem>>, vector<16xf32>,
      %get3A_391 = arith.index_cast %add3A_366 : i32 to index
      %get3A_392 = arith.constant 48 : index
      %get3A_393 = tpu.vector_load %arg18[%get3A_391, %get3A_392] {strides = array<i32>} : memref<640x64xf32, #tpu.memory_space<vmem>>, vector<16xf32>,
      %mul3A_394 = arith.mulf %get3A_393, %broadcast_in_dim3A_369 : vector<16xf32>
      %swap3A_395 = arith.index_cast %add3A_366 : i32 to index
      %swap3A_396 = arith.constant 48 : index
      %swap3A_397 = tpu.vector_load %arg18[%swap3A_395, %swap3A_396] {strides = array<i32>} : memref<640x64xf32, #tpu.memory_space<vmem>>, vector<16xf32>,
      tpu.vector_store %arg18[%swap3A_395, %swap3A_396], %mul3A_394 {strides = array<i32>} : memref<640x64xf32, #tpu.memory_space<vmem>>, vector<16xf32>,
      %mul3A_398 = arith.constant 16 : i32
      %mul3A_399 = arith.muli %scan3A_58, %mul3A_398 : i32
      %add3A_400 = arith.constant 384 : i32
      %add3A_401 = arith.addi %add3A_400, %mul3A_399 : i32
      %add3A_402 = arith.constant 9 : i32
      %add3A_403 = arith.addi %add3A_401, %add3A_402 : i32
      %slice3A_404 = vector.extract_strided_slice %div3A_67 {offsets = [9], sizes = [1], strides = [1]} : vector<16xf32> to vector<1xf32>
      %squeeze3A_405 = vector.extract %slice3A_404[0] : f32 from vector<1xf32>
      %broadcast_in_dim3A_406 = vector.broadcast %squeeze3A_405 : f32 to vector<16xf32>
      %get3A_407 = arith.index_cast %add3A_403 : i32 to index
      %get3A_408 = arith.constant 0 : index
      %get3A_409 = tpu.vector_load %arg18[%get3A_407, %get3A_408] {strides = array<i32>} : memref<640x64xf32, #tpu.memory_space<vmem>>, vector<16xf32>,
      %mul3A_410 = arith.mulf %get3A_409, %broadcast_in_dim3A_406 : vector<16xf32>
      %swap3A_411 = arith.index_cast %add3A_403 : i32 to index
      %swap3A_412 = arith.constant 0 : index
      %swap3A_413 = tpu.vector_load %arg18[%swap3A_411, %swap3A_412] {strides = array<i32>} : memref<640x64xf32, #tpu.memory_space<vmem>>, vector<16xf32>,
      tpu.vector_store %arg18[%swap3A_411, %swap3A_412], %mul3A_410 {strides = array<i32>} : memref<640x64xf32, #tpu.memory_space<vmem>>, vector<16xf32>,
      %get3A_414 = arith.index_cast %add3A_403 : i32 to index
      %get3A_415 = arith.constant 16 : index
      %get3A_416 = tpu.vector_load %arg18[%get3A_414, %get3A_415] {strides = array<i32>} : memref<640x64xf32, #tpu.memory_space<vmem>>, vector<16xf32>,
      %mul3A_417 = arith.mulf %get3A_416, %broadcast_in_dim3A_406 : vector<16xf32>
      %swap3A_418 = arith.index_cast %add3A_403 : i32 to index
      %swap3A_419 = arith.constant 16 : index
      %swap3A_420 = tpu.vector_load %arg18[%swap3A_418, %swap3A_419] {strides = array<i32>} : memref<640x64xf32, #tpu.memory_space<vmem>>, vector<16xf32>,
      tpu.vector_store %arg18[%swap3A_418, %swap3A_419], %mul3A_417 {strides = array<i32>} : memref<640x64xf32, #tpu.memory_space<vmem>>, vector<16xf32>,
      %get3A_421 = arith.index_cast %add3A_403 : i32 to index
      %get3A_422 = arith.constant 32 : index
      %get3A_423 = tpu.vector_load %arg18[%get3A_421, %get3A_422] {strides = array<i32>} : memref<640x64xf32, #tpu.memory_space<vmem>>, vector<16xf32>,
      %mul3A_424 = arith.mulf %get3A_423, %broadcast_in_dim3A_406 : vector<16xf32>
      %swap3A_425 = arith.index_cast %add3A_403 : i32 to index
      %swap3A_426 = arith.constant 32 : index
      %swap3A_427 = tpu.vector_load %arg18[%swap3A_425, %swap3A_426] {strides = array<i32>} : memref<640x64xf32, #tpu.memory_space<vmem>>, vector<16xf32>,
      tpu.vector_store %arg18[%swap3A_425, %swap3A_426], %mul3A_424 {strides = array<i32>} : memref<640x64xf32, #tpu.memory_space<vmem>>, vector<16xf32>,
      %get3A_428 = arith.index_cast %add3A_403 : i32 to index
      %get3A_429 = arith.constant 48 : index
      %get3A_430 = tpu.vector_load %arg18[%get3A_428, %get3A_429] {strides = array<i32>} : memref<640x64xf32, #tpu.memory_space<vmem>>, vector<16xf32>,
      %mul3A_431 = arith.mulf %get3A_430, %broadcast_in_dim3A_406 : vector<16xf32>
      %swap3A_432 = arith.index_cast %add3A_403 : i32 to index
      %swap3A_433 = arith.constant 48 : index
      %swap3A_434 = tpu.vector_load %arg18[%swap3A_432, %swap3A_433] {strides = array<i32>} : memref<640x64xf32, #tpu.memory_space<vmem>>, vector<16xf32>,
      tpu.vector_store %arg18[%swap3A_432, %swap3A_433], %mul3A_431 {strides = array<i32>} : memref<640x64xf32, #tpu.memory_space<vmem>>, vector<16xf32>,
      %mul3A_435 = arith.constant 16 : i32
      %mul3A_436 = arith.muli %scan3A_58, %mul3A_435 : i32
      %add3A_437 = arith.constant 384 : i32
      %add3A_438 = arith.addi %add3A_437, %mul3A_436 : i32
      %add3A_439 = arith.constant 10 : i32
      %add3A_440 = arith.addi %add3A_438, %add3A_439 : i32
      %slice3A_441 = vector.extract_strided_slice %div3A_67 {offsets = [10], sizes = [1], strides = [1]} : vector<16xf32> to vector<1xf32>
      %squeeze3A_442 = vector.extract %slice3A_441[0] : f32 from vector<1xf32>
      %broadcast_in_dim3A_443 = vector.broadcast %squeeze3A_442 : f32 to vector<16xf32>
      %get3A_444 = arith.index_cast %add3A_440 : i32 to index
      %get3A_445 = arith.constant 0 : index
      %get3A_446 = tpu.vector_load %arg18[%get3A_444, %get3A_445] {strides = array<i32>} : memref<640x64xf32, #tpu.memory_space<vmem>>, vector<16xf32>,
      %mul3A_447 = arith.mulf %get3A_446, %broadcast_in_dim3A_443 : vector<16xf32>
      %swap3A_448 = arith.index_cast %add3A_440 : i32 to index
      %swap3A_449 = arith.constant 0 : index
      %swap3A_450 = tpu.vector_load %arg18[%swap3A_448, %swap3A_449] {strides = array<i32>} : memref<640x64xf32, #tpu.memory_space<vmem>>, vector<16xf32>,
      tpu.vector_store %arg18[%swap3A_448, %swap3A_449], %mul3A_447 {strides = array<i32>} : memref<640x64xf32, #tpu.memory_space<vmem>>, vector<16xf32>,
      %get3A_451 = arith.index_cast %add3A_440 : i32 to index
      %get3A_452 = arith.constant 16 : index
      %get3A_453 = tpu.vector_load %arg18[%get3A_451, %get3A_452] {strides = array<i32>} : memref<640x64xf32, #tpu.memory_space<vmem>>, vector<16xf32>,
      %mul3A_454 = arith.mulf %get3A_453, %broadcast_in_dim3A_443 : vector<16xf32>
      %swap3A_455 = arith.index_cast %add3A_440 : i32 to index
      %swap3A_456 = arith.constant 16 : index
      %swap3A_457 = tpu.vector_load %arg18[%swap3A_455, %swap3A_456] {strides = array<i32>} : memref<640x64xf32, #tpu.memory_space<vmem>>, vector<16xf32>,
      tpu.vector_store %arg18[%swap3A_455, %swap3A_456], %mul3A_454 {strides = array<i32>} : memref<640x64xf32, #tpu.memory_space<vmem>>, vector<16xf32>,
      %get3A_458 = arith.index_cast %add3A_440 : i32 to index
      %get3A_459 = arith.constant 32 : index
      %get3A_460 = tpu.vector_load %arg18[%get3A_458, %get3A_459] {strides = array<i32>} : memref<640x64xf32, #tpu.memory_space<vmem>>, vector<16xf32>,
      %mul3A_461 = arith.mulf %get3A_460, %broadcast_in_dim3A_443 : vector<16xf32>
      %swap3A_462 = arith.index_cast %add3A_440 : i32 to index
      %swap3A_463 = arith.constant 32 : index
      %swap3A_464 = tpu.vector_load %arg18[%swap3A_462, %swap3A_463] {strides = array<i32>} : memref<640x64xf32, #tpu.memory_space<vmem>>, vector<16xf32>,
      tpu.vector_store %arg18[%swap3A_462, %swap3A_463], %mul3A_461 {strides = array<i32>} : memref<640x64xf32, #tpu.memory_space<vmem>>, vector<16xf32>,
      %get3A_465 = arith.index_cast %add3A_440 : i32 to index
      %get3A_466 = arith.constant 48 : index
      %get3A_467 = tpu.vector_load %arg18[%get3A_465, %get3A_466] {strides = array<i32>} : memref<640x64xf32, #tpu.memory_space<vmem>>, vector<16xf32>,
      %mul3A_468 = arith.mulf %get3A_467, %broadcast_in_dim3A_443 : vector<16xf32>
      %swap3A_469 = arith.index_cast %add3A_440 : i32 to index
      %swap3A_470 = arith.constant 48 : index
      %swap3A_471 = tpu.vector_load %arg18[%swap3A_469, %swap3A_470] {strides = array<i32>} : memref<640x64xf32, #tpu.memory_space<vmem>>, vector<16xf32>,
      tpu.vector_store %arg18[%swap3A_469, %swap3A_470], %mul3A_468 {strides = array<i32>} : memref<640x64xf32, #tpu.memory_space<vmem>>, vector<16xf32>,
      %mul3A_472 = arith.constant 16 : i32
      %mul3A_473 = arith.muli %scan3A_58, %mul3A_472 : i32
      %add3A_474 = arith.constant 384 : i32
      %add3A_475 = arith.addi %add3A_474, %mul3A_473 : i32
      %add3A_476 = arith.constant 11 : i32
      %add3A_477 = arith.addi %add3A_475, %add3A_476 : i32
      %slice3A_478 = vector.extract_strided_slice %div3A_67 {offsets = [11], sizes = [1], strides = [1]} : vector<16xf32> to vector<1xf32>
      %squeeze3A_479 = vector.extract %slice3A_478[0] : f32 from vector<1xf32>
      %broadcast_in_dim3A_480 = vector.broadcast %squeeze3A_479 : f32 to vector<16xf32>
      %get3A_481 = arith.index_cast %add3A_477 : i32 to index
      %get3A_482 = arith.constant 0 : index
      %get3A_483 = tpu.vector_load %arg18[%get3A_481, %get3A_482] {strides = array<i32>} : memref<640x64xf32, #tpu.memory_space<vmem>>, vector<16xf32>,
      %mul3A_484 = arith.mulf %get3A_483, %broadcast_in_dim3A_480 : vector<16xf32>
      %swap3A_485 = arith.index_cast %add3A_477 : i32 to index
      %swap3A_486 = arith.constant 0 : index
      %swap3A_487 = tpu.vector_load %arg18[%swap3A_485, %swap3A_486] {strides = array<i32>} : memref<640x64xf32, #tpu.memory_space<vmem>>, vector<16xf32>,
      tpu.vector_store %arg18[%swap3A_485, %swap3A_486], %mul3A_484 {strides = array<i32>} : memref<640x64xf32, #tpu.memory_space<vmem>>, vector<16xf32>,
      %get3A_488 = arith.index_cast %add3A_477 : i32 to index
      %get3A_489 = arith.constant 16 : index
      %get3A_490 = tpu.vector_load %arg18[%get3A_488, %get3A_489] {strides = array<i32>} : memref<640x64xf32, #tpu.memory_space<vmem>>, vector<16xf32>,
      %mul3A_491 = arith.mulf %get3A_490, %broadcast_in_dim3A_480 : vector<16xf32>
      %swap3A_492 = arith.index_cast %add3A_477 : i32 to index
      %swap3A_493 = arith.constant 16 : index
      %swap3A_494 = tpu.vector_load %arg18[%swap3A_492, %swap3A_493] {strides = array<i32>} : memref<640x64xf32, #tpu.memory_space<vmem>>, vector<16xf32>,
      tpu.vector_store %arg18[%swap3A_492, %swap3A_493], %mul3A_491 {strides = array<i32>} : memref<640x64xf32, #tpu.memory_space<vmem>>, vector<16xf32>,
      %get3A_495 = arith.index_cast %add3A_477 : i32 to index
      %get3A_496 = arith.constant 32 : index
      %get3A_497 = tpu.vector_load %arg18[%get3A_495, %get3A_496] {strides = array<i32>} : memref<640x64xf32, #tpu.memory_space<vmem>>, vector<16xf32>,
      %mul3A_498 = arith.mulf %get3A_497, %broadcast_in_dim3A_480 : vector<16xf32>
      %swap3A_499 = arith.index_cast %add3A_477 : i32 to index
      %swap3A_500 = arith.constant 32 : index
      %swap3A_501 = tpu.vector_load %arg18[%swap3A_499, %swap3A_500] {strides = array<i32>} : memref<640x64xf32, #tpu.memory_space<vmem>>, vector<16xf32>,
      tpu.vector_store %arg18[%swap3A_499, %swap3A_500], %mul3A_498 {strides = array<i32>} : memref<640x64xf32, #tpu.memory_space<vmem>>, vector<16xf32>,
      %get3A_502 = arith.index_cast %add3A_477 : i32 to index
      %get3A_503 = arith.constant 48 : index
      %get3A_504 = tpu.vector_load %arg18[%get3A_502, %get3A_503] {strides = array<i32>} : memref<640x64xf32, #tpu.memory_space<vmem>>, vector<16xf32>,
      %mul3A_505 = arith.mulf %get3A_504, %broadcast_in_dim3A_480 : vector<16xf32>
      %swap3A_506 = arith.index_cast %add3A_477 : i32 to index
      %swap3A_507 = arith.constant 48 : index
      %swap3A_508 = tpu.vector_load %arg18[%swap3A_506, %swap3A_507] {strides = array<i32>} : memref<640x64xf32, #tpu.memory_space<vmem>>, vector<16xf32>,
      tpu.vector_store %arg18[%swap3A_506, %swap3A_507], %mul3A_505 {strides = array<i32>} : memref<640x64xf32, #tpu.memory_space<vmem>>, vector<16xf32>,
      %mul3A_509 = arith.constant 16 : i32
      %mul3A_510 = arith.muli %scan3A_58, %mul3A_509 : i32
      %add3A_511 = arith.constant 384 : i32
      %add3A_512 = arith.addi %add3A_511, %mul3A_510 : i32
      %add3A_513 = arith.constant 12 : i32
      %add3A_514 = arith.addi %add3A_512, %add3A_513 : i32
      %slice3A_515 = vector.extract_strided_slice %div3A_67 {offsets = [12], sizes = [1], strides = [1]} : vector<16xf32> to vector<1xf32>
      %squeeze3A_516 = vector.extract %slice3A_515[0] : f32 from vector<1xf32>
      %broadcast_in_dim3A_517 = vector.broadcast %squeeze3A_516 : f32 to vector<16xf32>
      %get3A_518 = arith.index_cast %add3A_514 : i32 to index
      %get3A_519 = arith.constant 0 : index
      %get3A_520 = tpu.vector_load %arg18[%get3A_518, %get3A_519] {strides = array<i32>} : memref<640x64xf32, #tpu.memory_space<vmem>>, vector<16xf32>,
      %mul3A_521 = arith.mulf %get3A_520, %broadcast_in_dim3A_517 : vector<16xf32>
      %swap3A_522 = arith.index_cast %add3A_514 : i32 to index
      %swap3A_523 = arith.constant 0 : index
      %swap3A_524 = tpu.vector_load %arg18[%swap3A_522, %swap3A_523] {strides = array<i32>} : memref<640x64xf32, #tpu.memory_space<vmem>>, vector<16xf32>,
      tpu.vector_store %arg18[%swap3A_522, %swap3A_523], %mul3A_521 {strides = array<i32>} : memref<640x64xf32, #tpu.memory_space<vmem>>, vector<16xf32>,
      %get3A_525 = arith.index_cast %add3A_514 : i32 to index
      %get3A_526 = arith.constant 16 : index
      %get3A_527 = tpu.vector_load %arg18[%get3A_525, %get3A_526] {strides = array<i32>} : memref<640x64xf32, #tpu.memory_space<vmem>>, vector<16xf32>,
      %mul3A_528 = arith.mulf %get3A_527, %broadcast_in_dim3A_517 : vector<16xf32>
      %swap3A_529 = arith.index_cast %add3A_514 : i32 to index
      %swap3A_530 = arith.constant 16 : index
      %swap3A_531 = tpu.vector_load %arg18[%swap3A_529, %swap3A_530] {strides = array<i32>} : memref<640x64xf32, #tpu.memory_space<vmem>>, vector<16xf32>,
      tpu.vector_store %arg18[%swap3A_529, %swap3A_530], %mul3A_528 {strides = array<i32>} : memref<640x64xf32, #tpu.memory_space<vmem>>, vector<16xf32>,
      %get3A_532 = arith.index_cast %add3A_514 : i32 to index
      %get3A_533 = arith.constant 32 : index
      %get3A_534 = tpu.vector_load %arg18[%get3A_532, %get3A_533] {strides = array<i32>} : memref<640x64xf32, #tpu.memory_space<vmem>>, vector<16xf32>,
      %mul3A_535 = arith.mulf %get3A_534, %broadcast_in_dim3A_517 : vector<16xf32>
      %swap3A_536 = arith.index_cast %add3A_514 : i32 to index
      %swap3A_537 = arith.constant 32 : index
      %swap3A_538 = tpu.vector_load %arg18[%swap3A_536, %swap3A_537] {strides = array<i32>} : memref<640x64xf32, #tpu.memory_space<vmem>>, vector<16xf32>,
      tpu.vector_store %arg18[%swap3A_536, %swap3A_537], %mul3A_535 {strides = array<i32>} : memref<640x64xf32, #tpu.memory_space<vmem>>, vector<16xf32>,
      %get3A_539 = arith.index_cast %add3A_514 : i32 to index
      %get3A_540 = arith.constant 48 : index
      %get3A_541 = tpu.vector_load %arg18[%get3A_539, %get3A_540] {strides = array<i32>} : memref<640x64xf32, #tpu.memory_space<vmem>>, vector<16xf32>,
      %mul3A_542 = arith.mulf %get3A_541, %broadcast_in_dim3A_517 : vector<16xf32>
      %swap3A_543 = arith.index_cast %add3A_514 : i32 to index
      %swap3A_544 = arith.constant 48 : index
      %swap3A_545 = tpu.vector_load %arg18[%swap3A_543, %swap3A_544] {strides = array<i32>} : memref<640x64xf32, #tpu.memory_space<vmem>>, vector<16xf32>,
      tpu.vector_store %arg18[%swap3A_543, %swap3A_544], %mul3A_542 {strides = array<i32>} : memref<640x64xf32, #tpu.memory_space<vmem>>, vector<16xf32>,
      %mul3A_546 = arith.constant 16 : i32
      %mul3A_547 = arith.muli %scan3A_58, %mul3A_546 : i32
      %add3A_548 = arith.constant 384 : i32
      %add3A_549 = arith.addi %add3A_548, %mul3A_547 : i32
      %add3A_550 = arith.constant 13 : i32
      %add3A_551 = arith.addi %add3A_549, %add3A_550 : i32
      %slice3A_552 = vector.extract_strided_slice %div3A_67 {offsets = [13], sizes = [1], strides = [1]} : vector<16xf32> to vector<1xf32>
      %squeeze3A_553 = vector.extract %slice3A_552[0] : f32 from vector<1xf32>
      %broadcast_in_dim3A_554 = vector.broadcast %squeeze3A_553 : f32 to vector<16xf32>
      %get3A_555 = arith.index_cast %add3A_551 : i32 to index
      %get3A_556 = arith.constant 0 : index
      %get3A_557 = tpu.vector_load %arg18[%get3A_555, %get3A_556] {strides = array<i32>} : memref<640x64xf32, #tpu.memory_space<vmem>>, vector<16xf32>,
      %mul3A_558 = arith.mulf %get3A_557, %broadcast_in_dim3A_554 : vector<16xf32>
      %swap3A_559 = arith.index_cast %add3A_551 : i32 to index
      %swap3A_560 = arith.constant 0 : index
      %swap3A_561 = tpu.vector_load %arg18[%swap3A_559, %swap3A_560] {strides = array<i32>} : memref<640x64xf32, #tpu.memory_space<vmem>>, vector<16xf32>,
      tpu.vector_store %arg18[%swap3A_559, %swap3A_560], %mul3A_558 {strides = array<i32>} : memref<640x64xf32, #tpu.memory_space<vmem>>, vector<16xf32>,
      %get3A_562 = arith.index_cast %add3A_551 : i32 to index
      %get3A_563 = arith.constant 16 : index
      %get3A_564 = tpu.vector_load %arg18[%get3A_562, %get3A_563] {strides = array<i32>} : memref<640x64xf32, #tpu.memory_space<vmem>>, vector<16xf32>,
      %mul3A_565 = arith.mulf %get3A_564, %broadcast_in_dim3A_554 : vector<16xf32>
      %swap3A_566 = arith.index_cast %add3A_551 : i32 to index
      %swap3A_567 = arith.constant 16 : index
      %swap3A_568 = tpu.vector_load %arg18[%swap3A_566, %swap3A_567] {strides = array<i32>} : memref<640x64xf32, #tpu.memory_space<vmem>>, vector<16xf32>,
      tpu.vector_store %arg18[%swap3A_566, %swap3A_567], %mul3A_565 {strides = array<i32>} : memref<640x64xf32, #tpu.memory_space<vmem>>, vector<16xf32>,
      %get3A_569 = arith.index_cast %add3A_551 : i32 to index
      %get3A_570 = arith.constant 32 : index
      %get3A_571 = tpu.vector_load %arg18[%get3A_569, %get3A_570] {strides = array<i32>} : memref<640x64xf32, #tpu.memory_space<vmem>>, vector<16xf32>,
      %mul3A_572 = arith.mulf %get3A_571, %broadcast_in_dim3A_554 : vector<16xf32>
      %swap3A_573 = arith.index_cast %add3A_551 : i32 to index
      %swap3A_574 = arith.constant 32 : index
      %swap3A_575 = tpu.vector_load %arg18[%swap3A_573, %swap3A_574] {strides = array<i32>} : memref<640x64xf32, #tpu.memory_space<vmem>>, vector<16xf32>,
      tpu.vector_store %arg18[%swap3A_573, %swap3A_574], %mul3A_572 {strides = array<i32>} : memref<640x64xf32, #tpu.memory_space<vmem>>, vector<16xf32>,
      %get3A_576 = arith.index_cast %add3A_551 : i32 to index
      %get3A_577 = arith.constant 48 : index
      %get3A_578 = tpu.vector_load %arg18[%get3A_576, %get3A_577] {strides = array<i32>} : memref<640x64xf32, #tpu.memory_space<vmem>>, vector<16xf32>,
      %mul3A_579 = arith.mulf %get3A_578, %broadcast_in_dim3A_554 : vector<16xf32>
      %swap3A_580 = arith.index_cast %add3A_551 : i32 to index
      %swap3A_581 = arith.constant 48 : index
      %swap3A_582 = tpu.vector_load %arg18[%swap3A_580, %swap3A_581] {strides = array<i32>} : memref<640x64xf32, #tpu.memory_space<vmem>>, vector<16xf32>,
      tpu.vector_store %arg18[%swap3A_580, %swap3A_581], %mul3A_579 {strides = array<i32>} : memref<640x64xf32, #tpu.memory_space<vmem>>, vector<16xf32>,
      %mul3A_583 = arith.constant 16 : i32
      %mul3A_584 = arith.muli %scan3A_58, %mul3A_583 : i32
      %add3A_585 = arith.constant 384 : i32
      %add3A_586 = arith.addi %add3A_585, %mul3A_584 : i32
      %add3A_587 = arith.constant 14 : i32
      %add3A_588 = arith.addi %add3A_586, %add3A_587 : i32
      %slice3A_589 = vector.extract_strided_slice %div3A_67 {offsets = [14], sizes = [1], strides = [1]} : vector<16xf32> to vector<1xf32>
      %squeeze3A_590 = vector.extract %slice3A_589[0] : f32 from vector<1xf32>
      %broadcast_in_dim3A_591 = vector.broadcast %squeeze3A_590 : f32 to vector<16xf32>
      %get3A_592 = arith.index_cast %add3A_588 : i32 to index
      %get3A_593 = arith.constant 0 : index
      %get3A_594 = tpu.vector_load %arg18[%get3A_592, %get3A_593] {strides = array<i32>} : memref<640x64xf32, #tpu.memory_space<vmem>>, vector<16xf32>,
      %mul3A_595 = arith.mulf %get3A_594, %broadcast_in_dim3A_591 : vector<16xf32>
      %swap3A_596 = arith.index_cast %add3A_588 : i32 to index
      %swap3A_597 = arith.constant 0 : index
      %swap3A_598 = tpu.vector_load %arg18[%swap3A_596, %swap3A_597] {strides = array<i32>} : memref<640x64xf32, #tpu.memory_space<vmem>>, vector<16xf32>,
      tpu.vector_store %arg18[%swap3A_596, %swap3A_597], %mul3A_595 {strides = array<i32>} : memref<640x64xf32, #tpu.memory_space<vmem>>, vector<16xf32>,
      %get3A_599 = arith.index_cast %add3A_588 : i32 to index
      %get3A_600 = arith.constant 16 : index
      %get3A_601 = tpu.vector_load %arg18[%get3A_599, %get3A_600] {strides = array<i32>} : memref<640x64xf32, #tpu.memory_space<vmem>>, vector<16xf32>,
      %mul3A_602 = arith.mulf %get3A_601, %broadcast_in_dim3A_591 : vector<16xf32>
      %swap3A_603 = arith.index_cast %add3A_588 : i32 to index
      %swap3A_604 = arith.constant 16 : index
      %swap3A_605 = tpu.vector_load %arg18[%swap3A_603, %swap3A_604] {strides = array<i32>} : memref<640x64xf32, #tpu.memory_space<vmem>>, vector<16xf32>,
      tpu.vector_store %arg18[%swap3A_603, %swap3A_604], %mul3A_602 {strides = array<i32>} : memref<640x64xf32, #tpu.memory_space<vmem>>, vector<16xf32>,
      %get3A_606 = arith.index_cast %add3A_588 : i32 to index
      %get3A_607 = arith.constant 32 : index
      %get3A_608 = tpu.vector_load %arg18[%get3A_606, %get3A_607] {strides = array<i32>} : memref<640x64xf32, #tpu.memory_space<vmem>>, vector<16xf32>,
      %mul3A_609 = arith.mulf %get3A_608, %broadcast_in_dim3A_591 : vector<16xf32>
      %swap3A_610 = arith.index_cast %add3A_588 : i32 to index
      %swap3A_611 = arith.constant 32 : index
      %swap3A_612 = tpu.vector_load %arg18[%swap3A_610, %swap3A_611] {strides = array<i32>} : memref<640x64xf32, #tpu.memory_space<vmem>>, vector<16xf32>,
      tpu.vector_store %arg18[%swap3A_610, %swap3A_611], %mul3A_609 {strides = array<i32>} : memref<640x64xf32, #tpu.memory_space<vmem>>, vector<16xf32>,
      %get3A_613 = arith.index_cast %add3A_588 : i32 to index
      %get3A_614 = arith.constant 48 : index
      %get3A_615 = tpu.vector_load %arg18[%get3A_613, %get3A_614] {strides = array<i32>} : memref<640x64xf32, #tpu.memory_space<vmem>>, vector<16xf32>,
      %mul3A_616 = arith.mulf %get3A_615, %broadcast_in_dim3A_591 : vector<16xf32>
      %swap3A_617 = arith.index_cast %add3A_588 : i32 to index
      %swap3A_618 = arith.constant 48 : index
      %swap3A_619 = tpu.vector_load %arg18[%swap3A_617, %swap3A_618] {strides = array<i32>} : memref<640x64xf32, #tpu.memory_space<vmem>>, vector<16xf32>,
      tpu.vector_store %arg18[%swap3A_617, %swap3A_618], %mul3A_616 {strides = array<i32>} : memref<640x64xf32, #tpu.memory_space<vmem>>, vector<16xf32>,
      %mul3A_620 = arith.constant 16 : i32
      %mul3A_621 = arith.muli %scan3A_58, %mul3A_620 : i32
      %add3A_622 = arith.constant 384 : i32
      %add3A_623 = arith.addi %add3A_622, %mul3A_621 : i32
      %add3A_624 = arith.constant 15 : i32
      %add3A_625 = arith.addi %add3A_623, %add3A_624 : i32
      %slice3A_626 = vector.extract_strided_slice %div3A_67 {offsets = [15], sizes = [1], strides = [1]} : vector<16xf32> to vector<1xf32>
      %squeeze3A_627 = vector.extract %slice3A_626[0] : f32 from vector<1xf32>
      %broadcast_in_dim3A_628 = vector.broadcast %squeeze3A_627 : f32 to vector<16xf32>
      %get3A_629 = arith.index_cast %add3A_625 : i32 to index
      %get3A_630 = arith.constant 0 : index
      %get3A_631 = tpu.vector_load %arg18[%get3A_629, %get3A_630] {strides = array<i32>} : memref<640x64xf32, #tpu.memory_space<vmem>>, vector<16xf32>,
      %mul3A_632 = arith.mulf %get3A_631, %broadcast_in_dim3A_628 : vector<16xf32>
      %swap3A_633 = arith.index_cast %add3A_625 : i32 to index
      %swap3A_634 = arith.constant 0 : index
      %swap3A_635 = tpu.vector_load %arg18[%swap3A_633, %swap3A_634] {strides = array<i32>} : memref<640x64xf32, #tpu.memory_space<vmem>>, vector<16xf32>,
      tpu.vector_store %arg18[%swap3A_633, %swap3A_634], %mul3A_632 {strides = array<i32>} : memref<640x64xf32, #tpu.memory_space<vmem>>, vector<16xf32>,
      %get3A_636 = arith.index_cast %add3A_625 : i32 to index
      %get3A_637 = arith.constant 16 : index
      %get3A_638 = tpu.vector_load %arg18[%get3A_636, %get3A_637] {strides = array<i32>} : memref<640x64xf32, #tpu.memory_space<vmem>>, vector<16xf32>,
      %mul3A_639 = arith.mulf %get3A_638, %broadcast_in_dim3A_628 : vector<16xf32>
      %swap3A_640 = arith.index_cast %add3A_625 : i32 to index
      %swap3A_641 = arith.constant 16 : index
      %swap3A_642 = tpu.vector_load %arg18[%swap3A_640, %swap3A_641] {strides = array<i32>} : memref<640x64xf32, #tpu.memory_space<vmem>>, vector<16xf32>,
      tpu.vector_store %arg18[%swap3A_640, %swap3A_641], %mul3A_639 {strides = array<i32>} : memref<640x64xf32, #tpu.memory_space<vmem>>, vector<16xf32>,
      %get3A_643 = arith.index_cast %add3A_625 : i32 to index
      %get3A_644 = arith.constant 32 : index
      %get3A_645 = tpu.vector_load %arg18[%get3A_643, %get3A_644] {strides = array<i32>} : memref<640x64xf32, #tpu.memory_space<vmem>>, vector<16xf32>,
      %mul3A_646 = arith.mulf %get3A_645, %broadcast_in_dim3A_628 : vector<16xf32>
      %swap3A_647 = arith.index_cast %add3A_625 : i32 to index
      %swap3A_648 = arith.constant 32 : index
      %swap3A_649 = tpu.vector_load %arg18[%swap3A_647, %swap3A_648] {strides = array<i32>} : memref<640x64xf32, #tpu.memory_space<vmem>>, vector<16xf32>,
      tpu.vector_store %arg18[%swap3A_647, %swap3A_648], %mul3A_646 {strides = array<i32>} : memref<640x64xf32, #tpu.memory_space<vmem>>, vector<16xf32>,
      %get3A_650 = arith.index_cast %add3A_625 : i32 to index
      %get3A_651 = arith.constant 48 : index
      %get3A_652 = tpu.vector_load %arg18[%get3A_650, %get3A_651] {strides = array<i32>} : memref<640x64xf32, #tpu.memory_space<vmem>>, vector<16xf32>,
      %mul3A_653 = arith.mulf %get3A_652, %broadcast_in_dim3A_628 : vector<16xf32>
      %swap3A_654 = arith.index_cast %add3A_625 : i32 to index
      %swap3A_655 = arith.constant 48 : index
      %swap3A_656 = tpu.vector_load %arg18[%swap3A_654, %swap3A_655] {strides = array<i32>} : memref<640x64xf32, #tpu.memory_space<vmem>>, vector<16xf32>,
      tpu.vector_store %arg18[%swap3A_654, %swap3A_655], %mul3A_653 {strides = array<i32>} : memref<640x64xf32, #tpu.memory_space<vmem>>, vector<16xf32>,
    }
    %scan3A_49 = arith.constant 8 : i32
    %scan3A_50 = arith.constant 0 : i32
    %scan3A_51 = arith.constant 0 : i32
    %scan3A_52 = arith.constant 8 : i32
    %scan3A_53 = arith.addi %scan3A_51, %scan3A_52 : i32
    %scan3A_54 = arith.constant 1 : i32
    scf.for %scan3A_58 = %scan3A_51 to %scan3A_53 step %scan3A_54  : i32 {
      %mul3A_59 = arith.constant 16 : i32
      %mul3A_60 = arith.muli %scan3A_58, %mul3A_59 : i32
      %get3A = arith.constant 4 : i32
      %get3A_61 = arith.index_cast %get3A : i32 to index
      %get3A_62 = arith.index_cast %mul3A_60 : i32 to index
      %get3A_63 = tpu.vector_load %arg17[%get3A_61, %get3A_62] {strides = array<i32>} : memref<5x128xf32, #tpu.memory_space<vmem>>, vector<16xf32>,
      %add3A = arith.constant 1.000000e-16 : f32
      %add3A_64 = vector.broadcast %add3A : f32 to vector<16xf32>
      %add3A_65 = arith.addf %get3A_63, %add3A_64 : vector<16xf32>
      %div3A = arith.constant 1.000000e+00 : f32
      %div3A_66 = vector.broadcast %div3A : f32 to vector<16xf32>
      %div3A_67 = arith.divf %div3A_66, %add3A_65 : vector<16xf32>
      %mul3A_68 = arith.constant 16 : i32
      %mul3A_69 = arith.muli %scan3A_58, %mul3A_68 : i32
      %add3A_70 = arith.constant 512 : i32
      %add3A_71 = arith.addi %add3A_70, %mul3A_69 : i32
      %add3A_72 = arith.constant 0 : i32
      %add3A_73 = arith.addi %add3A_71, %add3A_72 : i32
      %slice3A = vector.extract_strided_slice %div3A_67 {offsets = [0], sizes = [1], strides = [1]} : vector<16xf32> to vector<1xf32>
      %squeeze3A = vector.extract %slice3A[0] : f32 from vector<1xf32>
      %broadcast_in_dim3A_74 = vector.broadcast %squeeze3A : f32 to vector<16xf32>
      %get3A_75 = arith.index_cast %add3A_73 : i32 to index
      %get3A_76 = arith.constant 0 : index
      %get3A_77 = tpu.vector_load %arg18[%get3A_75, %get3A_76] {strides = array<i32>} : memref<640x64xf32, #tpu.memory_space<vmem>>, vector<16xf32>,
      %mul3A_78 = arith.mulf %get3A_77, %broadcast_in_dim3A_74 : vector<16xf32>
      %swap3A = arith.index_cast %add3A_73 : i32 to index
      %swap3A_79 = arith.constant 0 : index
      %swap3A_80 = tpu.vector_load %arg18[%swap3A, %swap3A_79] {strides = array<i32>} : memref<640x64xf32, #tpu.memory_space<vmem>>, vector<16xf32>,
      tpu.vector_store %arg18[%swap3A, %swap3A_79], %mul3A_78 {strides = array<i32>} : memref<640x64xf32, #tpu.memory_space<vmem>>, vector<16xf32>,
      %get3A_81 = arith.index_cast %add3A_73 : i32 to index
      %get3A_82 = arith.constant 16 : index
      %get3A_83 = tpu.vector_load %arg18[%get3A_81, %get3A_82] {strides = array<i32>} : memref<640x64xf32, #tpu.memory_space<vmem>>, vector<16xf32>,
      %mul3A_84 = arith.mulf %get3A_83, %broadcast_in_dim3A_74 : vector<16xf32>
      %swap3A_85 = arith.index_cast %add3A_73 : i32 to index
      %swap3A_86 = arith.constant 16 : index
      %swap3A_87 = tpu.vector_load %arg18[%swap3A_85, %swap3A_86] {strides = array<i32>} : memref<640x64xf32, #tpu.memory_space<vmem>>, vector<16xf32>,
      tpu.vector_store %arg18[%swap3A_85, %swap3A_86], %mul3A_84 {strides = array<i32>} : memref<640x64xf32, #tpu.memory_space<vmem>>, vector<16xf32>,
      %get3A_88 = arith.index_cast %add3A_73 : i32 to index
      %get3A_89 = arith.constant 32 : index
      %get3A_90 = tpu.vector_load %arg18[%get3A_88, %get3A_89] {strides = array<i32>} : memref<640x64xf32, #tpu.memory_space<vmem>>, vector<16xf32>,
      %mul3A_91 = arith.mulf %get3A_90, %broadcast_in_dim3A_74 : vector<16xf32>
      %swap3A_92 = arith.index_cast %add3A_73 : i32 to index
      %swap3A_93 = arith.constant 32 : index
      %swap3A_94 = tpu.vector_load %arg18[%swap3A_92, %swap3A_93] {strides = array<i32>} : memref<640x64xf32, #tpu.memory_space<vmem>>, vector<16xf32>,
      tpu.vector_store %arg18[%swap3A_92, %swap3A_93], %mul3A_91 {strides = array<i32>} : memref<640x64xf32, #tpu.memory_space<vmem>>, vector<16xf32>,
      %get3A_95 = arith.index_cast %add3A_73 : i32 to index
      %get3A_96 = arith.constant 48 : index
      %get3A_97 = tpu.vector_load %arg18[%get3A_95, %get3A_96] {strides = array<i32>} : memref<640x64xf32, #tpu.memory_space<vmem>>, vector<16xf32>,
      %mul3A_98 = arith.mulf %get3A_97, %broadcast_in_dim3A_74 : vector<16xf32>
      %swap3A_99 = arith.index_cast %add3A_73 : i32 to index
      %swap3A_100 = arith.constant 48 : index
      %swap3A_101 = tpu.vector_load %arg18[%swap3A_99, %swap3A_100] {strides = array<i32>} : memref<640x64xf32, #tpu.memory_space<vmem>>, vector<16xf32>,
      tpu.vector_store %arg18[%swap3A_99, %swap3A_100], %mul3A_98 {strides = array<i32>} : memref<640x64xf32, #tpu.memory_space<vmem>>, vector<16xf32>,
      %mul3A_102 = arith.constant 16 : i32
      %mul3A_103 = arith.muli %scan3A_58, %mul3A_102 : i32
      %add3A_104 = arith.constant 512 : i32
      %add3A_105 = arith.addi %add3A_104, %mul3A_103 : i32
      %add3A_106 = arith.constant 1 : i32
      %add3A_107 = arith.addi %add3A_105, %add3A_106 : i32
      %slice3A_108 = vector.extract_strided_slice %div3A_67 {offsets = [1], sizes = [1], strides = [1]} : vector<16xf32> to vector<1xf32>
      %squeeze3A_109 = vector.extract %slice3A_108[0] : f32 from vector<1xf32>
      %broadcast_in_dim3A_110 = vector.broadcast %squeeze3A_109 : f32 to vector<16xf32>
      %get3A_111 = arith.index_cast %add3A_107 : i32 to index
      %get3A_112 = arith.constant 0 : index
      %get3A_113 = tpu.vector_load %arg18[%get3A_111, %get3A_112] {strides = array<i32>} : memref<640x64xf32, #tpu.memory_space<vmem>>, vector<16xf32>,
      %mul3A_114 = arith.mulf %get3A_113, %broadcast_in_dim3A_110 : vector<16xf32>
      %swap3A_115 = arith.index_cast %add3A_107 : i32 to index
      %swap3A_116 = arith.constant 0 : index
      %swap3A_117 = tpu.vector_load %arg18[%swap3A_115, %swap3A_116] {strides = array<i32>} : memref<640x64xf32, #tpu.memory_space<vmem>>, vector<16xf32>,
      tpu.vector_store %arg18[%swap3A_115, %swap3A_116], %mul3A_114 {strides = array<i32>} : memref<640x64xf32, #tpu.memory_space<vmem>>, vector<16xf32>,
      %get3A_118 = arith.index_cast %add3A_107 : i32 to index
      %get3A_119 = arith.constant 16 : index
      %get3A_120 = tpu.vector_load %arg18[%get3A_118, %get3A_119] {strides = array<i32>} : memref<640x64xf32, #tpu.memory_space<vmem>>, vector<16xf32>,
      %mul3A_121 = arith.mulf %get3A_120, %broadcast_in_dim3A_110 : vector<16xf32>
      %swap3A_122 = arith.index_cast %add3A_107 : i32 to index
      %swap3A_123 = arith.constant 16 : index
      %swap3A_124 = tpu.vector_load %arg18[%swap3A_122, %swap3A_123] {strides = array<i32>} : memref<640x64xf32, #tpu.memory_space<vmem>>, vector<16xf32>,
      tpu.vector_store %arg18[%swap3A_122, %swap3A_123], %mul3A_121 {strides = array<i32>} : memref<640x64xf32, #tpu.memory_space<vmem>>, vector<16xf32>,
      %get3A_125 = arith.index_cast %add3A_107 : i32 to index
      %get3A_126 = arith.constant 32 : index
      %get3A_127 = tpu.vector_load %arg18[%get3A_125, %get3A_126] {strides = array<i32>} : memref<640x64xf32, #tpu.memory_space<vmem>>, vector<16xf32>,
      %mul3A_128 = arith.mulf %get3A_127, %broadcast_in_dim3A_110 : vector<16xf32>
      %swap3A_129 = arith.index_cast %add3A_107 : i32 to index
      %swap3A_130 = arith.constant 32 : index
      %swap3A_131 = tpu.vector_load %arg18[%swap3A_129, %swap3A_130] {strides = array<i32>} : memref<640x64xf32, #tpu.memory_space<vmem>>, vector<16xf32>,
      tpu.vector_store %arg18[%swap3A_129, %swap3A_130], %mul3A_128 {strides = array<i32>} : memref<640x64xf32, #tpu.memory_space<vmem>>, vector<16xf32>,
      %get3A_132 = arith.index_cast %add3A_107 : i32 to index
      %get3A_133 = arith.constant 48 : index
      %get3A_134 = tpu.vector_load %arg18[%get3A_132, %get3A_133] {strides = array<i32>} : memref<640x64xf32, #tpu.memory_space<vmem>>, vector<16xf32>,
      %mul3A_135 = arith.mulf %get3A_134, %broadcast_in_dim3A_110 : vector<16xf32>
      %swap3A_136 = arith.index_cast %add3A_107 : i32 to index
      %swap3A_137 = arith.constant 48 : index
      %swap3A_138 = tpu.vector_load %arg18[%swap3A_136, %swap3A_137] {strides = array<i32>} : memref<640x64xf32, #tpu.memory_space<vmem>>, vector<16xf32>,
      tpu.vector_store %arg18[%swap3A_136, %swap3A_137], %mul3A_135 {strides = array<i32>} : memref<640x64xf32, #tpu.memory_space<vmem>>, vector<16xf32>,
      %mul3A_139 = arith.constant 16 : i32
      %mul3A_140 = arith.muli %scan3A_58, %mul3A_139 : i32
      %add3A_141 = arith.constant 512 : i32
      %add3A_142 = arith.addi %add3A_141, %mul3A_140 : i32
      %add3A_143 = arith.constant 2 : i32
      %add3A_144 = arith.addi %add3A_142, %add3A_143 : i32
      %slice3A_145 = vector.extract_strided_slice %div3A_67 {offsets = [2], sizes = [1], strides = [1]} : vector<16xf32> to vector<1xf32>
      %squeeze3A_146 = vector.extract %slice3A_145[0] : f32 from vector<1xf32>
      %broadcast_in_dim3A_147 = vector.broadcast %squeeze3A_146 : f32 to vector<16xf32>
      %get3A_148 = arith.index_cast %add3A_144 : i32 to index
      %get3A_149 = arith.constant 0 : index
      %get3A_150 = tpu.vector_load %arg18[%get3A_148, %get3A_149] {strides = array<i32>} : memref<640x64xf32, #tpu.memory_space<vmem>>, vector<16xf32>,
      %mul3A_151 = arith.mulf %get3A_150, %broadcast_in_dim3A_147 : vector<16xf32>
      %swap3A_152 = arith.index_cast %add3A_144 : i32 to index
      %swap3A_153 = arith.constant 0 : index
      %swap3A_154 = tpu.vector_load %arg18[%swap3A_152, %swap3A_153] {strides = array<i32>} : memref<640x64xf32, #tpu.memory_space<vmem>>, vector<16xf32>,
      tpu.vector_store %arg18[%swap3A_152, %swap3A_153], %mul3A_151 {strides = array<i32>} : memref<640x64xf32, #tpu.memory_space<vmem>>, vector<16xf32>,
      %get3A_155 = arith.index_cast %add3A_144 : i32 to index
      %get3A_156 = arith.constant 16 : index
      %get3A_157 = tpu.vector_load %arg18[%get3A_155, %get3A_156] {strides = array<i32>} : memref<640x64xf32, #tpu.memory_space<vmem>>, vector<16xf32>,
      %mul3A_158 = arith.mulf %get3A_157, %broadcast_in_dim3A_147 : vector<16xf32>
      %swap3A_159 = arith.index_cast %add3A_144 : i32 to index
      %swap3A_160 = arith.constant 16 : index
      %swap3A_161 = tpu.vector_load %arg18[%swap3A_159, %swap3A_160] {strides = array<i32>} : memref<640x64xf32, #tpu.memory_space<vmem>>, vector<16xf32>,
      tpu.vector_store %arg18[%swap3A_159, %swap3A_160], %mul3A_158 {strides = array<i32>} : memref<640x64xf32, #tpu.memory_space<vmem>>, vector<16xf32>,
      %get3A_162 = arith.index_cast %add3A_144 : i32 to index
      %get3A_163 = arith.constant 32 : index
      %get3A_164 = tpu.vector_load %arg18[%get3A_162, %get3A_163] {strides = array<i32>} : memref<640x64xf32, #tpu.memory_space<vmem>>, vector<16xf32>,
      %mul3A_165 = arith.mulf %get3A_164, %broadcast_in_dim3A_147 : vector<16xf32>
      %swap3A_166 = arith.index_cast %add3A_144 : i32 to index
      %swap3A_167 = arith.constant 32 : index
      %swap3A_168 = tpu.vector_load %arg18[%swap3A_166, %swap3A_167] {strides = array<i32>} : memref<640x64xf32, #tpu.memory_space<vmem>>, vector<16xf32>,
      tpu.vector_store %arg18[%swap3A_166, %swap3A_167], %mul3A_165 {strides = array<i32>} : memref<640x64xf32, #tpu.memory_space<vmem>>, vector<16xf32>,
      %get3A_169 = arith.index_cast %add3A_144 : i32 to index
      %get3A_170 = arith.constant 48 : index
      %get3A_171 = tpu.vector_load %arg18[%get3A_169, %get3A_170] {strides = array<i32>} : memref<640x64xf32, #tpu.memory_space<vmem>>, vector<16xf32>,
      %mul3A_172 = arith.mulf %get3A_171, %broadcast_in_dim3A_147 : vector<16xf32>
      %swap3A_173 = arith.index_cast %add3A_144 : i32 to index
      %swap3A_174 = arith.constant 48 : index
      %swap3A_175 = tpu.vector_load %arg18[%swap3A_173, %swap3A_174] {strides = array<i32>} : memref<640x64xf32, #tpu.memory_space<vmem>>, vector<16xf32>,
      tpu.vector_store %arg18[%swap3A_173, %swap3A_174], %mul3A_172 {strides = array<i32>} : memref<640x64xf32, #tpu.memory_space<vmem>>, vector<16xf32>,
      %mul3A_176 = arith.constant 16 : i32
      %mul3A_177 = arith.muli %scan3A_58, %mul3A_176 : i32
      %add3A_178 = arith.constant 512 : i32
      %add3A_179 = arith.addi %add3A_178, %mul3A_177 : i32
      %add3A_180 = arith.constant 3 : i32
      %add3A_181 = arith.addi %add3A_179, %add3A_180 : i32
      %slice3A_182 = vector.extract_strided_slice %div3A_67 {offsets = [3], sizes = [1], strides = [1]} : vector<16xf32> to vector<1xf32>
      %squeeze3A_183 = vector.extract %slice3A_182[0] : f32 from vector<1xf32>
      %broadcast_in_dim3A_184 = vector.broadcast %squeeze3A_183 : f32 to vector<16xf32>
      %get3A_185 = arith.index_cast %add3A_181 : i32 to index
      %get3A_186 = arith.constant 0 : index
      %get3A_187 = tpu.vector_load %arg18[%get3A_185, %get3A_186] {strides = array<i32>} : memref<640x64xf32, #tpu.memory_space<vmem>>, vector<16xf32>,
      %mul3A_188 = arith.mulf %get3A_187, %broadcast_in_dim3A_184 : vector<16xf32>
      %swap3A_189 = arith.index_cast %add3A_181 : i32 to index
      %swap3A_190 = arith.constant 0 : index
      %swap3A_191 = tpu.vector_load %arg18[%swap3A_189, %swap3A_190] {strides = array<i32>} : memref<640x64xf32, #tpu.memory_space<vmem>>, vector<16xf32>,
      tpu.vector_store %arg18[%swap3A_189, %swap3A_190], %mul3A_188 {strides = array<i32>} : memref<640x64xf32, #tpu.memory_space<vmem>>, vector<16xf32>,
      %get3A_192 = arith.index_cast %add3A_181 : i32 to index
      %get3A_193 = arith.constant 16 : index
      %get3A_194 = tpu.vector_load %arg18[%get3A_192, %get3A_193] {strides = array<i32>} : memref<640x64xf32, #tpu.memory_space<vmem>>, vector<16xf32>,
      %mul3A_195 = arith.mulf %get3A_194, %broadcast_in_dim3A_184 : vector<16xf32>
      %swap3A_196 = arith.index_cast %add3A_181 : i32 to index
      %swap3A_197 = arith.constant 16 : index
      %swap3A_198 = tpu.vector_load %arg18[%swap3A_196, %swap3A_197] {strides = array<i32>} : memref<640x64xf32, #tpu.memory_space<vmem>>, vector<16xf32>,
      tpu.vector_store %arg18[%swap3A_196, %swap3A_197], %mul3A_195 {strides = array<i32>} : memref<640x64xf32, #tpu.memory_space<vmem>>, vector<16xf32>,
      %get3A_199 = arith.index_cast %add3A_181 : i32 to index
      %get3A_200 = arith.constant 32 : index
      %get3A_201 = tpu.vector_load %arg18[%get3A_199, %get3A_200] {strides = array<i32>} : memref<640x64xf32, #tpu.memory_space<vmem>>, vector<16xf32>,
      %mul3A_202 = arith.mulf %get3A_201, %broadcast_in_dim3A_184 : vector<16xf32>
      %swap3A_203 = arith.index_cast %add3A_181 : i32 to index
      %swap3A_204 = arith.constant 32 : index
      %swap3A_205 = tpu.vector_load %arg18[%swap3A_203, %swap3A_204] {strides = array<i32>} : memref<640x64xf32, #tpu.memory_space<vmem>>, vector<16xf32>,
      tpu.vector_store %arg18[%swap3A_203, %swap3A_204], %mul3A_202 {strides = array<i32>} : memref<640x64xf32, #tpu.memory_space<vmem>>, vector<16xf32>,
      %get3A_206 = arith.index_cast %add3A_181 : i32 to index
      %get3A_207 = arith.constant 48 : index
      %get3A_208 = tpu.vector_load %arg18[%get3A_206, %get3A_207] {strides = array<i32>} : memref<640x64xf32, #tpu.memory_space<vmem>>, vector<16xf32>,
      %mul3A_209 = arith.mulf %get3A_208, %broadcast_in_dim3A_184 : vector<16xf32>
      %swap3A_210 = arith.index_cast %add3A_181 : i32 to index
      %swap3A_211 = arith.constant 48 : index
      %swap3A_212 = tpu.vector_load %arg18[%swap3A_210, %swap3A_211] {strides = array<i32>} : memref<640x64xf32, #tpu.memory_space<vmem>>, vector<16xf32>,
      tpu.vector_store %arg18[%swap3A_210, %swap3A_211], %mul3A_209 {strides = array<i32>} : memref<640x64xf32, #tpu.memory_space<vmem>>, vector<16xf32>,
      %mul3A_213 = arith.constant 16 : i32
      %mul3A_214 = arith.muli %scan3A_58, %mul3A_213 : i32
      %add3A_215 = arith.constant 512 : i32
      %add3A_216 = arith.addi %add3A_215, %mul3A_214 : i32
      %add3A_217 = arith.constant 4 : i32
      %add3A_218 = arith.addi %add3A_216, %add3A_217 : i32
      %slice3A_219 = vector.extract_strided_slice %div3A_67 {offsets = [4], sizes = [1], strides = [1]} : vector<16xf32> to vector<1xf32>
      %squeeze3A_220 = vector.extract %slice3A_219[0] : f32 from vector<1xf32>
      %broadcast_in_dim3A_221 = vector.broadcast %squeeze3A_220 : f32 to vector<16xf32>
      %get3A_222 = arith.index_cast %add3A_218 : i32 to index
      %get3A_223 = arith.constant 0 : index
      %get3A_224 = tpu.vector_load %arg18[%get3A_222, %get3A_223] {strides = array<i32>} : memref<640x64xf32, #tpu.memory_space<vmem>>, vector<16xf32>,
      %mul3A_225 = arith.mulf %get3A_224, %broadcast_in_dim3A_221 : vector<16xf32>
      %swap3A_226 = arith.index_cast %add3A_218 : i32 to index
      %swap3A_227 = arith.constant 0 : index
      %swap3A_228 = tpu.vector_load %arg18[%swap3A_226, %swap3A_227] {strides = array<i32>} : memref<640x64xf32, #tpu.memory_space<vmem>>, vector<16xf32>,
      tpu.vector_store %arg18[%swap3A_226, %swap3A_227], %mul3A_225 {strides = array<i32>} : memref<640x64xf32, #tpu.memory_space<vmem>>, vector<16xf32>,
      %get3A_229 = arith.index_cast %add3A_218 : i32 to index
      %get3A_230 = arith.constant 16 : index
      %get3A_231 = tpu.vector_load %arg18[%get3A_229, %get3A_230] {strides = array<i32>} : memref<640x64xf32, #tpu.memory_space<vmem>>, vector<16xf32>,
      %mul3A_232 = arith.mulf %get3A_231, %broadcast_in_dim3A_221 : vector<16xf32>
      %swap3A_233 = arith.index_cast %add3A_218 : i32 to index
      %swap3A_234 = arith.constant 16 : index
      %swap3A_235 = tpu.vector_load %arg18[%swap3A_233, %swap3A_234] {strides = array<i32>} : memref<640x64xf32, #tpu.memory_space<vmem>>, vector<16xf32>,
      tpu.vector_store %arg18[%swap3A_233, %swap3A_234], %mul3A_232 {strides = array<i32>} : memref<640x64xf32, #tpu.memory_space<vmem>>, vector<16xf32>,
      %get3A_236 = arith.index_cast %add3A_218 : i32 to index
      %get3A_237 = arith.constant 32 : index
      %get3A_238 = tpu.vector_load %arg18[%get3A_236, %get3A_237] {strides = array<i32>} : memref<640x64xf32, #tpu.memory_space<vmem>>, vector<16xf32>,
      %mul3A_239 = arith.mulf %get3A_238, %broadcast_in_dim3A_221 : vector<16xf32>
      %swap3A_240 = arith.index_cast %add3A_218 : i32 to index
      %swap3A_241 = arith.constant 32 : index
      %swap3A_242 = tpu.vector_load %arg18[%swap3A_240, %swap3A_241] {strides = array<i32>} : memref<640x64xf32, #tpu.memory_space<vmem>>, vector<16xf32>,
      tpu.vector_store %arg18[%swap3A_240, %swap3A_241], %mul3A_239 {strides = array<i32>} : memref<640x64xf32, #tpu.memory_space<vmem>>, vector<16xf32>,
      %get3A_243 = arith.index_cast %add3A_218 : i32 to index
      %get3A_244 = arith.constant 48 : index
      %get3A_245 = tpu.vector_load %arg18[%get3A_243, %get3A_244] {strides = array<i32>} : memref<640x64xf32, #tpu.memory_space<vmem>>, vector<16xf32>,
      %mul3A_246 = arith.mulf %get3A_245, %broadcast_in_dim3A_221 : vector<16xf32>
      %swap3A_247 = arith.index_cast %add3A_218 : i32 to index
      %swap3A_248 = arith.constant 48 : index
      %swap3A_249 = tpu.vector_load %arg18[%swap3A_247, %swap3A_248] {strides = array<i32>} : memref<640x64xf32, #tpu.memory_space<vmem>>, vector<16xf32>,
      tpu.vector_store %arg18[%swap3A_247, %swap3A_248], %mul3A_246 {strides = array<i32>} : memref<640x64xf32, #tpu.memory_space<vmem>>, vector<16xf32>,
      %mul3A_250 = arith.constant 16 : i32
      %mul3A_251 = arith.muli %scan3A_58, %mul3A_250 : i32
      %add3A_252 = arith.constant 512 : i32
      %add3A_253 = arith.addi %add3A_252, %mul3A_251 : i32
      %add3A_254 = arith.constant 5 : i32
      %add3A_255 = arith.addi %add3A_253, %add3A_254 : i32
      %slice3A_256 = vector.extract_strided_slice %div3A_67 {offsets = [5], sizes = [1], strides = [1]} : vector<16xf32> to vector<1xf32>
      %squeeze3A_257 = vector.extract %slice3A_256[0] : f32 from vector<1xf32>
      %broadcast_in_dim3A_258 = vector.broadcast %squeeze3A_257 : f32 to vector<16xf32>
      %get3A_259 = arith.index_cast %add3A_255 : i32 to index
      %get3A_260 = arith.constant 0 : index
      %get3A_261 = tpu.vector_load %arg18[%get3A_259, %get3A_260] {strides = array<i32>} : memref<640x64xf32, #tpu.memory_space<vmem>>, vector<16xf32>,
      %mul3A_262 = arith.mulf %get3A_261, %broadcast_in_dim3A_258 : vector<16xf32>
      %swap3A_263 = arith.index_cast %add3A_255 : i32 to index
      %swap3A_264 = arith.constant 0 : index
      %swap3A_265 = tpu.vector_load %arg18[%swap3A_263, %swap3A_264] {strides = array<i32>} : memref<640x64xf32, #tpu.memory_space<vmem>>, vector<16xf32>,
      tpu.vector_store %arg18[%swap3A_263, %swap3A_264], %mul3A_262 {strides = array<i32>} : memref<640x64xf32, #tpu.memory_space<vmem>>, vector<16xf32>,
      %get3A_266 = arith.index_cast %add3A_255 : i32 to index
      %get3A_267 = arith.constant 16 : index
      %get3A_268 = tpu.vector_load %arg18[%get3A_266, %get3A_267] {strides = array<i32>} : memref<640x64xf32, #tpu.memory_space<vmem>>, vector<16xf32>,
      %mul3A_269 = arith.mulf %get3A_268, %broadcast_in_dim3A_258 : vector<16xf32>
      %swap3A_270 = arith.index_cast %add3A_255 : i32 to index
      %swap3A_271 = arith.constant 16 : index
      %swap3A_272 = tpu.vector_load %arg18[%swap3A_270, %swap3A_271] {strides = array<i32>} : memref<640x64xf32, #tpu.memory_space<vmem>>, vector<16xf32>,
      tpu.vector_store %arg18[%swap3A_270, %swap3A_271], %mul3A_269 {strides = array<i32>} : memref<640x64xf32, #tpu.memory_space<vmem>>, vector<16xf32>,
      %get3A_273 = arith.index_cast %add3A_255 : i32 to index
      %get3A_274 = arith.constant 32 : index
      %get3A_275 = tpu.vector_load %arg18[%get3A_273, %get3A_274] {strides = array<i32>} : memref<640x64xf32, #tpu.memory_space<vmem>>, vector<16xf32>,
      %mul3A_276 = arith.mulf %get3A_275, %broadcast_in_dim3A_258 : vector<16xf32>
      %swap3A_277 = arith.index_cast %add3A_255 : i32 to index
      %swap3A_278 = arith.constant 32 : index
      %swap3A_279 = tpu.vector_load %arg18[%swap3A_277, %swap3A_278] {strides = array<i32>} : memref<640x64xf32, #tpu.memory_space<vmem>>, vector<16xf32>,
      tpu.vector_store %arg18[%swap3A_277, %swap3A_278], %mul3A_276 {strides = array<i32>} : memref<640x64xf32, #tpu.memory_space<vmem>>, vector<16xf32>,
      %get3A_280 = arith.index_cast %add3A_255 : i32 to index
      %get3A_281 = arith.constant 48 : index
      %get3A_282 = tpu.vector_load %arg18[%get3A_280, %get3A_281] {strides = array<i32>} : memref<640x64xf32, #tpu.memory_space<vmem>>, vector<16xf32>,
      %mul3A_283 = arith.mulf %get3A_282, %broadcast_in_dim3A_258 : vector<16xf32>
      %swap3A_284 = arith.index_cast %add3A_255 : i32 to index
      %swap3A_285 = arith.constant 48 : index
      %swap3A_286 = tpu.vector_load %arg18[%swap3A_284, %swap3A_285] {strides = array<i32>} : memref<640x64xf32, #tpu.memory_space<vmem>>, vector<16xf32>,
      tpu.vector_store %arg18[%swap3A_284, %swap3A_285], %mul3A_283 {strides = array<i32>} : memref<640x64xf32, #tpu.memory_space<vmem>>, vector<16xf32>,
      %mul3A_287 = arith.constant 16 : i32
      %mul3A_288 = arith.muli %scan3A_58, %mul3A_287 : i32
      %add3A_289 = arith.constant 512 : i32
      %add3A_290 = arith.addi %add3A_289, %mul3A_288 : i32
      %add3A_291 = arith.constant 6 : i32
      %add3A_292 = arith.addi %add3A_290, %add3A_291 : i32
      %slice3A_293 = vector.extract_strided_slice %div3A_67 {offsets = [6], sizes = [1], strides = [1]} : vector<16xf32> to vector<1xf32>
      %squeeze3A_294 = vector.extract %slice3A_293[0] : f32 from vector<1xf32>
      %broadcast_in_dim3A_295 = vector.broadcast %squeeze3A_294 : f32 to vector<16xf32>
      %get3A_296 = arith.index_cast %add3A_292 : i32 to index
      %get3A_297 = arith.constant 0 : index
      %get3A_298 = tpu.vector_load %arg18[%get3A_296, %get3A_297] {strides = array<i32>} : memref<640x64xf32, #tpu.memory_space<vmem>>, vector<16xf32>,
      %mul3A_299 = arith.mulf %get3A_298, %broadcast_in_dim3A_295 : vector<16xf32>
      %swap3A_300 = arith.index_cast %add3A_292 : i32 to index
      %swap3A_301 = arith.constant 0 : index
      %swap3A_302 = tpu.vector_load %arg18[%swap3A_300, %swap3A_301] {strides = array<i32>} : memref<640x64xf32, #tpu.memory_space<vmem>>, vector<16xf32>,
      tpu.vector_store %arg18[%swap3A_300, %swap3A_301], %mul3A_299 {strides = array<i32>} : memref<640x64xf32, #tpu.memory_space<vmem>>, vector<16xf32>,
      %get3A_303 = arith.index_cast %add3A_292 : i32 to index
      %get3A_304 = arith.constant 16 : index
      %get3A_305 = tpu.vector_load %arg18[%get3A_303, %get3A_304] {strides = array<i32>} : memref<640x64xf32, #tpu.memory_space<vmem>>, vector<16xf32>,
      %mul3A_306 = arith.mulf %get3A_305, %broadcast_in_dim3A_295 : vector<16xf32>
      %swap3A_307 = arith.index_cast %add3A_292 : i32 to index
      %swap3A_308 = arith.constant 16 : index
      %swap3A_309 = tpu.vector_load %arg18[%swap3A_307, %swap3A_308] {strides = array<i32>} : memref<640x64xf32, #tpu.memory_space<vmem>>, vector<16xf32>,
      tpu.vector_store %arg18[%swap3A_307, %swap3A_308], %mul3A_306 {strides = array<i32>} : memref<640x64xf32, #tpu.memory_space<vmem>>, vector<16xf32>,
      %get3A_310 = arith.index_cast %add3A_292 : i32 to index
      %get3A_311 = arith.constant 32 : index
      %get3A_312 = tpu.vector_load %arg18[%get3A_310, %get3A_311] {strides = array<i32>} : memref<640x64xf32, #tpu.memory_space<vmem>>, vector<16xf32>,
      %mul3A_313 = arith.mulf %get3A_312, %broadcast_in_dim3A_295 : vector<16xf32>
      %swap3A_314 = arith.index_cast %add3A_292 : i32 to index
      %swap3A_315 = arith.constant 32 : index
      %swap3A_316 = tpu.vector_load %arg18[%swap3A_314, %swap3A_315] {strides = array<i32>} : memref<640x64xf32, #tpu.memory_space<vmem>>, vector<16xf32>,
      tpu.vector_store %arg18[%swap3A_314, %swap3A_315], %mul3A_313 {strides = array<i32>} : memref<640x64xf32, #tpu.memory_space<vmem>>, vector<16xf32>,
      %get3A_317 = arith.index_cast %add3A_292 : i32 to index
      %get3A_318 = arith.constant 48 : index
      %get3A_319 = tpu.vector_load %arg18[%get3A_317, %get3A_318] {strides = array<i32>} : memref<640x64xf32, #tpu.memory_space<vmem>>, vector<16xf32>,
      %mul3A_320 = arith.mulf %get3A_319, %broadcast_in_dim3A_295 : vector<16xf32>
      %swap3A_321 = arith.index_cast %add3A_292 : i32 to index
      %swap3A_322 = arith.constant 48 : index
      %swap3A_323 = tpu.vector_load %arg18[%swap3A_321, %swap3A_322] {strides = array<i32>} : memref<640x64xf32, #tpu.memory_space<vmem>>, vector<16xf32>,
      tpu.vector_store %arg18[%swap3A_321, %swap3A_322], %mul3A_320 {strides = array<i32>} : memref<640x64xf32, #tpu.memory_space<vmem>>, vector<16xf32>,
      %mul3A_324 = arith.constant 16 : i32
      %mul3A_325 = arith.muli %scan3A_58, %mul3A_324 : i32
      %add3A_326 = arith.constant 512 : i32
      %add3A_327 = arith.addi %add3A_326, %mul3A_325 : i32
      %add3A_328 = arith.constant 7 : i32
      %add3A_329 = arith.addi %add3A_327, %add3A_328 : i32
      %slice3A_330 = vector.extract_strided_slice %div3A_67 {offsets = [7], sizes = [1], strides = [1]} : vector<16xf32> to vector<1xf32>
      %squeeze3A_331 = vector.extract %slice3A_330[0] : f32 from vector<1xf32>
      %broadcast_in_dim3A_332 = vector.broadcast %squeeze3A_331 : f32 to vector<16xf32>
      %get3A_333 = arith.index_cast %add3A_329 : i32 to index
      %get3A_334 = arith.constant 0 : index
      %get3A_335 = tpu.vector_load %arg18[%get3A_333, %get3A_334] {strides = array<i32>} : memref<640x64xf32, #tpu.memory_space<vmem>>, vector<16xf32>,
      %mul3A_336 = arith.mulf %get3A_335, %broadcast_in_dim3A_332 : vector<16xf32>
      %swap3A_337 = arith.index_cast %add3A_329 : i32 to index
      %swap3A_338 = arith.constant 0 : index
      %swap3A_339 = tpu.vector_load %arg18[%swap3A_337, %swap3A_338] {strides = array<i32>} : memref<640x64xf32, #tpu.memory_space<vmem>>, vector<16xf32>,
      tpu.vector_store %arg18[%swap3A_337, %swap3A_338], %mul3A_336 {strides = array<i32>} : memref<640x64xf32, #tpu.memory_space<vmem>>, vector<16xf32>,
      %get3A_340 = arith.index_cast %add3A_329 : i32 to index
      %get3A_341 = arith.constant 16 : index
      %get3A_342 = tpu.vector_load %arg18[%get3A_340, %get3A_341] {strides = array<i32>} : memref<640x64xf32, #tpu.memory_space<vmem>>, vector<16xf32>,
      %mul3A_343 = arith.mulf %get3A_342, %broadcast_in_dim3A_332 : vector<16xf32>
      %swap3A_344 = arith.index_cast %add3A_329 : i32 to index
      %swap3A_345 = arith.constant 16 : index
      %swap3A_346 = tpu.vector_load %arg18[%swap3A_344, %swap3A_345] {strides = array<i32>} : memref<640x64xf32, #tpu.memory_space<vmem>>, vector<16xf32>,
      tpu.vector_store %arg18[%swap3A_344, %swap3A_345], %mul3A_343 {strides = array<i32>} : memref<640x64xf32, #tpu.memory_space<vmem>>, vector<16xf32>,
      %get3A_347 = arith.index_cast %add3A_329 : i32 to index
      %get3A_348 = arith.constant 32 : index
      %get3A_349 = tpu.vector_load %arg18[%get3A_347, %get3A_348] {strides = array<i32>} : memref<640x64xf32, #tpu.memory_space<vmem>>, vector<16xf32>,
      %mul3A_350 = arith.mulf %get3A_349, %broadcast_in_dim3A_332 : vector<16xf32>
      %swap3A_351 = arith.index_cast %add3A_329 : i32 to index
      %swap3A_352 = arith.constant 32 : index
      %swap3A_353 = tpu.vector_load %arg18[%swap3A_351, %swap3A_352] {strides = array<i32>} : memref<640x64xf32, #tpu.memory_space<vmem>>, vector<16xf32>,
      tpu.vector_store %arg18[%swap3A_351, %swap3A_352], %mul3A_350 {strides = array<i32>} : memref<640x64xf32, #tpu.memory_space<vmem>>, vector<16xf32>,
      %get3A_354 = arith.index_cast %add3A_329 : i32 to index
      %get3A_355 = arith.constant 48 : index
      %get3A_356 = tpu.vector_load %arg18[%get3A_354, %get3A_355] {strides = array<i32>} : memref<640x64xf32, #tpu.memory_space<vmem>>, vector<16xf32>,
      %mul3A_357 = arith.mulf %get3A_356, %broadcast_in_dim3A_332 : vector<16xf32>
      %swap3A_358 = arith.index_cast %add3A_329 : i32 to index
      %swap3A_359 = arith.constant 48 : index
      %swap3A_360 = tpu.vector_load %arg18[%swap3A_358, %swap3A_359] {strides = array<i32>} : memref<640x64xf32, #tpu.memory_space<vmem>>, vector<16xf32>,
      tpu.vector_store %arg18[%swap3A_358, %swap3A_359], %mul3A_357 {strides = array<i32>} : memref<640x64xf32, #tpu.memory_space<vmem>>, vector<16xf32>,
      %mul3A_361 = arith.constant 16 : i32
      %mul3A_362 = arith.muli %scan3A_58, %mul3A_361 : i32
      %add3A_363 = arith.constant 512 : i32
      %add3A_364 = arith.addi %add3A_363, %mul3A_362 : i32
      %add3A_365 = arith.constant 8 : i32
      %add3A_366 = arith.addi %add3A_364, %add3A_365 : i32
      %slice3A_367 = vector.extract_strided_slice %div3A_67 {offsets = [8], sizes = [1], strides = [1]} : vector<16xf32> to vector<1xf32>
      %squeeze3A_368 = vector.extract %slice3A_367[0] : f32 from vector<1xf32>
      %broadcast_in_dim3A_369 = vector.broadcast %squeeze3A_368 : f32 to vector<16xf32>
      %get3A_370 = arith.index_cast %add3A_366 : i32 to index
      %get3A_371 = arith.constant 0 : index
      %get3A_372 = tpu.vector_load %arg18[%get3A_370, %get3A_371] {strides = array<i32>} : memref<640x64xf32, #tpu.memory_space<vmem>>, vector<16xf32>,
      %mul3A_373 = arith.mulf %get3A_372, %broadcast_in_dim3A_369 : vector<16xf32>
      %swap3A_374 = arith.index_cast %add3A_366 : i32 to index
      %swap3A_375 = arith.constant 0 : index
      %swap3A_376 = tpu.vector_load %arg18[%swap3A_374, %swap3A_375] {strides = array<i32>} : memref<640x64xf32, #tpu.memory_space<vmem>>, vector<16xf32>,
      tpu.vector_store %arg18[%swap3A_374, %swap3A_375], %mul3A_373 {strides = array<i32>} : memref<640x64xf32, #tpu.memory_space<vmem>>, vector<16xf32>,
      %get3A_377 = arith.index_cast %add3A_366 : i32 to index
      %get3A_378 = arith.constant 16 : index
      %get3A_379 = tpu.vector_load %arg18[%get3A_377, %get3A_378] {strides = array<i32>} : memref<640x64xf32, #tpu.memory_space<vmem>>, vector<16xf32>,
      %mul3A_380 = arith.mulf %get3A_379, %broadcast_in_dim3A_369 : vector<16xf32>
      %swap3A_381 = arith.index_cast %add3A_366 : i32 to index
      %swap3A_382 = arith.constant 16 : index
      %swap3A_383 = tpu.vector_load %arg18[%swap3A_381, %swap3A_382] {strides = array<i32>} : memref<640x64xf32, #tpu.memory_space<vmem>>, vector<16xf32>,
      tpu.vector_store %arg18[%swap3A_381, %swap3A_382], %mul3A_380 {strides = array<i32>} : memref<640x64xf32, #tpu.memory_space<vmem>>, vector<16xf32>,
      %get3A_384 = arith.index_cast %add3A_366 : i32 to index
      %get3A_385 = arith.constant 32 : index
      %get3A_386 = tpu.vector_load %arg18[%get3A_384, %get3A_385] {strides = array<i32>} : memref<640x64xf32, #tpu.memory_space<vmem>>, vector<16xf32>,
      %mul3A_387 = arith.mulf %get3A_386, %broadcast_in_dim3A_369 : vector<16xf32>
      %swap3A_388 = arith.index_cast %add3A_366 : i32 to index
      %swap3A_389 = arith.constant 32 : index
      %swap3A_390 = tpu.vector_load %arg18[%swap3A_388, %swap3A_389] {strides = array<i32>} : memref<640x64xf32, #tpu.memory_space<vmem>>, vector<16xf32>,
      tpu.vector_store %arg18[%swap3A_388, %swap3A_389], %mul3A_387 {strides = array<i32>} : memref<640x64xf32, #tpu.memory_space<vmem>>, vector<16xf32>,
      %get3A_391 = arith.index_cast %add3A_366 : i32 to index
      %get3A_392 = arith.constant 48 : index
      %get3A_393 = tpu.vector_load %arg18[%get3A_391, %get3A_392] {strides = array<i32>} : memref<640x64xf32, #tpu.memory_space<vmem>>, vector<16xf32>,
      %mul3A_394 = arith.mulf %get3A_393, %broadcast_in_dim3A_369 : vector<16xf32>
      %swap3A_395 = arith.index_cast %add3A_366 : i32 to index
      %swap3A_396 = arith.constant 48 : index
      %swap3A_397 = tpu.vector_load %arg18[%swap3A_395, %swap3A_396] {strides = array<i32>} : memref<640x64xf32, #tpu.memory_space<vmem>>, vector<16xf32>,
      tpu.vector_store %arg18[%swap3A_395, %swap3A_396], %mul3A_394 {strides = array<i32>} : memref<640x64xf32, #tpu.memory_space<vmem>>, vector<16xf32>,
      %mul3A_398 = arith.constant 16 : i32
      %mul3A_399 = arith.muli %scan3A_58, %mul3A_398 : i32
      %add3A_400 = arith.constant 512 : i32
      %add3A_401 = arith.addi %add3A_400, %mul3A_399 : i32
      %add3A_402 = arith.constant 9 : i32
      %add3A_403 = arith.addi %add3A_401, %add3A_402 : i32
      %slice3A_404 = vector.extract_strided_slice %div3A_67 {offsets = [9], sizes = [1], strides = [1]} : vector<16xf32> to vector<1xf32>
      %squeeze3A_405 = vector.extract %slice3A_404[0] : f32 from vector<1xf32>
      %broadcast_in_dim3A_406 = vector.broadcast %squeeze3A_405 : f32 to vector<16xf32>
      %get3A_407 = arith.index_cast %add3A_403 : i32 to index
      %get3A_408 = arith.constant 0 : index
      %get3A_409 = tpu.vector_load %arg18[%get3A_407, %get3A_408] {strides = array<i32>} : memref<640x64xf32, #tpu.memory_space<vmem>>, vector<16xf32>,
      %mul3A_410 = arith.mulf %get3A_409, %broadcast_in_dim3A_406 : vector<16xf32>
      %swap3A_411 = arith.index_cast %add3A_403 : i32 to index
      %swap3A_412 = arith.constant 0 : index
      %swap3A_413 = tpu.vector_load %arg18[%swap3A_411, %swap3A_412] {strides = array<i32>} : memref<640x64xf32, #tpu.memory_space<vmem>>, vector<16xf32>,
      tpu.vector_store %arg18[%swap3A_411, %swap3A_412], %mul3A_410 {strides = array<i32>} : memref<640x64xf32, #tpu.memory_space<vmem>>, vector<16xf32>,
      %get3A_414 = arith.index_cast %add3A_403 : i32 to index
      %get3A_415 = arith.constant 16 : index
      %get3A_416 = tpu.vector_load %arg18[%get3A_414, %get3A_415] {strides = array<i32>} : memref<640x64xf32, #tpu.memory_space<vmem>>, vector<16xf32>,
      %mul3A_417 = arith.mulf %get3A_416, %broadcast_in_dim3A_406 : vector<16xf32>
      %swap3A_418 = arith.index_cast %add3A_403 : i32 to index
      %swap3A_419 = arith.constant 16 : index
      %swap3A_420 = tpu.vector_load %arg18[%swap3A_418, %swap3A_419] {strides = array<i32>} : memref<640x64xf32, #tpu.memory_space<vmem>>, vector<16xf32>,
      tpu.vector_store %arg18[%swap3A_418, %swap3A_419], %mul3A_417 {strides = array<i32>} : memref<640x64xf32, #tpu.memory_space<vmem>>, vector<16xf32>,
      %get3A_421 = arith.index_cast %add3A_403 : i32 to index
      %get3A_422 = arith.constant 32 : index
      %get3A_423 = tpu.vector_load %arg18[%get3A_421, %get3A_422] {strides = array<i32>} : memref<640x64xf32, #tpu.memory_space<vmem>>, vector<16xf32>,
      %mul3A_424 = arith.mulf %get3A_423, %broadcast_in_dim3A_406 : vector<16xf32>
      %swap3A_425 = arith.index_cast %add3A_403 : i32 to index
      %swap3A_426 = arith.constant 32 : index
      %swap3A_427 = tpu.vector_load %arg18[%swap3A_425, %swap3A_426] {strides = array<i32>} : memref<640x64xf32, #tpu.memory_space<vmem>>, vector<16xf32>,
      tpu.vector_store %arg18[%swap3A_425, %swap3A_426], %mul3A_424 {strides = array<i32>} : memref<640x64xf32, #tpu.memory_space<vmem>>, vector<16xf32>,
      %get3A_428 = arith.index_cast %add3A_403 : i32 to index
      %get3A_429 = arith.constant 48 : index
      %get3A_430 = tpu.vector_load %arg18[%get3A_428, %get3A_429] {strides = array<i32>} : memref<640x64xf32, #tpu.memory_space<vmem>>, vector<16xf32>,
      %mul3A_431 = arith.mulf %get3A_430, %broadcast_in_dim3A_406 : vector<16xf32>
      %swap3A_432 = arith.index_cast %add3A_403 : i32 to index
      %swap3A_433 = arith.constant 48 : index
      %swap3A_434 = tpu.vector_load %arg18[%swap3A_432, %swap3A_433] {strides = array<i32>} : memref<640x64xf32, #tpu.memory_space<vmem>>, vector<16xf32>,
      tpu.vector_store %arg18[%swap3A_432, %swap3A_433], %mul3A_431 {strides = array<i32>} : memref<640x64xf32, #tpu.memory_space<vmem>>, vector<16xf32>,
      %mul3A_435 = arith.constant 16 : i32
      %mul3A_436 = arith.muli %scan3A_58, %mul3A_435 : i32
      %add3A_437 = arith.constant 512 : i32
      %add3A_438 = arith.addi %add3A_437, %mul3A_436 : i32
      %add3A_439 = arith.constant 10 : i32
      %add3A_440 = arith.addi %add3A_438, %add3A_439 : i32
      %slice3A_441 = vector.extract_strided_slice %div3A_67 {offsets = [10], sizes = [1], strides = [1]} : vector<16xf32> to vector<1xf32>
      %squeeze3A_442 = vector.extract %slice3A_441[0] : f32 from vector<1xf32>
      %broadcast_in_dim3A_443 = vector.broadcast %squeeze3A_442 : f32 to vector<16xf32>
      %get3A_444 = arith.index_cast %add3A_440 : i32 to index
      %get3A_445 = arith.constant 0 : index
      %get3A_446 = tpu.vector_load %arg18[%get3A_444, %get3A_445] {strides = array<i32>} : memref<640x64xf32, #tpu.memory_space<vmem>>, vector<16xf32>,
      %mul3A_447 = arith.mulf %get3A_446, %broadcast_in_dim3A_443 : vector<16xf32>
      %swap3A_448 = arith.index_cast %add3A_440 : i32 to index
      %swap3A_449 = arith.constant 0 : index
      %swap3A_450 = tpu.vector_load %arg18[%swap3A_448, %swap3A_449] {strides = array<i32>} : memref<640x64xf32, #tpu.memory_space<vmem>>, vector<16xf32>,
      tpu.vector_store %arg18[%swap3A_448, %swap3A_449], %mul3A_447 {strides = array<i32>} : memref<640x64xf32, #tpu.memory_space<vmem>>, vector<16xf32>,
      %get3A_451 = arith.index_cast %add3A_440 : i32 to index
      %get3A_452 = arith.constant 16 : index
      %get3A_453 = tpu.vector_load %arg18[%get3A_451, %get3A_452] {strides = array<i32>} : memref<640x64xf32, #tpu.memory_space<vmem>>, vector<16xf32>,
      %mul3A_454 = arith.mulf %get3A_453, %broadcast_in_dim3A_443 : vector<16xf32>
      %swap3A_455 = arith.index_cast %add3A_440 : i32 to index
      %swap3A_456 = arith.constant 16 : index
      %swap3A_457 = tpu.vector_load %arg18[%swap3A_455, %swap3A_456] {strides = array<i32>} : memref<640x64xf32, #tpu.memory_space<vmem>>, vector<16xf32>,
      tpu.vector_store %arg18[%swap3A_455, %swap3A_456], %mul3A_454 {strides = array<i32>} : memref<640x64xf32, #tpu.memory_space<vmem>>, vector<16xf32>,
      %get3A_458 = arith.index_cast %add3A_440 : i32 to index
      %get3A_459 = arith.constant 32 : index
      %get3A_460 = tpu.vector_load %arg18[%get3A_458, %get3A_459] {strides = array<i32>} : memref<640x64xf32, #tpu.memory_space<vmem>>, vector<16xf32>,
      %mul3A_461 = arith.mulf %get3A_460, %broadcast_in_dim3A_443 : vector<16xf32>
      %swap3A_462 = arith.index_cast %add3A_440 : i32 to index
      %swap3A_463 = arith.constant 32 : index
      %swap3A_464 = tpu.vector_load %arg18[%swap3A_462, %swap3A_463] {strides = array<i32>} : memref<640x64xf32, #tpu.memory_space<vmem>>, vector<16xf32>,
      tpu.vector_store %arg18[%swap3A_462, %swap3A_463], %mul3A_461 {strides = array<i32>} : memref<640x64xf32, #tpu.memory_space<vmem>>, vector<16xf32>,
      %get3A_465 = arith.index_cast %add3A_440 : i32 to index
      %get3A_466 = arith.constant 48 : index
      %get3A_467 = tpu.vector_load %arg18[%get3A_465, %get3A_466] {strides = array<i32>} : memref<640x64xf32, #tpu.memory_space<vmem>>, vector<16xf32>,
      %mul3A_468 = arith.mulf %get3A_467, %broadcast_in_dim3A_443 : vector<16xf32>
      %swap3A_469 = arith.index_cast %add3A_440 : i32 to index
      %swap3A_470 = arith.constant 48 : index
      %swap3A_471 = tpu.vector_load %arg18[%swap3A_469, %swap3A_470] {strides = array<i32>} : memref<640x64xf32, #tpu.memory_space<vmem>>, vector<16xf32>,
      tpu.vector_store %arg18[%swap3A_469, %swap3A_470], %mul3A_468 {strides = array<i32>} : memref<640x64xf32, #tpu.memory_space<vmem>>, vector<16xf32>,
      %mul3A_472 = arith.constant 16 : i32
      %mul3A_473 = arith.muli %scan3A_58, %mul3A_472 : i32
      %add3A_474 = arith.constant 512 : i32
      %add3A_475 = arith.addi %add3A_474, %mul3A_473 : i32
      %add3A_476 = arith.constant 11 : i32
      %add3A_477 = arith.addi %add3A_475, %add3A_476 : i32
      %slice3A_478 = vector.extract_strided_slice %div3A_67 {offsets = [11], sizes = [1], strides = [1]} : vector<16xf32> to vector<1xf32>
      %squeeze3A_479 = vector.extract %slice3A_478[0] : f32 from vector<1xf32>
      %broadcast_in_dim3A_480 = vector.broadcast %squeeze3A_479 : f32 to vector<16xf32>
      %get3A_481 = arith.index_cast %add3A_477 : i32 to index
      %get3A_482 = arith.constant 0 : index
      %get3A_483 = tpu.vector_load %arg18[%get3A_481, %get3A_482] {strides = array<i32>} : memref<640x64xf32, #tpu.memory_space<vmem>>, vector<16xf32>,
      %mul3A_484 = arith.mulf %get3A_483, %broadcast_in_dim3A_480 : vector<16xf32>
      %swap3A_485 = arith.index_cast %add3A_477 : i32 to index
      %swap3A_486 = arith.constant 0 : index
      %swap3A_487 = tpu.vector_load %arg18[%swap3A_485, %swap3A_486] {strides = array<i32>} : memref<640x64xf32, #tpu.memory_space<vmem>>, vector<16xf32>,
      tpu.vector_store %arg18[%swap3A_485, %swap3A_486], %mul3A_484 {strides = array<i32>} : memref<640x64xf32, #tpu.memory_space<vmem>>, vector<16xf32>,
      %get3A_488 = arith.index_cast %add3A_477 : i32 to index
      %get3A_489 = arith.constant 16 : index
      %get3A_490 = tpu.vector_load %arg18[%get3A_488, %get3A_489] {strides = array<i32>} : memref<640x64xf32, #tpu.memory_space<vmem>>, vector<16xf32>,
      %mul3A_491 = arith.mulf %get3A_490, %broadcast_in_dim3A_480 : vector<16xf32>
      %swap3A_492 = arith.index_cast %add3A_477 : i32 to index
      %swap3A_493 = arith.constant 16 : index
      %swap3A_494 = tpu.vector_load %arg18[%swap3A_492, %swap3A_493] {strides = array<i32>} : memref<640x64xf32, #tpu.memory_space<vmem>>, vector<16xf32>,
      tpu.vector_store %arg18[%swap3A_492, %swap3A_493], %mul3A_491 {strides = array<i32>} : memref<640x64xf32, #tpu.memory_space<vmem>>, vector<16xf32>,
      %get3A_495 = arith.index_cast %add3A_477 : i32 to index
      %get3A_496 = arith.constant 32 : index
      %get3A_497 = tpu.vector_load %arg18[%get3A_495, %get3A_496] {strides = array<i32>} : memref<640x64xf32, #tpu.memory_space<vmem>>, vector<16xf32>,
      %mul3A_498 = arith.mulf %get3A_497, %broadcast_in_dim3A_480 : vector<16xf32>
      %swap3A_499 = arith.index_cast %add3A_477 : i32 to index
      %swap3A_500 = arith.constant 32 : index
      %swap3A_501 = tpu.vector_load %arg18[%swap3A_499, %swap3A_500] {strides = array<i32>} : memref<640x64xf32, #tpu.memory_space<vmem>>, vector<16xf32>,
      tpu.vector_store %arg18[%swap3A_499, %swap3A_500], %mul3A_498 {strides = array<i32>} : memref<640x64xf32, #tpu.memory_space<vmem>>, vector<16xf32>,
      %get3A_502 = arith.index_cast %add3A_477 : i32 to index
      %get3A_503 = arith.constant 48 : index
      %get3A_504 = tpu.vector_load %arg18[%get3A_502, %get3A_503] {strides = array<i32>} : memref<640x64xf32, #tpu.memory_space<vmem>>, vector<16xf32>,
      %mul3A_505 = arith.mulf %get3A_504, %broadcast_in_dim3A_480 : vector<16xf32>
      %swap3A_506 = arith.index_cast %add3A_477 : i32 to index
      %swap3A_507 = arith.constant 48 : index
      %swap3A_508 = tpu.vector_load %arg18[%swap3A_506, %swap3A_507] {strides = array<i32>} : memref<640x64xf32, #tpu.memory_space<vmem>>, vector<16xf32>,
      tpu.vector_store %arg18[%swap3A_506, %swap3A_507], %mul3A_505 {strides = array<i32>} : memref<640x64xf32, #tpu.memory_space<vmem>>, vector<16xf32>,
      %mul3A_509 = arith.constant 16 : i32
      %mul3A_510 = arith.muli %scan3A_58, %mul3A_509 : i32
      %add3A_511 = arith.constant 512 : i32
      %add3A_512 = arith.addi %add3A_511, %mul3A_510 : i32
      %add3A_513 = arith.constant 12 : i32
      %add3A_514 = arith.addi %add3A_512, %add3A_513 : i32
      %slice3A_515 = vector.extract_strided_slice %div3A_67 {offsets = [12], sizes = [1], strides = [1]} : vector<16xf32> to vector<1xf32>
      %squeeze3A_516 = vector.extract %slice3A_515[0] : f32 from vector<1xf32>
      %broadcast_in_dim3A_517 = vector.broadcast %squeeze3A_516 : f32 to vector<16xf32>
      %get3A_518 = arith.index_cast %add3A_514 : i32 to index
      %get3A_519 = arith.constant 0 : index
      %get3A_520 = tpu.vector_load %arg18[%get3A_518, %get3A_519] {strides = array<i32>} : memref<640x64xf32, #tpu.memory_space<vmem>>, vector<16xf32>,
      %mul3A_521 = arith.mulf %get3A_520, %broadcast_in_dim3A_517 : vector<16xf32>
      %swap3A_522 = arith.index_cast %add3A_514 : i32 to index
      %swap3A_523 = arith.constant 0 : index
      %swap3A_524 = tpu.vector_load %arg18[%swap3A_522, %swap3A_523] {strides = array<i32>} : memref<640x64xf32, #tpu.memory_space<vmem>>, vector<16xf32>,
      tpu.vector_store %arg18[%swap3A_522, %swap3A_523], %mul3A_521 {strides = array<i32>} : memref<640x64xf32, #tpu.memory_space<vmem>>, vector<16xf32>,
      %get3A_525 = arith.index_cast %add3A_514 : i32 to index
      %get3A_526 = arith.constant 16 : index
      %get3A_527 = tpu.vector_load %arg18[%get3A_525, %get3A_526] {strides = array<i32>} : memref<640x64xf32, #tpu.memory_space<vmem>>, vector<16xf32>,
      %mul3A_528 = arith.mulf %get3A_527, %broadcast_in_dim3A_517 : vector<16xf32>
      %swap3A_529 = arith.index_cast %add3A_514 : i32 to index
      %swap3A_530 = arith.constant 16 : index
      %swap3A_531 = tpu.vector_load %arg18[%swap3A_529, %swap3A_530] {strides = array<i32>} : memref<640x64xf32, #tpu.memory_space<vmem>>, vector<16xf32>,
      tpu.vector_store %arg18[%swap3A_529, %swap3A_530], %mul3A_528 {strides = array<i32>} : memref<640x64xf32, #tpu.memory_space<vmem>>, vector<16xf32>,
      %get3A_532 = arith.index_cast %add3A_514 : i32 to index
      %get3A_533 = arith.constant 32 : index
      %get3A_534 = tpu.vector_load %arg18[%get3A_532, %get3A_533] {strides = array<i32>} : memref<640x64xf32, #tpu.memory_space<vmem>>, vector<16xf32>,
      %mul3A_535 = arith.mulf %get3A_534, %broadcast_in_dim3A_517 : vector<16xf32>
      %swap3A_536 = arith.index_cast %add3A_514 : i32 to index
      %swap3A_537 = arith.constant 32 : index
      %swap3A_538 = tpu.vector_load %arg18[%swap3A_536, %swap3A_537] {strides = array<i32>} : memref<640x64xf32, #tpu.memory_space<vmem>>, vector<16xf32>,
      tpu.vector_store %arg18[%swap3A_536, %swap3A_537], %mul3A_535 {strides = array<i32>} : memref<640x64xf32, #tpu.memory_space<vmem>>, vector<16xf32>,
      %get3A_539 = arith.index_cast %add3A_514 : i32 to index
      %get3A_540 = arith.constant 48 : index
      %get3A_541 = tpu.vector_load %arg18[%get3A_539, %get3A_540] {strides = array<i32>} : memref<640x64xf32, #tpu.memory_space<vmem>>, vector<16xf32>,
      %mul3A_542 = arith.mulf %get3A_541, %broadcast_in_dim3A_517 : vector<16xf32>
      %swap3A_543 = arith.index_cast %add3A_514 : i32 to index
      %swap3A_544 = arith.constant 48 : index
      %swap3A_545 = tpu.vector_load %arg18[%swap3A_543, %swap3A_544] {strides = array<i32>} : memref<640x64xf32, #tpu.memory_space<vmem>>, vector<16xf32>,
      tpu.vector_store %arg18[%swap3A_543, %swap3A_544], %mul3A_542 {strides = array<i32>} : memref<640x64xf32, #tpu.memory_space<vmem>>, vector<16xf32>,
      %mul3A_546 = arith.constant 16 : i32
      %mul3A_547 = arith.muli %scan3A_58, %mul3A_546 : i32
      %add3A_548 = arith.constant 512 : i32
      %add3A_549 = arith.addi %add3A_548, %mul3A_547 : i32
      %add3A_550 = arith.constant 13 : i32
      %add3A_551 = arith.addi %add3A_549, %add3A_550 : i32
      %slice3A_552 = vector.extract_strided_slice %div3A_67 {offsets = [13], sizes = [1], strides = [1]} : vector<16xf32> to vector<1xf32>
      %squeeze3A_553 = vector.extract %slice3A_552[0] : f32 from vector<1xf32>
      %broadcast_in_dim3A_554 = vector.broadcast %squeeze3A_553 : f32 to vector<16xf32>
      %get3A_555 = arith.index_cast %add3A_551 : i32 to index
      %get3A_556 = arith.constant 0 : index
      %get3A_557 = tpu.vector_load %arg18[%get3A_555, %get3A_556] {strides = array<i32>} : memref<640x64xf32, #tpu.memory_space<vmem>>, vector<16xf32>,
      %mul3A_558 = arith.mulf %get3A_557, %broadcast_in_dim3A_554 : vector<16xf32>
      %swap3A_559 = arith.index_cast %add3A_551 : i32 to index
      %swap3A_560 = arith.constant 0 : index
      %swap3A_561 = tpu.vector_load %arg18[%swap3A_559, %swap3A_560] {strides = array<i32>} : memref<640x64xf32, #tpu.memory_space<vmem>>, vector<16xf32>,
      tpu.vector_store %arg18[%swap3A_559, %swap3A_560], %mul3A_558 {strides = array<i32>} : memref<640x64xf32, #tpu.memory_space<vmem>>, vector<16xf32>,
      %get3A_562 = arith.index_cast %add3A_551 : i32 to index
      %get3A_563 = arith.constant 16 : index
      %get3A_564 = tpu.vector_load %arg18[%get3A_562, %get3A_563] {strides = array<i32>} : memref<640x64xf32, #tpu.memory_space<vmem>>, vector<16xf32>,
      %mul3A_565 = arith.mulf %get3A_564, %broadcast_in_dim3A_554 : vector<16xf32>
      %swap3A_566 = arith.index_cast %add3A_551 : i32 to index
      %swap3A_567 = arith.constant 16 : index
      %swap3A_568 = tpu.vector_load %arg18[%swap3A_566, %swap3A_567] {strides = array<i32>} : memref<640x64xf32, #tpu.memory_space<vmem>>, vector<16xf32>,
      tpu.vector_store %arg18[%swap3A_566, %swap3A_567], %mul3A_565 {strides = array<i32>} : memref<640x64xf32, #tpu.memory_space<vmem>>, vector<16xf32>,
      %get3A_569 = arith.index_cast %add3A_551 : i32 to index
      %get3A_570 = arith.constant 32 : index
      %get3A_571 = tpu.vector_load %arg18[%get3A_569, %get3A_570] {strides = array<i32>} : memref<640x64xf32, #tpu.memory_space<vmem>>, vector<16xf32>,
      %mul3A_572 = arith.mulf %get3A_571, %broadcast_in_dim3A_554 : vector<16xf32>
      %swap3A_573 = arith.index_cast %add3A_551 : i32 to index
      %swap3A_574 = arith.constant 32 : index
      %swap3A_575 = tpu.vector_load %arg18[%swap3A_573, %swap3A_574] {strides = array<i32>} : memref<640x64xf32, #tpu.memory_space<vmem>>, vector<16xf32>,
      tpu.vector_store %arg18[%swap3A_573, %swap3A_574], %mul3A_572 {strides = array<i32>} : memref<640x64xf32, #tpu.memory_space<vmem>>, vector<16xf32>,
      %get3A_576 = arith.index_cast %add3A_551 : i32 to index
      %get3A_577 = arith.constant 48 : index
      %get3A_578 = tpu.vector_load %arg18[%get3A_576, %get3A_577] {strides = array<i32>} : memref<640x64xf32, #tpu.memory_space<vmem>>, vector<16xf32>,
      %mul3A_579 = arith.mulf %get3A_578, %broadcast_in_dim3A_554 : vector<16xf32>
      %swap3A_580 = arith.index_cast %add3A_551 : i32 to index
      %swap3A_581 = arith.constant 48 : index
      %swap3A_582 = tpu.vector_load %arg18[%swap3A_580, %swap3A_581] {strides = array<i32>} : memref<640x64xf32, #tpu.memory_space<vmem>>, vector<16xf32>,
      tpu.vector_store %arg18[%swap3A_580, %swap3A_581], %mul3A_579 {strides = array<i32>} : memref<640x64xf32, #tpu.memory_space<vmem>>, vector<16xf32>,
      %mul3A_583 = arith.constant 16 : i32
      %mul3A_584 = arith.muli %scan3A_58, %mul3A_583 : i32
      %add3A_585 = arith.constant 512 : i32
      %add3A_586 = arith.addi %add3A_585, %mul3A_584 : i32
      %add3A_587 = arith.constant 14 : i32
      %add3A_588 = arith.addi %add3A_586, %add3A_587 : i32
      %slice3A_589 = vector.extract_strided_slice %div3A_67 {offsets = [14], sizes = [1], strides = [1]} : vector<16xf32> to vector<1xf32>
      %squeeze3A_590 = vector.extract %slice3A_589[0] : f32 from vector<1xf32>
      %broadcast_in_dim3A_591 = vector.broadcast %squeeze3A_590 : f32 to vector<16xf32>
      %get3A_592 = arith.index_cast %add3A_588 : i32 to index
      %get3A_593 = arith.constant 0 : index
      %get3A_594 = tpu.vector_load %arg18[%get3A_592, %get3A_593] {strides = array<i32>} : memref<640x64xf32, #tpu.memory_space<vmem>>, vector<16xf32>,
      %mul3A_595 = arith.mulf %get3A_594, %broadcast_in_dim3A_591 : vector<16xf32>
      %swap3A_596 = arith.index_cast %add3A_588 : i32 to index
      %swap3A_597 = arith.constant 0 : index
      %swap3A_598 = tpu.vector_load %arg18[%swap3A_596, %swap3A_597] {strides = array<i32>} : memref<640x64xf32, #tpu.memory_space<vmem>>, vector<16xf32>,
      tpu.vector_store %arg18[%swap3A_596, %swap3A_597], %mul3A_595 {strides = array<i32>} : memref<640x64xf32, #tpu.memory_space<vmem>>, vector<16xf32>,
      %get3A_599 = arith.index_cast %add3A_588 : i32 to index
      %get3A_600 = arith.constant 16 : index
      %get3A_601 = tpu.vector_load %arg18[%get3A_599, %get3A_600] {strides = array<i32>} : memref<640x64xf32, #tpu.memory_space<vmem>>, vector<16xf32>,
      %mul3A_602 = arith.mulf %get3A_601, %broadcast_in_dim3A_591 : vector<16xf32>
      %swap3A_603 = arith.index_cast %add3A_588 : i32 to index
      %swap3A_604 = arith.constant 16 : index
      %swap3A_605 = tpu.vector_load %arg18[%swap3A_603, %swap3A_604] {strides = array<i32>} : memref<640x64xf32, #tpu.memory_space<vmem>>, vector<16xf32>,
      tpu.vector_store %arg18[%swap3A_603, %swap3A_604], %mul3A_602 {strides = array<i32>} : memref<640x64xf32, #tpu.memory_space<vmem>>, vector<16xf32>,
      %get3A_606 = arith.index_cast %add3A_588 : i32 to index
      %get3A_607 = arith.constant 32 : index
      %get3A_608 = tpu.vector_load %arg18[%get3A_606, %get3A_607] {strides = array<i32>} : memref<640x64xf32, #tpu.memory_space<vmem>>, vector<16xf32>,
      %mul3A_609 = arith.mulf %get3A_608, %broadcast_in_dim3A_591 : vector<16xf32>
      %swap3A_610 = arith.index_cast %add3A_588 : i32 to index
      %swap3A_611 = arith.constant 32 : index
      %swap3A_612 = tpu.vector_load %arg18[%swap3A_610, %swap3A_611] {strides = array<i32>} : memref<640x64xf32, #tpu.memory_space<vmem>>, vector<16xf32>,
      tpu.vector_store %arg18[%swap3A_610, %swap3A_611], %mul3A_609 {strides = array<i32>} : memref<640x64xf32, #tpu.memory_space<vmem>>, vector<16xf32>,
      %get3A_613 = arith.index_cast %add3A_588 : i32 to index
      %get3A_614 = arith.constant 48 : index
      %get3A_615 = tpu.vector_load %arg18[%get3A_613, %get3A_614] {strides = array<i32>} : memref<640x64xf32, #tpu.memory_space<vmem>>, vector<16xf32>,
      %mul3A_616 = arith.mulf %get3A_615, %broadcast_in_dim3A_591 : vector<16xf32>
      %swap3A_617 = arith.index_cast %add3A_588 : i32 to index
      %swap3A_618 = arith.constant 48 : index
      %swap3A_619 = tpu.vector_load %arg18[%swap3A_617, %swap3A_618] {strides = array<i32>} : memref<640x64xf32, #tpu.memory_space<vmem>>, vector<16xf32>,
      tpu.vector_store %arg18[%swap3A_617, %swap3A_618], %mul3A_616 {strides = array<i32>} : memref<640x64xf32, #tpu.memory_space<vmem>>, vector<16xf32>,
      %mul3A_620 = arith.constant 16 : i32
      %mul3A_621 = arith.muli %scan3A_58, %mul3A_620 : i32
      %add3A_622 = arith.constant 512 : i32
      %add3A_623 = arith.addi %add3A_622, %mul3A_621 : i32
      %add3A_624 = arith.constant 15 : i32
      %add3A_625 = arith.addi %add3A_623, %add3A_624 : i32
      %slice3A_626 = vector.extract_strided_slice %div3A_67 {offsets = [15], sizes = [1], strides = [1]} : vector<16xf32> to vector<1xf32>
      %squeeze3A_627 = vector.extract %slice3A_626[0] : f32 from vector<1xf32>
      %broadcast_in_dim3A_628 = vector.broadcast %squeeze3A_627 : f32 to vector<16xf32>
      %get3A_629 = arith.index_cast %add3A_625 : i32 to index
      %get3A_630 = arith.constant 0 : index
      %get3A_631 = tpu.vector_load %arg18[%get3A_629, %get3A_630] {strides = array<i32>} : memref<640x64xf32, #tpu.memory_space<vmem>>, vector<16xf32>,
      %mul3A_632 = arith.mulf %get3A_631, %broadcast_in_dim3A_628 : vector<16xf32>
      %swap3A_633 = arith.index_cast %add3A_625 : i32 to index
      %swap3A_634 = arith.constant 0 : index
      %swap3A_635 = tpu.vector_load %arg18[%swap3A_633, %swap3A_634] {strides = array<i32>} : memref<640x64xf32, #tpu.memory_space<vmem>>, vector<16xf32>,
      tpu.vector_store %arg18[%swap3A_633, %swap3A_634], %mul3A_632 {strides = array<i32>} : memref<640x64xf32, #tpu.memory_space<vmem>>, vector<16xf32>,
      %get3A_636 = arith.index_cast %add3A_625 : i32 to index
      %get3A_637 = arith.constant 16 : index
      %get3A_638 = tpu.vector_load %arg18[%get3A_636, %get3A_637] {strides = array<i32>} : memref<640x64xf32, #tpu.memory_space<vmem>>, vector<16xf32>,
      %mul3A_639 = arith.mulf %get3A_638, %broadcast_in_dim3A_628 : vector<16xf32>
      %swap3A_640 = arith.index_cast %add3A_625 : i32 to index
      %swap3A_641 = arith.constant 16 : index
      %swap3A_642 = tpu.vector_load %arg18[%swap3A_640, %swap3A_641] {strides = array<i32>} : memref<640x64xf32, #tpu.memory_space<vmem>>, vector<16xf32>,
      tpu.vector_store %arg18[%swap3A_640, %swap3A_641], %mul3A_639 {strides = array<i32>} : memref<640x64xf32, #tpu.memory_space<vmem>>, vector<16xf32>,
      %get3A_643 = arith.index_cast %add3A_625 : i32 to index
      %get3A_644 = arith.constant 32 : index
      %get3A_645 = tpu.vector_load %arg18[%get3A_643, %get3A_644] {strides = array<i32>} : memref<640x64xf32, #tpu.memory_space<vmem>>, vector<16xf32>,
      %mul3A_646 = arith.mulf %get3A_645, %broadcast_in_dim3A_628 : vector<16xf32>
      %swap3A_647 = arith.index_cast %add3A_625 : i32 to index
      %swap3A_648 = arith.constant 32 : index
      %swap3A_649 = tpu.vector_load %arg18[%swap3A_647, %swap3A_648] {strides = array<i32>} : memref<640x64xf32, #tpu.memory_space<vmem>>, vector<16xf32>,
      tpu.vector_store %arg18[%swap3A_647, %swap3A_648], %mul3A_646 {strides = array<i32>} : memref<640x64xf32, #tpu.memory_space<vmem>>, vector<16xf32>,
      %get3A_650 = arith.index_cast %add3A_625 : i32 to index
      %get3A_651 = arith.constant 48 : index
      %get3A_652 = tpu.vector_load %arg18[%get3A_650, %get3A_651] {strides = array<i32>} : memref<640x64xf32, #tpu.memory_space<vmem>>, vector<16xf32>,
      %mul3A_653 = arith.mulf %get3A_652, %broadcast_in_dim3A_628 : vector<16xf32>
      %swap3A_654 = arith.index_cast %add3A_625 : i32 to index
      %swap3A_655 = arith.constant 48 : index
      %swap3A_656 = tpu.vector_load %arg18[%swap3A_654, %swap3A_655] {strides = array<i32>} : memref<640x64xf32, #tpu.memory_space<vmem>>, vector<16xf32>,
      tpu.vector_store %arg18[%swap3A_654, %swap3A_655], %mul3A_653 {strides = array<i32>} : memref<640x64xf32, #tpu.memory_space<vmem>>, vector<16xf32>,
    }
    %scan3A_55 = arith.constant 8 : i32
    %mul3A_56 = arith.constant 640 : i32
    %mul3A_57 = arith.muli %arg1, %mul3A_56 : i32
    "tpu.region"() ({
      %run_scoped3A = tpu.sem_alloc : memref<!tpu.dma_semaphore, #tpu.memory_space<semaphore_mem>>
      %dma_start3A = arith.constant 0 : i32
      %dma_start3A_58 = tpu.memref_slice %arg8[%arg0, %mul3A_57, %dma_start3A] : memref<2x10240x64xf32, #tpu.memory_space<hbm>> -> memref<1x640x64xf32, #tpu.memory_space<hbm>>
      %dma_start3A_59 = tpu.memref_squeeze %dma_start3A_58 : memref<1x640x64xf32, #tpu.memory_space<hbm>> -> memref<640x64xf32, #tpu.memory_space<hbm>>
      %dma_start3A_60 = arith.constant 0 : i32
      %dma_start3A_61 = tpu.memref_slice %arg8[%arg0, %mul3A_57, %dma_start3A_60] : memref<2x10240x64xf32, #tpu.memory_space<hbm>> -> memref<1x640x64xf32, #tpu.memory_space<hbm>>
      %dma_start3A_62 = tpu.memref_squeeze %dma_start3A_61 : memref<1x640x64xf32, #tpu.memory_space<hbm>> -> memref<640x64xf32, #tpu.memory_space<hbm>>
      tpu.enqueue_dma source(%arg18 : memref<640x64xf32, #tpu.memory_space<vmem>>) target(%dma_start3A_62 : memref<640x64xf32, #tpu.memory_space<hbm>>) target_semaphore(%run_scoped3A : memref<!tpu.dma_semaphore, #tpu.memory_space<semaphore_mem>>)
      %dma_wait3A = arith.constant 0 : i32
      %dma_wait3A_63 = tpu.memref_slice %arg8[%arg0, %mul3A_57, %dma_wait3A] : memref<2x10240x64xf32, #tpu.memory_space<hbm>> -> memref<1x640x64xf32, #tpu.memory_space<hbm>>
      %dma_wait3A_64 = tpu.memref_squeeze %dma_wait3A_63 : memref<1x640x64xf32, #tpu.memory_space<hbm>> -> memref<640x64xf32, #tpu.memory_space<hbm>>
      %dma_wait3A_65 = arith.constant 0 : i32
      %dma_wait3A_66 = tpu.memref_slice %arg8[%arg0, %mul3A_57, %dma_wait3A_65] : memref<2x10240x64xf32, #tpu.memory_space<hbm>> -> memref<1x640x64xf32, #tpu.memory_space<hbm>>
      %dma_wait3A_67 = tpu.memref_squeeze %dma_wait3A_66 : memref<1x640x64xf32, #tpu.memory_space<hbm>> -> memref<640x64xf32, #tpu.memory_space<hbm>>
      tpu.wait_dma2 semaphore(%run_scoped3A : memref<!tpu.dma_semaphore, #tpu.memory_space<semaphore_mem>>) src(%arg18 : memref<640x64xf32, #tpu.memory_space<vmem>>) dst(%dma_wait3A_67 : memref<640x64xf32, #tpu.memory_space<hbm>>)
      tpu.yield
    }) : () -> ()
    return
  }
}

module attributes {stable_mosaic.version = 14 : i64} {
  func.func @_tc_pre_body(%arg0: memref<10240x128xf32, #tpu.memory_space<vmem>>, %arg1: memref<128x128xf32, #tpu.memory_space<vmem>>, %arg2: memref<128xf32, #tpu.memory_space<vmem>>, %arg3: memref<128xf32, #tpu.memory_space<vmem>>, %arg4: memref<2x10240x64xf32, #tpu.memory_space<vmem>>, %arg5: memref<10240xf32, #tpu.memory_space<vmem>>, %arg6: memref<10240xf32, #tpu.memory_space<vmem>>) attributes {dimension_semantics = [], scalar_prefetch = 0 : i64, scratch_operands = 0 : i64, tpu.core_type = #tpu.core_type<tc>} {
    %get3A = arith.constant 0 : index
    %get3A_0 = arith.constant 0 : index
    %get3A_1 = vector.load %arg0[%get3A, %get3A_0] : memref<10240x128xf32, #tpu.memory_space<vmem>>, vector<10240x128xf32>
    %get3A_2 = arith.constant 0 : index
    %get3A_3 = arith.constant 0 : index
    %get3A_4 = vector.load %arg1[%get3A_2, %get3A_3] : memref<128x128xf32, #tpu.memory_space<vmem>>, vector<128x128xf32>
    %dot_general3A = arith.constant dense<0.000000e+00> : vector<10240x128xf32>
    %dot_general3A_5 = tpu.matmul %get3A_1, %get3A_4, %dot_general3A {dimension_numbers = #tpu.dot_dimension_numbers<[1], [0], [0], [1], [0, 0, 1, 1], [], []>, transpose_lhs_hint = false} : vector<10240x128xf32>, vector<128x128xf32>, vector<10240x128xf32> -> vector<10240x128xf32>
    %slice3A = vector.extract_strided_slice %dot_general3A_5 {offsets = [0, 0], sizes = [10240, 64], strides = [1, 1]} : vector<10240x128xf32> to vector<10240x64xf32>
    %swap3A = arith.constant 0 : index
    %swap3A_6 = arith.constant 0 : index
    %swap3A_7 = arith.constant 0 : index
    %swap3A_8 = vector.load %arg4[%swap3A, %swap3A_6, %swap3A_7] : memref<2x10240x64xf32, #tpu.memory_space<vmem>>, vector<1x10240x64xf32>
    %swap3A_9 = vector.shape_cast %swap3A_8 : vector<1x10240x64xf32> to vector<10240x64xf32>
    %swap3A_10 = vector.shape_cast %slice3A : vector<10240x64xf32> to vector<1x10240x64xf32>
    tpu.vector_store %arg4[%swap3A, %swap3A_6, %swap3A_7], %swap3A_10 {strides = array<i32>} : memref<2x10240x64xf32, #tpu.memory_space<vmem>>, vector<1x10240x64xf32>,
    %slice3A_11 = vector.extract_strided_slice %dot_general3A_5 {offsets = [0, 64], sizes = [10240, 64], strides = [1, 1]} : vector<10240x128xf32> to vector<10240x64xf32>
    %swap3A_12 = arith.constant 1 : index
    %swap3A_13 = arith.constant 0 : index
    %swap3A_14 = arith.constant 0 : index
    %swap3A_15 = vector.load %arg4[%swap3A_12, %swap3A_13, %swap3A_14] : memref<2x10240x64xf32, #tpu.memory_space<vmem>>, vector<1x10240x64xf32>
    %swap3A_16 = vector.shape_cast %swap3A_15 : vector<1x10240x64xf32> to vector<10240x64xf32>
    %swap3A_17 = vector.shape_cast %slice3A_11 : vector<10240x64xf32> to vector<1x10240x64xf32>
    tpu.vector_store %arg4[%swap3A_12, %swap3A_13, %swap3A_14], %swap3A_17 {strides = array<i32>} : memref<2x10240x64xf32, #tpu.memory_space<vmem>>, vector<1x10240x64xf32>,
    %get3A_18 = arith.constant 0 : index
    %get3A_19 = vector.load %arg2[%get3A_18] : memref<128xf32, #tpu.memory_space<vmem>>, vector<128xf32>
    %dot_general3A_20 = arith.constant dense<0.000000e+00> : vector<10240xf32>
    %dot_general3A_21 = tpu.matmul %dot_general3A_5, %get3A_19, %dot_general3A_20 {dimension_numbers = #tpu.dot_dimension_numbers<[1], [0], [0], [], [0, 0], [], []>, transpose_lhs_hint = false} : vector<10240x128xf32>, vector<128xf32>, vector<10240xf32> -> vector<10240xf32>
    %swap3A_22 = arith.constant 0 : index
    %swap3A_23 = vector.load %arg5[%swap3A_22] : memref<10240xf32, #tpu.memory_space<vmem>>, vector<10240xf32>
    tpu.vector_store %arg5[%swap3A_22], %dot_general3A_21 {strides = array<i32>} : memref<10240xf32, #tpu.memory_space<vmem>>, vector<10240xf32>,
    %get3A_24 = arith.constant 0 : index
    %get3A_25 = vector.load %arg3[%get3A_24] : memref<128xf32, #tpu.memory_space<vmem>>, vector<128xf32>
    %dot_general3A_26 = arith.constant dense<0.000000e+00> : vector<10240xf32>
    %dot_general3A_27 = tpu.matmul %dot_general3A_5, %get3A_25, %dot_general3A_26 {dimension_numbers = #tpu.dot_dimension_numbers<[1], [0], [0], [], [0, 0], [], []>, transpose_lhs_hint = false} : vector<10240x128xf32>, vector<128xf32>, vector<10240xf32> -> vector<10240xf32>
    %swap3A_28 = arith.constant 0 : index
    %swap3A_29 = vector.load %arg6[%swap3A_28] : memref<10240xf32, #tpu.memory_space<vmem>>, vector<10240xf32>
    tpu.vector_store %arg6[%swap3A_28], %dot_general3A_27 {strides = array<i32>} : memref<10240xf32, #tpu.memory_space<vmem>>, vector<10240xf32>,
    return
  }
}

module attributes {stable_mosaic.version = 14 : i64} {
  func.func @_tc_post_body(%arg0: memref<2x10240x64xf32, #tpu.memory_space<vmem>>, %arg1: memref<128xf32, #tpu.memory_space<vmem>>, %arg2: memref<10240x128xf32, #tpu.memory_space<vmem>>) attributes {dimension_semantics = [], scalar_prefetch = 0 : i64, scratch_operands = 0 : i64, tpu.core_type = #tpu.core_type<tc>} {
    %get3A = arith.constant 0 : index
    %get3A_0 = arith.constant 0 : index
    %get3A_1 = arith.constant 0 : index
    %get3A_2 = vector.load %arg0[%get3A, %get3A_0, %get3A_1] : memref<2x10240x64xf32, #tpu.memory_space<vmem>>, vector<1x10240x64xf32>
    %get3A_3 = vector.shape_cast %get3A_2 : vector<1x10240x64xf32> to vector<10240x64xf32>
    %get3A_4 = arith.constant 1 : index
    %get3A_5 = arith.constant 0 : index
    %get3A_6 = arith.constant 0 : index
    %get3A_7 = vector.load %arg0[%get3A_4, %get3A_5, %get3A_6] : memref<2x10240x64xf32, #tpu.memory_space<vmem>>, vector<1x10240x64xf32>
    %get3A_8 = vector.shape_cast %get3A_7 : vector<1x10240x64xf32> to vector<10240x64xf32>
    %concatenate3A = tpu.concatenate %get3A_3, %get3A_8 in 1 : vector<10240x64xf32>, vector<10240x64xf32> -> vector<10240x128xf32>
    %get3A_9 = arith.constant 0 : index
    %get3A_10 = vector.load %arg1[%get3A_9] : memref<128xf32, #tpu.memory_space<vmem>>, vector<128xf32>
    %broadcast_in_dim3A = vector.shape_cast %get3A_10 : vector<128xf32> to vector<1x128xf32>
    %add3A = vector.broadcast %broadcast_in_dim3A : vector<1x128xf32> to vector<10240x128xf32>
    %add3A_11 = arith.addf %concatenate3A, %add3A : vector<10240x128xf32>
    %logistic3A = arith.negf %add3A_11 : vector<10240x128xf32>
    %logistic3A_12 = math.exp %logistic3A : vector<10240x128xf32>
    %logistic3A_13 = arith.constant 1.000000e+00 : f32
    %logistic3A_14 = vector.broadcast %logistic3A_13 : f32 to vector<10240x128xf32>
    %logistic3A_15 = arith.addf %logistic3A_14, %logistic3A_12 : vector<10240x128xf32>
    %logistic3A_16 = arith.divf %logistic3A_14, %logistic3A_15 : vector<10240x128xf32>
    %swap3A = arith.constant 0 : index
    %swap3A_17 = arith.constant 0 : index
    %swap3A_18 = vector.load %arg2[%swap3A, %swap3A_17] : memref<10240x128xf32, #tpu.memory_space<vmem>>, vector<10240x128xf32>
    tpu.vector_store %arg2[%swap3A, %swap3A_17], %logistic3A_16 {strides = array<i32>} : memref<10240x128xf32, #tpu.memory_space<vmem>>, vector<10240x128xf32>,
    return
  }
}

</mosaic_0001>

<sc_bundles>
// kernel: kernel.5.cloned.1.call-start
scs
__scs_entry_jumppad:
0x0: {  	(pc) =	sbr.rel $0x88, $3  }
0x1: {  	(tag) =	ssettag $0x0;
	lr =	simm.s32 $0x1  }
0x2: {  	[smem:$0x3F9B] =	sst lr;
	_ =	strace $0xD0000000  }
0x3: {  	_ = 	snop  }
0x4: {  	_ = 	snop  }
0x5: {  	_ = 	snop  }
0x6: {  	_ = 	snop  }
0x7: {  	_ = 	snop  }
__scs_overlays_trampoline_lowered:
0x8: {  	[smem:$0x3FAA] =	sst s0  }
0x9: {  	[smem:$0x3FAB] =	sst s1  }
0xa: {  	[smem:$0x3FAC] =	sst s2  }
0xb: {  	[smem:$0x3FAD] =	sst s3  }
0xc: {  	[smem:$0x3FAE] =	sst s4  }
0xd: {  	[smem:$0x3FAF] =	sst s5  }
0xe: {  	[smem:$0x3FB0] =	sst s6  }
0xf: {  	[smem:$0x3FB1] =	sst s7  }
0x10: {  	[smem:$0x3FB2] =	sst s8  }
0x11: {  	[smem:$0x3FB3] =	sst s9;
	s0 =	simm.s32 @!p0 $0x0  }
0x12: {  	s1 =	sld [smem:$0x3F99];
	s0 =	simm.s32 @p0 $0x1  }
0x13: {  	[smem:$0x3FB4] =	sst s0;
	s0 =	simm.s32 @!p1 $0x0  }
0x14: {  	s2 =	sld [smem:$0x3F98];
	s0 =	simm.s32 @p1 $0x1  }
0x15: {  	[smem:$0x3FB5] =	sst s0;
	s0 =	simm.s32 @!p2 $0x0  }
0x16: {  	s3 =	sld [smem:$0x3FDB];
	s0 =	simm.s32 @p2 $0x1  }
0x17: {  	s4 =	simm.s32 $0x1BF5;
	[smem:$0x3FB7] =	sst s0  }
0x18: {  	s0 =	sld [smem:$0x3F9A];
	_ =	swait.ge [sflag:s4], $0x0  }
0x19: {  	s7 =	sld [smem:$0x3F9B]  }
0x1a: {  	s8 =	sadd.s32 $0xFFFFE003, lr  }
0x1b: {  	s9 =	sadd.s32 $0xFFFFFEF7, lr;
	s5 =	simm.s32 $0xFFFFFFFF;
	p2 =	slt.u32 s8, $0xFFFFF086  }
0x1c: {  	p1 =	slt.u32 s9, $0xF7A;
	s5 =	simm.s32 @!p2 $0x0  }
0x1d: {  	s5 =	simm.s32 @p1 $0x1;
	p0 =	seq.s32 s7, s2  }
0x1e: {  	s7 =	smul.u32 @!p0 $0xF7A, s2;
	p2 =	seq.s32 @!p0 s5, $0x0  }
0x1f: {  	s9 =	smul.u32 $0xF7A, s1;
	s8 =	simm.s32 @!p0 $0x1BF5;
	p2 =	por !p2, p0  }
0x20: {  	[sflag:s8] =	ssyncset.s32 @!p0 $0xFFFFF086;
	s6 =	sadd.s32 @!p0 s3, s7;
	s7 =	simm.s32 @!p0 $0x108  }
0x21: {  	s3 =	sadd.s32 s3, s9;
	s6 =	sadd.s32 @!p0 $0x88, s6;
	s7 =	simm.s32 @p2 $0x1082  }
0x22: {  	[simem:s7], [sflag:s8] =	dma.local @!p0 [hbm:s6], $0xF7A  }
0x23: {  	s9 =	sor.u32 $0xD0000000, s2;
	s6 =	simm.s32 $0x108;
	_ =	swait.ge @!p0 [sflag:s8], $0x0  }
0x24: {  	s3 =	sadd.s32 $0x88, s3;
	s6 =	simm.s32 @!p1 $0x1082;
	[sflag:s4] =	ssyncset.s32 $0xFFFFF086  }
0x25: {  	[simem:s6], [sflag:s4] =	dma.local [hbm:s3], $0xF7A  }
0x26: {  	[smem:$0x3F9B] =	sst s1;
	(tag) =	ssettag s2;
	_ =	strace s9  }
0x27: {  	s1 =	sld [smem:$0x3FAB]  }
0x28: {  	s2 =	sld [smem:$0x3FAC]  }
0x29: {  	s4 =	sld [smem:$0x3FAE]  }
0x2a: {  	p0 =	seq.s32 s5, $0x0;
	s5 =	sld [smem:$0x3FAF]  }
0x2b: {  	s6 =	sld [smem:$0x3FB0]  }
0x2c: {  	s7 =	sld [smem:$0x3FB1]  }
0x2d: {  	s3 =	simm.s32 $0x108;
	s8 =	sld [smem:$0x3FB2]  }
0x2e: {  	s3 =	simm.s32 @!p0 $0x1082;
	s9 =	sld [smem:$0x3FB3]  }
0x2f: {  	lr =	sadd.s32 s0, s3;
	s0 =	sld [smem:$0x3FAA]  }
0x30: {  	s3 =	sld [smem:$0x3FAD]  }
0x31: {  	[smem:$0x3FB6] =	sst s10  }
0x32: {  	s10 =	sld [smem:$0x3FB4];
	_ =	sdelay $0x3  }
0x33: {  	p0 =	seq.s32 s10, $0x1;
	s10 =	sld [smem:$0x3FB6];
	_ =	sdelay $0x3  }
0x34: {  	[smem:$0x3FB6] =	sst s10  }
0x35: {  	s10 =	sld [smem:$0x3FB5];
	_ =	sdelay $0x3  }
0x36: {  	p1 =	seq.s32 s10, $0x1;
	s10 =	sld [smem:$0x3FB6];
	_ =	sdelay $0x3  }
0x37: {  	[smem:$0x3FB6] =	sst s10  }
0x38: {  	s10 =	sld [smem:$0x3FB7]  }
0x39: {  	_ = 	snop;
	(pc) =	sbr.ind lr, $3  }
0x3a: {  	_ = 	snop  }
0x3b: {  	_ = 	snop  }
0x3c: {  	p2 =	seq.s32 s10, $0x1;
	s10 =	sld [smem:$0x3FB6]  }
0x3d: {  	_ =	shalt  }
0x3e: {  	_ =	shalt  }
0x3f: {  	_ =	shalt  }
0x40: {  	_ =	shalt  }
0x41: {  	_ =	shalt  }
0x42: {  	_ =	shalt  }
0x43: {  	_ =	shalt  }
0x44: {  	_ =	shalt  }
0x45: {  	_ =	shalt  }
0x46: {  	_ =	shalt  }
0x47: {  	_ =	shalt  }
0x48: {  	_ =	shalt  }
0x49: {  	_ =	shalt  }
0x4a: {  	_ =	shalt  }
0x4b: {  	_ =	shalt  }
0x4c: {  	_ =	shalt  }
0x4d: {  	_ =	shalt  }
0x4e: {  	_ =	shalt  }
0x4f: {  	_ =	shalt  }
0x50: {  	_ =	shalt  }
0x51: {  	_ =	shalt  }
0x52: {  	_ =	shalt  }
0x53: {  	_ =	shalt  }
0x54: {  	_ =	shalt  }
0x55: {  	_ =	shalt  }
0x56: {  	_ =	shalt  }
0x57: {  	_ =	shalt  }
0x58: {  	_ =	shalt  }
0x59: {  	_ =	shalt  }
0x5a: {  	_ =	shalt  }
0x5b: {  	_ =	shalt  }
0x5c: {  	_ =	shalt  }
0x5d: {  	_ =	shalt  }
0x5e: {  	_ =	shalt  }
0x5f: {  	_ =	shalt  }
0x60: {  	_ =	shalt  }
0x61: {  	_ =	shalt  }
0x62: {  	_ =	shalt  }
0x63: {  	_ =	shalt  }
0x64: {  	_ =	shalt  }
0x65: {  	_ =	shalt  }
0x66: {  	_ =	shalt  }
0x67: {  	_ =	shalt  }
0x68: {  	_ =	shalt  }
0x69: {  	_ =	shalt  }
0x6a: {  	_ =	shalt  }
0x6b: {  	_ =	shalt  }
0x6c: {  	_ =	shalt  }
0x6d: {  	_ =	shalt  }
0x6e: {  	_ =	shalt  }
0x6f: {  	_ =	shalt  }
0x70: {  	_ =	shalt  }
0x71: {  	_ =	shalt  }
0x72: {  	_ =	shalt  }
0x73: {  	_ =	shalt  }
0x74: {  	_ =	shalt  }
0x75: {  	_ =	shalt  }
0x76: {  	_ =	shalt  }
0x77: {  	_ =	shalt  }
0x78: {  	_ =	shalt  }
0x79: {  	_ =	shalt  }
0x7a: {  	_ =	shalt  }
0x7b: {  	_ =	shalt  }
0x7c: {  	_ =	shalt  }
0x7d: {  	_ =	shalt  }
0x7e: {  	_ =	shalt  }
0x7f: {  	_ =	shalt  }
0x80: {  	_ =	shalt  }
0x81: {  	_ =	shalt  }
0x82: {  	_ =	shalt  }
0x83: {  	_ =	shalt  }
0x84: {  	_ =	shalt  }
0x85: {  	_ =	shalt  }
0x86: {  	_ =	shalt  }
0x87: {  	_ =	shalt  }
.Lfunc_end0:
.L_simem_size_0:
called_computation_lowered:
.L_overlay_start_0:
0x88: {  	s2 =	sld [smem:$0x3FD9]  }
0x89: {  	s3 =	sld [smem:$0x3FFE];
	_ =	sdelay $0x1  }
0x8a: {  	s1 =	srdreg.scid  }
0x8b: {  	s0 =	sand.u32 $0x1, s1  }
0x8c: {  	s17 =	sshll.u32 s0, $0xA;
	s2 =	sadd.s32 s3, s2  }
0x8d: {  	s2 =	sadd.s32 s2, s17  }
0x8e: {  	[smem:$0x3FC2] =	sst s2  }
0x8f: {  	_ = 	snop  }
0x90: {  	s2 =	sld [smem:$0x3FD0];
	(tm) =	ssettm $0x1  }
0x91: {  	s18 =	sld [smem:$0x3FFB];
	_ =	sdelay $0x3  }
0x92: {  	_ =	strace s18  }
0x93: {  	s3 =	sld [smem:$0x3FFC];
	_ =	sdelay $0x3  }
0x94: {  	_ =	strace s3  }
0x95: {  	s3 =	sld [smem:$0x3FFD];
	_ =	sdelay $0x3  }
0x96: {  	_ =	strace s3  }
0x97: {  	_ =	strace $0x8FFFFFFF  }
0x98: {  	s19 =	sld [smem:$0x3FDB];
	_ =	sdelay $0x1  }
0x99: {  	s4 =	simm.s32 $_scs_section_size  }
0x9a: {  	s5 =	simm.s32 $_size__tile_overlayer_lowered;
	s6 =	simm.s32 $_tile_overlayer_lowered  }
0x9b: {  	s22 =	simm.s32 $0x1BFF;
	s21 =	sshll.u32 s6, $0x1;
	s3 =	sadd.s32 s4, s19  }
0x9c: {  	s7 =	simm.s32 $0x0;
	s20 =	sshll.u32 s5, $0x1;
	s5 =	sadd.s32 s21, s3  }
0x9d: {  	[timem:s7], [sflag:s22] =	dma.local [hbm:s5], s20  }
0x9e: {  	_ =	swait.ge [sflag:s22], s20  }
0x9f: {  	s4 =	ssub.s32 $0x0, s20;
	[sflag:s22] =	ssyncset.done $0x0  }
0xa0: {  	[sflag:s22] =	ssyncadd.s32 s4;
	_ =	sdelay $0x1  }
0xa1: {  	s23 =	simm.s32 $0x1B8B  }
0xa2: {  	_ =	swait.ge [sflag:s23], $0x1  }
0xa3: {  	[sflag:s23] =	ssyncset.done $0x0  }
0xa4: {  	s25 =	simm.s32 $0x1B8E;
	s24 =	sld [smem:$0x3FFE];
	[sflag:s23] =	ssyncadd.s32 $0xFFFFFFFF  }
0xa5: {  	s26 =	simm.s32 $execute0_lowered;
	[smem:$0x3FD2] =	sst s25  }
0xa6: {  	s5 =	sshll.u32 s26, $0x1;
	_ =	strace $0x80000046;
	[dreg:$0x1] =	wrdreg $0xFFFFFFFF  }
0xa7: {  	s28 =	simm.s32 $_size_execute0_lowered;
	s3 =	sadd.s32 s3, s5;
	[dreg:$0x0] =	wrdreg $0x0  }
0xa8: {  	s5 =	sshll.u32 s28, $0x1;
	[dreg:$0x2] =	wrdreg s3  }
0xa9: {  	[dreg:$0x3] =	wrdreg s5  }
0xaa: {  	[dreg:$0x4] =	wrdreg $0xC0  }
0xab: {  	_ =	task [dreg:s7], $0x5FFFF  }
0xac: {  	[dreg:$0x1] =	wrdreg $0xFFFFFFFF  }
0xad: {  	[dreg:$0x0] =	wrdreg $0x60  }
0xae: {  	[dreg:$0x2] =	wrdreg s24  }
0xaf: {  	[dreg:$0x3] =	wrdreg s2  }
0xb0: {  	[dreg:$0x4] =	wrdreg $0x15FD00  }
0xb1: {  	[dreg:$0x5] =	wrdreg $0x15D500  }
0xb2: {  	[dreg:$0x6] =	wrdreg $0x9  }
0xb3: {  	_ =	task.clear_ibuf [dreg:s7], $0x7FFFF;
	_ =	strace $0x90000046  }
0xb4: {  	s29 =	simm.s32 $0x9;
	_ =	strace $0x80000048  }
0xb5: {  	_ =	swait.ge [sflag:s29], $0x1  }
0xb6: {  	[sflag:s29] =	ssyncadd.s32 $0xFFFFFFFF  }
0xb7: {  	_ =	strace $0x90000048  }
0xb8: {  	_ =	sfence  }
0xb9: {  	s30 =	sld [smem:$0x0];
	_ =	sdelay $0x2  }
0xba: {  	s31 =	sshll.u32 s1, $0xD;
	s1 =	sshrl.u32 s1, $0x2  }
0xbb: {  	s3 =	sand.u32 $0x4000, s31;
	s1 =	sadd.s32 s1, s30  }
0xbc: {  	s0 =	sor.u32 s3, s0;
	s1 =	sshll.u32 s1, $0x11  }
0xbd: {  	s0 =	sor.u32 s1, s0  }
0xbe: {  	s0 =	sadd.s32 $0x8F2B, s0  }
0xbf: {  	[sflag:s0] =	ssyncadd.remote.s32 $0x1  }
0xc0: {  	_ =	sfence.sel $0xFFFF  }
0xc1: {  	[dreg:$0x0] =	wrdreg $0xFFFFFFFF;
	(pc) =	sbr.abs _section_cstart, $3  }
0xc2: {  	[dreg:$0x1] =	wrdreg $0xFFFFFFFF  }
0xc3: {  	_ =	task.clear_ibuf [dreg:s7], $0x2FFFF;
	_ =	strace $0x9FFFFFFF  }
0xc4: {  	(tm) =	ssettm $0x7FFFFFFF  }
0xc5: {  	_ =	shalt  }
tec
execute0_lowered:
.L_overlay_start_1:
0x0: {  	(tag) =	ssettag $0x1  }
0x1: {  	s0 =	rddreg [dreg:$0x0]  }
0x2: {  	s1 =	rddreg [dreg:$0x1]  }
0x3: {  	s2 =	rddreg [dreg:$0x2]  }
0x4: {  	s3 =	rddreg [dreg:$0x3]  }
0x5: {  	s4 =	srdreg.scid;
	s18 =	stileid.u32  }
0x6: {  	s16 =	simm.s32 $0x2800;
	s17 =	simm.s32 $0x7800;
	s19 =	simm.s32 $0x7850  }
0x7: {  	s20 =	simm.s32 $0x7950;
	s21 =	simm.s32 $0x80;
	s22 =	simm.s32 $0x7A50  }
0x8: {  	s23 =	simm.s32 $0x5000;
	s24 =	simm.s32 $0x1;
	s26 =	simm.s32 $0xBAD0  }
0x9: {  	s28 =	simm.s32 $0x0;
	s8 =	sand.u32 $0x1, s4;
	s9 =	smul.u32 $0xA000, s18  }
0xa: {  	s4 =	simm.s32 $0x0;
	s6 =	sadd.s32 $0xC00, s0;
	s14 =	smul.u32 $0xA00, s18  }
0xb: {  	s7 =	sadd.s32 $0x1200, s0;
	p0 =	sne.s32 s18, $0x0;
	s5 =	smul.u32 $0x14000, s8  }
0xc: {  	[smem:$0x7FF] =	sst s4;
	s10 =	smul.u32 $0xA0000, s8;
	s12 =	ssub.s32 $0x2, s8  }
0xd: {  	s8 =	sadd.s32 $0x33A00, s0;
	_ =	strace $0x80000047;
	s13 =	sshrl.u32 s12, $0x1  }
0xe: {  	s31 =	sshrl.u32 s14, $0x2;
	s11 =	sadd.s32 s5, s0;
	s5 =	sadd.s32 $0x29800, s0  }
0xf: {  	s10 =	sadd.s32 s9, s10;
	s15 =	ssub.s32 s12, s13;
	s9 =	sadd.s32 s9, s2  }
0x10: {  	s12 =	sadd.s32 s31, s3;
	s10 =	sshrl.u32 s10, $0x3;
	s11 =	sadd.s32 $0x1800, s11  }
0x11: {  	s14 =	smax.u32 s15, $0x1;
	s15 =	simm.s32 $0x2;
	s0 =	sadd.s32 s10, s0  }
0x12: {  	v0 =	vimm.f32 $0.0e+00;
	s10 =	smul.u32 $0x5100, s18;
	s18 =	simm.s32 $0xBD50;
	s13 =	sadd.s32 $0x33C00, s0  }
.LBB2_1:
0x13: {  	[tilespmem:s4], [sflag:$0x2] =	stream.linear.gather [hbm4b:s6+s4], $0x2800, $0x38;
	v63 =	vld [tilespmem:$0x0]  }
0x14: {  	_ =	swait.ge [sflag:s15], $0x2800  }
0x15: {  	[sflag:s15] =	ssyncset.done $0x0  }
0x16: {  	[sflag:s15] =	ssyncadd.s32 $0xFFFFD800  }
0x17: {  	[tilespmem:s16], [sflag:$0x2] =	stream.linear.gather [hbm4b:s7+s4], $0x2800, $0x38;
	v63 =	vld [tilespmem:$0x0]  }
0x18: {  	_ =	swait.ge [sflag:s15], $0x2800  }
0x19: {  	[sflag:s15] =	ssyncset.done $0x0  }
0x1a: {  	[sflag:s15] =	ssyncadd.s32 $0xFFFFD800  }
0x1b: {  	[tilespmem:s17], [sflag:$0x2] =	stream.linear.gather [hbm4b:s8+s4], $0x50, $0x38;
	v63 =	vld [tilespmem:$0x0]  }
0x1c: {  	_ =	swait.ge [sflag:s15], $0x50  }
0x1d: {  	[sflag:s15] =	ssyncset.done $0x0  }
0x1e: {  	s0 =	simm.s32 $0x0;
	s29 =	simm.s32 $0x200;
	[sflag:s15] =	ssyncadd.s32 $0xFFFFFFB0  }
.LBB2_2:
0x1f: {  	p1 =	sne.s32 s29, $0x9E00;
	[tilespmem:s0+$0x5070] =	vst v0  }
0x20: {  	[tilespmem:s0+$0x5000] =	vst v0  }
0x21: {  	[tilespmem:s0+$0x5010] =	vst v0  }
.Ltmp0:
0x22: {  	[tilespmem:s0+$0x5020] =	vst v0;
	(pc) =	sbr.rel @p1 .LBB2_2-.Ltmp0, $4  }
0x23: {  	[tilespmem:s0+$0x5030] =	vst v0  }
0x24: {  	[tilespmem:s0+$0x5040] =	vst v0  }
0x25: {  	[tilespmem:s0+$0x5050] =	vst v0  }
0x26: {  	[tilespmem:s0+$0x5060] =	vst v0;
	s0 =	sshra.s32 s29, $0x2;
	s29 =	sadd.s32 $0x200, s29  }
0x27: {  	[tilespmem:s0+$0x5070] =	vst v0  }
0x28: {  	[tilespmem:s0+$0x5000] =	vst v0  }
0x29: {  	[tilespmem:s0+$0x5010] =	vst v0  }
0x2a: {  	[tilespmem:s0+$0x5020] =	vst v0  }
0x2b: {  	[tilespmem:s0+$0x5030] =	vst v0  }
0x2c: {  	[tilespmem:s0+$0x5040] =	vst v0  }
0x2d: {  	[tilespmem:s0+$0x5050] =	vst v0  }
0x2e: {  	[tilespmem:s0+$0x5060] =	vst v0;
	s29 =	simm.s32 $0x100;
	s0 =	simm.s32 $0x0  }
.LBB2_4:
0x2f: {  	p1 =	sne.s32 s29, $0x27F00;
	[tilespmem:s0+$0xBD80] =	vst v0;
	s30 =	smov.u32 s29;
	s29 =	sadd.s32 $0x100, s29  }
.Ltmp1:
0x30: {  	[tilespmem:s0+$0xBD70] =	vst v0;
	(pc) =	sbr.rel @p1 .LBB2_4-.Ltmp1, $3  }
0x31: {  	[tilespmem:s0+$0xBD50] =	vst v0  }
0x32: {  	[tilespmem:s0+$0xBD60] =	vst v0;
	_ =	sdelay $0x1  }
0x33: {  	s0 =	sshra.s32 s30, $0x2  }
0x34: {  	[tilespmem:s0+$0xBD80] =	vst v0  }
0x35: {  	[tilespmem:s0+$0xBD70] =	vst v0  }
0x36: {  	[tilespmem:s0+$0xBD50] =	vst v0  }
0x37: {  	[tilespmem:s0+$0xBD60] =	vst v0  }
0x38: {  	[spmem:s9] =	stream.linear.scatter [tilespmem:s18], [sflag:$0x2], $0xA000, $0x38;
	v63 =	vld [tilespmem:$0x0]  }
0x39: {  	_ =	swait.ge [sflag:s15], $0xA000  }
0x3a: {  	[sflag:s15] =	ssyncset.done $0x0  }
0x3b: {  	s0 =	simm.s32 @!p0 $0x5000;
	[sflag:s15] =	ssyncadd.s32 $0xFFFF6000  }
0x3c: {  	[spmem:s3] =	stream.linear.scatter @!p0 [tilespmem:s0], [sflag:$0x2], $0x2800, $0x38;
	v63 =	vld [tilespmem:$0x0]  }
0x3d: {  	s0 =	simm.s32 @!p0 $0x2  }
0x3e: {  	_ =	swait.ge @!p0 [sflag:s0], $0x2800  }
0x3f: {  	[sflag:s0] =	ssyncset.done @!p0 $0x0  }
0x40: {  	[sflag:s0] =	ssyncadd.s32 @!p0 $0xFFFFD800  }
0x41: {  	s29 =	simm.s32 $0x0;
	s30 =	simm.s32 $0x0;
	[bflag:$0x0] =	sbarrier.arrive $0xFFFF  }
.LBB2_6:
0x42: {  	s0 =	sshll.u32 s30, $0x7  }
0x43: {  	s0 =	sadd.s32 s10, s0  }
0x44: {  	s0 =	sshrl.u32 s0, $0x3  }
0x45: {  	s31 =	sadd.s32 s1, s0  }
0x46: {  	[tilespmem:s19], [sflag:$0x2] =	stream.linear.gather [hbm4b:s31+s29], $0x80, $0x38;
	v63 =	vld [tilespmem:$0x0]  }
0x47: {  	_ =	swait.ge [sflag:s15], $0x80  }
0x48: {  	[sflag:s15] =	ssyncset.done $0x0  }
0x49: {  	s0 =	sadd.s32 s5, s0;
	[sflag:s15] =	ssyncadd.s32 $0xFFFFFF80  }
0x4a: {  	[tilespmem:s20], [sflag:$0x2] =	stream.linear.gather [hbm4b:s0+s29], $0x80, $0x38;
	v63 =	vld [tilespmem:$0x0]  }
0x4b: {  	_ =	swait.ge [sflag:s15], $0x80  }
0x4c: {  	[sflag:s15] =	ssyncset.done $0x0  }
0x4d: {  	[sflag:s15] =	ssyncadd.s32 $0xFFFFFF80  }
0x4e: {  	[tilespmem:s22], [sflag:$0x1] =	stream.indirect.gather [hbm4b:s11+s21], $0x40, s19, s21, $0xb8;
	v63 =	vld [tilespmem:$0x0]  }
0x4f: {  	v1 =	vld [tilespmem:$0x7850]  }
0x50: {  	v2 =	vld [tilespmem:$0x7950];
	_ =	sdelay $0x6  }
0x51: {  	v1 =	vld.idx.msk [tilespmem:v1+s29+$0x0], $0xffff  }
0x52: {  	v3 =	vld.idx.msk [tilespmem:v2+s16+$0x0], $0xffff;
	_ =	sdelay $0x4  }
0x53: {  	v1 =	vadd.f32 v3, v1;
	_ =	sdelay $0x1  }
0x54: {  	v3 =	vmul.f32 $2.000000030e-01, v1  }
0x55: {  	vm0 =	vge.f32 v1, $0.0e+00  }
0x56: {  	v1 =	vsel vm0, v1, v3  }
0x57: {  	v1 =	vmul.f32 $1.442695020e+00, v1;
	_ =	sdelay $0x1  }
0x58: {  	(erf) = vpow2.f32 v1;
	_ =	sdelay $0x8  }
0x59: {  	v1 =	vpop (erf)  }
0x5a: {  	[tilespmem:$0xBA50] =	vst v1  }
0x5b: {  	[tilespmem:v2+s23+$0x0] =	vst.idx.add.f32.msk $0xffff, v1  }
0x5c: {  	v1 =	vld [tilespmem:$0x7860]  }
0x5d: {  	v2 =	vld [tilespmem:$0x7960];
	_ =	sdelay $0x6  }
0x5e: {  	v1 =	vld.idx.msk [tilespmem:v1+s29+$0x0], $0xffff  }
0x5f: {  	v3 =	vld.idx.msk [tilespmem:v2+s16+$0x0], $0xffff;
	_ =	sdelay $0x4  }
0x60: {  	v1 =	vadd.f32 v3, v1;
	_ =	sdelay $0x1  }
0x61: {  	v3 =	vmul.f32 $2.000000030e-01, v1  }
0x62: {  	vm9 =	vge.f32 v1, $0.0e+00  }
0x63: {  	v1 =	vsel vm9, v1, v3  }
0x64: {  	v1 =	vmul.f32 $1.442695020e+00, v1;
	_ =	sdelay $0x1  }
0x65: {  	(erf) = vpow2.f32 v1;
	_ =	sdelay $0x8  }
0x66: {  	v1 =	vpop (erf)  }
0x67: {  	[tilespmem:$0xBA60] =	vst v1  }
0x68: {  	[tilespmem:v2+s23+$0x0] =	vst.idx.add.f32.msk $0xffff, v1  }
0x69: {  	v1 =	vld [tilespmem:$0x7870]  }
0x6a: {  	v2 =	vld [tilespmem:$0x7970];
	_ =	sdelay $0x6  }
0x6b: {  	v1 =	vld.idx.msk [tilespmem:v1+s29+$0x0], $0xffff  }
0x6c: {  	v3 =	vld.idx.msk [tilespmem:v2+s16+$0x0], $0xffff;
	_ =	sdelay $0x4  }
0x6d: {  	v1 =	vadd.f32 v3, v1;
	_ =	sdelay $0x1  }
0x6e: {  	v3 =	vmul.f32 $2.000000030e-01, v1  }
0x6f: {  	vm10 =	vge.f32 v1, $0.0e+00  }
0x70: {  	v1 =	vsel vm10, v1, v3  }
0x71: {  	v1 =	vmul.f32 $1.442695020e+00, v1;
	_ =	sdelay $0x1  }
0x72: {  	(erf) = vpow2.f32 v1;
	_ =	sdelay $0x8  }
0x73: {  	v1 =	vpop (erf)  }
0x74: {  	[tilespmem:$0xBA70] =	vst v1  }
0x75: {  	[tilespmem:v2+s23+$0x0] =	vst.idx.add.f32.msk $0xffff, v1  }
0x76: {  	v1 =	vld [tilespmem:$0x7880]  }
0x77: {  	v2 =	vld [tilespmem:$0x7980];
	_ =	sdelay $0x6  }
0x78: {  	v1 =	vld.idx.msk [tilespmem:v1+s29+$0x0], $0xffff  }
0x79: {  	v3 =	vld.idx.msk [tilespmem:v2+s16+$0x0], $0xffff;
	_ =	sdelay $0x4  }
0x7a: {  	v1 =	vadd.f32 v3, v1;
	_ =	sdelay $0x1  }
0x7b: {  	v3 =	vmul.f32 $2.000000030e-01, v1  }
0x7c: {  	vm11 =	vge.f32 v1, $0.0e+00  }
0x7d: {  	v1 =	vsel vm11, v1, v3  }
0x7e: {  	v1 =	vmul.f32 $1.442695020e+00, v1;
	_ =	sdelay $0x1  }
0x7f: {  	(erf) = vpow2.f32 v1;
	_ =	sdelay $0x8  }
0x80: {  	v1 =	vpop (erf)  }
0x81: {  	[tilespmem:$0xBA80] =	vst v1  }
0x82: {  	[tilespmem:v2+s23+$0x0] =	vst.idx.add.f32.msk $0xffff, v1  }
0x83: {  	v1 =	vld [tilespmem:$0x7890]  }
0x84: {  	v2 =	vld [tilespmem:$0x7990];
	_ =	sdelay $0x6  }
0x85: {  	v1 =	vld.idx.msk [tilespmem:v1+s29+$0x0], $0xffff  }
0x86: {  	v3 =	vld.idx.msk [tilespmem:v2+s16+$0x0], $0xffff;
	_ =	sdelay $0x4  }
0x87: {  	v1 =	vadd.f32 v3, v1;
	_ =	sdelay $0x1  }
0x88: {  	v3 =	vmul.f32 $2.000000030e-01, v1  }
0x89: {  	vm12 =	vge.f32 v1, $0.0e+00  }
0x8a: {  	v1 =	vsel vm12, v1, v3  }
0x8b: {  	v1 =	vmul.f32 $1.442695020e+00, v1;
	_ =	sdelay $0x1  }
0x8c: {  	(erf) = vpow2.f32 v1;
	_ =	sdelay $0x8  }
0x8d: {  	v1 =	vpop (erf)  }
0x8e: {  	[tilespmem:$0xBA90] =	vst v1  }
0x8f: {  	[tilespmem:v2+s23+$0x0] =	vst.idx.add.f32.msk $0xffff, v1  }
0x90: {  	v1 =	vld [tilespmem:$0x78A0]  }
0x91: {  	v2 =	vld [tilespmem:$0x79A0];
	_ =	sdelay $0x6  }
0x92: {  	v1 =	vld.idx.msk [tilespmem:v1+s29+$0x0], $0xffff  }
0x93: {  	v3 =	vld.idx.msk [tilespmem:v2+s16+$0x0], $0xffff;
	_ =	sdelay $0x4  }
0x94: {  	v1 =	vadd.f32 v3, v1;
	_ =	sdelay $0x1  }
0x95: {  	v3 =	vmul.f32 $2.000000030e-01, v1  }
0x96: {  	vm13 =	vge.f32 v1, $0.0e+00  }
0x97: {  	v1 =	vsel vm13, v1, v3  }
0x98: {  	v1 =	vmul.f32 $1.442695020e+00, v1;
	_ =	sdelay $0x1  }
0x99: {  	(erf) = vpow2.f32 v1;
	_ =	sdelay $0x8  }
0x9a: {  	v1 =	vpop (erf)  }
0x9b: {  	[tilespmem:$0xBAA0] =	vst v1  }
0x9c: {  	[tilespmem:v2+s23+$0x0] =	vst.idx.add.f32.msk $0xffff, v1  }
0x9d: {  	v1 =	vld [tilespmem:$0x78B0]  }
0x9e: {  	v2 =	vld [tilespmem:$0x79B0];
	_ =	sdelay $0x6  }
0x9f: {  	v1 =	vld.idx.msk [tilespmem:v1+s29+$0x0], $0xffff  }
0xa0: {  	v3 =	vld.idx.msk [tilespmem:v2+s16+$0x0], $0xffff;
	_ =	sdelay $0x4  }
0xa1: {  	v1 =	vadd.f32 v3, v1;
	_ =	sdelay $0x1  }
0xa2: {  	v3 =	vmul.f32 $2.000000030e-01, v1  }
0xa3: {  	vm14 =	vge.f32 v1, $0.0e+00  }
0xa4: {  	v1 =	vsel vm14, v1, v3  }
0xa5: {  	v1 =	vmul.f32 $1.442695020e+00, v1;
	_ =	sdelay $0x1  }
0xa6: {  	(erf) = vpow2.f32 v1;
	_ =	sdelay $0x8  }
0xa7: {  	v1 =	vpop (erf)  }
0xa8: {  	[tilespmem:$0xBAB0] =	vst v1  }
0xa9: {  	[tilespmem:v2+s23+$0x0] =	vst.idx.add.f32.msk $0xffff, v1  }
0xaa: {  	v1 =	vld [tilespmem:$0x78C0]  }
0xab: {  	v2 =	vld [tilespmem:$0x79C0];
	_ =	sdelay $0x6  }
0xac: {  	v1 =	vld.idx.msk [tilespmem:v1+s29+$0x0], $0xffff  }
0xad: {  	v3 =	vld.idx.msk [tilespmem:v2+s16+$0x0], $0xffff;
	_ =	sdelay $0x4  }
0xae: {  	v1 =	vadd.f32 v3, v1;
	_ =	sdelay $0x1  }
0xaf: {  	v3 =	vmul.f32 $2.000000030e-01, v1  }
0xb0: {  	vm15 =	vge.f32 v1, $0.0e+00  }
0xb1: {  	v1 =	vsel vm15, v1, v3  }
0xb2: {  	v1 =	vmul.f32 $1.442695020e+00, v1;
	_ =	sdelay $0x1  }
0xb3: {  	(erf) = vpow2.f32 v1;
	_ =	sdelay $0x8  }
0xb4: {  	v1 =	vpop (erf)  }
0xb5: {  	[tilespmem:$0xBAC0] =	vst v1  }
0xb6: {  	[tilespmem:v2+s23+$0x0] =	vst.idx.add.f32.msk $0xffff, v1  }
0xb7: {  	_ =	swait.ge [sflag:s24], $0x2000  }
0xb8: {  	[sflag:s24] =	ssyncset.done $0x0  }
0xb9: {  	s31 =	simm.s32 $0x7C50;
	s0 =	simm.s32 $0x0;
	[sflag:s24] =	ssyncadd.s32 $0xFFFFE000  }
.LBB2_7:
0xba: {  	s25 =	sshra.s32 s0, $0x2  }
0xbb: {  	v1 =	vld [tilespmem:s25+$0xBA50];
	_ =	sdelay $0x1  }
0xbc: {  	v2 =	vld [tilespmem:s31+$0xFFFFFE00];
	_ =	sdelay $0x2  }
0xbd: {  	v3 =	vbroadcast v1, $0x0;
	_ =	sdelay $0x1  }
0xbe: {  	v2 =	vmul.f32 v3, v2;
	_ =	sdelay $0x1  }
0xbf: {  	[tilespmem:s31+$0xFFFFFE00] =	vst v2;
	v2 =	vld [tilespmem:s31+$0xFFFFFE10];
	_ =	sdelay $0x4  }
0xc0: {  	v2 =	vmul.f32 v2, v3;
	_ =	sdelay $0x1  }
0xc1: {  	[tilespmem:s31+$0xFFFFFE10] =	vst v2;
	v2 =	vld [tilespmem:s31+$0xFFFFFE20];
	_ =	sdelay $0x4  }
0xc2: {  	v2 =	vmul.f32 v2, v3;
	_ =	sdelay $0x1  }
0xc3: {  	[tilespmem:s31+$0xFFFFFE20] =	vst v2;
	v2 =	vld [tilespmem:s31+$0xFFFFFE30];
	_ =	sdelay $0x4  }
0xc4: {  	v2 =	vmul.f32 v2, v3;
	_ =	sdelay $0x1  }
0xc5: {  	[tilespmem:s31+$0xFFFFFE30] =	vst v2;
	v2 =	vld [tilespmem:s31+$0xFFFFFE40];
	_ =	sdelay $0x2  }
0xc6: {  	v3 =	vbroadcast v1, $0x1;
	_ =	sdelay $0x1  }
0xc7: {  	v2 =	vmul.f32 v2, v3;
	_ =	sdelay $0x1  }
0xc8: {  	[tilespmem:s31+$0xFFFFFE40] =	vst v2;
	v2 =	vld [tilespmem:s31+$0xFFFFFE50];
	_ =	sdelay $0x4  }
0xc9: {  	v2 =	vmul.f32 v2, v3;
	_ =	sdelay $0x1  }
0xca: {  	[tilespmem:s31+$0xFFFFFE50] =	vst v2;
	v2 =	vld [tilespmem:s31+$0xFFFFFE60];
	_ =	sdelay $0x4  }
0xcb: {  	v2 =	vmul.f32 v2, v3;
	_ =	sdelay $0x1  }
0xcc: {  	[tilespmem:s31+$0xFFFFFE60] =	vst v2;
	v2 =	vld [tilespmem:s31+$0xFFFFFE70];
	_ =	sdelay $0x4  }
0xcd: {  	v2 =	vmul.f32 v2, v3;
	_ =	sdelay $0x1  }
0xce: {  	[tilespmem:s31+$0xFFFFFE70] =	vst v2;
	v2 =	vld [tilespmem:s31+$0xFFFFFE80];
	_ =	sdelay $0x2  }
0xcf: {  	v3 =	vbroadcast v1, $0x2;
	_ =	sdelay $0x1  }
0xd0: {  	v2 =	vmul.f32 v2, v3;
	_ =	sdelay $0x1  }
0xd1: {  	[tilespmem:s31+$0xFFFFFE80] =	vst v2;
	v2 =	vld [tilespmem:s31+$0xFFFFFE90];
	_ =	sdelay $0x4  }
0xd2: {  	v2 =	vmul.f32 v2, v3;
	_ =	sdelay $0x1  }
0xd3: {  	[tilespmem:s31+$0xFFFFFE90] =	vst v2;
	v2 =	vld [tilespmem:s31+$0xFFFFFEA0];
	_ =	sdelay $0x4  }
0xd4: {  	v2 =	vmul.f32 v2, v3;
	_ =	sdelay $0x1  }
0xd5: {  	[tilespmem:s31+$0xFFFFFEA0] =	vst v2;
	v2 =	vld [tilespmem:s31+$0xFFFFFEB0];
	_ =	sdelay $0x4  }
0xd6: {  	v2 =	vmul.f32 v2, v3;
	_ =	sdelay $0x1  }
0xd7: {  	[tilespmem:s31+$0xFFFFFEB0] =	vst v2;
	v2 =	vld [tilespmem:s31+$0xFFFFFEC0];
	_ =	sdelay $0x2  }
0xd8: {  	v3 =	vbroadcast v1, $0x3;
	_ =	sdelay $0x1  }
0xd9: {  	v2 =	vmul.f32 v2, v3;
	_ =	sdelay $0x1  }
0xda: {  	[tilespmem:s31+$0xFFFFFEC0] =	vst v2;
	v2 =	vld [tilespmem:s31+$0xFFFFFED0];
	_ =	sdelay $0x4  }
0xdb: {  	v2 =	vmul.f32 v2, v3;
	_ =	sdelay $0x1  }
0xdc: {  	[tilespmem:s31+$0xFFFFFED0] =	vst v2;
	v2 =	vld [tilespmem:s31+$0xFFFFFEE0];
	_ =	sdelay $0x4  }
0xdd: {  	v2 =	vmul.f32 v2, v3;
	_ =	sdelay $0x1  }
0xde: {  	[tilespmem:s31+$0xFFFFFEE0] =	vst v2;
	v2 =	vld [tilespmem:s31+$0xFFFFFEF0];
	_ =	sdelay $0x4  }
0xdf: {  	v2 =	vmul.f32 v2, v3;
	_ =	sdelay $0x1  }
0xe0: {  	[tilespmem:s31+$0xFFFFFEF0] =	vst v2;
	v2 =	vld [tilespmem:s31+$0xFFFFFF00];
	_ =	sdelay $0x2  }
0xe1: {  	v3 =	vbroadcast v1, $0x4;
	_ =	sdelay $0x1  }
0xe2: {  	v2 =	vmul.f32 v2, v3;
	_ =	sdelay $0x1  }
0xe3: {  	[tilespmem:s31+$0xFFFFFF00] =	vst v2;
	v2 =	vld [tilespmem:s31+$0xFFFFFF10];
	_ =	sdelay $0x4  }
0xe4: {  	v2 =	vmul.f32 v2, v3;
	_ =	sdelay $0x1  }
0xe5: {  	[tilespmem:s31+$0xFFFFFF10] =	vst v2;
	v2 =	vld [tilespmem:s31+$0xFFFFFF20];
	_ =	sdelay $0x4  }
0xe6: {  	v2 =	vmul.f32 v2, v3;
	_ =	sdelay $0x1  }
0xe7: {  	[tilespmem:s31+$0xFFFFFF20] =	vst v2;
	v2 =	vld [tilespmem:s31+$0xFFFFFF30];
	_ =	sdelay $0x4  }
0xe8: {  	v2 =	vmul.f32 v2, v3;
	_ =	sdelay $0x1  }
0xe9: {  	[tilespmem:s31+$0xFFFFFF30] =	vst v2;
	v2 =	vld [tilespmem:s31+$0xFFFFFF40];
	_ =	sdelay $0x2  }
0xea: {  	v3 =	vbroadcast v1, $0x5;
	_ =	sdelay $0x1  }
0xeb: {  	v2 =	vmul.f32 v2, v3;
	_ =	sdelay $0x1  }
0xec: {  	[tilespmem:s31+$0xFFFFFF40] =	vst v2;
	v2 =	vld [tilespmem:s31+$0xFFFFFF50];
	_ =	sdelay $0x4  }
0xed: {  	v2 =	vmul.f32 v2, v3;
	_ =	sdelay $0x1  }
0xee: {  	[tilespmem:s31+$0xFFFFFF50] =	vst v2;
	v2 =	vld [tilespmem:s31+$0xFFFFFF60];
	_ =	sdelay $0x4  }
0xef: {  	v2 =	vmul.f32 v2, v3;
	_ =	sdelay $0x1  }
0xf0: {  	[tilespmem:s31+$0xFFFFFF60] =	vst v2;
	v2 =	vld [tilespmem:s31+$0xFFFFFF70];
	_ =	sdelay $0x4  }
0xf1: {  	v2 =	vmul.f32 v2, v3;
	_ =	sdelay $0x1  }
0xf2: {  	[tilespmem:s31+$0xFFFFFF70] =	vst v2;
	v2 =	vld [tilespmem:s31+$0xFFFFFF80];
	_ =	sdelay $0x2  }
0xf3: {  	v3 =	vbroadcast v1, $0x6;
	_ =	sdelay $0x1  }
0xf4: {  	v2 =	vmul.f32 v2, v3;
	_ =	sdelay $0x1  }
0xf5: {  	[tilespmem:s31+$0xFFFFFF80] =	vst v2;
	v2 =	vld [tilespmem:s31+$0xFFFFFF90];
	_ =	sdelay $0x4  }
0xf6: {  	v2 =	vmul.f32 v2, v3;
	_ =	sdelay $0x1  }
0xf7: {  	[tilespmem:s31+$0xFFFFFF90] =	vst v2;
	v2 =	vld [tilespmem:s31+$0xFFFFFFA0];
	_ =	sdelay $0x4  }
0xf8: {  	v2 =	vmul.f32 v2, v3;
	_ =	sdelay $0x1  }
0xf9: {  	[tilespmem:s31+$0xFFFFFFA0] =	vst v2;
	v2 =	vld [tilespmem:s31+$0xFFFFFFB0];
	_ =	sdelay $0x4  }
0xfa: {  	v2 =	vmul.f32 v2, v3;
	_ =	sdelay $0x1  }
0xfb: {  	[tilespmem:s31+$0xFFFFFFB0] =	vst v2;
	v2 =	vld [tilespmem:s31+$0xFFFFFFC0];
	_ =	sdelay $0x2  }
0xfc: {  	v3 =	vbroadcast v1, $0x7;
	_ =	sdelay $0x1  }
0xfd: {  	v2 =	vmul.f32 v2, v3;
	_ =	sdelay $0x1  }
0xfe: {  	[tilespmem:s31+$0xFFFFFFC0] =	vst v2;
	v2 =	vld [tilespmem:s31+$0xFFFFFFD0];
	_ =	sdelay $0x4  }
0xff: {  	v2 =	vmul.f32 v2, v3;
	_ =	sdelay $0x1  }
0x100: {  	[tilespmem:s31+$0xFFFFFFD0] =	vst v2;
	v2 =	vld [tilespmem:s31+$0xFFFFFFE0];
	_ =	sdelay $0x4  }
0x101: {  	v2 =	vmul.f32 v2, v3;
	_ =	sdelay $0x1  }
0x102: {  	[tilespmem:s31+$0xFFFFFFE0] =	vst v2;
	v2 =	vld [tilespmem:s31+$0xFFFFFFF0];
	_ =	sdelay $0x4  }
0x103: {  	v2 =	vmul.f32 v2, v3;
	_ =	sdelay $0x1  }
0x104: {  	[tilespmem:s31+$0xFFFFFFF0] =	vst v2;
	v2 =	vld [tilespmem:s31+$0x0];
	_ =	sdelay $0x2  }
0x105: {  	v3 =	vbroadcast v1, $0x8;
	_ =	sdelay $0x1  }
0x106: {  	v2 =	vmul.f32 v2, v3;
	_ =	sdelay $0x1  }
0x107: {  	[tilespmem:s31+$0x0] =	vst v2;
	v2 =	vld [tilespmem:s31+$0x10];
	_ =	sdelay $0x4  }
0x108: {  	v2 =	vmul.f32 v2, v3;
	_ =	sdelay $0x1  }
0x109: {  	[tilespmem:s31+$0x10] =	vst v2;
	v2 =	vld [tilespmem:s31+$0x20];
	_ =	sdelay $0x4  }
0x10a: {  	v2 =	vmul.f32 v2, v3;
	_ =	sdelay $0x1  }
0x10b: {  	[tilespmem:s31+$0x20] =	vst v2;
	v2 =	vld [tilespmem:s31+$0x30];
	_ =	sdelay $0x4  }
0x10c: {  	v2 =	vmul.f32 v2, v3;
	_ =	sdelay $0x1  }
0x10d: {  	[tilespmem:s31+$0x30] =	vst v2;
	v2 =	vld [tilespmem:s31+$0x40];
	_ =	sdelay $0x2  }
0x10e: {  	v3 =	vbroadcast v1, $0x9;
	_ =	sdelay $0x1  }
0x10f: {  	v2 =	vmul.f32 v2, v3;
	_ =	sdelay $0x1  }
0x110: {  	[tilespmem:s31+$0x40] =	vst v2;
	v2 =	vld [tilespmem:s31+$0x50];
	_ =	sdelay $0x4  }
0x111: {  	v2 =	vmul.f32 v2, v3;
	_ =	sdelay $0x1  }
0x112: {  	[tilespmem:s31+$0x50] =	vst v2;
	v2 =	vld [tilespmem:s31+$0x60];
	_ =	sdelay $0x4  }
0x113: {  	v2 =	vmul.f32 v2, v3;
	_ =	sdelay $0x1  }
0x114: {  	[tilespmem:s31+$0x60] =	vst v2;
	v2 =	vld [tilespmem:s31+$0x70];
	_ =	sdelay $0x4  }
0x115: {  	v2 =	vmul.f32 v2, v3;
	_ =	sdelay $0x1  }
0x116: {  	[tilespmem:s31+$0x70] =	vst v2;
	v2 =	vld [tilespmem:s31+$0x80];
	_ =	sdelay $0x2  }
0x117: {  	v3 =	vbroadcast v1, $0xA;
	_ =	sdelay $0x1  }
0x118: {  	v2 =	vmul.f32 v2, v3;
	_ =	sdelay $0x1  }
0x119: {  	[tilespmem:s31+$0x80] =	vst v2;
	v2 =	vld [tilespmem:s31+$0x90];
	_ =	sdelay $0x4  }
0x11a: {  	v2 =	vmul.f32 v2, v3;
	_ =	sdelay $0x1  }
0x11b: {  	[tilespmem:s31+$0x90] =	vst v2;
	v2 =	vld [tilespmem:s31+$0xA0];
	_ =	sdelay $0x4  }
0x11c: {  	v2 =	vmul.f32 v2, v3;
	_ =	sdelay $0x1  }
0x11d: {  	[tilespmem:s31+$0xA0] =	vst v2;
	v2 =	vld [tilespmem:s31+$0xB0];
	_ =	sdelay $0x4  }
0x11e: {  	v2 =	vmul.f32 v2, v3;
	_ =	sdelay $0x1  }
0x11f: {  	[tilespmem:s31+$0xB0] =	vst v2;
	v2 =	vld [tilespmem:s31+$0xC0];
	_ =	sdelay $0x2  }
0x120: {  	v3 =	vbroadcast v1, $0xB;
	_ =	sdelay $0x1  }
0x121: {  	v2 =	vmul.f32 v2, v3;
	_ =	sdelay $0x1  }
0x122: {  	[tilespmem:s31+$0xC0] =	vst v2;
	v2 =	vld [tilespmem:s31+$0xD0];
	_ =	sdelay $0x4  }
0x123: {  	v2 =	vmul.f32 v2, v3;
	_ =	sdelay $0x1  }
0x124: {  	[tilespmem:s31+$0xD0] =	vst v2;
	v2 =	vld [tilespmem:s31+$0xE0];
	_ =	sdelay $0x4  }
0x125: {  	v2 =	vmul.f32 v2, v3;
	_ =	sdelay $0x1  }
0x126: {  	[tilespmem:s31+$0xE0] =	vst v2;
	v2 =	vld [tilespmem:s31+$0xF0];
	_ =	sdelay $0x4  }
0x127: {  	v2 =	vmul.f32 v2, v3;
	_ =	sdelay $0x1  }
0x128: {  	[tilespmem:s31+$0xF0] =	vst v2;
	v2 =	vld [tilespmem:s31+$0x100];
	_ =	sdelay $0x2  }
0x129: {  	v3 =	vbroadcast v1, $0xC;
	_ =	sdelay $0x1  }
0x12a: {  	v2 =	vmul.f32 v2, v3;
	_ =	sdelay $0x1  }
0x12b: {  	[tilespmem:s31+$0x100] =	vst v2;
	v2 =	vld [tilespmem:s31+$0x110];
	_ =	sdelay $0x4  }
0x12c: {  	v2 =	vmul.f32 v2, v3;
	_ =	sdelay $0x1  }
0x12d: {  	[tilespmem:s31+$0x110] =	vst v2;
	v2 =	vld [tilespmem:s31+$0x120];
	_ =	sdelay $0x4  }
0x12e: {  	v2 =	vmul.f32 v2, v3;
	_ =	sdelay $0x1  }
0x12f: {  	[tilespmem:s31+$0x120] =	vst v2;
	v2 =	vld [tilespmem:s31+$0x130];
	_ =	sdelay $0x4  }
0x130: {  	v2 =	vmul.f32 v2, v3;
	_ =	sdelay $0x1  }
0x131: {  	[tilespmem:s31+$0x130] =	vst v2;
	v2 =	vld [tilespmem:s31+$0x140];
	_ =	sdelay $0x2  }
0x132: {  	v3 =	vbroadcast v1, $0xD;
	_ =	sdelay $0x1  }
0x133: {  	v2 =	vmul.f32 v2, v3;
	_ =	sdelay $0x1  }
0x134: {  	[tilespmem:s31+$0x140] =	vst v2;
	v2 =	vld [tilespmem:s31+$0x150];
	_ =	sdelay $0x4  }
0x135: {  	v2 =	vmul.f32 v2, v3;
	_ =	sdelay $0x1  }
0x136: {  	[tilespmem:s31+$0x150] =	vst v2;
	v2 =	vld [tilespmem:s31+$0x160];
	_ =	sdelay $0x4  }
0x137: {  	v2 =	vmul.f32 v2, v3;
	_ =	sdelay $0x1  }
0x138: {  	[tilespmem:s31+$0x160] =	vst v2;
	v2 =	vld [tilespmem:s31+$0x170];
	_ =	sdelay $0x4  }
0x139: {  	v2 =	vmul.f32 v2, v3;
	_ =	sdelay $0x1  }
0x13a: {  	[tilespmem:s31+$0x170] =	vst v2;
	v2 =	vld [tilespmem:s31+$0x180];
	_ =	sdelay $0x2  }
0x13b: {  	v3 =	vbroadcast v1, $0xE;
	_ =	sdelay $0x1  }
0x13c: {  	v2 =	vmul.f32 v2, v3;
	_ =	sdelay $0x1  }
0x13d: {  	[tilespmem:s31+$0x180] =	vst v2;
	v2 =	vld [tilespmem:s31+$0x190];
	_ =	sdelay $0x4  }
0x13e: {  	v2 =	vmul.f32 v2, v3;
	_ =	sdelay $0x1  }
0x13f: {  	[tilespmem:s31+$0x190] =	vst v2;
	v2 =	vld [tilespmem:s31+$0x1A0];
	_ =	sdelay $0x4  }
0x140: {  	v2 =	vmul.f32 v2, v3;
	_ =	sdelay $0x1  }
0x141: {  	[tilespmem:s31+$0x1A0] =	vst v2;
	v2 =	vld [tilespmem:s31+$0x1B0];
	_ =	sdelay $0x4  }
0x142: {  	v2 =	vmul.f32 v2, v3;
	_ =	sdelay $0x1  }
0x143: {  	[tilespmem:s31+$0x1B0] =	vst v2;
	v2 =	vld [tilespmem:s31+$0x1C0];
	_ =	sdelay $0x2  }
0x144: {  	v1 =	vbroadcast v1, $0xF;
	_ =	sdelay $0x1  }
0x145: {  	v2 =	vmul.f32 v2, v1;
	_ =	sdelay $0x1  }
0x146: {  	[tilespmem:s31+$0x1C0] =	vst v2;
	v2 =	vld [tilespmem:s31+$0x1D0];
	_ =	sdelay $0x4  }
0x147: {  	v2 =	vmul.f32 v2, v1;
	_ =	sdelay $0x1  }
0x148: {  	[tilespmem:s31+$0x1D0] =	vst v2;
	v2 =	vld [tilespmem:s31+$0x1E0];
	_ =	sdelay $0x4  }
0x149: {  	v2 =	vmul.f32 v2, v1;
	_ =	sdelay $0x1  }
0x14a: {  	[tilespmem:s31+$0x1E0] =	vst v2;
	v2 =	vld [tilespmem:s31+$0x1F0];
	_ =	sdelay $0x1  }
0x14b: {  	p1 =	sne.s32 s0, $0x1C0  }
.Ltmp2:
0x14c: {  	_ = 	snop;
	(pc) =	sbr.rel @p1 .LBB2_7-.Ltmp2, $3  }
0x14d: {  	_ = 	snop  }
0x14e: {  	v1 =	vmul.f32 v2, v1;
	_ =	sdelay $0x1  }
0x14f: {  	s0 =	sadd.s32 $0x40, s0;
	[tilespmem:s31+$0x1F0] =	vst v1;
	s31 =	sadd.s32 $0x400, s31  }
0x150: {  	s30 =	sadd.s32 $0x1, s30  }
0x151: {  	p1 =	sne.s32 s30, $0xA2  }
.Ltmp3:
0x152: {  	_ = 	snop;
	(pc) =	sbr.rel @p1 .LBB2_6-.Ltmp3, $4  }
0x153: {  	[spmem:s2] =	stream.indirect.scatter.add.f32 [tilespmem:s22], [sflag:$0x2], $0x40, s20, s21, $0xb8;
	v63 =	vld [tilespmem:$0x0]  }
0x154: {  	_ =	swait.ge [sflag:s15], $0x2000  }
0x155: {  	[sflag:s15] =	ssyncset.done $0x0  }
0x156: {  	[sflag:s15] =	ssyncadd.s32 $0xFFFFE000  }
0x157: {  	s0 =	simm.s32 $0x50  }
0x158: {  	[spmem:s3] =	stream.indirect.scatter.add.f32 [tilespmem:s23], [sflag:$0x2], $0x80, s17, s0, $0xb8;
	v63 =	vld [tilespmem:$0x0]  }
0x159: {  	_ =	swait.ge [sflag:s15], $0x2800  }
0x15a: {  	[sflag:s15] =	ssyncset.done $0x0  }
0x15b: {  	[sflag:s15] =	ssyncadd.s32 $0xFFFFD800  }
0x15c: {  	[bflag:$0x0] =	sbarrier.arrive $0xFFFF  }
0x15d: {  	[tilespmem:s26], [sflag:$0x2] =	stream.linear.gather [spmem:s12], $0x280, $0x38;
	v63 =	vld [tilespmem:$0x0]  }
0x15e: {  	_ =	swait.ge [sflag:s15], $0x280  }
0x15f: {  	[sflag:s15] =	ssyncset.done $0x0  }
0x160: {  	[sflag:s15] =	ssyncadd.s32 $0xFFFFFD80  }
0x161: {  	[tilespmem:s18], [sflag:$0x2] =	stream.linear.gather [spmem:s9], $0xA000, $0x38;
	v63 =	vld [tilespmem:$0x0]  }
0x162: {  	_ =	swait.ge [sflag:s15], $0xA000  }
0x163: {  	s29 =	simm.s32 $0x0;
	[sflag:s15] =	ssyncset.done $0x0  }
0x164: {  	s30 =	simm.s32 $0xBF50;
	s31 =	simm.s32 $0x0;
	[sflag:s15] =	ssyncadd.s32 $0xFFFF6000  }
.LBB2_10:
0x165: {  	s0 =	sshra.s32 s31, $0x2  }
0x166: {  	v1 =	vld [tilespmem:s0+$0xBAD0];
	_ =	sdelay $0x4  }
0x167: {  	v1 =	vadd.f32 $1.000000020e-16, v1;
	_ =	sdelay $0x1  }
0x168: {  	(erf) = vrcp.f32 v1;
	_ =	sdelay $0x6  }
0x169: {  	v2 =	vld [tilespmem:s30+$0xFFFFFE00];
	_ =	sdelay $0x1  }
0x16a: {  	v1 =	vpop (erf)  }
0x16b: {  	v3 =	vbroadcast v1, $0x0;
	_ =	sdelay $0x1  }
0x16c: {  	v2 =	vmul.f32 v3, v2;
	_ =	sdelay $0x1  }
0x16d: {  	[tilespmem:s30+$0xFFFFFE00] =	vst v2;
	v2 =	vld [tilespmem:s30+$0xFFFFFE10];
	_ =	sdelay $0x4  }
0x16e: {  	v2 =	vmul.f32 v3, v2;
	_ =	sdelay $0x1  }
0x16f: {  	[tilespmem:s30+$0xFFFFFE10] =	vst v2;
	v2 =	vld [tilespmem:s30+$0xFFFFFE20];
	_ =	sdelay $0x4  }
0x170: {  	v2 =	vmul.f32 v2, v3;
	_ =	sdelay $0x1  }
0x171: {  	[tilespmem:s30+$0xFFFFFE20] =	vst v2;
	v2 =	vld [tilespmem:s30+$0xFFFFFE30];
	_ =	sdelay $0x4  }
0x172: {  	v2 =	vmul.f32 v2, v3;
	_ =	sdelay $0x1  }
0x173: {  	[tilespmem:s30+$0xFFFFFE30] =	vst v2;
	v2 =	vld [tilespmem:s30+$0xFFFFFE40];
	_ =	sdelay $0x2  }
0x174: {  	v3 =	vbroadcast v1, $0x1;
	_ =	sdelay $0x1  }
0x175: {  	v2 =	vmul.f32 v2, v3;
	_ =	sdelay $0x1  }
0x176: {  	[tilespmem:s30+$0xFFFFFE40] =	vst v2;
	v2 =	vld [tilespmem:s30+$0xFFFFFE50];
	_ =	sdelay $0x4  }
0x177: {  	v2 =	vmul.f32 v2, v3;
	_ =	sdelay $0x1  }
0x178: {  	[tilespmem:s30+$0xFFFFFE50] =	vst v2;
	v2 =	vld [tilespmem:s30+$0xFFFFFE60];
	_ =	sdelay $0x4  }
0x179: {  	v2 =	vmul.f32 v2, v3;
	_ =	sdelay $0x1  }
0x17a: {  	[tilespmem:s30+$0xFFFFFE60] =	vst v2;
	v2 =	vld [tilespmem:s30+$0xFFFFFE70];
	_ =	sdelay $0x4  }
0x17b: {  	v2 =	vmul.f32 v2, v3;
	_ =	sdelay $0x1  }
0x17c: {  	[tilespmem:s30+$0xFFFFFE70] =	vst v2;
	v2 =	vld [tilespmem:s30+$0xFFFFFE80];
	_ =	sdelay $0x2  }
0x17d: {  	v3 =	vbroadcast v1, $0x2;
	_ =	sdelay $0x1  }
0x17e: {  	v2 =	vmul.f32 v2, v3;
	_ =	sdelay $0x1  }
0x17f: {  	[tilespmem:s30+$0xFFFFFE80] =	vst v2;
	v2 =	vld [tilespmem:s30+$0xFFFFFE90];
	_ =	sdelay $0x4  }
0x180: {  	v2 =	vmul.f32 v2, v3;
	_ =	sdelay $0x1  }
0x181: {  	[tilespmem:s30+$0xFFFFFE90] =	vst v2;
	v2 =	vld [tilespmem:s30+$0xFFFFFEA0];
	_ =	sdelay $0x4  }
0x182: {  	v2 =	vmul.f32 v2, v3;
	_ =	sdelay $0x1  }
0x183: {  	[tilespmem:s30+$0xFFFFFEA0] =	vst v2;
	v2 =	vld [tilespmem:s30+$0xFFFFFEB0];
	_ =	sdelay $0x4  }
0x184: {  	v2 =	vmul.f32 v2, v3;
	_ =	sdelay $0x1  }
0x185: {  	[tilespmem:s30+$0xFFFFFEB0] =	vst v2;
	v2 =	vld [tilespmem:s30+$0xFFFFFEC0];
	_ =	sdelay $0x2  }
0x186: {  	v3 =	vbroadcast v1, $0x3;
	_ =	sdelay $0x1  }
0x187: {  	v2 =	vmul.f32 v2, v3;
	_ =	sdelay $0x1  }
0x188: {  	[tilespmem:s30+$0xFFFFFEC0] =	vst v2;
	v2 =	vld [tilespmem:s30+$0xFFFFFED0];
	_ =	sdelay $0x4  }
0x189: {  	v2 =	vmul.f32 v2, v3;
	_ =	sdelay $0x1  }
0x18a: {  	[tilespmem:s30+$0xFFFFFED0] =	vst v2;
	v2 =	vld [tilespmem:s30+$0xFFFFFEE0];
	_ =	sdelay $0x4  }
0x18b: {  	v2 =	vmul.f32 v2, v3;
	_ =	sdelay $0x1  }
0x18c: {  	[tilespmem:s30+$0xFFFFFEE0] =	vst v2;
	v2 =	vld [tilespmem:s30+$0xFFFFFEF0];
	_ =	sdelay $0x4  }
0x18d: {  	v2 =	vmul.f32 v2, v3;
	_ =	sdelay $0x1  }
0x18e: {  	[tilespmem:s30+$0xFFFFFEF0] =	vst v2;
	v2 =	vld [tilespmem:s30+$0xFFFFFF00];
	_ =	sdelay $0x2  }
0x18f: {  	v3 =	vbroadcast v1, $0x4;
	_ =	sdelay $0x1  }
0x190: {  	v2 =	vmul.f32 v2, v3;
	_ =	sdelay $0x1  }
0x191: {  	[tilespmem:s30+$0xFFFFFF00] =	vst v2;
	v2 =	vld [tilespmem:s30+$0xFFFFFF10];
	_ =	sdelay $0x4  }
0x192: {  	v2 =	vmul.f32 v2, v3;
	_ =	sdelay $0x1  }
0x193: {  	[tilespmem:s30+$0xFFFFFF10] =	vst v2;
	v2 =	vld [tilespmem:s30+$0xFFFFFF20];
	_ =	sdelay $0x4  }
0x194: {  	v2 =	vmul.f32 v2, v3;
	_ =	sdelay $0x1  }
0x195: {  	[tilespmem:s30+$0xFFFFFF20] =	vst v2;
	v2 =	vld [tilespmem:s30+$0xFFFFFF30];
	_ =	sdelay $0x4  }
0x196: {  	v2 =	vmul.f32 v2, v3;
	_ =	sdelay $0x1  }
0x197: {  	[tilespmem:s30+$0xFFFFFF30] =	vst v2;
	v2 =	vld [tilespmem:s30+$0xFFFFFF40];
	_ =	sdelay $0x2  }
0x198: {  	v3 =	vbroadcast v1, $0x5;
	_ =	sdelay $0x1  }
0x199: {  	v2 =	vmul.f32 v2, v3;
	_ =	sdelay $0x1  }
0x19a: {  	[tilespmem:s30+$0xFFFFFF40] =	vst v2;
	v2 =	vld [tilespmem:s30+$0xFFFFFF50];
	_ =	sdelay $0x4  }
0x19b: {  	v2 =	vmul.f32 v2, v3;
	_ =	sdelay $0x1  }
0x19c: {  	[tilespmem:s30+$0xFFFFFF50] =	vst v2;
	v2 =	vld [tilespmem:s30+$0xFFFFFF60];
	_ =	sdelay $0x4  }
0x19d: {  	v2 =	vmul.f32 v2, v3;
	_ =	sdelay $0x1  }
0x19e: {  	[tilespmem:s30+$0xFFFFFF60] =	vst v2;
	v2 =	vld [tilespmem:s30+$0xFFFFFF70];
	_ =	sdelay $0x4  }
0x19f: {  	v2 =	vmul.f32 v2, v3;
	_ =	sdelay $0x1  }
0x1a0: {  	[tilespmem:s30+$0xFFFFFF70] =	vst v2;
	v2 =	vld [tilespmem:s30+$0xFFFFFF80];
	_ =	sdelay $0x2  }
0x1a1: {  	v3 =	vbroadcast v1, $0x6;
	_ =	sdelay $0x1  }
0x1a2: {  	v2 =	vmul.f32 v2, v3;
	_ =	sdelay $0x1  }
0x1a3: {  	[tilespmem:s30+$0xFFFFFF80] =	vst v2;
	v2 =	vld [tilespmem:s30+$0xFFFFFF90];
	_ =	sdelay $0x4  }
0x1a4: {  	v2 =	vmul.f32 v2, v3;
	_ =	sdelay $0x1  }
0x1a5: {  	[tilespmem:s30+$0xFFFFFF90] =	vst v2;
	v2 =	vld [tilespmem:s30+$0xFFFFFFA0];
	_ =	sdelay $0x4  }
0x1a6: {  	v2 =	vmul.f32 v2, v3;
	_ =	sdelay $0x1  }
0x1a7: {  	[tilespmem:s30+$0xFFFFFFA0] =	vst v2;
	v2 =	vld [tilespmem:s30+$0xFFFFFFB0];
	_ =	sdelay $0x4  }
0x1a8: {  	v2 =	vmul.f32 v2, v3;
	_ =	sdelay $0x1  }
0x1a9: {  	[tilespmem:s30+$0xFFFFFFB0] =	vst v2;
	v2 =	vld [tilespmem:s30+$0xFFFFFFC0];
	_ =	sdelay $0x2  }
0x1aa: {  	v3 =	vbroadcast v1, $0x7;
	_ =	sdelay $0x1  }
0x1ab: {  	v2 =	vmul.f32 v2, v3;
	_ =	sdelay $0x1  }
0x1ac: {  	[tilespmem:s30+$0xFFFFFFC0] =	vst v2;
	v2 =	vld [tilespmem:s30+$0xFFFFFFD0];
	_ =	sdelay $0x4  }
0x1ad: {  	v2 =	vmul.f32 v2, v3;
	_ =	sdelay $0x1  }
0x1ae: {  	[tilespmem:s30+$0xFFFFFFD0] =	vst v2;
	v2 =	vld [tilespmem:s30+$0xFFFFFFE0];
	_ =	sdelay $0x4  }
0x1af: {  	v2 =	vmul.f32 v2, v3;
	_ =	sdelay $0x1  }
0x1b0: {  	[tilespmem:s30+$0xFFFFFFE0] =	vst v2;
	v2 =	vld [tilespmem:s30+$0xFFFFFFF0];
	_ =	sdelay $0x4  }
0x1b1: {  	v2 =	vmul.f32 v2, v3;
	_ =	sdelay $0x1  }
0x1b2: {  	[tilespmem:s30+$0xFFFFFFF0] =	vst v2;
	v2 =	vld [tilespmem:s30+$0x0];
	_ =	sdelay $0x2  }
0x1b3: {  	v3 =	vbroadcast v1, $0x8;
	_ =	sdelay $0x1  }
0x1b4: {  	v2 =	vmul.f32 v2, v3;
	_ =	sdelay $0x1  }
0x1b5: {  	[tilespmem:s30+$0x0] =	vst v2;
	v2 =	vld [tilespmem:s30+$0x10];
	_ =	sdelay $0x4  }
0x1b6: {  	v2 =	vmul.f32 v2, v3;
	_ =	sdelay $0x1  }
0x1b7: {  	[tilespmem:s30+$0x10] =	vst v2;
	v2 =	vld [tilespmem:s30+$0x20];
	_ =	sdelay $0x4  }
0x1b8: {  	v2 =	vmul.f32 v2, v3;
	_ =	sdelay $0x1  }
0x1b9: {  	[tilespmem:s30+$0x20] =	vst v2;
	v2 =	vld [tilespmem:s30+$0x30];
	_ =	sdelay $0x4  }
0x1ba: {  	v2 =	vmul.f32 v2, v3;
	_ =	sdelay $0x1  }
0x1bb: {  	[tilespmem:s30+$0x30] =	vst v2;
	v2 =	vld [tilespmem:s30+$0x40];
	_ =	sdelay $0x2  }
0x1bc: {  	v3 =	vbroadcast v1, $0x9;
	_ =	sdelay $0x1  }
0x1bd: {  	v2 =	vmul.f32 v2, v3;
	_ =	sdelay $0x1  }
0x1be: {  	[tilespmem:s30+$0x40] =	vst v2;
	v2 =	vld [tilespmem:s30+$0x50];
	_ =	sdelay $0x4  }
0x1bf: {  	v2 =	vmul.f32 v2, v3;
	_ =	sdelay $0x1  }
0x1c0: {  	[tilespmem:s30+$0x50] =	vst v2;
	v2 =	vld [tilespmem:s30+$0x60];
	_ =	sdelay $0x4  }
0x1c1: {  	v2 =	vmul.f32 v2, v3;
	_ =	sdelay $0x1  }
0x1c2: {  	[tilespmem:s30+$0x60] =	vst v2;
	v2 =	vld [tilespmem:s30+$0x70];
	_ =	sdelay $0x4  }
0x1c3: {  	v2 =	vmul.f32 v2, v3;
	_ =	sdelay $0x1  }
0x1c4: {  	[tilespmem:s30+$0x70] =	vst v2;
	v2 =	vld [tilespmem:s30+$0x80];
	_ =	sdelay $0x2  }
0x1c5: {  	v3 =	vbroadcast v1, $0xA;
	_ =	sdelay $0x1  }
0x1c6: {  	v2 =	vmul.f32 v2, v3;
	_ =	sdelay $0x1  }
0x1c7: {  	[tilespmem:s30+$0x80] =	vst v2;
	v2 =	vld [tilespmem:s30+$0x90];
	_ =	sdelay $0x4  }
0x1c8: {  	v2 =	vmul.f32 v2, v3;
	_ =	sdelay $0x1  }
0x1c9: {  	[tilespmem:s30+$0x90] =	vst v2;
	v2 =	vld [tilespmem:s30+$0xA0];
	_ =	sdelay $0x4  }
0x1ca: {  	v2 =	vmul.f32 v2, v3;
	_ =	sdelay $0x1  }
0x1cb: {  	[tilespmem:s30+$0xA0] =	vst v2;
	v2 =	vld [tilespmem:s30+$0xB0];
	_ =	sdelay $0x4  }
0x1cc: {  	v2 =	vmul.f32 v2, v3;
	_ =	sdelay $0x1  }
0x1cd: {  	[tilespmem:s30+$0xB0] =	vst v2;
	v2 =	vld [tilespmem:s30+$0xC0];
	_ =	sdelay $0x2  }
0x1ce: {  	v3 =	vbroadcast v1, $0xB;
	_ =	sdelay $0x1  }
0x1cf: {  	v2 =	vmul.f32 v2, v3;
	_ =	sdelay $0x1  }
0x1d0: {  	[tilespmem:s30+$0xC0] =	vst v2;
	v2 =	vld [tilespmem:s30+$0xD0];
	_ =	sdelay $0x4  }
0x1d1: {  	v2 =	vmul.f32 v2, v3;
	_ =	sdelay $0x1  }
0x1d2: {  	[tilespmem:s30+$0xD0] =	vst v2;
	v2 =	vld [tilespmem:s30+$0xE0];
	_ =	sdelay $0x4  }
0x1d3: {  	v2 =	vmul.f32 v2, v3;
	_ =	sdelay $0x1  }
0x1d4: {  	[tilespmem:s30+$0xE0] =	vst v2;
	v2 =	vld [tilespmem:s30+$0xF0];
	_ =	sdelay $0x4  }
0x1d5: {  	v2 =	vmul.f32 v2, v3;
	_ =	sdelay $0x1  }
0x1d6: {  	[tilespmem:s30+$0xF0] =	vst v2;
	v2 =	vld [tilespmem:s30+$0x100];
	_ =	sdelay $0x2  }
0x1d7: {  	v3 =	vbroadcast v1, $0xC;
	_ =	sdelay $0x1  }
0x1d8: {  	v2 =	vmul.f32 v2, v3;
	_ =	sdelay $0x1  }
0x1d9: {  	[tilespmem:s30+$0x100] =	vst v2;
	v2 =	vld [tilespmem:s30+$0x110];
	_ =	sdelay $0x4  }
0x1da: {  	v2 =	vmul.f32 v2, v3;
	_ =	sdelay $0x1  }
0x1db: {  	[tilespmem:s30+$0x110] =	vst v2;
	v2 =	vld [tilespmem:s30+$0x120];
	_ =	sdelay $0x4  }
0x1dc: {  	v2 =	vmul.f32 v2, v3;
	_ =	sdelay $0x1  }
0x1dd: {  	[tilespmem:s30+$0x120] =	vst v2;
	v2 =	vld [tilespmem:s30+$0x130];
	_ =	sdelay $0x4  }
0x1de: {  	v2 =	vmul.f32 v2, v3;
	_ =	sdelay $0x1  }
0x1df: {  	[tilespmem:s30+$0x130] =	vst v2;
	v2 =	vld [tilespmem:s30+$0x140];
	_ =	sdelay $0x2  }
0x1e0: {  	v3 =	vbroadcast v1, $0xD;
	_ =	sdelay $0x1  }
0x1e1: {  	v2 =	vmul.f32 v2, v3;
	_ =	sdelay $0x1  }
0x1e2: {  	[tilespmem:s30+$0x140] =	vst v2;
	v2 =	vld [tilespmem:s30+$0x150];
	_ =	sdelay $0x4  }
0x1e3: {  	v2 =	vmul.f32 v2, v3;
	_ =	sdelay $0x1  }
0x1e4: {  	[tilespmem:s30+$0x150] =	vst v2;
	v2 =	vld [tilespmem:s30+$0x160];
	_ =	sdelay $0x4  }
0x1e5: {  	v2 =	vmul.f32 v2, v3;
	_ =	sdelay $0x1  }
0x1e6: {  	[tilespmem:s30+$0x160] =	vst v2;
	v2 =	vld [tilespmem:s30+$0x170];
	_ =	sdelay $0x4  }
0x1e7: {  	v2 =	vmul.f32 v2, v3;
	_ =	sdelay $0x1  }
0x1e8: {  	[tilespmem:s30+$0x170] =	vst v2;
	v2 =	vld [tilespmem:s30+$0x180];
	_ =	sdelay $0x2  }
0x1e9: {  	v3 =	vbroadcast v1, $0xE;
	_ =	sdelay $0x1  }
0x1ea: {  	v2 =	vmul.f32 v2, v3;
	_ =	sdelay $0x1  }
0x1eb: {  	[tilespmem:s30+$0x180] =	vst v2;
	v2 =	vld [tilespmem:s30+$0x190];
	_ =	sdelay $0x4  }
0x1ec: {  	v2 =	vmul.f32 v2, v3;
	_ =	sdelay $0x1  }
0x1ed: {  	[tilespmem:s30+$0x190] =	vst v2;
	v2 =	vld [tilespmem:s30+$0x1A0];
	_ =	sdelay $0x4  }
0x1ee: {  	v2 =	vmul.f32 v2, v3;
	_ =	sdelay $0x1  }
0x1ef: {  	[tilespmem:s30+$0x1A0] =	vst v2;
	v2 =	vld [tilespmem:s30+$0x1B0];
	_ =	sdelay $0x4  }
0x1f0: {  	v2 =	vmul.f32 v2, v3;
	_ =	sdelay $0x1  }
0x1f1: {  	[tilespmem:s30+$0x1B0] =	vst v2;
	v2 =	vld [tilespmem:s30+$0x1C0];
	_ =	sdelay $0x2  }
0x1f2: {  	v1 =	vbroadcast v1, $0xF;
	_ =	sdelay $0x1  }
0x1f3: {  	v2 =	vmul.f32 v2, v1;
	_ =	sdelay $0x1  }
0x1f4: {  	[tilespmem:s30+$0x1C0] =	vst v2;
	v2 =	vld [tilespmem:s30+$0x1D0];
	_ =	sdelay $0x4  }
0x1f5: {  	v2 =	vmul.f32 v2, v1;
	_ =	sdelay $0x1  }
0x1f6: {  	[tilespmem:s30+$0x1D0] =	vst v2;
	v2 =	vld [tilespmem:s30+$0x1E0];
	_ =	sdelay $0x4  }
0x1f7: {  	v2 =	vmul.f32 v2, v1;
	_ =	sdelay $0x1  }
0x1f8: {  	[tilespmem:s30+$0x1E0] =	vst v2;
	v2 =	vld [tilespmem:s30+$0x1F0];
	_ =	sdelay $0x1  }
0x1f9: {  	p1 =	sne.s32 s31, $0x1C0  }
.Ltmp4:
0x1fa: {  	_ = 	snop;
	(pc) =	sbr.rel @p1 .LBB2_10-.Ltmp4, $3  }
0x1fb: {  	_ = 	snop  }
0x1fc: {  	v1 =	vmul.f32 v2, v1;
	_ =	sdelay $0x1  }
0x1fd: {  	s31 =	sadd.s32 $0x40, s31;
	[tilespmem:s30+$0x1F0] =	vst v1;
	s30 =	sadd.s32 $0x400, s30  }
0x1fe: {  	s30 =	simm.s32 $0xE140  }
.LBB2_12:
0x1ff: {  	s0 =	sshra.s32 s29, $0x2  }
0x200: {  	v1 =	vld [tilespmem:s0+$0xBB50];
	_ =	sdelay $0x4  }
0x201: {  	v1 =	vadd.f32 $1.000000020e-16, v1;
	_ =	sdelay $0x1  }
0x202: {  	(erf) = vrcp.f32 v1;
	_ =	sdelay $0x6  }
0x203: {  	v2 =	vld [tilespmem:s30+$0xFFFFFC10];
	_ =	sdelay $0x1  }
0x204: {  	v1 =	vpop (erf)  }
0x205: {  	v3 =	vbroadcast v1, $0x0;
	_ =	sdelay $0x1  }
0x206: {  	v2 =	vmul.f32 v3, v2;
	_ =	sdelay $0x1  }
0x207: {  	[tilespmem:s30+$0xFFFFFC10] =	vst v2;
	v2 =	vld [tilespmem:s30+$0xFFFFFC20];
	_ =	sdelay $0x4  }
0x208: {  	v2 =	vmul.f32 v3, v2;
	_ =	sdelay $0x1  }
0x209: {  	[tilespmem:s30+$0xFFFFFC20] =	vst v2;
	v2 =	vld [tilespmem:s30+$0xFFFFFC30];
	_ =	sdelay $0x4  }
0x20a: {  	v2 =	vmul.f32 v2, v3;
	_ =	sdelay $0x1  }
0x20b: {  	[tilespmem:s30+$0xFFFFFC30] =	vst v2;
	v2 =	vld [tilespmem:s30+$0xFFFFFC40];
	_ =	sdelay $0x4  }
0x20c: {  	v2 =	vmul.f32 v2, v3;
	_ =	sdelay $0x1  }
0x20d: {  	[tilespmem:s30+$0xFFFFFC40] =	vst v2;
	v2 =	vld [tilespmem:s30+$0xFFFFFC50];
	_ =	sdelay $0x2  }
0x20e: {  	v3 =	vbroadcast v1, $0x1;
	_ =	sdelay $0x1  }
0x20f: {  	v2 =	vmul.f32 v2, v3;
	_ =	sdelay $0x1  }
0x210: {  	[tilespmem:s30+$0xFFFFFC50] =	vst v2;
	v2 =	vld [tilespmem:s30+$0xFFFFFC60];
	_ =	sdelay $0x4  }
0x211: {  	v2 =	vmul.f32 v2, v3;
	_ =	sdelay $0x1  }
0x212: {  	[tilespmem:s30+$0xFFFFFC60] =	vst v2;
	v2 =	vld [tilespmem:s30+$0xFFFFFC70];
	_ =	sdelay $0x4  }
0x213: {  	v2 =	vmul.f32 v2, v3;
	_ =	sdelay $0x1  }
0x214: {  	[tilespmem:s30+$0xFFFFFC70] =	vst v2;
	v2 =	vld [tilespmem:s30+$0xFFFFFC80];
	_ =	sdelay $0x4  }
0x215: {  	v2 =	vmul.f32 v2, v3;
	_ =	sdelay $0x1  }
0x216: {  	[tilespmem:s30+$0xFFFFFC80] =	vst v2;
	v2 =	vld [tilespmem:s30+$0xFFFFFC90];
	_ =	sdelay $0x2  }
0x217: {  	v3 =	vbroadcast v1, $0x2;
	_ =	sdelay $0x1  }
0x218: {  	v2 =	vmul.f32 v2, v3;
	_ =	sdelay $0x1  }
0x219: {  	[tilespmem:s30+$0xFFFFFC90] =	vst v2;
	v2 =	vld [tilespmem:s30+$0xFFFFFCA0];
	_ =	sdelay $0x4  }
0x21a: {  	v2 =	vmul.f32 v2, v3;
	_ =	sdelay $0x1  }
0x21b: {  	[tilespmem:s30+$0xFFFFFCA0] =	vst v2;
	v2 =	vld [tilespmem:s30+$0xFFFFFCB0];
	_ =	sdelay $0x4  }
0x21c: {  	v2 =	vmul.f32 v2, v3;
	_ =	sdelay $0x1  }
0x21d: {  	[tilespmem:s30+$0xFFFFFCB0] =	vst v2;
	v2 =	vld [tilespmem:s30+$0xFFFFFCC0];
	_ =	sdelay $0x4  }
0x21e: {  	v2 =	vmul.f32 v2, v3;
	_ =	sdelay $0x1  }
0x21f: {  	[tilespmem:s30+$0xFFFFFCC0] =	vst v2;
	v2 =	vld [tilespmem:s30+$0xFFFFFCD0];
	_ =	sdelay $0x2  }
0x220: {  	v3 =	vbroadcast v1, $0x3;
	_ =	sdelay $0x1  }
0x221: {  	v2 =	vmul.f32 v2, v3;
	_ =	sdelay $0x1  }
0x222: {  	[tilespmem:s30+$0xFFFFFCD0] =	vst v2;
	v2 =	vld [tilespmem:s30+$0xFFFFFCE0];
	_ =	sdelay $0x4  }
0x223: {  	v2 =	vmul.f32 v2, v3;
	_ =	sdelay $0x1  }
0x224: {  	[tilespmem:s30+$0xFFFFFCE0] =	vst v2;
	v2 =	vld [tilespmem:s30+$0xFFFFFCF0];
	_ =	sdelay $0x4  }
0x225: {  	v2 =	vmul.f32 v2, v3;
	_ =	sdelay $0x1  }
0x226: {  	[tilespmem:s30+$0xFFFFFCF0] =	vst v2;
	v2 =	vld [tilespmem:s30+$0xFFFFFD00];
	_ =	sdelay $0x4  }
0x227: {  	v2 =	vmul.f32 v2, v3;
	_ =	sdelay $0x1  }
0x228: {  	[tilespmem:s30+$0xFFFFFD00] =	vst v2;
	v2 =	vld [tilespmem:s30+$0xFFFFFD10];
	_ =	sdelay $0x2  }
0x229: {  	v3 =	vbroadcast v1, $0x4;
	_ =	sdelay $0x1  }
0x22a: {  	v2 =	vmul.f32 v2, v3;
	_ =	sdelay $0x1  }
0x22b: {  	[tilespmem:s30+$0xFFFFFD10] =	vst v2;
	v2 =	vld [tilespmem:s30+$0xFFFFFD20];
	_ =	sdelay $0x4  }
0x22c: {  	v2 =	vmul.f32 v2, v3;
	_ =	sdelay $0x1  }
0x22d: {  	[tilespmem:s30+$0xFFFFFD20] =	vst v2;
	v2 =	vld [tilespmem:s30+$0xFFFFFD30];
	_ =	sdelay $0x4  }
0x22e: {  	v2 =	vmul.f32 v2, v3;
	_ =	sdelay $0x1  }
0x22f: {  	[tilespmem:s30+$0xFFFFFD30] =	vst v2;
	v2 =	vld [tilespmem:s30+$0xFFFFFD40];
	_ =	sdelay $0x4  }
0x230: {  	v2 =	vmul.f32 v2, v3;
	_ =	sdelay $0x1  }
0x231: {  	[tilespmem:s30+$0xFFFFFD40] =	vst v2;
	v2 =	vld [tilespmem:s30+$0xFFFFFD50];
	_ =	sdelay $0x2  }
0x232: {  	v3 =	vbroadcast v1, $0x5;
	_ =	sdelay $0x1  }
0x233: {  	v2 =	vmul.f32 v2, v3;
	_ =	sdelay $0x1  }
0x234: {  	[tilespmem:s30+$0xFFFFFD50] =	vst v2;
	v2 =	vld [tilespmem:s30+$0xFFFFFD60];
	_ =	sdelay $0x4  }
0x235: {  	v2 =	vmul.f32 v2, v3;
	_ =	sdelay $0x1  }
0x236: {  	[tilespmem:s30+$0xFFFFFD60] =	vst v2;
	v2 =	vld [tilespmem:s30+$0xFFFFFD70];
	_ =	sdelay $0x4  }
0x237: {  	v2 =	vmul.f32 v2, v3;
	_ =	sdelay $0x1  }
0x238: {  	[tilespmem:s30+$0xFFFFFD70] =	vst v2;
	v2 =	vld [tilespmem:s30+$0xFFFFFD80];
	_ =	sdelay $0x4  }
0x239: {  	v2 =	vmul.f32 v2, v3;
	_ =	sdelay $0x1  }
0x23a: {  	[tilespmem:s30+$0xFFFFFD80] =	vst v2;
	v2 =	vld [tilespmem:s30+$0xFFFFFD90];
	_ =	sdelay $0x2  }
0x23b: {  	v3 =	vbroadcast v1, $0x6;
	_ =	sdelay $0x1  }
0x23c: {  	v2 =	vmul.f32 v2, v3;
	_ =	sdelay $0x1  }
0x23d: {  	[tilespmem:s30+$0xFFFFFD90] =	vst v2;
	v2 =	vld [tilespmem:s30+$0xFFFFFDA0];
	_ =	sdelay $0x4  }
0x23e: {  	v2 =	vmul.f32 v2, v3;
	_ =	sdelay $0x1  }
0x23f: {  	[tilespmem:s30+$0xFFFFFDA0] =	vst v2;
	v2 =	vld [tilespmem:s30+$0xFFFFFDB0];
	_ =	sdelay $0x4  }
0x240: {  	v2 =	vmul.f32 v2, v3;
	_ =	sdelay $0x1  }
0x241: {  	[tilespmem:s30+$0xFFFFFDB0] =	vst v2;
	v2 =	vld [tilespmem:s30+$0xFFFFFDC0];
	_ =	sdelay $0x4  }
0x242: {  	v2 =	vmul.f32 v2, v3;
	_ =	sdelay $0x1  }
0x243: {  	[tilespmem:s30+$0xFFFFFDC0] =	vst v2;
	v2 =	vld [tilespmem:s30+$0xFFFFFDD0];
	_ =	sdelay $0x2  }
0x244: {  	v3 =	vbroadcast v1, $0x7;
	_ =	sdelay $0x1  }
0x245: {  	v2 =	vmul.f32 v2, v3;
	_ =	sdelay $0x1  }
0x246: {  	[tilespmem:s30+$0xFFFFFDD0] =	vst v2;
	v2 =	vld [tilespmem:s30+$0xFFFFFDE0];
	_ =	sdelay $0x4  }
0x247: {  	v2 =	vmul.f32 v2, v3;
	_ =	sdelay $0x1  }
0x248: {  	[tilespmem:s30+$0xFFFFFDE0] =	vst v2;
	v2 =	vld [tilespmem:s30+$0xFFFFFDF0];
	_ =	sdelay $0x4  }
0x249: {  	v2 =	vmul.f32 v2, v3;
	_ =	sdelay $0x1  }
0x24a: {  	[tilespmem:s30+$0xFFFFFDF0] =	vst v2;
	v2 =	vld [tilespmem:s30+$0xFFFFFE00];
	_ =	sdelay $0x4  }
0x24b: {  	v2 =	vmul.f32 v2, v3;
	_ =	sdelay $0x1  }
0x24c: {  	[tilespmem:s30+$0xFFFFFE00] =	vst v2;
	v2 =	vld [tilespmem:s30+$0xFFFFFE10];
	_ =	sdelay $0x2  }
0x24d: {  	v3 =	vbroadcast v1, $0x8;
	_ =	sdelay $0x1  }
0x24e: {  	v2 =	vmul.f32 v2, v3;
	_ =	sdelay $0x1  }
0x24f: {  	[tilespmem:s30+$0xFFFFFE10] =	vst v2;
	v2 =	vld [tilespmem:s30+$0xFFFFFE20];
	_ =	sdelay $0x4  }
0x250: {  	v2 =	vmul.f32 v2, v3;
	_ =	sdelay $0x1  }
0x251: {  	[tilespmem:s30+$0xFFFFFE20] =	vst v2;
	v2 =	vld [tilespmem:s30+$0xFFFFFE30];
	_ =	sdelay $0x4  }
0x252: {  	v2 =	vmul.f32 v2, v3;
	_ =	sdelay $0x1  }
0x253: {  	[tilespmem:s30+$0xFFFFFE30] =	vst v2;
	v2 =	vld [tilespmem:s30+$0xFFFFFE40];
	_ =	sdelay $0x4  }
0x254: {  	v2 =	vmul.f32 v2, v3;
	_ =	sdelay $0x1  }
0x255: {  	[tilespmem:s30+$0xFFFFFE40] =	vst v2;
	v2 =	vld [tilespmem:s30+$0xFFFFFE50];
	_ =	sdelay $0x2  }
0x256: {  	v3 =	vbroadcast v1, $0x9;
	_ =	sdelay $0x1  }
0x257: {  	v2 =	vmul.f32 v2, v3;
	_ =	sdelay $0x1  }
0x258: {  	[tilespmem:s30+$0xFFFFFE50] =	vst v2;
	v2 =	vld [tilespmem:s30+$0xFFFFFE60];
	_ =	sdelay $0x4  }
0x259: {  	v2 =	vmul.f32 v2, v3;
	_ =	sdelay $0x1  }
0x25a: {  	[tilespmem:s30+$0xFFFFFE60] =	vst v2;
	v2 =	vld [tilespmem:s30+$0xFFFFFE70];
	_ =	sdelay $0x4  }
0x25b: {  	v2 =	vmul.f32 v2, v3;
	_ =	sdelay $0x1  }
0x25c: {  	[tilespmem:s30+$0xFFFFFE70] =	vst v2;
	v2 =	vld [tilespmem:s30+$0xFFFFFE80];
	_ =	sdelay $0x4  }
0x25d: {  	v2 =	vmul.f32 v2, v3;
	_ =	sdelay $0x1  }
0x25e: {  	[tilespmem:s30+$0xFFFFFE80] =	vst v2;
	v2 =	vld [tilespmem:s30+$0xFFFFFE90];
	_ =	sdelay $0x2  }
0x25f: {  	v3 =	vbroadcast v1, $0xA;
	_ =	sdelay $0x1  }
0x260: {  	v2 =	vmul.f32 v2, v3;
	_ =	sdelay $0x1  }
0x261: {  	[tilespmem:s30+$0xFFFFFE90] =	vst v2;
	v2 =	vld [tilespmem:s30+$0xFFFFFEA0];
	_ =	sdelay $0x4  }
0x262: {  	v2 =	vmul.f32 v2, v3;
	_ =	sdelay $0x1  }
0x263: {  	[tilespmem:s30+$0xFFFFFEA0] =	vst v2;
	v2 =	vld [tilespmem:s30+$0xFFFFFEB0];
	_ =	sdelay $0x4  }
0x264: {  	v2 =	vmul.f32 v2, v3;
	_ =	sdelay $0x1  }
0x265: {  	[tilespmem:s30+$0xFFFFFEB0] =	vst v2;
	v2 =	vld [tilespmem:s30+$0xFFFFFEC0];
	_ =	sdelay $0x4  }
0x266: {  	v2 =	vmul.f32 v2, v3;
	_ =	sdelay $0x1  }
0x267: {  	[tilespmem:s30+$0xFFFFFEC0] =	vst v2;
	v2 =	vld [tilespmem:s30+$0xFFFFFED0];
	_ =	sdelay $0x2  }
0x268: {  	v3 =	vbroadcast v1, $0xB;
	_ =	sdelay $0x1  }
0x269: {  	v2 =	vmul.f32 v2, v3;
	_ =	sdelay $0x1  }
0x26a: {  	[tilespmem:s30+$0xFFFFFED0] =	vst v2;
	v2 =	vld [tilespmem:s30+$0xFFFFFEE0];
	_ =	sdelay $0x4  }
0x26b: {  	v2 =	vmul.f32 v2, v3;
	_ =	sdelay $0x1  }
0x26c: {  	[tilespmem:s30+$0xFFFFFEE0] =	vst v2;
	v2 =	vld [tilespmem:s30+$0xFFFFFEF0];
	_ =	sdelay $0x4  }
0x26d: {  	v2 =	vmul.f32 v2, v3;
	_ =	sdelay $0x1  }
0x26e: {  	[tilespmem:s30+$0xFFFFFEF0] =	vst v2;
	v2 =	vld [tilespmem:s30+$0xFFFFFF00];
	_ =	sdelay $0x4  }
0x26f: {  	v2 =	vmul.f32 v2, v3;
	_ =	sdelay $0x1  }
0x270: {  	[tilespmem:s30+$0xFFFFFF00] =	vst v2;
	v2 =	vld [tilespmem:s30+$0xFFFFFF10];
	_ =	sdelay $0x2  }
0x271: {  	v3 =	vbroadcast v1, $0xC;
	_ =	sdelay $0x1  }
0x272: {  	v2 =	vmul.f32 v2, v3;
	_ =	sdelay $0x1  }
0x273: {  	[tilespmem:s30+$0xFFFFFF10] =	vst v2;
	v2 =	vld [tilespmem:s30+$0xFFFFFF20];
	_ =	sdelay $0x4  }
0x274: {  	v2 =	vmul.f32 v2, v3;
	_ =	sdelay $0x1  }
0x275: {  	[tilespmem:s30+$0xFFFFFF20] =	vst v2;
	v2 =	vld [tilespmem:s30+$0xFFFFFF30];
	_ =	sdelay $0x4  }
0x276: {  	v2 =	vmul.f32 v2, v3;
	_ =	sdelay $0x1  }
0x277: {  	[tilespmem:s30+$0xFFFFFF30] =	vst v2;
	v2 =	vld [tilespmem:s30+$0xFFFFFF40];
	_ =	sdelay $0x4  }
0x278: {  	v2 =	vmul.f32 v2, v3;
	_ =	sdelay $0x1  }
0x279: {  	[tilespmem:s30+$0xFFFFFF40] =	vst v2;
	v2 =	vld [tilespmem:s30+$0xFFFFFF50];
	_ =	sdelay $0x2  }
0x27a: {  	v3 =	vbroadcast v1, $0xD;
	_ =	sdelay $0x1  }
0x27b: {  	v2 =	vmul.f32 v2, v3;
	_ =	sdelay $0x1  }
0x27c: {  	[tilespmem:s30+$0xFFFFFF50] =	vst v2;
	v2 =	vld [tilespmem:s30+$0xFFFFFF60];
	_ =	sdelay $0x4  }
0x27d: {  	v2 =	vmul.f32 v2, v3;
	_ =	sdelay $0x1  }
0x27e: {  	[tilespmem:s30+$0xFFFFFF60] =	vst v2;
	v2 =	vld [tilespmem:s30+$0xFFFFFF70];
	_ =	sdelay $0x4  }
0x27f: {  	v2 =	vmul.f32 v2, v3;
	_ =	sdelay $0x1  }
0x280: {  	[tilespmem:s30+$0xFFFFFF70] =	vst v2;
	v2 =	vld [tilespmem:s30+$0xFFFFFF80];
	_ =	sdelay $0x4  }
0x281: {  	v2 =	vmul.f32 v2, v3;
	_ =	sdelay $0x1  }
0x282: {  	[tilespmem:s30+$0xFFFFFF80] =	vst v2;
	v2 =	vld [tilespmem:s30+$0xFFFFFF90];
	_ =	sdelay $0x2  }
0x283: {  	v3 =	vbroadcast v1, $0xE;
	_ =	sdelay $0x1  }
0x284: {  	v2 =	vmul.f32 v2, v3;
	_ =	sdelay $0x1  }
0x285: {  	[tilespmem:s30+$0xFFFFFF90] =	vst v2;
	v2 =	vld [tilespmem:s30+$0xFFFFFFA0];
	_ =	sdelay $0x4  }
0x286: {  	v2 =	vmul.f32 v2, v3;
	_ =	sdelay $0x1  }
0x287: {  	[tilespmem:s30+$0xFFFFFFA0] =	vst v2;
	v2 =	vld [tilespmem:s30+$0xFFFFFFB0];
	_ =	sdelay $0x4  }
0x288: {  	v2 =	vmul.f32 v2, v3;
	_ =	sdelay $0x1  }
0x289: {  	[tilespmem:s30+$0xFFFFFFB0] =	vst v2;
	v2 =	vld [tilespmem:s30+$0xFFFFFFC0];
	_ =	sdelay $0x4  }
0x28a: {  	v2 =	vmul.f32 v2, v3;
	_ =	sdelay $0x1  }
0x28b: {  	[tilespmem:s30+$0xFFFFFFC0] =	vst v2;
	v2 =	vld [tilespmem:s30+$0xFFFFFFD0];
	_ =	sdelay $0x2  }
0x28c: {  	v1 =	vbroadcast v1, $0xF;
	_ =	sdelay $0x1  }
0x28d: {  	v2 =	vmul.f32 v2, v1;
	_ =	sdelay $0x1  }
0x28e: {  	[tilespmem:s30+$0xFFFFFFD0] =	vst v2;
	v2 =	vld [tilespmem:s30+$0xFFFFFFE0];
	_ =	sdelay $0x4  }
0x28f: {  	v2 =	vmul.f32 v2, v1;
	_ =	sdelay $0x1  }
0x290: {  	[tilespmem:s30+$0xFFFFFFE0] =	vst v2;
	v2 =	vld [tilespmem:s30+$0xFFFFFFF0];
	_ =	sdelay $0x4  }
0x291: {  	v2 =	vmul.f32 v2, v1;
	_ =	sdelay $0x1  }
0x292: {  	[tilespmem:s30+$0xFFFFFFF0] =	vst v2;
	v2 =	vld [tilespmem:s30+$0x0];
	_ =	sdelay $0x1  }
0x293: {  	p1 =	sne.s32 s29, $0x1C0  }
.Ltmp5:
0x294: {  	_ = 	snop;
	(pc) =	sbr.rel @p1 .LBB2_12-.Ltmp5, $3  }
0x295: {  	_ = 	snop  }
0x296: {  	v1 =	vmul.f32 v2, v1;
	_ =	sdelay $0x1  }
0x297: {  	s29 =	sadd.s32 $0x40, s29;
	[tilespmem:s30+$0x0] =	vst v1;
	s30 =	sadd.s32 $0x400, s30  }
0x298: {  	s29 =	simm.s32 $0x0;
	s30 =	simm.s32 $0xBBD0;
	s31 =	simm.s32 $0x0  }
.LBB2_14:
0x299: {  	v1 =	vld [tilespmem:s30+$0x0];
	_ =	sdelay $0x4  }
0x29a: {  	v1 =	vadd.f32 $1.000000020e-16, v1;
	_ =	sdelay $0x1  }
0x29b: {  	(erf) = vrcp.f32 v1;
	_ =	sdelay $0x5  }
0x29c: {  	s0 =	sshra.s32 s31, $0x2  }
0x29d: {  	v2 =	vld [tilespmem:s0+$0xFD50]  }
0x29e: {  	v3 =	vld [tilespmem:s0+$0xFD60]  }
0x29f: {  	v4 =	vld [tilespmem:s0+$0xFD70];
	v1 =	vpop (erf)  }
0x2a0: {  	v6 =	vld [tilespmem:s0+$0xFD80];
	v5 =	vbroadcast v1, $0x0  }
0x2a1: {  	v7 =	vld [tilespmem:s0+$0xFD90]  }
0x2a2: {  	v8 =	vld [tilespmem:s0+$0xFDA0];
	v2 =	vmul.f32 v5, v2  }
0x2a3: {  	v9 =	vld [tilespmem:s0+$0xFDB0];
	v3 =	vmul.f32 v5, v3  }
0x2a4: {  	v10 =	vld [tilespmem:s0+$0xFDC0];
	v44 =	vbroadcast v1, $0x1;
	[tilespmem:s0+$0xFD50] =	vst v2;
	v2 =	vmul.f32 v4, v5  }
0x2a5: {  	v45 =	vld [tilespmem:s0+$0xFDD0];
	[tilespmem:s0+$0xFD60] =	vst v3;
	v3 =	vmul.f32 v6, v5  }
0x2a6: {  	v46 =	vld [tilespmem:s0+$0xFDE0];
	[tilespmem:s0+$0xFD70] =	vst v2;
	v2 =	vmul.f32 v7, v44  }
0x2a7: {  	v47 =	vld [tilespmem:s0+$0xFDF0];
	[tilespmem:s0+$0xFD80] =	vst v3;
	v3 =	vmul.f32 v8, v44  }
0x2a8: {  	v49 =	vld [tilespmem:s0+$0xFE00];
	v48 =	vbroadcast v1, $0x2;
	[tilespmem:s0+$0xFD90] =	vst v2;
	v2 =	vmul.f32 v9, v44  }
0x2a9: {  	v50 =	vld [tilespmem:s0+$0xFE10];
	[tilespmem:s0+$0xFDA0] =	vst v3;
	v3 =	vmul.f32 v10, v44  }
0x2aa: {  	v51 =	vld [tilespmem:s0+$0xFE20];
	[tilespmem:s0+$0xFDB0] =	vst v2;
	v2 =	vmul.f32 v45, v48  }
0x2ab: {  	v52 =	vld [tilespmem:s0+$0xFE30];
	[tilespmem:s0+$0xFDC0] =	vst v3;
	v3 =	vmul.f32 v46, v48  }
0x2ac: {  	v54 =	vld [tilespmem:s0+$0xFE40];
	v53 =	vbroadcast v1, $0x3;
	[tilespmem:s0+$0xFDD0] =	vst v2;
	v2 =	vmul.f32 v47, v48  }
0x2ad: {  	v55 =	vld [tilespmem:s0+$0xFE50];
	[tilespmem:s0+$0xFDE0] =	vst v3;
	v3 =	vmul.f32 v49, v48  }
0x2ae: {  	v56 =	vld [tilespmem:s0+$0xFE60];
	[tilespmem:s0+$0xFDF0] =	vst v2;
	v2 =	vmul.f32 v50, v53  }
0x2af: {  	v57 =	vld [tilespmem:s0+$0xFE70];
	[tilespmem:s0+$0xFE00] =	vst v3;
	v3 =	vmul.f32 v51, v53  }
0x2b0: {  	v59 =	vld [tilespmem:s0+$0xFE80];
	v58 =	vbroadcast v1, $0x4;
	[tilespmem:s0+$0xFE10] =	vst v2;
	v2 =	vmul.f32 v52, v53  }
0x2b1: {  	v60 =	vld [tilespmem:s0+$0xFE90];
	[tilespmem:s0+$0xFE20] =	vst v3;
	v3 =	vmul.f32 v54, v53  }
0x2b2: {  	v61 =	vld [tilespmem:s0+$0xFEA0];
	[tilespmem:s0+$0xFE30] =	vst v2;
	v2 =	vmul.f32 v55, v58  }
0x2b3: {  	v62 =	vld [tilespmem:s0+$0xFEB0];
	[tilespmem:s0+$0xFE40] =	vst v3;
	v3 =	vmul.f32 v56, v58  }
0x2b4: {  	v13 =	vld [tilespmem:s0+$0xFEC0];
	v12 =	vbroadcast v1, $0x5;
	[tilespmem:s0+$0xFE50] =	vst v2;
	v2 =	vmul.f32 v57, v58  }
0x2b5: {  	v14 =	vld [tilespmem:s0+$0xFED0];
	[tilespmem:s0+$0xFE60] =	vst v3;
	v3 =	vmul.f32 v59, v58  }
0x2b6: {  	v15 =	vld [tilespmem:s0+$0xFEE0];
	[tilespmem:s0+$0xFE70] =	vst v2;
	v2 =	vmul.f32 v60, v12  }
0x2b7: {  	v16 =	vld [tilespmem:s0+$0xFEF0];
	[tilespmem:s0+$0xFE80] =	vst v3;
	v3 =	vmul.f32 v61, v12  }
0x2b8: {  	v18 =	vld [tilespmem:s0+$0xFF00];
	v17 =	vbroadcast v1, $0x6;
	[tilespmem:s0+$0xFE90] =	vst v2;
	v2 =	vmul.f32 v62, v12  }
0x2b9: {  	v19 =	vld [tilespmem:s0+$0xFF10];
	[tilespmem:s0+$0xFEA0] =	vst v3;
	v3 =	vmul.f32 v13, v12  }
0x2ba: {  	v20 =	vld [tilespmem:s0+$0xFF20];
	[tilespmem:s0+$0xFEB0] =	vst v2;
	v2 =	vmul.f32 v14, v17  }
0x2bb: {  	v21 =	vld [tilespmem:s0+$0xFF30];
	[tilespmem:s0+$0xFEC0] =	vst v3;
	v3 =	vmul.f32 v15, v17  }
0x2bc: {  	v23 =	vld [tilespmem:s0+$0xFF40];
	v22 =	vbroadcast v1, $0x7;
	[tilespmem:s0+$0xFED0] =	vst v2;
	v2 =	vmul.f32 v16, v17  }
0x2bd: {  	v24 =	vld [tilespmem:s0+$0xFF50];
	[tilespmem:s0+$0xFEE0] =	vst v3;
	v3 =	vmul.f32 v18, v17  }
0x2be: {  	v25 =	vld [tilespmem:s0+$0xFF60];
	[tilespmem:s0+$0xFEF0] =	vst v2;
	v2 =	vmul.f32 v19, v22  }
0x2bf: {  	v26 =	vld [tilespmem:s0+$0xFF70];
	[tilespmem:s0+$0xFF00] =	vst v3;
	v3 =	vmul.f32 v20, v22  }
0x2c0: {  	v28 =	vld [tilespmem:s0+$0xFF80];
	v27 =	vbroadcast v1, $0x8;
	[tilespmem:s0+$0xFF10] =	vst v2;
	v2 =	vmul.f32 v21, v22  }
0x2c1: {  	v29 =	vld [tilespmem:s0+$0xFF90];
	[tilespmem:s0+$0xFF20] =	vst v3;
	v3 =	vmul.f32 v23, v22  }
0x2c2: {  	v30 =	vld [tilespmem:s0+$0xFFA0];
	[tilespmem:s0+$0xFF30] =	vst v2;
	v2 =	vmul.f32 v24, v27  }
0x2c3: {  	v31 =	vld [tilespmem:s0+$0xFFB0];
	[tilespmem:s0+$0xFF40] =	vst v3;
	v3 =	vmul.f32 v25, v27  }
0x2c4: {  	v33 =	vld [tilespmem:s0+$0xFFC0];
	v32 =	vbroadcast v1, $0x9;
	[tilespmem:s0+$0xFF50] =	vst v2;
	v2 =	vmul.f32 v26, v27  }
0x2c5: {  	v34 =	vld [tilespmem:s0+$0xFFD0];
	[tilespmem:s0+$0xFF60] =	vst v3;
	v3 =	vmul.f32 v28, v27  }
0x2c6: {  	v35 =	vld [tilespmem:s0+$0xFFE0];
	[tilespmem:s0+$0xFF70] =	vst v2;
	v2 =	vmul.f32 v29, v32  }
0x2c7: {  	v36 =	vld [tilespmem:s0+$0xFFF0];
	[tilespmem:s0+$0xFF80] =	vst v3;
	v3 =	vmul.f32 v30, v32  }
0x2c8: {  	v38 =	vld [tilespmem:s0+$0x10000];
	v37 =	vbroadcast v1, $0xA;
	[tilespmem:s0+$0xFF90] =	vst v2;
	v2 =	vmul.f32 v31, v32  }
0x2c9: {  	v39 =	vld [tilespmem:s0+$0x10010];
	[tilespmem:s0+$0xFFA0] =	vst v3;
	v3 =	vmul.f32 v33, v32  }
0x2ca: {  	v40 =	vld [tilespmem:s0+$0x10020];
	[tilespmem:s0+$0xFFB0] =	vst v2;
	v2 =	vmul.f32 v34, v37  }
0x2cb: {  	v41 =	vld [tilespmem:s0+$0x10030];
	[tilespmem:s0+$0xFFC0] =	vst v3;
	v3 =	vmul.f32 v35, v37  }
0x2cc: {  	v43 =	vld [tilespmem:s0+$0x10040];
	v42 =	vbroadcast v1, $0xB;
	[tilespmem:s0+$0xFFD0] =	vst v2;
	v2 =	vmul.f32 v36, v37  }
0x2cd: {  	v44 =	vld [tilespmem:s0+$0x10050];
	[tilespmem:s0+$0xFFE0] =	vst v3;
	v3 =	vmul.f32 v38, v37  }
0x2ce: {  	v45 =	vld [tilespmem:s0+$0x10060];
	[tilespmem:s0+$0xFFF0] =	vst v2;
	v2 =	vmul.f32 v39, v42  }
0x2cf: {  	v46 =	vld [tilespmem:s0+$0x10070];
	[tilespmem:s0+$0x10000] =	vst v3;
	v3 =	vmul.f32 v40, v42  }
0x2d0: {  	v47 =	vbroadcast v1, $0xC;
	v48 =	vld [tilespmem:s0+$0x10080];
	[tilespmem:s0+$0x10010] =	vst v2;
	v2 =	vmul.f32 v41, v42  }
0x2d1: {  	v49 =	vld [tilespmem:s0+$0x10090];
	[tilespmem:s0+$0x10020] =	vst v3;
	v3 =	vmul.f32 v43, v42  }
0x2d2: {  	v50 =	vld [tilespmem:s0+$0x100A0];
	[tilespmem:s0+$0x10030] =	vst v2;
	v2 =	vmul.f32 v44, v47  }
0x2d3: {  	v51 =	vld [tilespmem:s0+$0x100B0];
	[tilespmem:s0+$0x10040] =	vst v3;
	v3 =	vmul.f32 v45, v47  }
0x2d4: {  	v52 =	vbroadcast v1, $0xD;
	v53 =	vld [tilespmem:s0+$0x100C0];
	[tilespmem:s0+$0x10050] =	vst v2;
	v2 =	vmul.f32 v46, v47  }
0x2d5: {  	v54 =	vld [tilespmem:s0+$0x100D0];
	[tilespmem:s0+$0x10060] =	vst v3;
	v3 =	vmul.f32 v48, v47  }
0x2d6: {  	v55 =	vld [tilespmem:s0+$0x100E0];
	[tilespmem:s0+$0x10070] =	vst v2;
	v2 =	vmul.f32 v49, v52  }
0x2d7: {  	v56 =	vld [tilespmem:s0+$0x100F0];
	[tilespmem:s0+$0x10080] =	vst v3;
	v3 =	vmul.f32 v50, v52  }
0x2d8: {  	v57 =	vbroadcast v1, $0xE;
	v58 =	vld [tilespmem:s0+$0x10100];
	[tilespmem:s0+$0x10090] =	vst v2;
	v2 =	vmul.f32 v51, v52  }
0x2d9: {  	v59 =	vld [tilespmem:s0+$0x10110];
	[tilespmem:s0+$0x100A0] =	vst v3;
	v3 =	vmul.f32 v53, v52  }
0x2da: {  	v60 =	vld [tilespmem:s0+$0x10120];
	[tilespmem:s0+$0x100B0] =	vst v2;
	v2 =	vmul.f32 v54, v57  }
0x2db: {  	v61 =	vld [tilespmem:s0+$0x10130];
	[tilespmem:s0+$0x100C0] =	vst v3;
	v3 =	vmul.f32 v55, v57  }
0x2dc: {  	v1 =	vbroadcast v1, $0xF;
	v62 =	vld [tilespmem:s0+$0x10140];
	[tilespmem:s0+$0x100D0] =	vst v2;
	v2 =	vmul.f32 v56, v57  }
0x2dd: {  	[tilespmem:s0+$0x100E0] =	vst v3;
	v3 =	vmul.f32 v58, v57  }
0x2de: {  	p1 =	sne.s32 s31, $0x7000;
	[tilespmem:s0+$0x100F0] =	vst v2;
	v2 =	vmul.f32 v59, v1  }
.Ltmp6:
0x2df: {  	[tilespmem:s0+$0x10100] =	vst v3;
	v3 =	vmul.f32 v60, v1;
	(pc) =	sbr.rel @p1 .LBB2_14-.Ltmp6, $4  }
0x2e0: {  	[tilespmem:s0+$0x10110] =	vst v2;
	v2 =	vmul.f32 v61, v1  }
0x2e1: {  	[tilespmem:s0+$0x10120] =	vst v3;
	v1 =	vmul.f32 v62, v1  }
0x2e2: {  	[tilespmem:s0+$0x10130] =	vst v2  }
0x2e3: {  	s30 =	sadd.s32 $0x10, s30;
	s31 =	sadd.s32 $0x1000, s31;
	[tilespmem:s0+$0x10140] =	vst v1  }
0x2e4: {  	s30 =	simm.s32 $0xBC50  }
.LBB2_16:
0x2e5: {  	v1 =	vld [tilespmem:s30+$0x0];
	_ =	sdelay $0x4  }
0x2e6: {  	v1 =	vadd.f32 $1.000000020e-16, v1;
	_ =	sdelay $0x1  }
0x2e7: {  	(erf) = vrcp.f32 v1;
	_ =	sdelay $0x5  }
0x2e8: {  	s0 =	sshra.s32 s29, $0x2  }
0x2e9: {  	v2 =	vld [tilespmem:s0+$0x11D50]  }
0x2ea: {  	v3 =	vld [tilespmem:s0+$0x11D60]  }
0x2eb: {  	v4 =	vld [tilespmem:s0+$0x11D70];
	v1 =	vpop (erf)  }
0x2ec: {  	v6 =	vld [tilespmem:s0+$0x11D80];
	v5 =	vbroadcast v1, $0x0  }
0x2ed: {  	v7 =	vld [tilespmem:s0+$0x11D90]  }
0x2ee: {  	v8 =	vld [tilespmem:s0+$0x11DA0];
	v2 =	vmul.f32 v5, v2  }
0x2ef: {  	v9 =	vld [tilespmem:s0+$0x11DB0];
	v3 =	vmul.f32 v5, v3  }
0x2f0: {  	v10 =	vld [tilespmem:s0+$0x11DC0];
	v44 =	vbroadcast v1, $0x1;
	[tilespmem:s0+$0x11D50] =	vst v2;
	v2 =	vmul.f32 v4, v5  }
0x2f1: {  	v45 =	vld [tilespmem:s0+$0x11DD0];
	[tilespmem:s0+$0x11D60] =	vst v3;
	v3 =	vmul.f32 v6, v5  }
0x2f2: {  	v46 =	vld [tilespmem:s0+$0x11DE0];
	[tilespmem:s0+$0x11D70] =	vst v2;
	v2 =	vmul.f32 v7, v44  }
0x2f3: {  	v47 =	vld [tilespmem:s0+$0x11DF0];
	[tilespmem:s0+$0x11D80] =	vst v3;
	v3 =	vmul.f32 v8, v44  }
0x2f4: {  	v49 =	vld [tilespmem:s0+$0x11E00];
	v48 =	vbroadcast v1, $0x2;
	[tilespmem:s0+$0x11D90] =	vst v2;
	v2 =	vmul.f32 v9, v44  }
0x2f5: {  	v50 =	vld [tilespmem:s0+$0x11E10];
	[tilespmem:s0+$0x11DA0] =	vst v3;
	v3 =	vmul.f32 v10, v44  }
0x2f6: {  	v51 =	vld [tilespmem:s0+$0x11E20];
	[tilespmem:s0+$0x11DB0] =	vst v2;
	v2 =	vmul.f32 v45, v48  }
0x2f7: {  	v52 =	vld [tilespmem:s0+$0x11E30];
	[tilespmem:s0+$0x11DC0] =	vst v3;
	v3 =	vmul.f32 v46, v48  }
0x2f8: {  	v54 =	vld [tilespmem:s0+$0x11E40];
	v53 =	vbroadcast v1, $0x3;
	[tilespmem:s0+$0x11DD0] =	vst v2;
	v2 =	vmul.f32 v47, v48  }
0x2f9: {  	v55 =	vld [tilespmem:s0+$0x11E50];
	[tilespmem:s0+$0x11DE0] =	vst v3;
	v3 =	vmul.f32 v49, v48  }
0x2fa: {  	v56 =	vld [tilespmem:s0+$0x11E60];
	[tilespmem:s0+$0x11DF0] =	vst v2;
	v2 =	vmul.f32 v50, v53  }
0x2fb: {  	v57 =	vld [tilespmem:s0+$0x11E70];
	[tilespmem:s0+$0x11E00] =	vst v3;
	v3 =	vmul.f32 v51, v53  }
0x2fc: {  	v59 =	vld [tilespmem:s0+$0x11E80];
	v58 =	vbroadcast v1, $0x4;
	[tilespmem:s0+$0x11E10] =	vst v2;
	v2 =	vmul.f32 v52, v53  }
0x2fd: {  	v60 =	vld [tilespmem:s0+$0x11E90];
	[tilespmem:s0+$0x11E20] =	vst v3;
	v3 =	vmul.f32 v54, v53  }
0x2fe: {  	v61 =	vld [tilespmem:s0+$0x11EA0];
	[tilespmem:s0+$0x11E30] =	vst v2;
	v2 =	vmul.f32 v55, v58  }
0x2ff: {  	v62 =	vld [tilespmem:s0+$0x11EB0];
	[tilespmem:s0+$0x11E40] =	vst v3;
	v3 =	vmul.f32 v56, v58  }
0x300: {  	v13 =	vld [tilespmem:s0+$0x11EC0];
	v12 =	vbroadcast v1, $0x5;
	[tilespmem:s0+$0x11E50] =	vst v2;
	v2 =	vmul.f32 v57, v58  }
0x301: {  	v14 =	vld [tilespmem:s0+$0x11ED0];
	[tilespmem:s0+$0x11E60] =	vst v3;
	v3 =	vmul.f32 v59, v58  }
0x302: {  	v15 =	vld [tilespmem:s0+$0x11EE0];
	[tilespmem:s0+$0x11E70] =	vst v2;
	v2 =	vmul.f32 v60, v12  }
0x303: {  	v16 =	vld [tilespmem:s0+$0x11EF0];
	[tilespmem:s0+$0x11E80] =	vst v3;
	v3 =	vmul.f32 v61, v12  }
0x304: {  	v18 =	vld [tilespmem:s0+$0x11F00];
	v17 =	vbroadcast v1, $0x6;
	[tilespmem:s0+$0x11E90] =	vst v2;
	v2 =	vmul.f32 v62, v12  }
0x305: {  	v19 =	vld [tilespmem:s0+$0x11F10];
	[tilespmem:s0+$0x11EA0] =	vst v3;
	v3 =	vmul.f32 v13, v12  }
0x306: {  	v20 =	vld [tilespmem:s0+$0x11F20];
	[tilespmem:s0+$0x11EB0] =	vst v2;
	v2 =	vmul.f32 v14, v17  }
0x307: {  	v21 =	vld [tilespmem:s0+$0x11F30];
	[tilespmem:s0+$0x11EC0] =	vst v3;
	v3 =	vmul.f32 v15, v17  }
0x308: {  	v23 =	vld [tilespmem:s0+$0x11F40];
	v22 =	vbroadcast v1, $0x7;
	[tilespmem:s0+$0x11ED0] =	vst v2;
	v2 =	vmul.f32 v16, v17  }
0x309: {  	v24 =	vld [tilespmem:s0+$0x11F50];
	[tilespmem:s0+$0x11EE0] =	vst v3;
	v3 =	vmul.f32 v18, v17  }
0x30a: {  	v25 =	vld [tilespmem:s0+$0x11F60];
	[tilespmem:s0+$0x11EF0] =	vst v2;
	v2 =	vmul.f32 v19, v22  }
0x30b: {  	v26 =	vld [tilespmem:s0+$0x11F70];
	[tilespmem:s0+$0x11F00] =	vst v3;
	v3 =	vmul.f32 v20, v22  }
0x30c: {  	v28 =	vld [tilespmem:s0+$0x11F80];
	v27 =	vbroadcast v1, $0x8;
	[tilespmem:s0+$0x11F10] =	vst v2;
	v2 =	vmul.f32 v21, v22  }
0x30d: {  	v29 =	vld [tilespmem:s0+$0x11F90];
	[tilespmem:s0+$0x11F20] =	vst v3;
	v3 =	vmul.f32 v23, v22  }
0x30e: {  	v30 =	vld [tilespmem:s0+$0x11FA0];
	[tilespmem:s0+$0x11F30] =	vst v2;
	v2 =	vmul.f32 v24, v27  }
0x30f: {  	v31 =	vld [tilespmem:s0+$0x11FB0];
	[tilespmem:s0+$0x11F40] =	vst v3;
	v3 =	vmul.f32 v25, v27  }
0x310: {  	v33 =	vld [tilespmem:s0+$0x11FC0];
	v32 =	vbroadcast v1, $0x9;
	[tilespmem:s0+$0x11F50] =	vst v2;
	v2 =	vmul.f32 v26, v27  }
0x311: {  	v34 =	vld [tilespmem:s0+$0x11FD0];
	[tilespmem:s0+$0x11F60] =	vst v3;
	v3 =	vmul.f32 v28, v27  }
0x312: {  	v35 =	vld [tilespmem:s0+$0x11FE0];
	[tilespmem:s0+$0x11F70] =	vst v2;
	v2 =	vmul.f32 v29, v32  }
0x313: {  	v36 =	vld [tilespmem:s0+$0x11FF0];
	[tilespmem:s0+$0x11F80] =	vst v3;
	v3 =	vmul.f32 v30, v32  }
0x314: {  	v38 =	vld [tilespmem:s0+$0x12000];
	v37 =	vbroadcast v1, $0xA;
	[tilespmem:s0+$0x11F90] =	vst v2;
	v2 =	vmul.f32 v31, v32  }
0x315: {  	v39 =	vld [tilespmem:s0+$0x12010];
	[tilespmem:s0+$0x11FA0] =	vst v3;
	v3 =	vmul.f32 v33, v32  }
0x316: {  	v40 =	vld [tilespmem:s0+$0x12020];
	[tilespmem:s0+$0x11FB0] =	vst v2;
	v2 =	vmul.f32 v34, v37  }
0x317: {  	v41 =	vld [tilespmem:s0+$0x12030];
	[tilespmem:s0+$0x11FC0] =	vst v3;
	v3 =	vmul.f32 v35, v37  }
0x318: {  	v43 =	vld [tilespmem:s0+$0x12040];
	v42 =	vbroadcast v1, $0xB;
	[tilespmem:s0+$0x11FD0] =	vst v2;
	v2 =	vmul.f32 v36, v37  }
0x319: {  	v44 =	vld [tilespmem:s0+$0x12050];
	[tilespmem:s0+$0x11FE0] =	vst v3;
	v3 =	vmul.f32 v38, v37  }
0x31a: {  	v45 =	vld [tilespmem:s0+$0x12060];
	[tilespmem:s0+$0x11FF0] =	vst v2;
	v2 =	vmul.f32 v39, v42  }
0x31b: {  	v46 =	vld [tilespmem:s0+$0x12070];
	[tilespmem:s0+$0x12000] =	vst v3;
	v3 =	vmul.f32 v40, v42  }
0x31c: {  	v47 =	vbroadcast v1, $0xC;
	v48 =	vld [tilespmem:s0+$0x12080];
	[tilespmem:s0+$0x12010] =	vst v2;
	v2 =	vmul.f32 v41, v42  }
0x31d: {  	v49 =	vld [tilespmem:s0+$0x12090];
	[tilespmem:s0+$0x12020] =	vst v3;
	v3 =	vmul.f32 v43, v42  }
0x31e: {  	v50 =	vld [tilespmem:s0+$0x120A0];
	[tilespmem:s0+$0x12030] =	vst v2;
	v2 =	vmul.f32 v44, v47  }
0x31f: {  	v51 =	vld [tilespmem:s0+$0x120B0];
	[tilespmem:s0+$0x12040] =	vst v3;
	v3 =	vmul.f32 v45, v47  }
0x320: {  	v52 =	vbroadcast v1, $0xD;
	v53 =	vld [tilespmem:s0+$0x120C0];
	[tilespmem:s0+$0x12050] =	vst v2;
	v2 =	vmul.f32 v46, v47  }
0x321: {  	v54 =	vld [tilespmem:s0+$0x120D0];
	[tilespmem:s0+$0x12060] =	vst v3;
	v3 =	vmul.f32 v48, v47  }
0x322: {  	v55 =	vld [tilespmem:s0+$0x120E0];
	[tilespmem:s0+$0x12070] =	vst v2;
	v2 =	vmul.f32 v49, v52  }
0x323: {  	v56 =	vld [tilespmem:s0+$0x120F0];
	[tilespmem:s0+$0x12080] =	vst v3;
	v3 =	vmul.f32 v50, v52  }
0x324: {  	v57 =	vbroadcast v1, $0xE;
	v58 =	vld [tilespmem:s0+$0x12100];
	[tilespmem:s0+$0x12090] =	vst v2;
	v2 =	vmul.f32 v51, v52  }
0x325: {  	v59 =	vld [tilespmem:s0+$0x12110];
	[tilespmem:s0+$0x120A0] =	vst v3;
	v3 =	vmul.f32 v53, v52  }
0x326: {  	v60 =	vld [tilespmem:s0+$0x12120];
	[tilespmem:s0+$0x120B0] =	vst v2;
	v2 =	vmul.f32 v54, v57  }
0x327: {  	v61 =	vld [tilespmem:s0+$0x12130];
	[tilespmem:s0+$0x120C0] =	vst v3;
	v3 =	vmul.f32 v55, v57  }
0x328: {  	v1 =	vbroadcast v1, $0xF;
	v62 =	vld [tilespmem:s0+$0x12140];
	[tilespmem:s0+$0x120D0] =	vst v2;
	v2 =	vmul.f32 v56, v57  }
0x329: {  	[tilespmem:s0+$0x120E0] =	vst v3;
	v3 =	vmul.f32 v58, v57  }
0x32a: {  	p1 =	sne.s32 s29, $0x7000;
	[tilespmem:s0+$0x120F0] =	vst v2;
	v2 =	vmul.f32 v59, v1  }
.Ltmp7:
0x32b: {  	[tilespmem:s0+$0x12100] =	vst v3;
	v3 =	vmul.f32 v60, v1;
	(pc) =	sbr.rel @p1 .LBB2_16-.Ltmp7, $4  }
0x32c: {  	[tilespmem:s0+$0x12110] =	vst v2;
	v2 =	vmul.f32 v61, v1  }
0x32d: {  	[tilespmem:s0+$0x12120] =	vst v3;
	v1 =	vmul.f32 v62, v1  }
0x32e: {  	[tilespmem:s0+$0x12130] =	vst v2  }
0x32f: {  	s30 =	sadd.s32 $0x10, s30;
	s29 =	sadd.s32 $0x1000, s29;
	[tilespmem:s0+$0x12140] =	vst v1  }
0x330: {  	s29 =	simm.s32 $0x0;
	s30 =	simm.s32 $0xBCD0  }
.LBB2_18:
0x331: {  	v1 =	vld [tilespmem:s30+$0x0];
	_ =	sdelay $0x4  }
0x332: {  	v1 =	vadd.f32 $1.000000020e-16, v1;
	_ =	sdelay $0x1  }
0x333: {  	(erf) = vrcp.f32 v1;
	_ =	sdelay $0x5  }
0x334: {  	s0 =	sshra.s32 s29, $0x2  }
0x335: {  	v2 =	vld [tilespmem:s0+$0x13D50]  }
0x336: {  	v3 =	vld [tilespmem:s0+$0x13D60]  }
0x337: {  	v4 =	vld [tilespmem:s0+$0x13D70];
	v1 =	vpop (erf)  }
0x338: {  	v6 =	vld [tilespmem:s0+$0x13D80];
	v5 =	vbroadcast v1, $0x0  }
0x339: {  	v7 =	vld [tilespmem:s0+$0x13D90]  }
0x33a: {  	v8 =	vld [tilespmem:s0+$0x13DA0];
	v2 =	vmul.f32 v5, v2  }
0x33b: {  	v9 =	vld [tilespmem:s0+$0x13DB0];
	v3 =	vmul.f32 v5, v3  }
0x33c: {  	v10 =	vld [tilespmem:s0+$0x13DC0];
	v44 =	vbroadcast v1, $0x1;
	[tilespmem:s0+$0x13D50] =	vst v2;
	v2 =	vmul.f32 v4, v5  }
0x33d: {  	v45 =	vld [tilespmem:s0+$0x13DD0];
	[tilespmem:s0+$0x13D60] =	vst v3;
	v3 =	vmul.f32 v6, v5  }
0x33e: {  	v46 =	vld [tilespmem:s0+$0x13DE0];
	[tilespmem:s0+$0x13D70] =	vst v2;
	v2 =	vmul.f32 v7, v44  }
0x33f: {  	v47 =	vld [tilespmem:s0+$0x13DF0];
	[tilespmem:s0+$0x13D80] =	vst v3;
	v3 =	vmul.f32 v8, v44  }
0x340: {  	v49 =	vld [tilespmem:s0+$0x13E00];
	v48 =	vbroadcast v1, $0x2;
	[tilespmem:s0+$0x13D90] =	vst v2;
	v2 =	vmul.f32 v9, v44  }
0x341: {  	v50 =	vld [tilespmem:s0+$0x13E10];
	[tilespmem:s0+$0x13DA0] =	vst v3;
	v3 =	vmul.f32 v10, v44  }
0x342: {  	v51 =	vld [tilespmem:s0+$0x13E20];
	[tilespmem:s0+$0x13DB0] =	vst v2;
	v2 =	vmul.f32 v45, v48  }
0x343: {  	v52 =	vld [tilespmem:s0+$0x13E30];
	[tilespmem:s0+$0x13DC0] =	vst v3;
	v3 =	vmul.f32 v46, v48  }
0x344: {  	v54 =	vld [tilespmem:s0+$0x13E40];
	v53 =	vbroadcast v1, $0x3;
	[tilespmem:s0+$0x13DD0] =	vst v2;
	v2 =	vmul.f32 v47, v48  }
0x345: {  	v55 =	vld [tilespmem:s0+$0x13E50];
	[tilespmem:s0+$0x13DE0] =	vst v3;
	v3 =	vmul.f32 v49, v48  }
0x346: {  	v56 =	vld [tilespmem:s0+$0x13E60];
	[tilespmem:s0+$0x13DF0] =	vst v2;
	v2 =	vmul.f32 v50, v53  }
0x347: {  	v57 =	vld [tilespmem:s0+$0x13E70];
	[tilespmem:s0+$0x13E00] =	vst v3;
	v3 =	vmul.f32 v51, v53  }
0x348: {  	v59 =	vld [tilespmem:s0+$0x13E80];
	v58 =	vbroadcast v1, $0x4;
	[tilespmem:s0+$0x13E10] =	vst v2;
	v2 =	vmul.f32 v52, v53  }
0x349: {  	v60 =	vld [tilespmem:s0+$0x13E90];
	[tilespmem:s0+$0x13E20] =	vst v3;
	v3 =	vmul.f32 v54, v53  }
0x34a: {  	v61 =	vld [tilespmem:s0+$0x13EA0];
	[tilespmem:s0+$0x13E30] =	vst v2;
	v2 =	vmul.f32 v55, v58  }
0x34b: {  	v62 =	vld [tilespmem:s0+$0x13EB0];
	[tilespmem:s0+$0x13E40] =	vst v3;
	v3 =	vmul.f32 v56, v58  }
0x34c: {  	v13 =	vld [tilespmem:s0+$0x13EC0];
	v12 =	vbroadcast v1, $0x5;
	[tilespmem:s0+$0x13E50] =	vst v2;
	v2 =	vmul.f32 v57, v58  }
0x34d: {  	v14 =	vld [tilespmem:s0+$0x13ED0];
	[tilespmem:s0+$0x13E60] =	vst v3;
	v3 =	vmul.f32 v59, v58  }
0x34e: {  	v15 =	vld [tilespmem:s0+$0x13EE0];
	[tilespmem:s0+$0x13E70] =	vst v2;
	v2 =	vmul.f32 v60, v12  }
0x34f: {  	v16 =	vld [tilespmem:s0+$0x13EF0];
	[tilespmem:s0+$0x13E80] =	vst v3;
	v3 =	vmul.f32 v61, v12  }
0x350: {  	v18 =	vld [tilespmem:s0+$0x13F00];
	v17 =	vbroadcast v1, $0x6;
	[tilespmem:s0+$0x13E90] =	vst v2;
	v2 =	vmul.f32 v62, v12  }
0x351: {  	v19 =	vld [tilespmem:s0+$0x13F10];
	[tilespmem:s0+$0x13EA0] =	vst v3;
	v3 =	vmul.f32 v13, v12  }
0x352: {  	v20 =	vld [tilespmem:s0+$0x13F20];
	[tilespmem:s0+$0x13EB0] =	vst v2;
	v2 =	vmul.f32 v14, v17  }
0x353: {  	v21 =	vld [tilespmem:s0+$0x13F30];
	[tilespmem:s0+$0x13EC0] =	vst v3;
	v3 =	vmul.f32 v15, v17  }
0x354: {  	v23 =	vld [tilespmem:s0+$0x13F40];
	v22 =	vbroadcast v1, $0x7;
	[tilespmem:s0+$0x13ED0] =	vst v2;
	v2 =	vmul.f32 v16, v17  }
0x355: {  	v24 =	vld [tilespmem:s0+$0x13F50];
	[tilespmem:s0+$0x13EE0] =	vst v3;
	v3 =	vmul.f32 v18, v17  }
0x356: {  	v25 =	vld [tilespmem:s0+$0x13F60];
	[tilespmem:s0+$0x13EF0] =	vst v2;
	v2 =	vmul.f32 v19, v22  }
0x357: {  	v26 =	vld [tilespmem:s0+$0x13F70];
	[tilespmem:s0+$0x13F00] =	vst v3;
	v3 =	vmul.f32 v20, v22  }
0x358: {  	v28 =	vld [tilespmem:s0+$0x13F80];
	v27 =	vbroadcast v1, $0x8;
	[tilespmem:s0+$0x13F10] =	vst v2;
	v2 =	vmul.f32 v21, v22  }
0x359: {  	v29 =	vld [tilespmem:s0+$0x13F90];
	[tilespmem:s0+$0x13F20] =	vst v3;
	v3 =	vmul.f32 v23, v22  }
0x35a: {  	v30 =	vld [tilespmem:s0+$0x13FA0];
	[tilespmem:s0+$0x13F30] =	vst v2;
	v2 =	vmul.f32 v24, v27  }
0x35b: {  	v31 =	vld [tilespmem:s0+$0x13FB0];
	[tilespmem:s0+$0x13F40] =	vst v3;
	v3 =	vmul.f32 v25, v27  }
0x35c: {  	v33 =	vld [tilespmem:s0+$0x13FC0];
	v32 =	vbroadcast v1, $0x9;
	[tilespmem:s0+$0x13F50] =	vst v2;
	v2 =	vmul.f32 v26, v27  }
0x35d: {  	v34 =	vld [tilespmem:s0+$0x13FD0];
	[tilespmem:s0+$0x13F60] =	vst v3;
	v3 =	vmul.f32 v28, v27  }
0x35e: {  	v35 =	vld [tilespmem:s0+$0x13FE0];
	[tilespmem:s0+$0x13F70] =	vst v2;
	v2 =	vmul.f32 v29, v32  }
0x35f: {  	v36 =	vld [tilespmem:s0+$0x13FF0];
	[tilespmem:s0+$0x13F80] =	vst v3;
	v3 =	vmul.f32 v30, v32  }
0x360: {  	v38 =	vld [tilespmem:s0+$0x14000];
	v37 =	vbroadcast v1, $0xA;
	[tilespmem:s0+$0x13F90] =	vst v2;
	v2 =	vmul.f32 v31, v32  }
0x361: {  	v39 =	vld [tilespmem:s0+$0x14010];
	[tilespmem:s0+$0x13FA0] =	vst v3;
	v3 =	vmul.f32 v33, v32  }
0x362: {  	v40 =	vld [tilespmem:s0+$0x14020];
	[tilespmem:s0+$0x13FB0] =	vst v2;
	v2 =	vmul.f32 v34, v37  }
0x363: {  	v41 =	vld [tilespmem:s0+$0x14030];
	[tilespmem:s0+$0x13FC0] =	vst v3;
	v3 =	vmul.f32 v35, v37  }
0x364: {  	v43 =	vld [tilespmem:s0+$0x14040];
	v42 =	vbroadcast v1, $0xB;
	[tilespmem:s0+$0x13FD0] =	vst v2;
	v2 =	vmul.f32 v36, v37  }
0x365: {  	v44 =	vld [tilespmem:s0+$0x14050];
	[tilespmem:s0+$0x13FE0] =	vst v3;
	v3 =	vmul.f32 v38, v37  }
0x366: {  	v45 =	vld [tilespmem:s0+$0x14060];
	[tilespmem:s0+$0x13FF0] =	vst v2;
	v2 =	vmul.f32 v39, v42  }
0x367: {  	v46 =	vld [tilespmem:s0+$0x14070];
	[tilespmem:s0+$0x14000] =	vst v3;
	v3 =	vmul.f32 v40, v42  }
0x368: {  	v47 =	vbroadcast v1, $0xC;
	v48 =	vld [tilespmem:s0+$0x14080];
	[tilespmem:s0+$0x14010] =	vst v2;
	v2 =	vmul.f32 v41, v42  }
0x369: {  	v49 =	vld [tilespmem:s0+$0x14090];
	[tilespmem:s0+$0x14020] =	vst v3;
	v3 =	vmul.f32 v43, v42  }
0x36a: {  	v50 =	vld [tilespmem:s0+$0x140A0];
	[tilespmem:s0+$0x14030] =	vst v2;
	v2 =	vmul.f32 v44, v47  }
0x36b: {  	v51 =	vld [tilespmem:s0+$0x140B0];
	[tilespmem:s0+$0x14040] =	vst v3;
	v3 =	vmul.f32 v45, v47  }
0x36c: {  	v52 =	vbroadcast v1, $0xD;
	v53 =	vld [tilespmem:s0+$0x140C0];
	[tilespmem:s0+$0x14050] =	vst v2;
	v2 =	vmul.f32 v46, v47  }
0x36d: {  	v54 =	vld [tilespmem:s0+$0x140D0];
	[tilespmem:s0+$0x14060] =	vst v3;
	v3 =	vmul.f32 v48, v47  }
0x36e: {  	v55 =	vld [tilespmem:s0+$0x140E0];
	[tilespmem:s0+$0x14070] =	vst v2;
	v2 =	vmul.f32 v49, v52  }
0x36f: {  	v56 =	vld [tilespmem:s0+$0x140F0];
	[tilespmem:s0+$0x14080] =	vst v3;
	v3 =	vmul.f32 v50, v52  }
0x370: {  	v57 =	vbroadcast v1, $0xE;
	v58 =	vld [tilespmem:s0+$0x14100];
	[tilespmem:s0+$0x14090] =	vst v2;
	v2 =	vmul.f32 v51, v52  }
0x371: {  	v59 =	vld [tilespmem:s0+$0x14110];
	[tilespmem:s0+$0x140A0] =	vst v3;
	v3 =	vmul.f32 v53, v52  }
0x372: {  	v60 =	vld [tilespmem:s0+$0x14120];
	[tilespmem:s0+$0x140B0] =	vst v2;
	v2 =	vmul.f32 v54, v57  }
0x373: {  	v61 =	vld [tilespmem:s0+$0x14130];
	[tilespmem:s0+$0x140C0] =	vst v3;
	v3 =	vmul.f32 v55, v57  }
0x374: {  	v1 =	vbroadcast v1, $0xF;
	v62 =	vld [tilespmem:s0+$0x14140];
	[tilespmem:s0+$0x140D0] =	vst v2;
	v2 =	vmul.f32 v56, v57  }
0x375: {  	[tilespmem:s0+$0x140E0] =	vst v3;
	v3 =	vmul.f32 v58, v57  }
0x376: {  	p1 =	sne.s32 s29, $0x7000;
	[tilespmem:s0+$0x140F0] =	vst v2;
	v2 =	vmul.f32 v59, v1  }
.Ltmp8:
0x377: {  	[tilespmem:s0+$0x14100] =	vst v3;
	v3 =	vmul.f32 v60, v1;
	(pc) =	sbr.rel @p1 .LBB2_18-.Ltmp8, $4  }
0x378: {  	[tilespmem:s0+$0x14110] =	vst v2;
	v2 =	vmul.f32 v61, v1  }
0x379: {  	[tilespmem:s0+$0x14120] =	vst v3;
	v1 =	vmul.f32 v62, v1  }
0x37a: {  	[tilespmem:s0+$0x14130] =	vst v2  }
0x37b: {  	s30 =	sadd.s32 $0x10, s30;
	s29 =	sadd.s32 $0x1000, s29;
	[tilespmem:s0+$0x14140] =	vst v1  }
0x37c: {  	s28 =	sadd.s32 $0x1, s28  }
0x37d: {  	p1 =	sne.s32 s28, s14  }
.Ltmp9:
0x37e: {  	_ = 	snop;
	(pc) =	sbr.rel @p1 .LBB2_1-.Ltmp9, $4  }
0x37f: {  	[hbm4b:s13+s4] =	stream.linear.scatter [tilespmem:s18], [sflag:$0x2], $0xA000, $0x38;
	v63 =	vld [tilespmem:$0x0]  }
0x380: {  	_ =	swait.ge [sflag:s15], $0xA000  }
0x381: {  	[sflag:s15] =	ssyncset.done $0x0  }
0x382: {  	[sflag:s15] =	ssyncadd.s32 $0xFFFF6000  }
0x383: {  	_ =	sfence.sel $0x180000  }
0x384: {  	[bflag:$0x0] =	sbarrier.arrive $0xFFFF  }
0x385: {  	_ =	strace $0x90000047  }
0x386: {  	[bflag:$0x2] =	sbarrier.arrive $0xFFFF  }
0x387: {  	s0 =	rddreg [dreg:$0x4]  }
0x388: {  	s0 =	sadd.s32 @!p0 $0x100000, s0  }
0x389: {  	[sflag:s0] =	ssyncadd.tile.s32 @!p0 $0x1;
	_ =	shalt  }
.Lfunc_end2:
_tile_overlayer_lowered:
.L_overlay_start_2:
0x38a: {  	(tag) =	ssettag $0x2  }
0x38b: {  	s0 =	rddreg [dreg:$0x0];
	s2 =	stileid.u32  }
0x38c: {  	s1 =	rddreg [dreg:$0x1];
	p0 =	sne.s32 s2, $0x0  }
0x38d: {  	s3 =	rddreg [dreg:$0x2];
	[bflag:$0x3] =	sbarrier.arrive $0xFFFF;
	s2 =	simm.s32 @!p0 $0x1C02  }
0x38e: {  	[timem:s3], [sflag:s2] =	dma.local @!p0 [hbm:s0], s1  }
0x38f: {  	s0 =	simm.s32 @!p0 $0x2  }
0x390: {  	_ =	swait.ge @!p0 [sflag:s0], s1  }
0x391: {  	s1 =	ssub.s32 @!p0 $0x0, s1;
	[sflag:s0] =	ssyncset.done @!p0 $0x0  }
0x392: {  	[sflag:s0] =	ssyncadd.s32 @!p0 s1  }
0x393: {  	[bflag:$0x3] =	sbarrier.arrive $0xFFFF  }
0x394: {  	_ =	shalt  }

</sc_bundles>
